<compile_context>
chip_gen: v7x
topology: tpu7x:2x2x1
jax: 0.10.2.dev20260603
libtpu: 0.0.44.dev20260713+nightly
codegen_flags: <defaults>
</compile_context>

<pallas_src>
import functools

import jax
import jax.numpy as jnp
from jax import lax
from jax.experimental import pallas as pl
from jax.experimental.pallas import tpu as pltpu
from jax.experimental.pallas import tpu_sc as plsc

H = 224
W = 224
L = H * W
C = 96
OC = 384
KNN = 5
NSEL = 9
PAD = KNN // 2
ZERO_ROW = L



def _shift_plane(a, dy, dx):
    b = a
    if dy > 0:
        b = jnp.concatenate([b[dy:, :], jnp.zeros((dy, W), b.dtype)], axis=0)
    elif dy < 0:
        b = jnp.concatenate([jnp.zeros((-dy, W), b.dtype), b[:H + dy, :]],
                            axis=0)
    if dx > 0:
        b = jnp.concatenate([b[:, dx:], jnp.zeros((H, dx), b.dtype)], axis=1)
    elif dx < 0:
        b = jnp.concatenate([jnp.zeros((H, -dx), b.dtype), b[:, :W + dx]],
                            axis=1)
    return b


def _topk_kernel(ch0_ref, ms_ref, idx_ref):
    mean = ms_ref[0, 0]
    std = ms_ref[0, 1]
    norm = (ch0_ref[...] * std + mean).astype(jnp.bfloat16).astype(
        jnp.float32)

    ys = lax.broadcasted_iota(jnp.int32, (H, W), 0)
    xs = lax.broadcasted_iota(jnp.int32, (H, W), 1)

    diffs = []
    lins = []
    for ky in range(KNN):
        for kx in range(KNN):
            dy, dx = ky - PAD, kx - PAD
            v = _shift_plane(norm, dy, dx)
            d = jnp.abs(v - norm)
            if dy == 0 and dx == 0:
                d = jnp.full((H, W), -1.0, dtype=jnp.float32)
            diffs.append(d)
            yy = ys + dy
            xx = xs + dx
            ok = (yy >= 0) & (yy < H) & (xx >= 0) & (xx < W)
            lins.append(jnp.where(ok, yy * W + xx, ZERO_ROW))

    big = jnp.float32(jnp.inf)
    for j in range(NSEL):
        m = functools.reduce(jnp.minimum, diffs)
        found = jnp.zeros((H, W), dtype=jnp.bool_)
        idx_j = jnp.full((H, W), ZERO_ROW, dtype=jnp.int32)
        for i in range(KNN * KNN):
            take = jnp.logical_and(jnp.logical_not(found), diffs[i] == m)
            found = jnp.logical_or(found, take)
            idx_j = jnp.where(take, lins[i], idx_j)
            diffs[i] = jnp.where(take, big, diffs[i])
        idx_ref[j, :, :] = idx_j


def _topk_indices(ch0, mean, std):
    ms = jnp.stack([mean[0], std[0]]).reshape(1, 2)
    return pl.pallas_call(
        _topk_kernel,
        out_shape=jax.ShapeDtypeStruct((NSEL, H, W), jnp.int32),
        in_specs=[
            pl.BlockSpec(memory_space=pltpu.VMEM),
            pl.BlockSpec(memory_space=pltpu.SMEM),
        ],
        out_specs=pl.BlockSpec(memory_space=pltpu.VMEM),
    )(ch0, ms)



TT = 512
TROWS = L + TT
NTT = TROWS // TT


def _transpose_kernel(x_ref, t_ref):
    i = pl.program_id(0)

    @pl.when(i < NTT - 1)
    def _():
        t_ref[...] = x_ref[...].T.astype(jnp.bfloat16)

    @pl.when(i == NTT - 1)
    def _():
        t_ref[...] = jnp.zeros((TT, C), jnp.bfloat16)


def _make_table(x2d):
    return pl.pallas_call(
        _transpose_kernel,
        grid=(NTT,),
        in_specs=[
            pl.BlockSpec((C, TT), lambda i: (0, jnp.minimum(i, NTT - 2))),
        ],
        out_specs=pl.BlockSpec((TT, C), lambda i: (i, 0)),
        out_shape=jax.ShapeDtypeStruct((TROWS, C), jnp.bfloat16),
    )(x2d)



HALF = L // 2
NROWS_H = HALF * NSEL
NCORES = 2
NSUB = 16
NWORKERS = NCORES * NSUB
ROWS_PER_W = NROWS_H // NWORKERS
CHUNK = 1008
NCHUNK = ROWS_PER_W // CHUNK


def _gather_body(table_hbm, idx_hbm, out_hbm, idx_v, rows0, rows1,
                 sem0, sem1):
    wid = lax.axis_index("s") * NCORES + lax.axis_index("c")
    base = wid * ROWS_PER_W
    pltpu.sync_copy(idx_hbm.at[pl.ds(base, ROWS_PER_W)], idx_v)
    bufs = (rows0, rows1)
    sems = (sem0, sem1)

    def start(k, b):
        pltpu.async_copy(
            table_hbm.at[idx_v.at[pl.ds(k * CHUNK, CHUNK)]], bufs[b],
            sems[b])

    def wait(b):
        pltpu.make_async_copy(
            table_hbm.at[idx_v.at[pl.ds(0, CHUNK)]], bufs[b],
            sems[b]).wait()

    def put(k, b):
        pltpu.sync_copy(bufs[b], out_hbm.at[pl.ds(base + k * CHUNK, CHUNK)])

    start(0, 0)

    def pair(p, carry):
        k0 = 2 * p

        start(k0 + 1, 1)
        wait(0)
        put(k0, 0)

        @pl.when(k0 + 2 < NCHUNK)
        def _():
            start(k0 + 2, 0)

        wait(1)
        put(k0 + 1, 1)
        return carry

    lax.fori_loop(0, NCHUNK // 2, pair, 0)
    if NCHUNK % 2 == 1:
        wait(0)
        put(NCHUNK - 1, 0)


@functools.cache
def _make_sc_gather():
    return pl.kernel(
        _gather_body,
        out_type=jax.ShapeDtypeStruct((NROWS_H, C), jnp.bfloat16),
        mesh=plsc.VectorSubcoreMesh(core_axis_name="c", subcore_axis_name="s"),
        scratch_types=[
            pltpu.VMEM((ROWS_PER_W,), jnp.int32),
            pltpu.VMEM((CHUNK, C), jnp.bfloat16),
            pltpu.VMEM((CHUNK, C), jnp.bfloat16),
            pltpu.SemaphoreType.DMA,
            pltpu.SemaphoreType.DMA,
        ],
        compiler_params=pltpu.CompilerParams(use_tc_tiling_on_sc=False),
    )



LT = 512
NT = L // LT


NTH = NT // 2


def _matmul_kernel(g1_ref, g2_ref, w_ref, out_ref):
    i = pl.program_id(0)

    @pl.when(i < NTH)
    def _():
        out_ref[...] = jnp.dot(g1_ref[...], w_ref[...],
                               preferred_element_type=jnp.float32)

    @pl.when(i >= NTH)
    def _():
        out_ref[...] = jnp.dot(g2_ref[...], w_ref[...],
                               preferred_element_type=jnp.float32)


def _matmul(g1_flat, g2_flat, w2t_bf16):
    return pl.pallas_call(
        _matmul_kernel,
        grid=(NT,),
        in_specs=[
            pl.BlockSpec((LT, NSEL * C),
                         lambda i: (jnp.minimum(i, NTH - 1), 0)),
            pl.BlockSpec((LT, NSEL * C),
                         lambda i: (jnp.maximum(i - NTH, 0), 0)),
            pl.BlockSpec((NSEL * C, OC), lambda i: (0, 0)),
        ],
        out_specs=pl.BlockSpec((LT, OC), lambda i: (i, 0)),
        out_shape=jax.ShapeDtypeStruct((L, OC), jnp.float32),
    )(g1_flat, g2_flat, w2t_bf16)



def kernel(input, mean, std, pconv_weight):
    x = input.reshape(C, L)
    table = _make_table(x)

    idx9 = _topk_indices(input[0, 0], mean, std)
    idx9 = idx9.reshape(NSEL, L)
    fi1 = idx9[:, :HALF].T.reshape(NROWS_H)
    fi2 = idx9[:, HALF:].T.reshape(NROWS_H)

    gather = _make_sc_gather()
    g1 = gather(table, fi1).reshape(HALF, NSEL * C)
    g2 = gather(table, fi2).reshape(HALF, NSEL * C)

    w_flat = pconv_weight.reshape(OC, C * NSEL)
    w2t = w_flat.reshape(OC, C, NSEL).transpose(2, 1, 0).reshape(NSEL * C, OC)
    out_rows = _matmul(g1, g2, w2t.astype(jnp.bfloat16))
    return out_rows.T.reshape(1, OC, H, W)

# --- scband reference (transcript-rebuilt; emitter-appended) ---
"""Pipeline reference for scband-proximity-conv-76845554860269 (READ-ONLY COPY).

The authoritative reference and input builder live on the scoring server;
editing this copy changes nothing except your own understanding.
"""

import jax, jax.numpy as jnp
import numpy as np

IN_C = 96
OUT_C = 384
K = 3
KNN = 5
STRIDE = 1


def _unfold(x, k, pad, stride):
    # Equivalent of torch.nn.functional.unfold: [B, C, H, W] -> [B, C*k*k, L]
    p = jax.lax.conv_general_dilated_patches(
        x,
        filter_shape=(k, k),
        window_strides=(stride, stride),
        padding=((pad, pad), (pad, pad)),
    )
    B, CK, Hp, Wp = p.shape
    return p.reshape(B, CK, Hp * Wp)


def setup_inputs(seed: int = 0) -> dict:
    key = jax.random.key(seed)
    k1, k2 = jax.random.split(key)
    inp = jax.random.normal(k1, (1, IN_C, 224, 224), dtype=jnp.float32)
    mean = jnp.zeros((1,), dtype=jnp.float32)
    std = jnp.ones((1,), dtype=jnp.float32)
    fan_in = IN_C * K * K
    bound = float(np.sqrt(6.0 / fan_in))
    W = jax.random.uniform(k2, (IN_C, OUT_C, K, K), dtype=jnp.float32, minval=-bound, maxval=bound)
    return {"input": inp, "mean": mean, "std": std, "pconv_weight": W}


def reference(input, mean, std, pconv_weight):
    B, C, H, Wd = input.shape
    knn2 = KNN * KNN
    pad = KNN // 2
    # channel-0 proximity reference, de-normalized
    input_ch1 = input[:, 0:1, :, :] * std + mean
    unf1 = _unfold(input_ch1, KNN, pad, STRIDE)   # [B, 25, L]
    unf = _unfold(input, KNN, pad, STRIDE)        # [B, C*25, L]
    center = knn2 // 2
    diff = jnp.abs(unf1 - unf1[:, center:center + 1, :])
    diff = diff.at[:, center, :].set(-1.0)
    # top-k SMALLEST along candidate axis (dim=1): top_k on negated values, last axis
    neg = -jnp.transpose(diff, (0, 2, 1))         # [B, L, 25]
    _, idx = jax.lax.top_k(neg, K * K)            # [B, L, 9]
    knn_idx = jnp.transpose(idx, (0, 2, 1))       # [B, 9, L]
    L = knn_idx.shape[-1]
    offs = (jnp.arange(C, dtype=knn_idx.dtype) * knn2)[None, :, None, None]
    all_knn_index = (knn_idx[:, None, :, :] + offs).reshape(B, C * K * K, L)
    gathered = jnp.take_along_axis(unf, all_knn_index, axis=1)  # [B, C*9, L]
    W_flat = pconv_weight.reshape(OUT_C, -1)      # same memory reinterpretation as torch .view
    out = jnp.matmul(W_flat, gathered).reshape(B, OUT_C, H // STRIDE, Wd // STRIDE)
    return out

if __name__ == "__main__":
    import jax
    _d = setup_inputs()
    print(jax.jit(kernel)(*tuple(_d.values())))

</pallas_src>

<mosaic_0001>
#map = affine_map<(d0, d1) -> (0, 0)>
#map1 = affine_map<(d0, d1) -> (0)>
module attributes {stable_mosaic.version = 14 : i64} {
  func.func @_gather_body(%arg0: i32, %arg1: i32, %arg2: memref<50688x96xbf16, #tpu.memory_space<hbm>>, %arg3: memref<225792xi32, #tpu.memory_space<hbm>>, %arg4: memref<225792x96xbf16, #tpu.memory_space<hbm>>, %arg5: memref<7056xi32, #tpu.memory_space<vmem>>, %arg6: memref<1008x96xbf16, #tpu.memory_space<vmem>>, %arg7: memref<1008x96xbf16, #tpu.memory_space<vmem>>, %arg8: memref<!tpu.dma_semaphore, #tpu.memory_space<semaphore_mem>>, %arg9: memref<!tpu.dma_semaphore, #tpu.memory_space<semaphore_mem>>) attributes {dimension_semantics = [#tpu.dimension_semantics<core_parallel>, #tpu.dimension_semantics<subcore_parallel>], iteration_bounds = array<i64: 2, 16>, scalar_prefetch = 0 : i64, scratch_operands = 5 : i64, tpu.core_type = #tpu.core_type<sc_vector_subcore>, window_params = [{transform_indices = #map}, {transform_indices = #map1}, {transform_indices = #map}]} {
    %mul3A = arith.constant 2 : i32
    %mul3A_0 = arith.muli %arg1, %mul3A : i32
    %add3A = arith.addi %mul3A_0, %arg0 : i32
    %mul3A_1 = arith.constant 7056 : i32
    %mul3A_2 = arith.muli %add3A, %mul3A_1 : i32
    "tpu.region"() ({
      %run_scoped3A = tpu.sem_alloc : memref<!tpu.dma_semaphore, #tpu.memory_space<semaphore_mem>>
      %dma_start3A_18 = tpu.memref_slice %arg3[%mul3A_2] : memref<225792xi32, #tpu.memory_space<hbm>> -> memref<7056xi32, #tpu.memory_space<hbm>>
      %dma_start3A_19 = tpu.memref_slice %arg3[%mul3A_2] : memref<225792xi32, #tpu.memory_space<hbm>> -> memref<7056xi32, #tpu.memory_space<hbm>>
      tpu.enqueue_dma source(%dma_start3A_19 : memref<7056xi32, #tpu.memory_space<hbm>>) target(%arg5 : memref<7056xi32, #tpu.memory_space<vmem>>) target_semaphore(%run_scoped3A : memref<!tpu.dma_semaphore, #tpu.memory_space<semaphore_mem>>)
      %dma_wait3A_20 = tpu.memref_slice %arg3[%mul3A_2] : memref<225792xi32, #tpu.memory_space<hbm>> -> memref<7056xi32, #tpu.memory_space<hbm>>
      %dma_wait3A_21 = tpu.memref_slice %arg3[%mul3A_2] : memref<225792xi32, #tpu.memory_space<hbm>> -> memref<7056xi32, #tpu.memory_space<hbm>>
      tpu.wait_dma2 semaphore(%run_scoped3A : memref<!tpu.dma_semaphore, #tpu.memory_space<semaphore_mem>>) src(%dma_wait3A_21 : memref<7056xi32, #tpu.memory_space<hbm>>) dst(%arg5 : memref<7056xi32, #tpu.memory_space<vmem>>)
      tpu.yield
    }) : () -> ()
    %dma_start3A = arith.constant 0 : i32
    %dma_start3A_3 = tpu.memref_slice %arg5[%dma_start3A] : memref<7056xi32, #tpu.memory_space<vmem>> -> memref<1008xi32, #tpu.memory_space<vmem>>
    %dma_start3A_4 = arith.constant 0 : i32
    %dma_start3A_5 = arith.constant 0 : i32
    %dma_start3A_6 = tpu.memref_slice %arg2[%dma_start3A_4, %dma_start3A_5] : memref<50688x96xbf16, #tpu.memory_space<hbm>> -> memref<50688x96xbf16, #tpu.memory_space<hbm>>
    tpu.enqueue_indirect_dma source(%dma_start3A_6 : memref<50688x96xbf16, #tpu.memory_space<hbm>>) target(%arg6 : memref<1008x96xbf16, #tpu.memory_space<vmem>>) offsets(%dma_start3A_3 : memref<1008xi32, #tpu.memory_space<vmem>>) semaphore(%arg8 : memref<!tpu.dma_semaphore, #tpu.memory_space<semaphore_mem>>)
    %scan3A = arith.constant 0 : i32
    %scan3A_7 = arith.constant 0 : i32
    %scan3A_8 = arith.constant 3 : i32
    %scan3A_9 = arith.addi %scan3A_7, %scan3A_8 : i32
    %scan3A_10 = arith.constant 1 : i32
    scf.for %scan3A_18 = %scan3A_7 to %scan3A_9 step %scan3A_10  : i32 {
      %mul3A_19 = arith.constant 2 : i32
      %mul3A_20 = arith.muli %mul3A_19, %scan3A_18 : i32
      %add3A_21 = arith.constant 1 : i32
      %add3A_22 = arith.addi %mul3A_20, %add3A_21 : i32
      %mul3A_23 = arith.constant 1008 : i32
      %mul3A_24 = arith.muli %add3A_22, %mul3A_23 : i32
      %dma_start3A_25 = tpu.memref_slice %arg5[%mul3A_24] : memref<7056xi32, #tpu.memory_space<vmem>> -> memref<1008xi32, #tpu.memory_space<vmem>>
      %dma_start3A_26 = arith.constant 0 : i32
      %dma_start3A_27 = arith.constant 0 : i32
      %dma_start3A_28 = tpu.memref_slice %arg2[%dma_start3A_26, %dma_start3A_27] : memref<50688x96xbf16, #tpu.memory_space<hbm>> -> memref<50688x96xbf16, #tpu.memory_space<hbm>>
      tpu.enqueue_indirect_dma source(%dma_start3A_28 : memref<50688x96xbf16, #tpu.memory_space<hbm>>) target(%arg7 : memref<1008x96xbf16, #tpu.memory_space<vmem>>) offsets(%dma_start3A_25 : memref<1008xi32, #tpu.memory_space<vmem>>) semaphore(%arg9 : memref<!tpu.dma_semaphore, #tpu.memory_space<semaphore_mem>>)
      %dma_wait3A_29 = arith.constant 0 : i32
      %dma_wait3A_30 = tpu.memref_slice %arg5[%dma_wait3A_29] : memref<7056xi32, #tpu.memory_space<vmem>> -> memref<1008xi32, #tpu.memory_space<vmem>>
      %dma_wait3A_31 = arith.constant 0 : i32
      %dma_wait3A_32 = arith.constant 0 : i32
      %dma_wait3A_33 = tpu.memref_slice %arg2[%dma_wait3A_31, %dma_wait3A_32] : memref<50688x96xbf16, #tpu.memory_space<hbm>> -> memref<50688x96xbf16, #tpu.memory_space<hbm>>
      tpu.wait_indirect_dma semaphore(%arg8 : memref<!tpu.dma_semaphore, #tpu.memory_space<semaphore_mem>>) src(%dma_wait3A_33 : memref<50688x96xbf16, #tpu.memory_space<hbm>>) dst(%arg6 : memref<1008x96xbf16, #tpu.memory_space<vmem>>)
      %mul3A_34 = arith.constant 1008 : i32
      %mul3A_35 = arith.muli %mul3A_20, %mul3A_34 : i32
      %add3A_36 = arith.addi %mul3A_2, %mul3A_35 : i32
      "tpu.region"() ({
        %run_scoped3A = tpu.sem_alloc : memref<!tpu.dma_semaphore, #tpu.memory_space<semaphore_mem>>
        %dma_start3A_51 = arith.constant 0 : i32
        %dma_start3A_52 = tpu.memref_slice %arg4[%add3A_36, %dma_start3A_51] : memref<225792x96xbf16, #tpu.memory_space<hbm>> -> memref<1008x96xbf16, #tpu.memory_space<hbm>>
        %dma_start3A_53 = arith.constant 0 : i32
        %dma_start3A_54 = tpu.memref_slice %arg4[%add3A_36, %dma_start3A_53] : memref<225792x96xbf16, #tpu.memory_space<hbm>> -> memref<1008x96xbf16, #tpu.memory_space<hbm>>
        tpu.enqueue_dma source(%arg6 : memref<1008x96xbf16, #tpu.memory_space<vmem>>) target(%dma_start3A_54 : memref<1008x96xbf16, #tpu.memory_space<hbm>>) target_semaphore(%run_scoped3A : memref<!tpu.dma_semaphore, #tpu.memory_space<semaphore_mem>>)
        %dma_wait3A_55 = arith.constant 0 : i32
        %dma_wait3A_56 = tpu.memref_slice %arg4[%add3A_36, %dma_wait3A_55] : memref<225792x96xbf16, #tpu.memory_space<hbm>> -> memref<1008x96xbf16, #tpu.memory_space<hbm>>
        %dma_wait3A_57 = arith.constant 0 : i32
        %dma_wait3A_58 = tpu.memref_slice %arg4[%add3A_36, %dma_wait3A_57] : memref<225792x96xbf16, #tpu.memory_space<hbm>> -> memref<1008x96xbf16, #tpu.memory_space<hbm>>
        tpu.wait_dma2 semaphore(%run_scoped3A : memref<!tpu.dma_semaphore, #tpu.memory_space<semaphore_mem>>) src(%arg6 : memref<1008x96xbf16, #tpu.memory_space<vmem>>) dst(%dma_wait3A_58 : memref<1008x96xbf16, #tpu.memory_space<hbm>>)
        tpu.yield
      }) : () -> ()
      %add3A_37 = arith.constant 2 : i32
      %add3A_38 = arith.addi %mul3A_20, %add3A_37 : i32
      %lt3A = arith.constant 7 : i32
      %lt3A_39 = arith.cmpi slt, %add3A_38, %lt3A : i32
      %convert_element_type3A = arith.extui %lt3A_39 : i1 to i32
      %cond3A = arith.constant 0 : i32
      %cond3A_40 = arith.cmpi ne, %convert_element_type3A, %cond3A : i32
      scf.if %cond3A_40 {
        %add3A_51 = arith.constant 2 : i32
        %add3A_52 = arith.addi %mul3A_20, %add3A_51 : i32
        %mul3A_53 = arith.constant 1008 : i32
        %mul3A_54 = arith.muli %add3A_52, %mul3A_53 : i32
        %dma_start3A_55 = tpu.memref_slice %arg5[%mul3A_54] : memref<7056xi32, #tpu.memory_space<vmem>> -> memref<1008xi32, #tpu.memory_space<vmem>>
        %dma_start3A_56 = arith.constant 0 : i32
        %dma_start3A_57 = arith.constant 0 : i32
        %dma_start3A_58 = tpu.memref_slice %arg2[%dma_start3A_56, %dma_start3A_57] : memref<50688x96xbf16, #tpu.memory_space<hbm>> -> memref<50688x96xbf16, #tpu.memory_space<hbm>>
        tpu.enqueue_indirect_dma source(%dma_start3A_58 : memref<50688x96xbf16, #tpu.memory_space<hbm>>) target(%arg6 : memref<1008x96xbf16, #tpu.memory_space<vmem>>) offsets(%dma_start3A_55 : memref<1008xi32, #tpu.memory_space<vmem>>) semaphore(%arg8 : memref<!tpu.dma_semaphore, #tpu.memory_space<semaphore_mem>>)
      } else {
      }
      %dma_wait3A_41 = arith.constant 0 : i32
      %dma_wait3A_42 = tpu.memref_slice %arg5[%dma_wait3A_41] : memref<7056xi32, #tpu.memory_space<vmem>> -> memref<1008xi32, #tpu.memory_space<vmem>>
      %dma_wait3A_43 = arith.constant 0 : i32
      %dma_wait3A_44 = arith.constant 0 : i32
      %dma_wait3A_45 = tpu.memref_slice %arg2[%dma_wait3A_43, %dma_wait3A_44] : memref<50688x96xbf16, #tpu.memory_space<hbm>> -> memref<50688x96xbf16, #tpu.memory_space<hbm>>
      tpu.wait_indirect_dma semaphore(%arg9 : memref<!tpu.dma_semaphore, #tpu.memory_space<semaphore_mem>>) src(%dma_wait3A_45 : memref<50688x96xbf16, #tpu.memory_space<hbm>>) dst(%arg7 : memref<1008x96xbf16, #tpu.memory_space<vmem>>)
      %add3A_46 = arith.constant 1 : i32
      %add3A_47 = arith.addi %mul3A_20, %add3A_46 : i32
      %mul3A_48 = arith.constant 1008 : i32
      %mul3A_49 = arith.muli %add3A_47, %mul3A_48 : i32
      %add3A_50 = arith.addi %mul3A_2, %mul3A_49 : i32
      "tpu.region"() ({
        %run_scoped3A = tpu.sem_alloc : memref<!tpu.dma_semaphore, #tpu.memory_space<semaphore_mem>>
        %dma_start3A_51 = arith.constant 0 : i32
        %dma_start3A_52 = tpu.memref_slice %arg4[%add3A_50, %dma_start3A_51] : memref<225792x96xbf16, #tpu.memory_space<hbm>> -> memref<1008x96xbf16, #tpu.memory_space<hbm>>
        %dma_start3A_53 = arith.constant 0 : i32
        %dma_start3A_54 = tpu.memref_slice %arg4[%add3A_50, %dma_start3A_53] : memref<225792x96xbf16, #tpu.memory_space<hbm>> -> memref<1008x96xbf16, #tpu.memory_space<hbm>>
        tpu.enqueue_dma source(%arg7 : memref<1008x96xbf16, #tpu.memory_space<vmem>>) target(%dma_start3A_54 : memref<1008x96xbf16, #tpu.memory_space<hbm>>) target_semaphore(%run_scoped3A : memref<!tpu.dma_semaphore, #tpu.memory_space<semaphore_mem>>)
        %dma_wait3A_55 = arith.constant 0 : i32
        %dma_wait3A_56 = tpu.memref_slice %arg4[%add3A_50, %dma_wait3A_55] : memref<225792x96xbf16, #tpu.memory_space<hbm>> -> memref<1008x96xbf16, #tpu.memory_space<hbm>>
        %dma_wait3A_57 = arith.constant 0 : i32
        %dma_wait3A_58 = tpu.memref_slice %arg4[%add3A_50, %dma_wait3A_57] : memref<225792x96xbf16, #tpu.memory_space<hbm>> -> memref<1008x96xbf16, #tpu.memory_space<hbm>>
        tpu.wait_dma2 semaphore(%run_scoped3A : memref<!tpu.dma_semaphore, #tpu.memory_space<semaphore_mem>>) src(%arg7 : memref<1008x96xbf16, #tpu.memory_space<vmem>>) dst(%dma_wait3A_58 : memref<1008x96xbf16, #tpu.memory_space<hbm>>)
        tpu.yield
      }) : () -> ()
    }
    %scan3A_11 = arith.constant 3 : i32
    %dma_wait3A = arith.constant 0 : i32
    %dma_wait3A_12 = tpu.memref_slice %arg5[%dma_wait3A] : memref<7056xi32, #tpu.memory_space<vmem>> -> memref<1008xi32, #tpu.memory_space<vmem>>
    %dma_wait3A_13 = arith.constant 0 : i32
    %dma_wait3A_14 = arith.constant 0 : i32
    %dma_wait3A_15 = tpu.memref_slice %arg2[%dma_wait3A_13, %dma_wait3A_14] : memref<50688x96xbf16, #tpu.memory_space<hbm>> -> memref<50688x96xbf16, #tpu.memory_space<hbm>>
    tpu.wait_indirect_dma semaphore(%arg8 : memref<!tpu.dma_semaphore, #tpu.memory_space<semaphore_mem>>) src(%dma_wait3A_15 : memref<50688x96xbf16, #tpu.memory_space<hbm>>) dst(%arg6 : memref<1008x96xbf16, #tpu.memory_space<vmem>>)
    %add3A_16 = arith.constant 6048 : i32
    %add3A_17 = arith.addi %mul3A_2, %add3A_16 : i32
    "tpu.region"() ({
      %run_scoped3A = tpu.sem_alloc : memref<!tpu.dma_semaphore, #tpu.memory_space<semaphore_mem>>
      %dma_start3A_18 = arith.constant 0 : i32
      %dma_start3A_19 = tpu.memref_slice %arg4[%add3A_17, %dma_start3A_18] : memref<225792x96xbf16, #tpu.memory_space<hbm>> -> memref<1008x96xbf16, #tpu.memory_space<hbm>>
      %dma_start3A_20 = arith.constant 0 : i32
      %dma_start3A_21 = tpu.memref_slice %arg4[%add3A_17, %dma_start3A_20] : memref<225792x96xbf16, #tpu.memory_space<hbm>> -> memref<1008x96xbf16, #tpu.memory_space<hbm>>
      tpu.enqueue_dma source(%arg6 : memref<1008x96xbf16, #tpu.memory_space<vmem>>) target(%dma_start3A_21 : memref<1008x96xbf16, #tpu.memory_space<hbm>>) target_semaphore(%run_scoped3A : memref<!tpu.dma_semaphore, #tpu.memory_space<semaphore_mem>>)
      %dma_wait3A_22 = arith.constant 0 : i32
      %dma_wait3A_23 = tpu.memref_slice %arg4[%add3A_17, %dma_wait3A_22] : memref<225792x96xbf16, #tpu.memory_space<hbm>> -> memref<1008x96xbf16, #tpu.memory_space<hbm>>
      %dma_wait3A_24 = arith.constant 0 : i32
      %dma_wait3A_25 = tpu.memref_slice %arg4[%add3A_17, %dma_wait3A_24] : memref<225792x96xbf16, #tpu.memory_space<hbm>> -> memref<1008x96xbf16, #tpu.memory_space<hbm>>
      tpu.wait_dma2 semaphore(%run_scoped3A : memref<!tpu.dma_semaphore, #tpu.memory_space<semaphore_mem>>) src(%arg6 : memref<1008x96xbf16, #tpu.memory_space<vmem>>) dst(%dma_wait3A_25 : memref<1008x96xbf16, #tpu.memory_space<hbm>>)
      tpu.yield
    }) : () -> ()
    return
  }
}

#map = affine_map<(d0, d1) -> (0, 0)>
#map1 = affine_map<(d0, d1) -> (0)>
module attributes {stable_mosaic.version = 14 : i64} {
  func.func @_gather_body(%arg0: i32, %arg1: i32, %arg2: memref<50688x96xbf16, #tpu.memory_space<hbm>>, %arg3: memref<225792xi32, #tpu.memory_space<hbm>>, %arg4: memref<225792x96xbf16, #tpu.memory_space<hbm>>, %arg5: memref<7056xi32, #tpu.memory_space<vmem>>, %arg6: memref<1008x96xbf16, #tpu.memory_space<vmem>>, %arg7: memref<1008x96xbf16, #tpu.memory_space<vmem>>, %arg8: memref<!tpu.dma_semaphore, #tpu.memory_space<semaphore_mem>>, %arg9: memref<!tpu.dma_semaphore, #tpu.memory_space<semaphore_mem>>) attributes {dimension_semantics = [#tpu.dimension_semantics<core_parallel>, #tpu.dimension_semantics<subcore_parallel>], iteration_bounds = array<i64: 2, 16>, scalar_prefetch = 0 : i64, scratch_operands = 5 : i64, tpu.core_type = #tpu.core_type<sc_vector_subcore>, window_params = [{transform_indices = #map}, {transform_indices = #map1}, {transform_indices = #map}]} {
    %mul3A = arith.constant 2 : i32
    %mul3A_0 = arith.muli %arg1, %mul3A : i32
    %add3A = arith.addi %mul3A_0, %arg0 : i32
    %mul3A_1 = arith.constant 7056 : i32
    %mul3A_2 = arith.muli %add3A, %mul3A_1 : i32
    "tpu.region"() ({
      %run_scoped3A = tpu.sem_alloc : memref<!tpu.dma_semaphore, #tpu.memory_space<semaphore_mem>>
      %dma_start3A_18 = tpu.memref_slice %arg3[%mul3A_2] : memref<225792xi32, #tpu.memory_space<hbm>> -> memref<7056xi32, #tpu.memory_space<hbm>>
      %dma_start3A_19 = tpu.memref_slice %arg3[%mul3A_2] : memref<225792xi32, #tpu.memory_space<hbm>> -> memref<7056xi32, #tpu.memory_space<hbm>>
      tpu.enqueue_dma source(%dma_start3A_19 : memref<7056xi32, #tpu.memory_space<hbm>>) target(%arg5 : memref<7056xi32, #tpu.memory_space<vmem>>) target_semaphore(%run_scoped3A : memref<!tpu.dma_semaphore, #tpu.memory_space<semaphore_mem>>)
      %dma_wait3A_20 = tpu.memref_slice %arg3[%mul3A_2] : memref<225792xi32, #tpu.memory_space<hbm>> -> memref<7056xi32, #tpu.memory_space<hbm>>
      %dma_wait3A_21 = tpu.memref_slice %arg3[%mul3A_2] : memref<225792xi32, #tpu.memory_space<hbm>> -> memref<7056xi32, #tpu.memory_space<hbm>>
      tpu.wait_dma2 semaphore(%run_scoped3A : memref<!tpu.dma_semaphore, #tpu.memory_space<semaphore_mem>>) src(%dma_wait3A_21 : memref<7056xi32, #tpu.memory_space<hbm>>) dst(%arg5 : memref<7056xi32, #tpu.memory_space<vmem>>)
      tpu.yield
    }) : () -> ()
    %dma_start3A = arith.constant 0 : i32
    %dma_start3A_3 = tpu.memref_slice %arg5[%dma_start3A] : memref<7056xi32, #tpu.memory_space<vmem>> -> memref<1008xi32, #tpu.memory_space<vmem>>
    %dma_start3A_4 = arith.constant 0 : i32
    %dma_start3A_5 = arith.constant 0 : i32
    %dma_start3A_6 = tpu.memref_slice %arg2[%dma_start3A_4, %dma_start3A_5] : memref<50688x96xbf16, #tpu.memory_space<hbm>> -> memref<50688x96xbf16, #tpu.memory_space<hbm>>
    tpu.enqueue_indirect_dma source(%dma_start3A_6 : memref<50688x96xbf16, #tpu.memory_space<hbm>>) target(%arg6 : memref<1008x96xbf16, #tpu.memory_space<vmem>>) offsets(%dma_start3A_3 : memref<1008xi32, #tpu.memory_space<vmem>>) semaphore(%arg8 : memref<!tpu.dma_semaphore, #tpu.memory_space<semaphore_mem>>)
    %scan3A = arith.constant 0 : i32
    %scan3A_7 = arith.constant 0 : i32
    %scan3A_8 = arith.constant 3 : i32
    %scan3A_9 = arith.addi %scan3A_7, %scan3A_8 : i32
    %scan3A_10 = arith.constant 1 : i32
    scf.for %scan3A_18 = %scan3A_7 to %scan3A_9 step %scan3A_10  : i32 {
      %mul3A_19 = arith.constant 2 : i32
      %mul3A_20 = arith.muli %mul3A_19, %scan3A_18 : i32
      %add3A_21 = arith.constant 1 : i32
      %add3A_22 = arith.addi %mul3A_20, %add3A_21 : i32
      %mul3A_23 = arith.constant 1008 : i32
      %mul3A_24 = arith.muli %add3A_22, %mul3A_23 : i32
      %dma_start3A_25 = tpu.memref_slice %arg5[%mul3A_24] : memref<7056xi32, #tpu.memory_space<vmem>> -> memref<1008xi32, #tpu.memory_space<vmem>>
      %dma_start3A_26 = arith.constant 0 : i32
      %dma_start3A_27 = arith.constant 0 : i32
      %dma_start3A_28 = tpu.memref_slice %arg2[%dma_start3A_26, %dma_start3A_27] : memref<50688x96xbf16, #tpu.memory_space<hbm>> -> memref<50688x96xbf16, #tpu.memory_space<hbm>>
      tpu.enqueue_indirect_dma source(%dma_start3A_28 : memref<50688x96xbf16, #tpu.memory_space<hbm>>) target(%arg7 : memref<1008x96xbf16, #tpu.memory_space<vmem>>) offsets(%dma_start3A_25 : memref<1008xi32, #tpu.memory_space<vmem>>) semaphore(%arg9 : memref<!tpu.dma_semaphore, #tpu.memory_space<semaphore_mem>>)
      %dma_wait3A_29 = arith.constant 0 : i32
      %dma_wait3A_30 = tpu.memref_slice %arg5[%dma_wait3A_29] : memref<7056xi32, #tpu.memory_space<vmem>> -> memref<1008xi32, #tpu.memory_space<vmem>>
      %dma_wait3A_31 = arith.constant 0 : i32
      %dma_wait3A_32 = arith.constant 0 : i32
      %dma_wait3A_33 = tpu.memref_slice %arg2[%dma_wait3A_31, %dma_wait3A_32] : memref<50688x96xbf16, #tpu.memory_space<hbm>> -> memref<50688x96xbf16, #tpu.memory_space<hbm>>
      tpu.wait_indirect_dma semaphore(%arg8 : memref<!tpu.dma_semaphore, #tpu.memory_space<semaphore_mem>>) src(%dma_wait3A_33 : memref<50688x96xbf16, #tpu.memory_space<hbm>>) dst(%arg6 : memref<1008x96xbf16, #tpu.memory_space<vmem>>)
      %mul3A_34 = arith.constant 1008 : i32
      %mul3A_35 = arith.muli %mul3A_20, %mul3A_34 : i32
      %add3A_36 = arith.addi %mul3A_2, %mul3A_35 : i32
      "tpu.region"() ({
        %run_scoped3A = tpu.sem_alloc : memref<!tpu.dma_semaphore, #tpu.memory_space<semaphore_mem>>
        %dma_start3A_51 = arith.constant 0 : i32
        %dma_start3A_52 = tpu.memref_slice %arg4[%add3A_36, %dma_start3A_51] : memref<225792x96xbf16, #tpu.memory_space<hbm>> -> memref<1008x96xbf16, #tpu.memory_space<hbm>>
        %dma_start3A_53 = arith.constant 0 : i32
        %dma_start3A_54 = tpu.memref_slice %arg4[%add3A_36, %dma_start3A_53] : memref<225792x96xbf16, #tpu.memory_space<hbm>> -> memref<1008x96xbf16, #tpu.memory_space<hbm>>
        tpu.enqueue_dma source(%arg6 : memref<1008x96xbf16, #tpu.memory_space<vmem>>) target(%dma_start3A_54 : memref<1008x96xbf16, #tpu.memory_space<hbm>>) target_semaphore(%run_scoped3A : memref<!tpu.dma_semaphore, #tpu.memory_space<semaphore_mem>>)
        %dma_wait3A_55 = arith.constant 0 : i32
        %dma_wait3A_56 = tpu.memref_slice %arg4[%add3A_36, %dma_wait3A_55] : memref<225792x96xbf16, #tpu.memory_space<hbm>> -> memref<1008x96xbf16, #tpu.memory_space<hbm>>
        %dma_wait3A_57 = arith.constant 0 : i32
        %dma_wait3A_58 = tpu.memref_slice %arg4[%add3A_36, %dma_wait3A_57] : memref<225792x96xbf16, #tpu.memory_space<hbm>> -> memref<1008x96xbf16, #tpu.memory_space<hbm>>
        tpu.wait_dma2 semaphore(%run_scoped3A : memref<!tpu.dma_semaphore, #tpu.memory_space<semaphore_mem>>) src(%arg6 : memref<1008x96xbf16, #tpu.memory_space<vmem>>) dst(%dma_wait3A_58 : memref<1008x96xbf16, #tpu.memory_space<hbm>>)
        tpu.yield
      }) : () -> ()
      %add3A_37 = arith.constant 2 : i32
      %add3A_38 = arith.addi %mul3A_20, %add3A_37 : i32
      %lt3A = arith.constant 7 : i32
      %lt3A_39 = arith.cmpi slt, %add3A_38, %lt3A : i32
      %convert_element_type3A = arith.extui %lt3A_39 : i1 to i32
      %cond3A = arith.constant 0 : i32
      %cond3A_40 = arith.cmpi ne, %convert_element_type3A, %cond3A : i32
      scf.if %cond3A_40 {
        %add3A_51 = arith.constant 2 : i32
        %add3A_52 = arith.addi %mul3A_20, %add3A_51 : i32
        %mul3A_53 = arith.constant 1008 : i32
        %mul3A_54 = arith.muli %add3A_52, %mul3A_53 : i32
        %dma_start3A_55 = tpu.memref_slice %arg5[%mul3A_54] : memref<7056xi32, #tpu.memory_space<vmem>> -> memref<1008xi32, #tpu.memory_space<vmem>>
        %dma_start3A_56 = arith.constant 0 : i32
        %dma_start3A_57 = arith.constant 0 : i32
        %dma_start3A_58 = tpu.memref_slice %arg2[%dma_start3A_56, %dma_start3A_57] : memref<50688x96xbf16, #tpu.memory_space<hbm>> -> memref<50688x96xbf16, #tpu.memory_space<hbm>>
        tpu.enqueue_indirect_dma source(%dma_start3A_58 : memref<50688x96xbf16, #tpu.memory_space<hbm>>) target(%arg6 : memref<1008x96xbf16, #tpu.memory_space<vmem>>) offsets(%dma_start3A_55 : memref<1008xi32, #tpu.memory_space<vmem>>) semaphore(%arg8 : memref<!tpu.dma_semaphore, #tpu.memory_space<semaphore_mem>>)
      } else {
      }
      %dma_wait3A_41 = arith.constant 0 : i32
      %dma_wait3A_42 = tpu.memref_slice %arg5[%dma_wait3A_41] : memref<7056xi32, #tpu.memory_space<vmem>> -> memref<1008xi32, #tpu.memory_space<vmem>>
      %dma_wait3A_43 = arith.constant 0 : i32
      %dma_wait3A_44 = arith.constant 0 : i32
      %dma_wait3A_45 = tpu.memref_slice %arg2[%dma_wait3A_43, %dma_wait3A_44] : memref<50688x96xbf16, #tpu.memory_space<hbm>> -> memref<50688x96xbf16, #tpu.memory_space<hbm>>
      tpu.wait_indirect_dma semaphore(%arg9 : memref<!tpu.dma_semaphore, #tpu.memory_space<semaphore_mem>>) src(%dma_wait3A_45 : memref<50688x96xbf16, #tpu.memory_space<hbm>>) dst(%arg7 : memref<1008x96xbf16, #tpu.memory_space<vmem>>)
      %add3A_46 = arith.constant 1 : i32
      %add3A_47 = arith.addi %mul3A_20, %add3A_46 : i32
      %mul3A_48 = arith.constant 1008 : i32
      %mul3A_49 = arith.muli %add3A_47, %mul3A_48 : i32
      %add3A_50 = arith.addi %mul3A_2, %mul3A_49 : i32
      "tpu.region"() ({
        %run_scoped3A = tpu.sem_alloc : memref<!tpu.dma_semaphore, #tpu.memory_space<semaphore_mem>>
        %dma_start3A_51 = arith.constant 0 : i32
        %dma_start3A_52 = tpu.memref_slice %arg4[%add3A_50, %dma_start3A_51] : memref<225792x96xbf16, #tpu.memory_space<hbm>> -> memref<1008x96xbf16, #tpu.memory_space<hbm>>
        %dma_start3A_53 = arith.constant 0 : i32
        %dma_start3A_54 = tpu.memref_slice %arg4[%add3A_50, %dma_start3A_53] : memref<225792x96xbf16, #tpu.memory_space<hbm>> -> memref<1008x96xbf16, #tpu.memory_space<hbm>>
        tpu.enqueue_dma source(%arg7 : memref<1008x96xbf16, #tpu.memory_space<vmem>>) target(%dma_start3A_54 : memref<1008x96xbf16, #tpu.memory_space<hbm>>) target_semaphore(%run_scoped3A : memref<!tpu.dma_semaphore, #tpu.memory_space<semaphore_mem>>)
        %dma_wait3A_55 = arith.constant 0 : i32
        %dma_wait3A_56 = tpu.memref_slice %arg4[%add3A_50, %dma_wait3A_55] : memref<225792x96xbf16, #tpu.memory_space<hbm>> -> memref<1008x96xbf16, #tpu.memory_space<hbm>>
        %dma_wait3A_57 = arith.constant 0 : i32
        %dma_wait3A_58 = tpu.memref_slice %arg4[%add3A_50, %dma_wait3A_57] : memref<225792x96xbf16, #tpu.memory_space<hbm>> -> memref<1008x96xbf16, #tpu.memory_space<hbm>>
        tpu.wait_dma2 semaphore(%run_scoped3A : memref<!tpu.dma_semaphore, #tpu.memory_space<semaphore_mem>>) src(%arg7 : memref<1008x96xbf16, #tpu.memory_space<vmem>>) dst(%dma_wait3A_58 : memref<1008x96xbf16, #tpu.memory_space<hbm>>)
        tpu.yield
      }) : () -> ()
    }
    %scan3A_11 = arith.constant 3 : i32
    %dma_wait3A = arith.constant 0 : i32
    %dma_wait3A_12 = tpu.memref_slice %arg5[%dma_wait3A] : memref<7056xi32, #tpu.memory_space<vmem>> -> memref<1008xi32, #tpu.memory_space<vmem>>
    %dma_wait3A_13 = arith.constant 0 : i32
    %dma_wait3A_14 = arith.constant 0 : i32
    %dma_wait3A_15 = tpu.memref_slice %arg2[%dma_wait3A_13, %dma_wait3A_14] : memref<50688x96xbf16, #tpu.memory_space<hbm>> -> memref<50688x96xbf16, #tpu.memory_space<hbm>>
    tpu.wait_indirect_dma semaphore(%arg8 : memref<!tpu.dma_semaphore, #tpu.memory_space<semaphore_mem>>) src(%dma_wait3A_15 : memref<50688x96xbf16, #tpu.memory_space<hbm>>) dst(%arg6 : memref<1008x96xbf16, #tpu.memory_space<vmem>>)
    %add3A_16 = arith.constant 6048 : i32
    %add3A_17 = arith.addi %mul3A_2, %add3A_16 : i32
    "tpu.region"() ({
      %run_scoped3A = tpu.sem_alloc : memref<!tpu.dma_semaphore, #tpu.memory_space<semaphore_mem>>
      %dma_start3A_18 = arith.constant 0 : i32
      %dma_start3A_19 = tpu.memref_slice %arg4[%add3A_17, %dma_start3A_18] : memref<225792x96xbf16, #tpu.memory_space<hbm>> -> memref<1008x96xbf16, #tpu.memory_space<hbm>>
      %dma_start3A_20 = arith.constant 0 : i32
      %dma_start3A_21 = tpu.memref_slice %arg4[%add3A_17, %dma_start3A_20] : memref<225792x96xbf16, #tpu.memory_space<hbm>> -> memref<1008x96xbf16, #tpu.memory_space<hbm>>
      tpu.enqueue_dma source(%arg6 : memref<1008x96xbf16, #tpu.memory_space<vmem>>) target(%dma_start3A_21 : memref<1008x96xbf16, #tpu.memory_space<hbm>>) target_semaphore(%run_scoped3A : memref<!tpu.dma_semaphore, #tpu.memory_space<semaphore_mem>>)
      %dma_wait3A_22 = arith.constant 0 : i32
      %dma_wait3A_23 = tpu.memref_slice %arg4[%add3A_17, %dma_wait3A_22] : memref<225792x96xbf16, #tpu.memory_space<hbm>> -> memref<1008x96xbf16, #tpu.memory_space<hbm>>
      %dma_wait3A_24 = arith.constant 0 : i32
      %dma_wait3A_25 = tpu.memref_slice %arg4[%add3A_17, %dma_wait3A_24] : memref<225792x96xbf16, #tpu.memory_space<hbm>> -> memref<1008x96xbf16, #tpu.memory_space<hbm>>
      tpu.wait_dma2 semaphore(%run_scoped3A : memref<!tpu.dma_semaphore, #tpu.memory_space<semaphore_mem>>) src(%arg6 : memref<1008x96xbf16, #tpu.memory_space<vmem>>) dst(%dma_wait3A_25 : memref<1008x96xbf16, #tpu.memory_space<hbm>>)
      tpu.yield
    }) : () -> ()
    return
  }
}

module attributes {stable_mosaic.version = 14 : i64} {
  func.func @_transpose_kernel(%arg0: i32, %arg1: memref<96x512xf32, #tpu.memory_space<vmem>>, %arg2: memref<512x96xbf16, #tpu.memory_space<vmem>>) attributes {dimension_semantics = [#tpu.dimension_semantics<arbitrary>], iteration_bounds = array<i64: 99>, scalar_prefetch = 0 : i64, scratch_operands = 0 : i64, tpu.core_type = #tpu.core_type<tc>, window_params = [{transform_indices = @transform_0, window_bounds = array<i64: 96, 512>}, {transform_indices = @transform_1, window_bounds = array<i64: 512, 96>}]} {
    %lt3A = arith.constant 98 : i32
    %lt3A_0 = arith.cmpi slt, %arg0, %lt3A : i32
    %convert_element_type3A = arith.extui %lt3A_0 : i1 to i32
    %cond3A = arith.constant 0 : i32
    %cond3A_1 = arith.cmpi ne, %convert_element_type3A, %cond3A : i32
    scf.if %cond3A_1 {
      %get3A = arith.constant 0 : index
      %get3A_6 = arith.constant 0 : index
      %get3A_7 = vector.load %arg1[%get3A, %get3A_6] : memref<96x512xf32, #tpu.memory_space<vmem>>, vector<96x512xf32>
      %transpose3A = tpu.transpose %get3A_7, [1, 0] : vector<96x512xf32> -> vector<512x96xf32>
      %convert_element_type3A_8 = arith.truncf %transpose3A : vector<512x96xf32> to vector<512x96xbf16>
      %swap3A = arith.constant 0 : index
      %swap3A_9 = arith.constant 0 : index
      %swap3A_10 = vector.load %arg2[%swap3A, %swap3A_9] : memref<512x96xbf16, #tpu.memory_space<vmem>>, vector<512x96xbf16>
      tpu.vector_store %arg2[%swap3A, %swap3A_9], %convert_element_type3A_8 {strides = array<i32>} : memref<512x96xbf16, #tpu.memory_space<vmem>>, vector<512x96xbf16>,
    } else {
    }
    %eq3A = arith.constant 98 : i32
    %eq3A_2 = arith.cmpi eq, %arg0, %eq3A : i32
    %convert_element_type3A_3 = arith.extui %eq3A_2 : i1 to i32
    %cond3A_4 = arith.constant 0 : i32
    %cond3A_5 = arith.cmpi ne, %convert_element_type3A_3, %cond3A_4 : i32
    scf.if %cond3A_5 {
      %broadcast_in_dim3A = arith.constant 0.000000e+00 : bf16
      %broadcast_in_dim3A_6 = vector.broadcast %broadcast_in_dim3A : bf16 to vector<512x96xbf16>
      %swap3A = arith.constant 0 : index
      %swap3A_7 = arith.constant 0 : index
      %swap3A_8 = vector.load %arg2[%swap3A, %swap3A_7] : memref<512x96xbf16, #tpu.memory_space<vmem>>, vector<512x96xbf16>
      tpu.vector_store %arg2[%swap3A, %swap3A_7], %broadcast_in_dim3A_6 {strides = array<i32>} : memref<512x96xbf16, #tpu.memory_space<vmem>>, vector<512x96xbf16>,
    } else {
    }
    return
  }
  func.func @transform_0(%arg0: i32) -> (i32, i32) {
    %min3A = arith.constant 97 : i32
    %min3A_0 = arith.minsi %arg0, %min3A : i32
    %c0_i32 = arith.constant 0 : i32
    %c0_i32_1 = arith.constant 0 : i32
    return %c0_i32, %min3A_0 : i32, i32
  }
  func.func @transform_1(%arg0: i32) -> (i32, i32) {
    %c0_i32 = arith.constant 0 : i32
    %c0_i32_0 = arith.constant 0 : i32
    return %arg0, %c0_i32 : i32, i32
  }
}

module attributes {stable_mosaic.version = 14 : i64} {
  func.func @_topk_kernel(%arg0: memref<224x224xf32, #tpu.memory_space<vmem>>, %arg1: memref<1x2xf32, #tpu.memory_space<smem>>, %arg2: memref<9x224x224xi32, #tpu.memory_space<vmem>>) attributes {dimension_semantics = [], scalar_prefetch = 0 : i64, scratch_operands = 0 : i64, tpu.core_type = #tpu.core_type<tc>} {
    %get3A = arith.constant 0 : index
    %get3A_0 = arith.constant 0 : index
    %get3A_1 = memref.load %arg1[%get3A, %get3A_0] : memref<1x2xf32, #tpu.memory_space<smem>>
    %get3A_2 = arith.constant 0 : index
    %get3A_3 = arith.constant 1 : index
    %get3A_4 = memref.load %arg1[%get3A_2, %get3A_3] : memref<1x2xf32, #tpu.memory_space<smem>>
    %get3A_5 = arith.constant 0 : index
    %get3A_6 = arith.constant 0 : index
    %get3A_7 = vector.load %arg0[%get3A_5, %get3A_6] : memref<224x224xf32, #tpu.memory_space<vmem>>, vector<224x224xf32>
    %mul3A = vector.broadcast %get3A_4 : f32 to vector<224x224xf32>
    %mul3A_8 = arith.mulf %get3A_7, %mul3A : vector<224x224xf32>
    %add3A = vector.broadcast %get3A_1 : f32 to vector<224x224xf32>
    %add3A_9 = arith.addf %mul3A_8, %add3A : vector<224x224xf32>
    %convert_element_type3A = arith.truncf %add3A_9 : vector<224x224xf32> to vector<224x224xbf16>
    %convert_element_type3A_10 = arith.extf %convert_element_type3A : vector<224x224xbf16> to vector<224x224xf32>
    %iota3A = tpu.iota {dimensions = array<i32: 0>} : vector<224x224xi32>
    %iota3A_11 = tpu.iota {dimensions = array<i32: 1>} : vector<224x224xi32>
    %broadcast_in_dim3A = arith.constant 0.000000e+00 : f32
    %broadcast_in_dim3A_12 = vector.broadcast %broadcast_in_dim3A : f32 to vector<2x224xf32>
    %slice3A = vector.extract_strided_slice %convert_element_type3A_10 {offsets = [0, 0], sizes = [222, 224], strides = [1, 1]} : vector<224x224xf32> to vector<222x224xf32>
    %concatenate3A = tpu.concatenate %broadcast_in_dim3A_12, %slice3A in 0 : vector<2x224xf32>, vector<222x224xf32> -> vector<224x224xf32>
    %broadcast_in_dim3A_13 = arith.constant 0.000000e+00 : f32
    %broadcast_in_dim3A_14 = vector.broadcast %broadcast_in_dim3A_13 : f32 to vector<224x2xf32>
    %slice3A_15 = vector.extract_strided_slice %concatenate3A {offsets = [0, 0], sizes = [224, 222], strides = [1, 1]} : vector<224x224xf32> to vector<224x222xf32>
    %concatenate3A_16 = tpu.concatenate %broadcast_in_dim3A_14, %slice3A_15 in 1 : vector<224x2xf32>, vector<224x222xf32> -> vector<224x224xf32>
    %sub3A = arith.subf %concatenate3A_16, %convert_element_type3A_10 : vector<224x224xf32>
    %abs3A = math.absf %sub3A : vector<224x224xf32>
    %add3A_17 = arith.constant -2 : i32
    %add3A_18 = vector.broadcast %add3A_17 : i32 to vector<224x224xi32>
    %add3A_19 = arith.addi %iota3A, %add3A_18 : vector<224x224xi32>
    %add3A_20 = arith.constant -2 : i32
    %add3A_21 = vector.broadcast %add3A_20 : i32 to vector<224x224xi32>
    %add3A_22 = arith.addi %iota3A_11, %add3A_21 : vector<224x224xi32>
    %ge3A = arith.constant 0 : i32
    %ge3A_23 = vector.broadcast %ge3A : i32 to vector<224x224xi32>
    %ge3A_24 = arith.cmpi sge, %add3A_19, %ge3A_23 : vector<224x224xi32>
    %lt3A = arith.constant 224 : i32
    %lt3A_25 = vector.broadcast %lt3A : i32 to vector<224x224xi32>
    %lt3A_26 = arith.cmpi slt, %add3A_19, %lt3A_25 : vector<224x224xi32>
    %and3A = arith.andi %ge3A_24, %lt3A_26 : vector<224x224xi1>
    %ge3A_27 = arith.constant 0 : i32
    %ge3A_28 = vector.broadcast %ge3A_27 : i32 to vector<224x224xi32>
    %ge3A_29 = arith.cmpi sge, %add3A_22, %ge3A_28 : vector<224x224xi32>
    %and3A_30 = arith.andi %and3A, %ge3A_29 : vector<224x224xi1>
    %lt3A_31 = arith.constant 224 : i32
    %lt3A_32 = vector.broadcast %lt3A_31 : i32 to vector<224x224xi32>
    %lt3A_33 = arith.cmpi slt, %add3A_22, %lt3A_32 : vector<224x224xi32>
    %and3A_34 = arith.andi %and3A_30, %lt3A_33 : vector<224x224xi1>
    %mul3A_35 = arith.constant 224 : i32
    %mul3A_36 = vector.broadcast %mul3A_35 : i32 to vector<224x224xi32>
    %mul3A_37 = arith.muli %add3A_19, %mul3A_36 : vector<224x224xi32>
    %add3A_38 = arith.addi %mul3A_37, %add3A_22 : vector<224x224xi32>
    %jit3A = arith.constant 50176 : i32
    %broadcast_in_dim3A_39 = vector.broadcast %jit3A : i32 to vector<224x224xi32>
    %select_n3A = arith.select %and3A_34, %add3A_38, %broadcast_in_dim3A_39 : vector<224x224xi1>, vector<224x224xi32>
    %broadcast_in_dim3A_40 = arith.constant 0.000000e+00 : f32
    %broadcast_in_dim3A_41 = vector.broadcast %broadcast_in_dim3A_40 : f32 to vector<2x224xf32>
    %slice3A_42 = vector.extract_strided_slice %convert_element_type3A_10 {offsets = [0, 0], sizes = [222, 224], strides = [1, 1]} : vector<224x224xf32> to vector<222x224xf32>
    %concatenate3A_43 = tpu.concatenate %broadcast_in_dim3A_41, %slice3A_42 in 0 : vector<2x224xf32>, vector<222x224xf32> -> vector<224x224xf32>
    %broadcast_in_dim3A_44 = arith.constant 0.000000e+00 : f32
    %broadcast_in_dim3A_45 = vector.broadcast %broadcast_in_dim3A_44 : f32 to vector<224x1xf32>
    %slice3A_46 = vector.extract_strided_slice %concatenate3A_43 {offsets = [0, 0], sizes = [224, 223], strides = [1, 1]} : vector<224x224xf32> to vector<224x223xf32>
    %concatenate3A_47 = tpu.concatenate %broadcast_in_dim3A_45, %slice3A_46 in 1 : vector<224x1xf32>, vector<224x223xf32> -> vector<224x224xf32>
    %sub3A_48 = arith.subf %concatenate3A_47, %convert_element_type3A_10 : vector<224x224xf32>
    %abs3A_49 = math.absf %sub3A_48 : vector<224x224xf32>
    %add3A_50 = arith.constant -2 : i32
    %add3A_51 = vector.broadcast %add3A_50 : i32 to vector<224x224xi32>
    %add3A_52 = arith.addi %iota3A, %add3A_51 : vector<224x224xi32>
    %add3A_53 = arith.constant -1 : i32
    %add3A_54 = vector.broadcast %add3A_53 : i32 to vector<224x224xi32>
    %add3A_55 = arith.addi %iota3A_11, %add3A_54 : vector<224x224xi32>
    %ge3A_56 = arith.constant 0 : i32
    %ge3A_57 = vector.broadcast %ge3A_56 : i32 to vector<224x224xi32>
    %ge3A_58 = arith.cmpi sge, %add3A_52, %ge3A_57 : vector<224x224xi32>
    %lt3A_59 = arith.constant 224 : i32
    %lt3A_60 = vector.broadcast %lt3A_59 : i32 to vector<224x224xi32>
    %lt3A_61 = arith.cmpi slt, %add3A_52, %lt3A_60 : vector<224x224xi32>
    %and3A_62 = arith.andi %ge3A_58, %lt3A_61 : vector<224x224xi1>
    %ge3A_63 = arith.constant 0 : i32
    %ge3A_64 = vector.broadcast %ge3A_63 : i32 to vector<224x224xi32>
    %ge3A_65 = arith.cmpi sge, %add3A_55, %ge3A_64 : vector<224x224xi32>
    %and3A_66 = arith.andi %and3A_62, %ge3A_65 : vector<224x224xi1>
    %lt3A_67 = arith.constant 224 : i32
    %lt3A_68 = vector.broadcast %lt3A_67 : i32 to vector<224x224xi32>
    %lt3A_69 = arith.cmpi slt, %add3A_55, %lt3A_68 : vector<224x224xi32>
    %and3A_70 = arith.andi %and3A_66, %lt3A_69 : vector<224x224xi1>
    %mul3A_71 = arith.constant 224 : i32
    %mul3A_72 = vector.broadcast %mul3A_71 : i32 to vector<224x224xi32>
    %mul3A_73 = arith.muli %add3A_52, %mul3A_72 : vector<224x224xi32>
    %add3A_74 = arith.addi %mul3A_73, %add3A_55 : vector<224x224xi32>
    %jit3A_75 = arith.constant 50176 : i32
    %broadcast_in_dim3A_76 = vector.broadcast %jit3A_75 : i32 to vector<224x224xi32>
    %select_n3A_77 = arith.select %and3A_70, %add3A_74, %broadcast_in_dim3A_76 : vector<224x224xi1>, vector<224x224xi32>
    %broadcast_in_dim3A_78 = arith.constant 0.000000e+00 : f32
    %broadcast_in_dim3A_79 = vector.broadcast %broadcast_in_dim3A_78 : f32 to vector<2x224xf32>
    %slice3A_80 = vector.extract_strided_slice %convert_element_type3A_10 {offsets = [0, 0], sizes = [222, 224], strides = [1, 1]} : vector<224x224xf32> to vector<222x224xf32>
    %concatenate3A_81 = tpu.concatenate %broadcast_in_dim3A_79, %slice3A_80 in 0 : vector<2x224xf32>, vector<222x224xf32> -> vector<224x224xf32>
    %sub3A_82 = arith.subf %concatenate3A_81, %convert_element_type3A_10 : vector<224x224xf32>
    %abs3A_83 = math.absf %sub3A_82 : vector<224x224xf32>
    %add3A_84 = arith.constant -2 : i32
    %add3A_85 = vector.broadcast %add3A_84 : i32 to vector<224x224xi32>
    %add3A_86 = arith.addi %iota3A, %add3A_85 : vector<224x224xi32>
    %add3A_87 = arith.constant 0 : i32
    %add3A_88 = vector.broadcast %add3A_87 : i32 to vector<224x224xi32>
    %add3A_89 = arith.addi %iota3A_11, %add3A_88 : vector<224x224xi32>
    %ge3A_90 = arith.constant 0 : i32
    %ge3A_91 = vector.broadcast %ge3A_90 : i32 to vector<224x224xi32>
    %ge3A_92 = arith.cmpi sge, %add3A_86, %ge3A_91 : vector<224x224xi32>
    %lt3A_93 = arith.constant 224 : i32
    %lt3A_94 = vector.broadcast %lt3A_93 : i32 to vector<224x224xi32>
    %lt3A_95 = arith.cmpi slt, %add3A_86, %lt3A_94 : vector<224x224xi32>
    %and3A_96 = arith.andi %ge3A_92, %lt3A_95 : vector<224x224xi1>
    %ge3A_97 = arith.constant 0 : i32
    %ge3A_98 = vector.broadcast %ge3A_97 : i32 to vector<224x224xi32>
    %ge3A_99 = arith.cmpi sge, %add3A_89, %ge3A_98 : vector<224x224xi32>
    %and3A_100 = arith.andi %and3A_96, %ge3A_99 : vector<224x224xi1>
    %lt3A_101 = arith.constant 224 : i32
    %lt3A_102 = vector.broadcast %lt3A_101 : i32 to vector<224x224xi32>
    %lt3A_103 = arith.cmpi slt, %add3A_89, %lt3A_102 : vector<224x224xi32>
    %and3A_104 = arith.andi %and3A_100, %lt3A_103 : vector<224x224xi1>
    %mul3A_105 = arith.constant 224 : i32
    %mul3A_106 = vector.broadcast %mul3A_105 : i32 to vector<224x224xi32>
    %mul3A_107 = arith.muli %add3A_86, %mul3A_106 : vector<224x224xi32>
    %add3A_108 = arith.addi %mul3A_107, %add3A_89 : vector<224x224xi32>
    %jit3A_109 = arith.constant 50176 : i32
    %broadcast_in_dim3A_110 = vector.broadcast %jit3A_109 : i32 to vector<224x224xi32>
    %select_n3A_111 = arith.select %and3A_104, %add3A_108, %broadcast_in_dim3A_110 : vector<224x224xi1>, vector<224x224xi32>
    %broadcast_in_dim3A_112 = arith.constant 0.000000e+00 : f32
    %broadcast_in_dim3A_113 = vector.broadcast %broadcast_in_dim3A_112 : f32 to vector<2x224xf32>
    %slice3A_114 = vector.extract_strided_slice %convert_element_type3A_10 {offsets = [0, 0], sizes = [222, 224], strides = [1, 1]} : vector<224x224xf32> to vector<222x224xf32>
    %concatenate3A_115 = tpu.concatenate %broadcast_in_dim3A_113, %slice3A_114 in 0 : vector<2x224xf32>, vector<222x224xf32> -> vector<224x224xf32>
    %slice3A_116 = vector.extract_strided_slice %concatenate3A_115 {offsets = [0, 1], sizes = [224, 223], strides = [1, 1]} : vector<224x224xf32> to vector<224x223xf32>
    %broadcast_in_dim3A_117 = arith.constant 0.000000e+00 : f32
    %broadcast_in_dim3A_118 = vector.broadcast %broadcast_in_dim3A_117 : f32 to vector<224x1xf32>
    %concatenate3A_119 = tpu.concatenate %slice3A_116, %broadcast_in_dim3A_118 in 1 : vector<224x223xf32>, vector<224x1xf32> -> vector<224x224xf32>
    %sub3A_120 = arith.subf %concatenate3A_119, %convert_element_type3A_10 : vector<224x224xf32>
    %abs3A_121 = math.absf %sub3A_120 : vector<224x224xf32>
    %add3A_122 = arith.constant -2 : i32
    %add3A_123 = vector.broadcast %add3A_122 : i32 to vector<224x224xi32>
    %add3A_124 = arith.addi %iota3A, %add3A_123 : vector<224x224xi32>
    %add3A_125 = arith.constant 1 : i32
    %add3A_126 = vector.broadcast %add3A_125 : i32 to vector<224x224xi32>
    %add3A_127 = arith.addi %iota3A_11, %add3A_126 : vector<224x224xi32>
    %ge3A_128 = arith.constant 0 : i32
    %ge3A_129 = vector.broadcast %ge3A_128 : i32 to vector<224x224xi32>
    %ge3A_130 = arith.cmpi sge, %add3A_124, %ge3A_129 : vector<224x224xi32>
    %lt3A_131 = arith.constant 224 : i32
    %lt3A_132 = vector.broadcast %lt3A_131 : i32 to vector<224x224xi32>
    %lt3A_133 = arith.cmpi slt, %add3A_124, %lt3A_132 : vector<224x224xi32>
    %and3A_134 = arith.andi %ge3A_130, %lt3A_133 : vector<224x224xi1>
    %ge3A_135 = arith.constant 0 : i32
    %ge3A_136 = vector.broadcast %ge3A_135 : i32 to vector<224x224xi32>
    %ge3A_137 = arith.cmpi sge, %add3A_127, %ge3A_136 : vector<224x224xi32>
    %and3A_138 = arith.andi %and3A_134, %ge3A_137 : vector<224x224xi1>
    %lt3A_139 = arith.constant 224 : i32
    %lt3A_140 = vector.broadcast %lt3A_139 : i32 to vector<224x224xi32>
    %lt3A_141 = arith.cmpi slt, %add3A_127, %lt3A_140 : vector<224x224xi32>
    %and3A_142 = arith.andi %and3A_138, %lt3A_141 : vector<224x224xi1>
    %mul3A_143 = arith.constant 224 : i32
    %mul3A_144 = vector.broadcast %mul3A_143 : i32 to vector<224x224xi32>
    %mul3A_145 = arith.muli %add3A_124, %mul3A_144 : vector<224x224xi32>
    %add3A_146 = arith.addi %mul3A_145, %add3A_127 : vector<224x224xi32>
    %jit3A_147 = arith.constant 50176 : i32
    %broadcast_in_dim3A_148 = vector.broadcast %jit3A_147 : i32 to vector<224x224xi32>
    %select_n3A_149 = arith.select %and3A_142, %add3A_146, %broadcast_in_dim3A_148 : vector<224x224xi1>, vector<224x224xi32>
    %broadcast_in_dim3A_150 = arith.constant 0.000000e+00 : f32
    %broadcast_in_dim3A_151 = vector.broadcast %broadcast_in_dim3A_150 : f32 to vector<2x224xf32>
    %slice3A_152 = vector.extract_strided_slice %convert_element_type3A_10 {offsets = [0, 0], sizes = [222, 224], strides = [1, 1]} : vector<224x224xf32> to vector<222x224xf32>
    %concatenate3A_153 = tpu.concatenate %broadcast_in_dim3A_151, %slice3A_152 in 0 : vector<2x224xf32>, vector<222x224xf32> -> vector<224x224xf32>
    %slice3A_154 = vector.extract_strided_slice %concatenate3A_153 {offsets = [0, 2], sizes = [224, 222], strides = [1, 1]} : vector<224x224xf32> to vector<224x222xf32>
    %broadcast_in_dim3A_155 = arith.constant 0.000000e+00 : f32
    %broadcast_in_dim3A_156 = vector.broadcast %broadcast_in_dim3A_155 : f32 to vector<224x2xf32>
    %concatenate3A_157 = tpu.concatenate %slice3A_154, %broadcast_in_dim3A_156 in 1 : vector<224x222xf32>, vector<224x2xf32> -> vector<224x224xf32>
    %sub3A_158 = arith.subf %concatenate3A_157, %convert_element_type3A_10 : vector<224x224xf32>
    %abs3A_159 = math.absf %sub3A_158 : vector<224x224xf32>
    %add3A_160 = arith.constant -2 : i32
    %add3A_161 = vector.broadcast %add3A_160 : i32 to vector<224x224xi32>
    %add3A_162 = arith.addi %iota3A, %add3A_161 : vector<224x224xi32>
    %add3A_163 = arith.constant 2 : i32
    %add3A_164 = vector.broadcast %add3A_163 : i32 to vector<224x224xi32>
    %add3A_165 = arith.addi %iota3A_11, %add3A_164 : vector<224x224xi32>
    %ge3A_166 = arith.constant 0 : i32
    %ge3A_167 = vector.broadcast %ge3A_166 : i32 to vector<224x224xi32>
    %ge3A_168 = arith.cmpi sge, %add3A_162, %ge3A_167 : vector<224x224xi32>
    %lt3A_169 = arith.constant 224 : i32
    %lt3A_170 = vector.broadcast %lt3A_169 : i32 to vector<224x224xi32>
    %lt3A_171 = arith.cmpi slt, %add3A_162, %lt3A_170 : vector<224x224xi32>
    %and3A_172 = arith.andi %ge3A_168, %lt3A_171 : vector<224x224xi1>
    %ge3A_173 = arith.constant 0 : i32
    %ge3A_174 = vector.broadcast %ge3A_173 : i32 to vector<224x224xi32>
    %ge3A_175 = arith.cmpi sge, %add3A_165, %ge3A_174 : vector<224x224xi32>
    %and3A_176 = arith.andi %and3A_172, %ge3A_175 : vector<224x224xi1>
    %lt3A_177 = arith.constant 224 : i32
    %lt3A_178 = vector.broadcast %lt3A_177 : i32 to vector<224x224xi32>
    %lt3A_179 = arith.cmpi slt, %add3A_165, %lt3A_178 : vector<224x224xi32>
    %and3A_180 = arith.andi %and3A_176, %lt3A_179 : vector<224x224xi1>
    %mul3A_181 = arith.constant 224 : i32
    %mul3A_182 = vector.broadcast %mul3A_181 : i32 to vector<224x224xi32>
    %mul3A_183 = arith.muli %add3A_162, %mul3A_182 : vector<224x224xi32>
    %add3A_184 = arith.addi %mul3A_183, %add3A_165 : vector<224x224xi32>
    %jit3A_185 = arith.constant 50176 : i32
    %broadcast_in_dim3A_186 = vector.broadcast %jit3A_185 : i32 to vector<224x224xi32>
    %select_n3A_187 = arith.select %and3A_180, %add3A_184, %broadcast_in_dim3A_186 : vector<224x224xi1>, vector<224x224xi32>
    %broadcast_in_dim3A_188 = arith.constant 0.000000e+00 : f32
    %broadcast_in_dim3A_189 = vector.broadcast %broadcast_in_dim3A_188 : f32 to vector<1x224xf32>
    %slice3A_190 = vector.extract_strided_slice %convert_element_type3A_10 {offsets = [0, 0], sizes = [223, 224], strides = [1, 1]} : vector<224x224xf32> to vector<223x224xf32>
    %concatenate3A_191 = tpu.concatenate %broadcast_in_dim3A_189, %slice3A_190 in 0 : vector<1x224xf32>, vector<223x224xf32> -> vector<224x224xf32>
    %broadcast_in_dim3A_192 = arith.constant 0.000000e+00 : f32
    %broadcast_in_dim3A_193 = vector.broadcast %broadcast_in_dim3A_192 : f32 to vector<224x2xf32>
    %slice3A_194 = vector.extract_strided_slice %concatenate3A_191 {offsets = [0, 0], sizes = [224, 222], strides = [1, 1]} : vector<224x224xf32> to vector<224x222xf32>
    %concatenate3A_195 = tpu.concatenate %broadcast_in_dim3A_193, %slice3A_194 in 1 : vector<224x2xf32>, vector<224x222xf32> -> vector<224x224xf32>
    %sub3A_196 = arith.subf %concatenate3A_195, %convert_element_type3A_10 : vector<224x224xf32>
    %abs3A_197 = math.absf %sub3A_196 : vector<224x224xf32>
    %add3A_198 = arith.constant -1 : i32
    %add3A_199 = vector.broadcast %add3A_198 : i32 to vector<224x224xi32>
    %add3A_200 = arith.addi %iota3A, %add3A_199 : vector<224x224xi32>
    %add3A_201 = arith.constant -2 : i32
    %add3A_202 = vector.broadcast %add3A_201 : i32 to vector<224x224xi32>
    %add3A_203 = arith.addi %iota3A_11, %add3A_202 : vector<224x224xi32>
    %ge3A_204 = arith.constant 0 : i32
    %ge3A_205 = vector.broadcast %ge3A_204 : i32 to vector<224x224xi32>
    %ge3A_206 = arith.cmpi sge, %add3A_200, %ge3A_205 : vector<224x224xi32>
    %lt3A_207 = arith.constant 224 : i32
    %lt3A_208 = vector.broadcast %lt3A_207 : i32 to vector<224x224xi32>
    %lt3A_209 = arith.cmpi slt, %add3A_200, %lt3A_208 : vector<224x224xi32>
    %and3A_210 = arith.andi %ge3A_206, %lt3A_209 : vector<224x224xi1>
    %ge3A_211 = arith.constant 0 : i32
    %ge3A_212 = vector.broadcast %ge3A_211 : i32 to vector<224x224xi32>
    %ge3A_213 = arith.cmpi sge, %add3A_203, %ge3A_212 : vector<224x224xi32>
    %and3A_214 = arith.andi %and3A_210, %ge3A_213 : vector<224x224xi1>
    %lt3A_215 = arith.constant 224 : i32
    %lt3A_216 = vector.broadcast %lt3A_215 : i32 to vector<224x224xi32>
    %lt3A_217 = arith.cmpi slt, %add3A_203, %lt3A_216 : vector<224x224xi32>
    %and3A_218 = arith.andi %and3A_214, %lt3A_217 : vector<224x224xi1>
    %mul3A_219 = arith.constant 224 : i32
    %mul3A_220 = vector.broadcast %mul3A_219 : i32 to vector<224x224xi32>
    %mul3A_221 = arith.muli %add3A_200, %mul3A_220 : vector<224x224xi32>
    %add3A_222 = arith.addi %mul3A_221, %add3A_203 : vector<224x224xi32>
    %jit3A_223 = arith.constant 50176 : i32
    %broadcast_in_dim3A_224 = vector.broadcast %jit3A_223 : i32 to vector<224x224xi32>
    %select_n3A_225 = arith.select %and3A_218, %add3A_222, %broadcast_in_dim3A_224 : vector<224x224xi1>, vector<224x224xi32>
    %broadcast_in_dim3A_226 = arith.constant 0.000000e+00 : f32
    %broadcast_in_dim3A_227 = vector.broadcast %broadcast_in_dim3A_226 : f32 to vector<1x224xf32>
    %slice3A_228 = vector.extract_strided_slice %convert_element_type3A_10 {offsets = [0, 0], sizes = [223, 224], strides = [1, 1]} : vector<224x224xf32> to vector<223x224xf32>
    %concatenate3A_229 = tpu.concatenate %broadcast_in_dim3A_227, %slice3A_228 in 0 : vector<1x224xf32>, vector<223x224xf32> -> vector<224x224xf32>
    %broadcast_in_dim3A_230 = arith.constant 0.000000e+00 : f32
    %broadcast_in_dim3A_231 = vector.broadcast %broadcast_in_dim3A_230 : f32 to vector<224x1xf32>
    %slice3A_232 = vector.extract_strided_slice %concatenate3A_229 {offsets = [0, 0], sizes = [224, 223], strides = [1, 1]} : vector<224x224xf32> to vector<224x223xf32>
    %concatenate3A_233 = tpu.concatenate %broadcast_in_dim3A_231, %slice3A_232 in 1 : vector<224x1xf32>, vector<224x223xf32> -> vector<224x224xf32>
    %sub3A_234 = arith.subf %concatenate3A_233, %convert_element_type3A_10 : vector<224x224xf32>
    %abs3A_235 = math.absf %sub3A_234 : vector<224x224xf32>
    %add3A_236 = arith.constant -1 : i32
    %add3A_237 = vector.broadcast %add3A_236 : i32 to vector<224x224xi32>
    %add3A_238 = arith.addi %iota3A, %add3A_237 : vector<224x224xi32>
    %add3A_239 = arith.constant -1 : i32
    %add3A_240 = vector.broadcast %add3A_239 : i32 to vector<224x224xi32>
    %add3A_241 = arith.addi %iota3A_11, %add3A_240 : vector<224x224xi32>
    %ge3A_242 = arith.constant 0 : i32
    %ge3A_243 = vector.broadcast %ge3A_242 : i32 to vector<224x224xi32>
    %ge3A_244 = arith.cmpi sge, %add3A_238, %ge3A_243 : vector<224x224xi32>
    %lt3A_245 = arith.constant 224 : i32
    %lt3A_246 = vector.broadcast %lt3A_245 : i32 to vector<224x224xi32>
    %lt3A_247 = arith.cmpi slt, %add3A_238, %lt3A_246 : vector<224x224xi32>
    %and3A_248 = arith.andi %ge3A_244, %lt3A_247 : vector<224x224xi1>
    %ge3A_249 = arith.constant 0 : i32
    %ge3A_250 = vector.broadcast %ge3A_249 : i32 to vector<224x224xi32>
    %ge3A_251 = arith.cmpi sge, %add3A_241, %ge3A_250 : vector<224x224xi32>
    %and3A_252 = arith.andi %and3A_248, %ge3A_251 : vector<224x224xi1>
    %lt3A_253 = arith.constant 224 : i32
    %lt3A_254 = vector.broadcast %lt3A_253 : i32 to vector<224x224xi32>
    %lt3A_255 = arith.cmpi slt, %add3A_241, %lt3A_254 : vector<224x224xi32>
    %and3A_256 = arith.andi %and3A_252, %lt3A_255 : vector<224x224xi1>
    %mul3A_257 = arith.constant 224 : i32
    %mul3A_258 = vector.broadcast %mul3A_257 : i32 to vector<224x224xi32>
    %mul3A_259 = arith.muli %add3A_238, %mul3A_258 : vector<224x224xi32>
    %add3A_260 = arith.addi %mul3A_259, %add3A_241 : vector<224x224xi32>
    %jit3A_261 = arith.constant 50176 : i32
    %broadcast_in_dim3A_262 = vector.broadcast %jit3A_261 : i32 to vector<224x224xi32>
    %select_n3A_263 = arith.select %and3A_256, %add3A_260, %broadcast_in_dim3A_262 : vector<224x224xi1>, vector<224x224xi32>
    %broadcast_in_dim3A_264 = arith.constant 0.000000e+00 : f32
    %broadcast_in_dim3A_265 = vector.broadcast %broadcast_in_dim3A_264 : f32 to vector<1x224xf32>
    %slice3A_266 = vector.extract_strided_slice %convert_element_type3A_10 {offsets = [0, 0], sizes = [223, 224], strides = [1, 1]} : vector<224x224xf32> to vector<223x224xf32>
    %concatenate3A_267 = tpu.concatenate %broadcast_in_dim3A_265, %slice3A_266 in 0 : vector<1x224xf32>, vector<223x224xf32> -> vector<224x224xf32>
    %sub3A_268 = arith.subf %concatenate3A_267, %convert_element_type3A_10 : vector<224x224xf32>
    %abs3A_269 = math.absf %sub3A_268 : vector<224x224xf32>
    %add3A_270 = arith.constant -1 : i32
    %add3A_271 = vector.broadcast %add3A_270 : i32 to vector<224x224xi32>
    %add3A_272 = arith.addi %iota3A, %add3A_271 : vector<224x224xi32>
    %add3A_273 = arith.constant 0 : i32
    %add3A_274 = vector.broadcast %add3A_273 : i32 to vector<224x224xi32>
    %add3A_275 = arith.addi %iota3A_11, %add3A_274 : vector<224x224xi32>
    %ge3A_276 = arith.constant 0 : i32
    %ge3A_277 = vector.broadcast %ge3A_276 : i32 to vector<224x224xi32>
    %ge3A_278 = arith.cmpi sge, %add3A_272, %ge3A_277 : vector<224x224xi32>
    %lt3A_279 = arith.constant 224 : i32
    %lt3A_280 = vector.broadcast %lt3A_279 : i32 to vector<224x224xi32>
    %lt3A_281 = arith.cmpi slt, %add3A_272, %lt3A_280 : vector<224x224xi32>
    %and3A_282 = arith.andi %ge3A_278, %lt3A_281 : vector<224x224xi1>
    %ge3A_283 = arith.constant 0 : i32
    %ge3A_284 = vector.broadcast %ge3A_283 : i32 to vector<224x224xi32>
    %ge3A_285 = arith.cmpi sge, %add3A_275, %ge3A_284 : vector<224x224xi32>
    %and3A_286 = arith.andi %and3A_282, %ge3A_285 : vector<224x224xi1>
    %lt3A_287 = arith.constant 224 : i32
    %lt3A_288 = vector.broadcast %lt3A_287 : i32 to vector<224x224xi32>
    %lt3A_289 = arith.cmpi slt, %add3A_275, %lt3A_288 : vector<224x224xi32>
    %and3A_290 = arith.andi %and3A_286, %lt3A_289 : vector<224x224xi1>
    %mul3A_291 = arith.constant 224 : i32
    %mul3A_292 = vector.broadcast %mul3A_291 : i32 to vector<224x224xi32>
    %mul3A_293 = arith.muli %add3A_272, %mul3A_292 : vector<224x224xi32>
    %add3A_294 = arith.addi %mul3A_293, %add3A_275 : vector<224x224xi32>
    %jit3A_295 = arith.constant 50176 : i32
    %broadcast_in_dim3A_296 = vector.broadcast %jit3A_295 : i32 to vector<224x224xi32>
    %select_n3A_297 = arith.select %and3A_290, %add3A_294, %broadcast_in_dim3A_296 : vector<224x224xi1>, vector<224x224xi32>
    %broadcast_in_dim3A_298 = arith.constant 0.000000e+00 : f32
    %broadcast_in_dim3A_299 = vector.broadcast %broadcast_in_dim3A_298 : f32 to vector<1x224xf32>
    %slice3A_300 = vector.extract_strided_slice %convert_element_type3A_10 {offsets = [0, 0], sizes = [223, 224], strides = [1, 1]} : vector<224x224xf32> to vector<223x224xf32>
    %concatenate3A_301 = tpu.concatenate %broadcast_in_dim3A_299, %slice3A_300 in 0 : vector<1x224xf32>, vector<223x224xf32> -> vector<224x224xf32>
    %slice3A_302 = vector.extract_strided_slice %concatenate3A_301 {offsets = [0, 1], sizes = [224, 223], strides = [1, 1]} : vector<224x224xf32> to vector<224x223xf32>
    %broadcast_in_dim3A_303 = arith.constant 0.000000e+00 : f32
    %broadcast_in_dim3A_304 = vector.broadcast %broadcast_in_dim3A_303 : f32 to vector<224x1xf32>
    %concatenate3A_305 = tpu.concatenate %slice3A_302, %broadcast_in_dim3A_304 in 1 : vector<224x223xf32>, vector<224x1xf32> -> vector<224x224xf32>
    %sub3A_306 = arith.subf %concatenate3A_305, %convert_element_type3A_10 : vector<224x224xf32>
    %abs3A_307 = math.absf %sub3A_306 : vector<224x224xf32>
    %add3A_308 = arith.constant -1 : i32
    %add3A_309 = vector.broadcast %add3A_308 : i32 to vector<224x224xi32>
    %add3A_310 = arith.addi %iota3A, %add3A_309 : vector<224x224xi32>
    %add3A_311 = arith.constant 1 : i32
    %add3A_312 = vector.broadcast %add3A_311 : i32 to vector<224x224xi32>
    %add3A_313 = arith.addi %iota3A_11, %add3A_312 : vector<224x224xi32>
    %ge3A_314 = arith.constant 0 : i32
    %ge3A_315 = vector.broadcast %ge3A_314 : i32 to vector<224x224xi32>
    %ge3A_316 = arith.cmpi sge, %add3A_310, %ge3A_315 : vector<224x224xi32>
    %lt3A_317 = arith.constant 224 : i32
    %lt3A_318 = vector.broadcast %lt3A_317 : i32 to vector<224x224xi32>
    %lt3A_319 = arith.cmpi slt, %add3A_310, %lt3A_318 : vector<224x224xi32>
    %and3A_320 = arith.andi %ge3A_316, %lt3A_319 : vector<224x224xi1>
    %ge3A_321 = arith.constant 0 : i32
    %ge3A_322 = vector.broadcast %ge3A_321 : i32 to vector<224x224xi32>
    %ge3A_323 = arith.cmpi sge, %add3A_313, %ge3A_322 : vector<224x224xi32>
    %and3A_324 = arith.andi %and3A_320, %ge3A_323 : vector<224x224xi1>
    %lt3A_325 = arith.constant 224 : i32
    %lt3A_326 = vector.broadcast %lt3A_325 : i32 to vector<224x224xi32>
    %lt3A_327 = arith.cmpi slt, %add3A_313, %lt3A_326 : vector<224x224xi32>
    %and3A_328 = arith.andi %and3A_324, %lt3A_327 : vector<224x224xi1>
    %mul3A_329 = arith.constant 224 : i32
    %mul3A_330 = vector.broadcast %mul3A_329 : i32 to vector<224x224xi32>
    %mul3A_331 = arith.muli %add3A_310, %mul3A_330 : vector<224x224xi32>
    %add3A_332 = arith.addi %mul3A_331, %add3A_313 : vector<224x224xi32>
    %jit3A_333 = arith.constant 50176 : i32
    %broadcast_in_dim3A_334 = vector.broadcast %jit3A_333 : i32 to vector<224x224xi32>
    %select_n3A_335 = arith.select %and3A_328, %add3A_332, %broadcast_in_dim3A_334 : vector<224x224xi1>, vector<224x224xi32>
    %broadcast_in_dim3A_336 = arith.constant 0.000000e+00 : f32
    %broadcast_in_dim3A_337 = vector.broadcast %broadcast_in_dim3A_336 : f32 to vector<1x224xf32>
    %slice3A_338 = vector.extract_strided_slice %convert_element_type3A_10 {offsets = [0, 0], sizes = [223, 224], strides = [1, 1]} : vector<224x224xf32> to vector<223x224xf32>
    %concatenate3A_339 = tpu.concatenate %broadcast_in_dim3A_337, %slice3A_338 in 0 : vector<1x224xf32>, vector<223x224xf32> -> vector<224x224xf32>
    %slice3A_340 = vector.extract_strided_slice %concatenate3A_339 {offsets = [0, 2], sizes = [224, 222], strides = [1, 1]} : vector<224x224xf32> to vector<224x222xf32>
    %broadcast_in_dim3A_341 = arith.constant 0.000000e+00 : f32
    %broadcast_in_dim3A_342 = vector.broadcast %broadcast_in_dim3A_341 : f32 to vector<224x2xf32>
    %concatenate3A_343 = tpu.concatenate %slice3A_340, %broadcast_in_dim3A_342 in 1 : vector<224x222xf32>, vector<224x2xf32> -> vector<224x224xf32>
    %sub3A_344 = arith.subf %concatenate3A_343, %convert_element_type3A_10 : vector<224x224xf32>
    %abs3A_345 = math.absf %sub3A_344 : vector<224x224xf32>
    %add3A_346 = arith.constant -1 : i32
    %add3A_347 = vector.broadcast %add3A_346 : i32 to vector<224x224xi32>
    %add3A_348 = arith.addi %iota3A, %add3A_347 : vector<224x224xi32>
    %add3A_349 = arith.constant 2 : i32
    %add3A_350 = vector.broadcast %add3A_349 : i32 to vector<224x224xi32>
    %add3A_351 = arith.addi %iota3A_11, %add3A_350 : vector<224x224xi32>
    %ge3A_352 = arith.constant 0 : i32
    %ge3A_353 = vector.broadcast %ge3A_352 : i32 to vector<224x224xi32>
    %ge3A_354 = arith.cmpi sge, %add3A_348, %ge3A_353 : vector<224x224xi32>
    %lt3A_355 = arith.constant 224 : i32
    %lt3A_356 = vector.broadcast %lt3A_355 : i32 to vector<224x224xi32>
    %lt3A_357 = arith.cmpi slt, %add3A_348, %lt3A_356 : vector<224x224xi32>
    %and3A_358 = arith.andi %ge3A_354, %lt3A_357 : vector<224x224xi1>
    %ge3A_359 = arith.constant 0 : i32
    %ge3A_360 = vector.broadcast %ge3A_359 : i32 to vector<224x224xi32>
    %ge3A_361 = arith.cmpi sge, %add3A_351, %ge3A_360 : vector<224x224xi32>
    %and3A_362 = arith.andi %and3A_358, %ge3A_361 : vector<224x224xi1>
    %lt3A_363 = arith.constant 224 : i32
    %lt3A_364 = vector.broadcast %lt3A_363 : i32 to vector<224x224xi32>
    %lt3A_365 = arith.cmpi slt, %add3A_351, %lt3A_364 : vector<224x224xi32>
    %and3A_366 = arith.andi %and3A_362, %lt3A_365 : vector<224x224xi1>
    %mul3A_367 = arith.constant 224 : i32
    %mul3A_368 = vector.broadcast %mul3A_367 : i32 to vector<224x224xi32>
    %mul3A_369 = arith.muli %add3A_348, %mul3A_368 : vector<224x224xi32>
    %add3A_370 = arith.addi %mul3A_369, %add3A_351 : vector<224x224xi32>
    %jit3A_371 = arith.constant 50176 : i32
    %broadcast_in_dim3A_372 = vector.broadcast %jit3A_371 : i32 to vector<224x224xi32>
    %select_n3A_373 = arith.select %and3A_366, %add3A_370, %broadcast_in_dim3A_372 : vector<224x224xi1>, vector<224x224xi32>
    %broadcast_in_dim3A_374 = arith.constant 0.000000e+00 : f32
    %broadcast_in_dim3A_375 = vector.broadcast %broadcast_in_dim3A_374 : f32 to vector<224x2xf32>
    %slice3A_376 = vector.extract_strided_slice %convert_element_type3A_10 {offsets = [0, 0], sizes = [224, 222], strides = [1, 1]} : vector<224x224xf32> to vector<224x222xf32>
    %concatenate3A_377 = tpu.concatenate %broadcast_in_dim3A_375, %slice3A_376 in 1 : vector<224x2xf32>, vector<224x222xf32> -> vector<224x224xf32>
    %sub3A_378 = arith.subf %concatenate3A_377, %convert_element_type3A_10 : vector<224x224xf32>
    %abs3A_379 = math.absf %sub3A_378 : vector<224x224xf32>
    %add3A_380 = arith.constant 0 : i32
    %add3A_381 = vector.broadcast %add3A_380 : i32 to vector<224x224xi32>
    %add3A_382 = arith.addi %iota3A, %add3A_381 : vector<224x224xi32>
    %add3A_383 = arith.constant -2 : i32
    %add3A_384 = vector.broadcast %add3A_383 : i32 to vector<224x224xi32>
    %add3A_385 = arith.addi %iota3A_11, %add3A_384 : vector<224x224xi32>
    %ge3A_386 = arith.constant 0 : i32
    %ge3A_387 = vector.broadcast %ge3A_386 : i32 to vector<224x224xi32>
    %ge3A_388 = arith.cmpi sge, %add3A_382, %ge3A_387 : vector<224x224xi32>
    %lt3A_389 = arith.constant 224 : i32
    %lt3A_390 = vector.broadcast %lt3A_389 : i32 to vector<224x224xi32>
    %lt3A_391 = arith.cmpi slt, %add3A_382, %lt3A_390 : vector<224x224xi32>
    %and3A_392 = arith.andi %ge3A_388, %lt3A_391 : vector<224x224xi1>
    %ge3A_393 = arith.constant 0 : i32
    %ge3A_394 = vector.broadcast %ge3A_393 : i32 to vector<224x224xi32>
    %ge3A_395 = arith.cmpi sge, %add3A_385, %ge3A_394 : vector<224x224xi32>
    %and3A_396 = arith.andi %and3A_392, %ge3A_395 : vector<224x224xi1>
    %lt3A_397 = arith.constant 224 : i32
    %lt3A_398 = vector.broadcast %lt3A_397 : i32 to vector<224x224xi32>
    %lt3A_399 = arith.cmpi slt, %add3A_385, %lt3A_398 : vector<224x224xi32>
    %and3A_400 = arith.andi %and3A_396, %lt3A_399 : vector<224x224xi1>
    %mul3A_401 = arith.constant 224 : i32
    %mul3A_402 = vector.broadcast %mul3A_401 : i32 to vector<224x224xi32>
    %mul3A_403 = arith.muli %add3A_382, %mul3A_402 : vector<224x224xi32>
    %add3A_404 = arith.addi %mul3A_403, %add3A_385 : vector<224x224xi32>
    %jit3A_405 = arith.constant 50176 : i32
    %broadcast_in_dim3A_406 = vector.broadcast %jit3A_405 : i32 to vector<224x224xi32>
    %select_n3A_407 = arith.select %and3A_400, %add3A_404, %broadcast_in_dim3A_406 : vector<224x224xi1>, vector<224x224xi32>
    %broadcast_in_dim3A_408 = arith.constant 0.000000e+00 : f32
    %broadcast_in_dim3A_409 = vector.broadcast %broadcast_in_dim3A_408 : f32 to vector<224x1xf32>
    %slice3A_410 = vector.extract_strided_slice %convert_element_type3A_10 {offsets = [0, 0], sizes = [224, 223], strides = [1, 1]} : vector<224x224xf32> to vector<224x223xf32>
    %concatenate3A_411 = tpu.concatenate %broadcast_in_dim3A_409, %slice3A_410 in 1 : vector<224x1xf32>, vector<224x223xf32> -> vector<224x224xf32>
    %sub3A_412 = arith.subf %concatenate3A_411, %convert_element_type3A_10 : vector<224x224xf32>
    %abs3A_413 = math.absf %sub3A_412 : vector<224x224xf32>
    %add3A_414 = arith.constant 0 : i32
    %add3A_415 = vector.broadcast %add3A_414 : i32 to vector<224x224xi32>
    %add3A_416 = arith.addi %iota3A, %add3A_415 : vector<224x224xi32>
    %add3A_417 = arith.constant -1 : i32
    %add3A_418 = vector.broadcast %add3A_417 : i32 to vector<224x224xi32>
    %add3A_419 = arith.addi %iota3A_11, %add3A_418 : vector<224x224xi32>
    %ge3A_420 = arith.constant 0 : i32
    %ge3A_421 = vector.broadcast %ge3A_420 : i32 to vector<224x224xi32>
    %ge3A_422 = arith.cmpi sge, %add3A_416, %ge3A_421 : vector<224x224xi32>
    %lt3A_423 = arith.constant 224 : i32
    %lt3A_424 = vector.broadcast %lt3A_423 : i32 to vector<224x224xi32>
    %lt3A_425 = arith.cmpi slt, %add3A_416, %lt3A_424 : vector<224x224xi32>
    %and3A_426 = arith.andi %ge3A_422, %lt3A_425 : vector<224x224xi1>
    %ge3A_427 = arith.constant 0 : i32
    %ge3A_428 = vector.broadcast %ge3A_427 : i32 to vector<224x224xi32>
    %ge3A_429 = arith.cmpi sge, %add3A_419, %ge3A_428 : vector<224x224xi32>
    %and3A_430 = arith.andi %and3A_426, %ge3A_429 : vector<224x224xi1>
    %lt3A_431 = arith.constant 224 : i32
    %lt3A_432 = vector.broadcast %lt3A_431 : i32 to vector<224x224xi32>
    %lt3A_433 = arith.cmpi slt, %add3A_419, %lt3A_432 : vector<224x224xi32>
    %and3A_434 = arith.andi %and3A_430, %lt3A_433 : vector<224x224xi1>
    %mul3A_435 = arith.constant 224 : i32
    %mul3A_436 = vector.broadcast %mul3A_435 : i32 to vector<224x224xi32>
    %mul3A_437 = arith.muli %add3A_416, %mul3A_436 : vector<224x224xi32>
    %add3A_438 = arith.addi %mul3A_437, %add3A_419 : vector<224x224xi32>
    %jit3A_439 = arith.constant 50176 : i32
    %broadcast_in_dim3A_440 = vector.broadcast %jit3A_439 : i32 to vector<224x224xi32>
    %select_n3A_441 = arith.select %and3A_434, %add3A_438, %broadcast_in_dim3A_440 : vector<224x224xi1>, vector<224x224xi32>
    %broadcast_in_dim3A_442 = arith.constant -1.000000e+00 : f32
    %broadcast_in_dim3A_443 = vector.broadcast %broadcast_in_dim3A_442 : f32 to vector<224x224xf32>
    %add3A_444 = arith.constant 0 : i32
    %add3A_445 = vector.broadcast %add3A_444 : i32 to vector<224x224xi32>
    %add3A_446 = arith.addi %iota3A, %add3A_445 : vector<224x224xi32>
    %add3A_447 = arith.constant 0 : i32
    %add3A_448 = vector.broadcast %add3A_447 : i32 to vector<224x224xi32>
    %add3A_449 = arith.addi %iota3A_11, %add3A_448 : vector<224x224xi32>
    %ge3A_450 = arith.constant 0 : i32
    %ge3A_451 = vector.broadcast %ge3A_450 : i32 to vector<224x224xi32>
    %ge3A_452 = arith.cmpi sge, %add3A_446, %ge3A_451 : vector<224x224xi32>
    %lt3A_453 = arith.constant 224 : i32
    %lt3A_454 = vector.broadcast %lt3A_453 : i32 to vector<224x224xi32>
    %lt3A_455 = arith.cmpi slt, %add3A_446, %lt3A_454 : vector<224x224xi32>
    %and3A_456 = arith.andi %ge3A_452, %lt3A_455 : vector<224x224xi1>
    %ge3A_457 = arith.constant 0 : i32
    %ge3A_458 = vector.broadcast %ge3A_457 : i32 to vector<224x224xi32>
    %ge3A_459 = arith.cmpi sge, %add3A_449, %ge3A_458 : vector<224x224xi32>
    %and3A_460 = arith.andi %and3A_456, %ge3A_459 : vector<224x224xi1>
    %lt3A_461 = arith.constant 224 : i32
    %lt3A_462 = vector.broadcast %lt3A_461 : i32 to vector<224x224xi32>
    %lt3A_463 = arith.cmpi slt, %add3A_449, %lt3A_462 : vector<224x224xi32>
    %and3A_464 = arith.andi %and3A_460, %lt3A_463 : vector<224x224xi1>
    %mul3A_465 = arith.constant 224 : i32
    %mul3A_466 = vector.broadcast %mul3A_465 : i32 to vector<224x224xi32>
    %mul3A_467 = arith.muli %add3A_446, %mul3A_466 : vector<224x224xi32>
    %add3A_468 = arith.addi %mul3A_467, %add3A_449 : vector<224x224xi32>
    %jit3A_469 = arith.constant 50176 : i32
    %broadcast_in_dim3A_470 = vector.broadcast %jit3A_469 : i32 to vector<224x224xi32>
    %select_n3A_471 = arith.select %and3A_464, %add3A_468, %broadcast_in_dim3A_470 : vector<224x224xi1>, vector<224x224xi32>
    %slice3A_472 = vector.extract_strided_slice %convert_element_type3A_10 {offsets = [0, 1], sizes = [224, 223], strides = [1, 1]} : vector<224x224xf32> to vector<224x223xf32>
    %broadcast_in_dim3A_473 = arith.constant 0.000000e+00 : f32
    %broadcast_in_dim3A_474 = vector.broadcast %broadcast_in_dim3A_473 : f32 to vector<224x1xf32>
    %concatenate3A_475 = tpu.concatenate %slice3A_472, %broadcast_in_dim3A_474 in 1 : vector<224x223xf32>, vector<224x1xf32> -> vector<224x224xf32>
    %sub3A_476 = arith.subf %concatenate3A_475, %convert_element_type3A_10 : vector<224x224xf32>
    %abs3A_477 = math.absf %sub3A_476 : vector<224x224xf32>
    %add3A_478 = arith.constant 0 : i32
    %add3A_479 = vector.broadcast %add3A_478 : i32 to vector<224x224xi32>
    %add3A_480 = arith.addi %iota3A, %add3A_479 : vector<224x224xi32>
    %add3A_481 = arith.constant 1 : i32
    %add3A_482 = vector.broadcast %add3A_481 : i32 to vector<224x224xi32>
    %add3A_483 = arith.addi %iota3A_11, %add3A_482 : vector<224x224xi32>
    %ge3A_484 = arith.constant 0 : i32
    %ge3A_485 = vector.broadcast %ge3A_484 : i32 to vector<224x224xi32>
    %ge3A_486 = arith.cmpi sge, %add3A_480, %ge3A_485 : vector<224x224xi32>
    %lt3A_487 = arith.constant 224 : i32
    %lt3A_488 = vector.broadcast %lt3A_487 : i32 to vector<224x224xi32>
    %lt3A_489 = arith.cmpi slt, %add3A_480, %lt3A_488 : vector<224x224xi32>
    %and3A_490 = arith.andi %ge3A_486, %lt3A_489 : vector<224x224xi1>
    %ge3A_491 = arith.constant 0 : i32
    %ge3A_492 = vector.broadcast %ge3A_491 : i32 to vector<224x224xi32>
    %ge3A_493 = arith.cmpi sge, %add3A_483, %ge3A_492 : vector<224x224xi32>
    %and3A_494 = arith.andi %and3A_490, %ge3A_493 : vector<224x224xi1>
    %lt3A_495 = arith.constant 224 : i32
    %lt3A_496 = vector.broadcast %lt3A_495 : i32 to vector<224x224xi32>
    %lt3A_497 = arith.cmpi slt, %add3A_483, %lt3A_496 : vector<224x224xi32>
    %and3A_498 = arith.andi %and3A_494, %lt3A_497 : vector<224x224xi1>
    %mul3A_499 = arith.constant 224 : i32
    %mul3A_500 = vector.broadcast %mul3A_499 : i32 to vector<224x224xi32>
    %mul3A_501 = arith.muli %add3A_480, %mul3A_500 : vector<224x224xi32>
    %add3A_502 = arith.addi %mul3A_501, %add3A_483 : vector<224x224xi32>
    %jit3A_503 = arith.constant 50176 : i32
    %broadcast_in_dim3A_504 = vector.broadcast %jit3A_503 : i32 to vector<224x224xi32>
    %select_n3A_505 = arith.select %and3A_498, %add3A_502, %broadcast_in_dim3A_504 : vector<224x224xi1>, vector<224x224xi32>
    %slice3A_506 = vector.extract_strided_slice %convert_element_type3A_10 {offsets = [0, 2], sizes = [224, 222], strides = [1, 1]} : vector<224x224xf32> to vector<224x222xf32>
    %broadcast_in_dim3A_507 = arith.constant 0.000000e+00 : f32
    %broadcast_in_dim3A_508 = vector.broadcast %broadcast_in_dim3A_507 : f32 to vector<224x2xf32>
    %concatenate3A_509 = tpu.concatenate %slice3A_506, %broadcast_in_dim3A_508 in 1 : vector<224x222xf32>, vector<224x2xf32> -> vector<224x224xf32>
    %sub3A_510 = arith.subf %concatenate3A_509, %convert_element_type3A_10 : vector<224x224xf32>
    %abs3A_511 = math.absf %sub3A_510 : vector<224x224xf32>
    %add3A_512 = arith.constant 0 : i32
    %add3A_513 = vector.broadcast %add3A_512 : i32 to vector<224x224xi32>
    %add3A_514 = arith.addi %iota3A, %add3A_513 : vector<224x224xi32>
    %add3A_515 = arith.constant 2 : i32
    %add3A_516 = vector.broadcast %add3A_515 : i32 to vector<224x224xi32>
    %add3A_517 = arith.addi %iota3A_11, %add3A_516 : vector<224x224xi32>
    %ge3A_518 = arith.constant 0 : i32
    %ge3A_519 = vector.broadcast %ge3A_518 : i32 to vector<224x224xi32>
    %ge3A_520 = arith.cmpi sge, %add3A_514, %ge3A_519 : vector<224x224xi32>
    %lt3A_521 = arith.constant 224 : i32
    %lt3A_522 = vector.broadcast %lt3A_521 : i32 to vector<224x224xi32>
    %lt3A_523 = arith.cmpi slt, %add3A_514, %lt3A_522 : vector<224x224xi32>
    %and3A_524 = arith.andi %ge3A_520, %lt3A_523 : vector<224x224xi1>
    %ge3A_525 = arith.constant 0 : i32
    %ge3A_526 = vector.broadcast %ge3A_525 : i32 to vector<224x224xi32>
    %ge3A_527 = arith.cmpi sge, %add3A_517, %ge3A_526 : vector<224x224xi32>
    %and3A_528 = arith.andi %and3A_524, %ge3A_527 : vector<224x224xi1>
    %lt3A_529 = arith.constant 224 : i32
    %lt3A_530 = vector.broadcast %lt3A_529 : i32 to vector<224x224xi32>
    %lt3A_531 = arith.cmpi slt, %add3A_517, %lt3A_530 : vector<224x224xi32>
    %and3A_532 = arith.andi %and3A_528, %lt3A_531 : vector<224x224xi1>
    %mul3A_533 = arith.constant 224 : i32
    %mul3A_534 = vector.broadcast %mul3A_533 : i32 to vector<224x224xi32>
    %mul3A_535 = arith.muli %add3A_514, %mul3A_534 : vector<224x224xi32>
    %add3A_536 = arith.addi %mul3A_535, %add3A_517 : vector<224x224xi32>
    %jit3A_537 = arith.constant 50176 : i32
    %broadcast_in_dim3A_538 = vector.broadcast %jit3A_537 : i32 to vector<224x224xi32>
    %select_n3A_539 = arith.select %and3A_532, %add3A_536, %broadcast_in_dim3A_538 : vector<224x224xi1>, vector<224x224xi32>
    %slice3A_540 = vector.extract_strided_slice %convert_element_type3A_10 {offsets = [1, 0], sizes = [223, 224], strides = [1, 1]} : vector<224x224xf32> to vector<223x224xf32>
    %broadcast_in_dim3A_541 = arith.constant 0.000000e+00 : f32
    %broadcast_in_dim3A_542 = vector.broadcast %broadcast_in_dim3A_541 : f32 to vector<1x224xf32>
    %concatenate3A_543 = tpu.concatenate %slice3A_540, %broadcast_in_dim3A_542 in 0 : vector<223x224xf32>, vector<1x224xf32> -> vector<224x224xf32>
    %broadcast_in_dim3A_544 = arith.constant 0.000000e+00 : f32
    %broadcast_in_dim3A_545 = vector.broadcast %broadcast_in_dim3A_544 : f32 to vector<224x2xf32>
    %slice3A_546 = vector.extract_strided_slice %concatenate3A_543 {offsets = [0, 0], sizes = [224, 222], strides = [1, 1]} : vector<224x224xf32> to vector<224x222xf32>
    %concatenate3A_547 = tpu.concatenate %broadcast_in_dim3A_545, %slice3A_546 in 1 : vector<224x2xf32>, vector<224x222xf32> -> vector<224x224xf32>
    %sub3A_548 = arith.subf %concatenate3A_547, %convert_element_type3A_10 : vector<224x224xf32>
    %abs3A_549 = math.absf %sub3A_548 : vector<224x224xf32>
    %add3A_550 = arith.constant 1 : i32
    %add3A_551 = vector.broadcast %add3A_550 : i32 to vector<224x224xi32>
    %add3A_552 = arith.addi %iota3A, %add3A_551 : vector<224x224xi32>
    %add3A_553 = arith.constant -2 : i32
    %add3A_554 = vector.broadcast %add3A_553 : i32 to vector<224x224xi32>
    %add3A_555 = arith.addi %iota3A_11, %add3A_554 : vector<224x224xi32>
    %ge3A_556 = arith.constant 0 : i32
    %ge3A_557 = vector.broadcast %ge3A_556 : i32 to vector<224x224xi32>
    %ge3A_558 = arith.cmpi sge, %add3A_552, %ge3A_557 : vector<224x224xi32>
    %lt3A_559 = arith.constant 224 : i32
    %lt3A_560 = vector.broadcast %lt3A_559 : i32 to vector<224x224xi32>
    %lt3A_561 = arith.cmpi slt, %add3A_552, %lt3A_560 : vector<224x224xi32>
    %and3A_562 = arith.andi %ge3A_558, %lt3A_561 : vector<224x224xi1>
    %ge3A_563 = arith.constant 0 : i32
    %ge3A_564 = vector.broadcast %ge3A_563 : i32 to vector<224x224xi32>
    %ge3A_565 = arith.cmpi sge, %add3A_555, %ge3A_564 : vector<224x224xi32>
    %and3A_566 = arith.andi %and3A_562, %ge3A_565 : vector<224x224xi1>
    %lt3A_567 = arith.constant 224 : i32
    %lt3A_568 = vector.broadcast %lt3A_567 : i32 to vector<224x224xi32>
    %lt3A_569 = arith.cmpi slt, %add3A_555, %lt3A_568 : vector<224x224xi32>
    %and3A_570 = arith.andi %and3A_566, %lt3A_569 : vector<224x224xi1>
    %mul3A_571 = arith.constant 224 : i32
    %mul3A_572 = vector.broadcast %mul3A_571 : i32 to vector<224x224xi32>
    %mul3A_573 = arith.muli %add3A_552, %mul3A_572 : vector<224x224xi32>
    %add3A_574 = arith.addi %mul3A_573, %add3A_555 : vector<224x224xi32>
    %jit3A_575 = arith.constant 50176 : i32
    %broadcast_in_dim3A_576 = vector.broadcast %jit3A_575 : i32 to vector<224x224xi32>
    %select_n3A_577 = arith.select %and3A_570, %add3A_574, %broadcast_in_dim3A_576 : vector<224x224xi1>, vector<224x224xi32>
    %slice3A_578 = vector.extract_strided_slice %convert_element_type3A_10 {offsets = [1, 0], sizes = [223, 224], strides = [1, 1]} : vector<224x224xf32> to vector<223x224xf32>
    %broadcast_in_dim3A_579 = arith.constant 0.000000e+00 : f32
    %broadcast_in_dim3A_580 = vector.broadcast %broadcast_in_dim3A_579 : f32 to vector<1x224xf32>
    %concatenate3A_581 = tpu.concatenate %slice3A_578, %broadcast_in_dim3A_580 in 0 : vector<223x224xf32>, vector<1x224xf32> -> vector<224x224xf32>
    %broadcast_in_dim3A_582 = arith.constant 0.000000e+00 : f32
    %broadcast_in_dim3A_583 = vector.broadcast %broadcast_in_dim3A_582 : f32 to vector<224x1xf32>
    %slice3A_584 = vector.extract_strided_slice %concatenate3A_581 {offsets = [0, 0], sizes = [224, 223], strides = [1, 1]} : vector<224x224xf32> to vector<224x223xf32>
    %concatenate3A_585 = tpu.concatenate %broadcast_in_dim3A_583, %slice3A_584 in 1 : vector<224x1xf32>, vector<224x223xf32> -> vector<224x224xf32>
    %sub3A_586 = arith.subf %concatenate3A_585, %convert_element_type3A_10 : vector<224x224xf32>
    %abs3A_587 = math.absf %sub3A_586 : vector<224x224xf32>
    %add3A_588 = arith.constant 1 : i32
    %add3A_589 = vector.broadcast %add3A_588 : i32 to vector<224x224xi32>
    %add3A_590 = arith.addi %iota3A, %add3A_589 : vector<224x224xi32>
    %add3A_591 = arith.constant -1 : i32
    %add3A_592 = vector.broadcast %add3A_591 : i32 to vector<224x224xi32>
    %add3A_593 = arith.addi %iota3A_11, %add3A_592 : vector<224x224xi32>
    %ge3A_594 = arith.constant 0 : i32
    %ge3A_595 = vector.broadcast %ge3A_594 : i32 to vector<224x224xi32>
    %ge3A_596 = arith.cmpi sge, %add3A_590, %ge3A_595 : vector<224x224xi32>
    %lt3A_597 = arith.constant 224 : i32
    %lt3A_598 = vector.broadcast %lt3A_597 : i32 to vector<224x224xi32>
    %lt3A_599 = arith.cmpi slt, %add3A_590, %lt3A_598 : vector<224x224xi32>
    %and3A_600 = arith.andi %ge3A_596, %lt3A_599 : vector<224x224xi1>
    %ge3A_601 = arith.constant 0 : i32
    %ge3A_602 = vector.broadcast %ge3A_601 : i32 to vector<224x224xi32>
    %ge3A_603 = arith.cmpi sge, %add3A_593, %ge3A_602 : vector<224x224xi32>
    %and3A_604 = arith.andi %and3A_600, %ge3A_603 : vector<224x224xi1>
    %lt3A_605 = arith.constant 224 : i32
    %lt3A_606 = vector.broadcast %lt3A_605 : i32 to vector<224x224xi32>
    %lt3A_607 = arith.cmpi slt, %add3A_593, %lt3A_606 : vector<224x224xi32>
    %and3A_608 = arith.andi %and3A_604, %lt3A_607 : vector<224x224xi1>
    %mul3A_609 = arith.constant 224 : i32
    %mul3A_610 = vector.broadcast %mul3A_609 : i32 to vector<224x224xi32>
    %mul3A_611 = arith.muli %add3A_590, %mul3A_610 : vector<224x224xi32>
    %add3A_612 = arith.addi %mul3A_611, %add3A_593 : vector<224x224xi32>
    %jit3A_613 = arith.constant 50176 : i32
    %broadcast_in_dim3A_614 = vector.broadcast %jit3A_613 : i32 to vector<224x224xi32>
    %select_n3A_615 = arith.select %and3A_608, %add3A_612, %broadcast_in_dim3A_614 : vector<224x224xi1>, vector<224x224xi32>
    %slice3A_616 = vector.extract_strided_slice %convert_element_type3A_10 {offsets = [1, 0], sizes = [223, 224], strides = [1, 1]} : vector<224x224xf32> to vector<223x224xf32>
    %broadcast_in_dim3A_617 = arith.constant 0.000000e+00 : f32
    %broadcast_in_dim3A_618 = vector.broadcast %broadcast_in_dim3A_617 : f32 to vector<1x224xf32>
    %concatenate3A_619 = tpu.concatenate %slice3A_616, %broadcast_in_dim3A_618 in 0 : vector<223x224xf32>, vector<1x224xf32> -> vector<224x224xf32>
    %sub3A_620 = arith.subf %concatenate3A_619, %convert_element_type3A_10 : vector<224x224xf32>
    %abs3A_621 = math.absf %sub3A_620 : vector<224x224xf32>
    %add3A_622 = arith.constant 1 : i32
    %add3A_623 = vector.broadcast %add3A_622 : i32 to vector<224x224xi32>
    %add3A_624 = arith.addi %iota3A, %add3A_623 : vector<224x224xi32>
    %add3A_625 = arith.constant 0 : i32
    %add3A_626 = vector.broadcast %add3A_625 : i32 to vector<224x224xi32>
    %add3A_627 = arith.addi %iota3A_11, %add3A_626 : vector<224x224xi32>
    %ge3A_628 = arith.constant 0 : i32
    %ge3A_629 = vector.broadcast %ge3A_628 : i32 to vector<224x224xi32>
    %ge3A_630 = arith.cmpi sge, %add3A_624, %ge3A_629 : vector<224x224xi32>
    %lt3A_631 = arith.constant 224 : i32
    %lt3A_632 = vector.broadcast %lt3A_631 : i32 to vector<224x224xi32>
    %lt3A_633 = arith.cmpi slt, %add3A_624, %lt3A_632 : vector<224x224xi32>
    %and3A_634 = arith.andi %ge3A_630, %lt3A_633 : vector<224x224xi1>
    %ge3A_635 = arith.constant 0 : i32
    %ge3A_636 = vector.broadcast %ge3A_635 : i32 to vector<224x224xi32>
    %ge3A_637 = arith.cmpi sge, %add3A_627, %ge3A_636 : vector<224x224xi32>
    %and3A_638 = arith.andi %and3A_634, %ge3A_637 : vector<224x224xi1>
    %lt3A_639 = arith.constant 224 : i32
    %lt3A_640 = vector.broadcast %lt3A_639 : i32 to vector<224x224xi32>
    %lt3A_641 = arith.cmpi slt, %add3A_627, %lt3A_640 : vector<224x224xi32>
    %and3A_642 = arith.andi %and3A_638, %lt3A_641 : vector<224x224xi1>
    %mul3A_643 = arith.constant 224 : i32
    %mul3A_644 = vector.broadcast %mul3A_643 : i32 to vector<224x224xi32>
    %mul3A_645 = arith.muli %add3A_624, %mul3A_644 : vector<224x224xi32>
    %add3A_646 = arith.addi %mul3A_645, %add3A_627 : vector<224x224xi32>
    %jit3A_647 = arith.constant 50176 : i32
    %broadcast_in_dim3A_648 = vector.broadcast %jit3A_647 : i32 to vector<224x224xi32>
    %select_n3A_649 = arith.select %and3A_642, %add3A_646, %broadcast_in_dim3A_648 : vector<224x224xi1>, vector<224x224xi32>
    %slice3A_650 = vector.extract_strided_slice %convert_element_type3A_10 {offsets = [1, 0], sizes = [223, 224], strides = [1, 1]} : vector<224x224xf32> to vector<223x224xf32>
    %broadcast_in_dim3A_651 = arith.constant 0.000000e+00 : f32
    %broadcast_in_dim3A_652 = vector.broadcast %broadcast_in_dim3A_651 : f32 to vector<1x224xf32>
    %concatenate3A_653 = tpu.concatenate %slice3A_650, %broadcast_in_dim3A_652 in 0 : vector<223x224xf32>, vector<1x224xf32> -> vector<224x224xf32>
    %slice3A_654 = vector.extract_strided_slice %concatenate3A_653 {offsets = [0, 1], sizes = [224, 223], strides = [1, 1]} : vector<224x224xf32> to vector<224x223xf32>
    %broadcast_in_dim3A_655 = arith.constant 0.000000e+00 : f32
    %broadcast_in_dim3A_656 = vector.broadcast %broadcast_in_dim3A_655 : f32 to vector<224x1xf32>
    %concatenate3A_657 = tpu.concatenate %slice3A_654, %broadcast_in_dim3A_656 in 1 : vector<224x223xf32>, vector<224x1xf32> -> vector<224x224xf32>
    %sub3A_658 = arith.subf %concatenate3A_657, %convert_element_type3A_10 : vector<224x224xf32>
    %abs3A_659 = math.absf %sub3A_658 : vector<224x224xf32>
    %add3A_660 = arith.constant 1 : i32
    %add3A_661 = vector.broadcast %add3A_660 : i32 to vector<224x224xi32>
    %add3A_662 = arith.addi %iota3A, %add3A_661 : vector<224x224xi32>
    %add3A_663 = arith.constant 1 : i32
    %add3A_664 = vector.broadcast %add3A_663 : i32 to vector<224x224xi32>
    %add3A_665 = arith.addi %iota3A_11, %add3A_664 : vector<224x224xi32>
    %ge3A_666 = arith.constant 0 : i32
    %ge3A_667 = vector.broadcast %ge3A_666 : i32 to vector<224x224xi32>
    %ge3A_668 = arith.cmpi sge, %add3A_662, %ge3A_667 : vector<224x224xi32>
    %lt3A_669 = arith.constant 224 : i32
    %lt3A_670 = vector.broadcast %lt3A_669 : i32 to vector<224x224xi32>
    %lt3A_671 = arith.cmpi slt, %add3A_662, %lt3A_670 : vector<224x224xi32>
    %and3A_672 = arith.andi %ge3A_668, %lt3A_671 : vector<224x224xi1>
    %ge3A_673 = arith.constant 0 : i32
    %ge3A_674 = vector.broadcast %ge3A_673 : i32 to vector<224x224xi32>
    %ge3A_675 = arith.cmpi sge, %add3A_665, %ge3A_674 : vector<224x224xi32>
    %and3A_676 = arith.andi %and3A_672, %ge3A_675 : vector<224x224xi1>
    %lt3A_677 = arith.constant 224 : i32
    %lt3A_678 = vector.broadcast %lt3A_677 : i32 to vector<224x224xi32>
    %lt3A_679 = arith.cmpi slt, %add3A_665, %lt3A_678 : vector<224x224xi32>
    %and3A_680 = arith.andi %and3A_676, %lt3A_679 : vector<224x224xi1>
    %mul3A_681 = arith.constant 224 : i32
    %mul3A_682 = vector.broadcast %mul3A_681 : i32 to vector<224x224xi32>
    %mul3A_683 = arith.muli %add3A_662, %mul3A_682 : vector<224x224xi32>
    %add3A_684 = arith.addi %mul3A_683, %add3A_665 : vector<224x224xi32>
    %jit3A_685 = arith.constant 50176 : i32
    %broadcast_in_dim3A_686 = vector.broadcast %jit3A_685 : i32 to vector<224x224xi32>
    %select_n3A_687 = arith.select %and3A_680, %add3A_684, %broadcast_in_dim3A_686 : vector<224x224xi1>, vector<224x224xi32>
    %slice3A_688 = vector.extract_strided_slice %convert_element_type3A_10 {offsets = [1, 0], sizes = [223, 224], strides = [1, 1]} : vector<224x224xf32> to vector<223x224xf32>
    %broadcast_in_dim3A_689 = arith.constant 0.000000e+00 : f32
    %broadcast_in_dim3A_690 = vector.broadcast %broadcast_in_dim3A_689 : f32 to vector<1x224xf32>
    %concatenate3A_691 = tpu.concatenate %slice3A_688, %broadcast_in_dim3A_690 in 0 : vector<223x224xf32>, vector<1x224xf32> -> vector<224x224xf32>
    %slice3A_692 = vector.extract_strided_slice %concatenate3A_691 {offsets = [0, 2], sizes = [224, 222], strides = [1, 1]} : vector<224x224xf32> to vector<224x222xf32>
    %broadcast_in_dim3A_693 = arith.constant 0.000000e+00 : f32
    %broadcast_in_dim3A_694 = vector.broadcast %broadcast_in_dim3A_693 : f32 to vector<224x2xf32>
    %concatenate3A_695 = tpu.concatenate %slice3A_692, %broadcast_in_dim3A_694 in 1 : vector<224x222xf32>, vector<224x2xf32> -> vector<224x224xf32>
    %sub3A_696 = arith.subf %concatenate3A_695, %convert_element_type3A_10 : vector<224x224xf32>
    %abs3A_697 = math.absf %sub3A_696 : vector<224x224xf32>
    %add3A_698 = arith.constant 1 : i32
    %add3A_699 = vector.broadcast %add3A_698 : i32 to vector<224x224xi32>
    %add3A_700 = arith.addi %iota3A, %add3A_699 : vector<224x224xi32>
    %add3A_701 = arith.constant 2 : i32
    %add3A_702 = vector.broadcast %add3A_701 : i32 to vector<224x224xi32>
    %add3A_703 = arith.addi %iota3A_11, %add3A_702 : vector<224x224xi32>
    %ge3A_704 = arith.constant 0 : i32
    %ge3A_705 = vector.broadcast %ge3A_704 : i32 to vector<224x224xi32>
    %ge3A_706 = arith.cmpi sge, %add3A_700, %ge3A_705 : vector<224x224xi32>
    %lt3A_707 = arith.constant 224 : i32
    %lt3A_708 = vector.broadcast %lt3A_707 : i32 to vector<224x224xi32>
    %lt3A_709 = arith.cmpi slt, %add3A_700, %lt3A_708 : vector<224x224xi32>
    %and3A_710 = arith.andi %ge3A_706, %lt3A_709 : vector<224x224xi1>
    %ge3A_711 = arith.constant 0 : i32
    %ge3A_712 = vector.broadcast %ge3A_711 : i32 to vector<224x224xi32>
    %ge3A_713 = arith.cmpi sge, %add3A_703, %ge3A_712 : vector<224x224xi32>
    %and3A_714 = arith.andi %and3A_710, %ge3A_713 : vector<224x224xi1>
    %lt3A_715 = arith.constant 224 : i32
    %lt3A_716 = vector.broadcast %lt3A_715 : i32 to vector<224x224xi32>
    %lt3A_717 = arith.cmpi slt, %add3A_703, %lt3A_716 : vector<224x224xi32>
    %and3A_718 = arith.andi %and3A_714, %lt3A_717 : vector<224x224xi1>
    %mul3A_719 = arith.constant 224 : i32
    %mul3A_720 = vector.broadcast %mul3A_719 : i32 to vector<224x224xi32>
    %mul3A_721 = arith.muli %add3A_700, %mul3A_720 : vector<224x224xi32>
    %add3A_722 = arith.addi %mul3A_721, %add3A_703 : vector<224x224xi32>
    %jit3A_723 = arith.constant 50176 : i32
    %broadcast_in_dim3A_724 = vector.broadcast %jit3A_723 : i32 to vector<224x224xi32>
    %select_n3A_725 = arith.select %and3A_718, %add3A_722, %broadcast_in_dim3A_724 : vector<224x224xi1>, vector<224x224xi32>
    %slice3A_726 = vector.extract_strided_slice %convert_element_type3A_10 {offsets = [2, 0], sizes = [222, 224], strides = [1, 1]} : vector<224x224xf32> to vector<222x224xf32>
    %broadcast_in_dim3A_727 = arith.constant 0.000000e+00 : f32
    %broadcast_in_dim3A_728 = vector.broadcast %broadcast_in_dim3A_727 : f32 to vector<2x224xf32>
    %concatenate3A_729 = tpu.concatenate %slice3A_726, %broadcast_in_dim3A_728 in 0 : vector<222x224xf32>, vector<2x224xf32> -> vector<224x224xf32>
    %broadcast_in_dim3A_730 = arith.constant 0.000000e+00 : f32
    %broadcast_in_dim3A_731 = vector.broadcast %broadcast_in_dim3A_730 : f32 to vector<224x2xf32>
    %slice3A_732 = vector.extract_strided_slice %concatenate3A_729 {offsets = [0, 0], sizes = [224, 222], strides = [1, 1]} : vector<224x224xf32> to vector<224x222xf32>
    %concatenate3A_733 = tpu.concatenate %broadcast_in_dim3A_731, %slice3A_732 in 1 : vector<224x2xf32>, vector<224x222xf32> -> vector<224x224xf32>
    %sub3A_734 = arith.subf %concatenate3A_733, %convert_element_type3A_10 : vector<224x224xf32>
    %abs3A_735 = math.absf %sub3A_734 : vector<224x224xf32>
    %add3A_736 = arith.constant 2 : i32
    %add3A_737 = vector.broadcast %add3A_736 : i32 to vector<224x224xi32>
    %add3A_738 = arith.addi %iota3A, %add3A_737 : vector<224x224xi32>
    %add3A_739 = arith.constant -2 : i32
    %add3A_740 = vector.broadcast %add3A_739 : i32 to vector<224x224xi32>
    %add3A_741 = arith.addi %iota3A_11, %add3A_740 : vector<224x224xi32>
    %ge3A_742 = arith.constant 0 : i32
    %ge3A_743 = vector.broadcast %ge3A_742 : i32 to vector<224x224xi32>
    %ge3A_744 = arith.cmpi sge, %add3A_738, %ge3A_743 : vector<224x224xi32>
    %lt3A_745 = arith.constant 224 : i32
    %lt3A_746 = vector.broadcast %lt3A_745 : i32 to vector<224x224xi32>
    %lt3A_747 = arith.cmpi slt, %add3A_738, %lt3A_746 : vector<224x224xi32>
    %and3A_748 = arith.andi %ge3A_744, %lt3A_747 : vector<224x224xi1>
    %ge3A_749 = arith.constant 0 : i32
    %ge3A_750 = vector.broadcast %ge3A_749 : i32 to vector<224x224xi32>
    %ge3A_751 = arith.cmpi sge, %add3A_741, %ge3A_750 : vector<224x224xi32>
    %and3A_752 = arith.andi %and3A_748, %ge3A_751 : vector<224x224xi1>
    %lt3A_753 = arith.constant 224 : i32
    %lt3A_754 = vector.broadcast %lt3A_753 : i32 to vector<224x224xi32>
    %lt3A_755 = arith.cmpi slt, %add3A_741, %lt3A_754 : vector<224x224xi32>
    %and3A_756 = arith.andi %and3A_752, %lt3A_755 : vector<224x224xi1>
    %mul3A_757 = arith.constant 224 : i32
    %mul3A_758 = vector.broadcast %mul3A_757 : i32 to vector<224x224xi32>
    %mul3A_759 = arith.muli %add3A_738, %mul3A_758 : vector<224x224xi32>
    %add3A_760 = arith.addi %mul3A_759, %add3A_741 : vector<224x224xi32>
    %jit3A_761 = arith.constant 50176 : i32
    %broadcast_in_dim3A_762 = vector.broadcast %jit3A_761 : i32 to vector<224x224xi32>
    %select_n3A_763 = arith.select %and3A_756, %add3A_760, %broadcast_in_dim3A_762 : vector<224x224xi1>, vector<224x224xi32>
    %slice3A_764 = vector.extract_strided_slice %convert_element_type3A_10 {offsets = [2, 0], sizes = [222, 224], strides = [1, 1]} : vector<224x224xf32> to vector<222x224xf32>
    %broadcast_in_dim3A_765 = arith.constant 0.000000e+00 : f32
    %broadcast_in_dim3A_766 = vector.broadcast %broadcast_in_dim3A_765 : f32 to vector<2x224xf32>
    %concatenate3A_767 = tpu.concatenate %slice3A_764, %broadcast_in_dim3A_766 in 0 : vector<222x224xf32>, vector<2x224xf32> -> vector<224x224xf32>
    %broadcast_in_dim3A_768 = arith.constant 0.000000e+00 : f32
    %broadcast_in_dim3A_769 = vector.broadcast %broadcast_in_dim3A_768 : f32 to vector<224x1xf32>
    %slice3A_770 = vector.extract_strided_slice %concatenate3A_767 {offsets = [0, 0], sizes = [224, 223], strides = [1, 1]} : vector<224x224xf32> to vector<224x223xf32>
    %concatenate3A_771 = tpu.concatenate %broadcast_in_dim3A_769, %slice3A_770 in 1 : vector<224x1xf32>, vector<224x223xf32> -> vector<224x224xf32>
    %sub3A_772 = arith.subf %concatenate3A_771, %convert_element_type3A_10 : vector<224x224xf32>
    %abs3A_773 = math.absf %sub3A_772 : vector<224x224xf32>
    %add3A_774 = arith.constant 2 : i32
    %add3A_775 = vector.broadcast %add3A_774 : i32 to vector<224x224xi32>
    %add3A_776 = arith.addi %iota3A, %add3A_775 : vector<224x224xi32>
    %add3A_777 = arith.constant -1 : i32
    %add3A_778 = vector.broadcast %add3A_777 : i32 to vector<224x224xi32>
    %add3A_779 = arith.addi %iota3A_11, %add3A_778 : vector<224x224xi32>
    %ge3A_780 = arith.constant 0 : i32
    %ge3A_781 = vector.broadcast %ge3A_780 : i32 to vector<224x224xi32>
    %ge3A_782 = arith.cmpi sge, %add3A_776, %ge3A_781 : vector<224x224xi32>
    %lt3A_783 = arith.constant 224 : i32
    %lt3A_784 = vector.broadcast %lt3A_783 : i32 to vector<224x224xi32>
    %lt3A_785 = arith.cmpi slt, %add3A_776, %lt3A_784 : vector<224x224xi32>
    %and3A_786 = arith.andi %ge3A_782, %lt3A_785 : vector<224x224xi1>
    %ge3A_787 = arith.constant 0 : i32
    %ge3A_788 = vector.broadcast %ge3A_787 : i32 to vector<224x224xi32>
    %ge3A_789 = arith.cmpi sge, %add3A_779, %ge3A_788 : vector<224x224xi32>
    %and3A_790 = arith.andi %and3A_786, %ge3A_789 : vector<224x224xi1>
    %lt3A_791 = arith.constant 224 : i32
    %lt3A_792 = vector.broadcast %lt3A_791 : i32 to vector<224x224xi32>
    %lt3A_793 = arith.cmpi slt, %add3A_779, %lt3A_792 : vector<224x224xi32>
    %and3A_794 = arith.andi %and3A_790, %lt3A_793 : vector<224x224xi1>
    %mul3A_795 = arith.constant 224 : i32
    %mul3A_796 = vector.broadcast %mul3A_795 : i32 to vector<224x224xi32>
    %mul3A_797 = arith.muli %add3A_776, %mul3A_796 : vector<224x224xi32>
    %add3A_798 = arith.addi %mul3A_797, %add3A_779 : vector<224x224xi32>
    %jit3A_799 = arith.constant 50176 : i32
    %broadcast_in_dim3A_800 = vector.broadcast %jit3A_799 : i32 to vector<224x224xi32>
    %select_n3A_801 = arith.select %and3A_794, %add3A_798, %broadcast_in_dim3A_800 : vector<224x224xi1>, vector<224x224xi32>
    %slice3A_802 = vector.extract_strided_slice %convert_element_type3A_10 {offsets = [2, 0], sizes = [222, 224], strides = [1, 1]} : vector<224x224xf32> to vector<222x224xf32>
    %broadcast_in_dim3A_803 = arith.constant 0.000000e+00 : f32
    %broadcast_in_dim3A_804 = vector.broadcast %broadcast_in_dim3A_803 : f32 to vector<2x224xf32>
    %concatenate3A_805 = tpu.concatenate %slice3A_802, %broadcast_in_dim3A_804 in 0 : vector<222x224xf32>, vector<2x224xf32> -> vector<224x224xf32>
    %sub3A_806 = arith.subf %concatenate3A_805, %convert_element_type3A_10 : vector<224x224xf32>
    %abs3A_807 = math.absf %sub3A_806 : vector<224x224xf32>
    %add3A_808 = arith.constant 2 : i32
    %add3A_809 = vector.broadcast %add3A_808 : i32 to vector<224x224xi32>
    %add3A_810 = arith.addi %iota3A, %add3A_809 : vector<224x224xi32>
    %add3A_811 = arith.constant 0 : i32
    %add3A_812 = vector.broadcast %add3A_811 : i32 to vector<224x224xi32>
    %add3A_813 = arith.addi %iota3A_11, %add3A_812 : vector<224x224xi32>
    %ge3A_814 = arith.constant 0 : i32
    %ge3A_815 = vector.broadcast %ge3A_814 : i32 to vector<224x224xi32>
    %ge3A_816 = arith.cmpi sge, %add3A_810, %ge3A_815 : vector<224x224xi32>
    %lt3A_817 = arith.constant 224 : i32
    %lt3A_818 = vector.broadcast %lt3A_817 : i32 to vector<224x224xi32>
    %lt3A_819 = arith.cmpi slt, %add3A_810, %lt3A_818 : vector<224x224xi32>
    %and3A_820 = arith.andi %ge3A_816, %lt3A_819 : vector<224x224xi1>
    %ge3A_821 = arith.constant 0 : i32
    %ge3A_822 = vector.broadcast %ge3A_821 : i32 to vector<224x224xi32>
    %ge3A_823 = arith.cmpi sge, %add3A_813, %ge3A_822 : vector<224x224xi32>
    %and3A_824 = arith.andi %and3A_820, %ge3A_823 : vector<224x224xi1>
    %lt3A_825 = arith.constant 224 : i32
    %lt3A_826 = vector.broadcast %lt3A_825 : i32 to vector<224x224xi32>
    %lt3A_827 = arith.cmpi slt, %add3A_813, %lt3A_826 : vector<224x224xi32>
    %and3A_828 = arith.andi %and3A_824, %lt3A_827 : vector<224x224xi1>
    %mul3A_829 = arith.constant 224 : i32
    %mul3A_830 = vector.broadcast %mul3A_829 : i32 to vector<224x224xi32>
    %mul3A_831 = arith.muli %add3A_810, %mul3A_830 : vector<224x224xi32>
    %add3A_832 = arith.addi %mul3A_831, %add3A_813 : vector<224x224xi32>
    %jit3A_833 = arith.constant 50176 : i32
    %broadcast_in_dim3A_834 = vector.broadcast %jit3A_833 : i32 to vector<224x224xi32>
    %select_n3A_835 = arith.select %and3A_828, %add3A_832, %broadcast_in_dim3A_834 : vector<224x224xi1>, vector<224x224xi32>
    %slice3A_836 = vector.extract_strided_slice %convert_element_type3A_10 {offsets = [2, 0], sizes = [222, 224], strides = [1, 1]} : vector<224x224xf32> to vector<222x224xf32>
    %broadcast_in_dim3A_837 = arith.constant 0.000000e+00 : f32
    %broadcast_in_dim3A_838 = vector.broadcast %broadcast_in_dim3A_837 : f32 to vector<2x224xf32>
    %concatenate3A_839 = tpu.concatenate %slice3A_836, %broadcast_in_dim3A_838 in 0 : vector<222x224xf32>, vector<2x224xf32> -> vector<224x224xf32>
    %slice3A_840 = vector.extract_strided_slice %concatenate3A_839 {offsets = [0, 1], sizes = [224, 223], strides = [1, 1]} : vector<224x224xf32> to vector<224x223xf32>
    %broadcast_in_dim3A_841 = arith.constant 0.000000e+00 : f32
    %broadcast_in_dim3A_842 = vector.broadcast %broadcast_in_dim3A_841 : f32 to vector<224x1xf32>
    %concatenate3A_843 = tpu.concatenate %slice3A_840, %broadcast_in_dim3A_842 in 1 : vector<224x223xf32>, vector<224x1xf32> -> vector<224x224xf32>
    %sub3A_844 = arith.subf %concatenate3A_843, %convert_element_type3A_10 : vector<224x224xf32>
    %abs3A_845 = math.absf %sub3A_844 : vector<224x224xf32>
    %add3A_846 = arith.constant 2 : i32
    %add3A_847 = vector.broadcast %add3A_846 : i32 to vector<224x224xi32>
    %add3A_848 = arith.addi %iota3A, %add3A_847 : vector<224x224xi32>
    %add3A_849 = arith.constant 1 : i32
    %add3A_850 = vector.broadcast %add3A_849 : i32 to vector<224x224xi32>
    %add3A_851 = arith.addi %iota3A_11, %add3A_850 : vector<224x224xi32>
    %ge3A_852 = arith.constant 0 : i32
    %ge3A_853 = vector.broadcast %ge3A_852 : i32 to vector<224x224xi32>
    %ge3A_854 = arith.cmpi sge, %add3A_848, %ge3A_853 : vector<224x224xi32>
    %lt3A_855 = arith.constant 224 : i32
    %lt3A_856 = vector.broadcast %lt3A_855 : i32 to vector<224x224xi32>
    %lt3A_857 = arith.cmpi slt, %add3A_848, %lt3A_856 : vector<224x224xi32>
    %and3A_858 = arith.andi %ge3A_854, %lt3A_857 : vector<224x224xi1>
    %ge3A_859 = arith.constant 0 : i32
    %ge3A_860 = vector.broadcast %ge3A_859 : i32 to vector<224x224xi32>
    %ge3A_861 = arith.cmpi sge, %add3A_851, %ge3A_860 : vector<224x224xi32>
    %and3A_862 = arith.andi %and3A_858, %ge3A_861 : vector<224x224xi1>
    %lt3A_863 = arith.constant 224 : i32
    %lt3A_864 = vector.broadcast %lt3A_863 : i32 to vector<224x224xi32>
    %lt3A_865 = arith.cmpi slt, %add3A_851, %lt3A_864 : vector<224x224xi32>
    %and3A_866 = arith.andi %and3A_862, %lt3A_865 : vector<224x224xi1>
    %mul3A_867 = arith.constant 224 : i32
    %mul3A_868 = vector.broadcast %mul3A_867 : i32 to vector<224x224xi32>
    %mul3A_869 = arith.muli %add3A_848, %mul3A_868 : vector<224x224xi32>
    %add3A_870 = arith.addi %mul3A_869, %add3A_851 : vector<224x224xi32>
    %jit3A_871 = arith.constant 50176 : i32
    %broadcast_in_dim3A_872 = vector.broadcast %jit3A_871 : i32 to vector<224x224xi32>
    %select_n3A_873 = arith.select %and3A_866, %add3A_870, %broadcast_in_dim3A_872 : vector<224x224xi1>, vector<224x224xi32>
    %slice3A_874 = vector.extract_strided_slice %convert_element_type3A_10 {offsets = [2, 0], sizes = [222, 224], strides = [1, 1]} : vector<224x224xf32> to vector<222x224xf32>
    %broadcast_in_dim3A_875 = arith.constant 0.000000e+00 : f32
    %broadcast_in_dim3A_876 = vector.broadcast %broadcast_in_dim3A_875 : f32 to vector<2x224xf32>
    %concatenate3A_877 = tpu.concatenate %slice3A_874, %broadcast_in_dim3A_876 in 0 : vector<222x224xf32>, vector<2x224xf32> -> vector<224x224xf32>
    %slice3A_878 = vector.extract_strided_slice %concatenate3A_877 {offsets = [0, 2], sizes = [224, 222], strides = [1, 1]} : vector<224x224xf32> to vector<224x222xf32>
    %broadcast_in_dim3A_879 = arith.constant 0.000000e+00 : f32
    %broadcast_in_dim3A_880 = vector.broadcast %broadcast_in_dim3A_879 : f32 to vector<224x2xf32>
    %concatenate3A_881 = tpu.concatenate %slice3A_878, %broadcast_in_dim3A_880 in 1 : vector<224x222xf32>, vector<224x2xf32> -> vector<224x224xf32>
    %sub3A_882 = arith.subf %concatenate3A_881, %convert_element_type3A_10 : vector<224x224xf32>
    %abs3A_883 = math.absf %sub3A_882 : vector<224x224xf32>
    %add3A_884 = arith.constant 2 : i32
    %add3A_885 = vector.broadcast %add3A_884 : i32 to vector<224x224xi32>
    %add3A_886 = arith.addi %iota3A, %add3A_885 : vector<224x224xi32>
    %add3A_887 = arith.constant 2 : i32
    %add3A_888 = vector.broadcast %add3A_887 : i32 to vector<224x224xi32>
    %add3A_889 = arith.addi %iota3A_11, %add3A_888 : vector<224x224xi32>
    %ge3A_890 = arith.constant 0 : i32
    %ge3A_891 = vector.broadcast %ge3A_890 : i32 to vector<224x224xi32>
    %ge3A_892 = arith.cmpi sge, %add3A_886, %ge3A_891 : vector<224x224xi32>
    %lt3A_893 = arith.constant 224 : i32
    %lt3A_894 = vector.broadcast %lt3A_893 : i32 to vector<224x224xi32>
    %lt3A_895 = arith.cmpi slt, %add3A_886, %lt3A_894 : vector<224x224xi32>
    %and3A_896 = arith.andi %ge3A_892, %lt3A_895 : vector<224x224xi1>
    %ge3A_897 = arith.constant 0 : i32
    %ge3A_898 = vector.broadcast %ge3A_897 : i32 to vector<224x224xi32>
    %ge3A_899 = arith.cmpi sge, %add3A_889, %ge3A_898 : vector<224x224xi32>
    %and3A_900 = arith.andi %and3A_896, %ge3A_899 : vector<224x224xi1>
    %lt3A_901 = arith.constant 224 : i32
    %lt3A_902 = vector.broadcast %lt3A_901 : i32 to vector<224x224xi32>
    %lt3A_903 = arith.cmpi slt, %add3A_889, %lt3A_902 : vector<224x224xi32>
    %and3A_904 = arith.andi %and3A_900, %lt3A_903 : vector<224x224xi1>
    %mul3A_905 = arith.constant 224 : i32
    %mul3A_906 = vector.broadcast %mul3A_905 : i32 to vector<224x224xi32>
    %mul3A_907 = arith.muli %add3A_886, %mul3A_906 : vector<224x224xi32>
    %add3A_908 = arith.addi %mul3A_907, %add3A_889 : vector<224x224xi32>
    %jit3A_909 = arith.constant 50176 : i32
    %broadcast_in_dim3A_910 = vector.broadcast %jit3A_909 : i32 to vector<224x224xi32>
    %select_n3A_911 = arith.select %and3A_904, %add3A_908, %broadcast_in_dim3A_910 : vector<224x224xi1>, vector<224x224xi32>
    %min3A = arith.minimumf %abs3A, %abs3A_49 : vector<224x224xf32>
    %min3A_912 = arith.minimumf %min3A, %abs3A_83 : vector<224x224xf32>
    %min3A_913 = arith.minimumf %min3A_912, %abs3A_121 : vector<224x224xf32>
    %min3A_914 = arith.minimumf %min3A_913, %abs3A_159 : vector<224x224xf32>
    %min3A_915 = arith.minimumf %min3A_914, %abs3A_197 : vector<224x224xf32>
    %min3A_916 = arith.minimumf %min3A_915, %abs3A_235 : vector<224x224xf32>
    %min3A_917 = arith.minimumf %min3A_916, %abs3A_269 : vector<224x224xf32>
    %min3A_918 = arith.minimumf %min3A_917, %abs3A_307 : vector<224x224xf32>
    %min3A_919 = arith.minimumf %min3A_918, %abs3A_345 : vector<224x224xf32>
    %min3A_920 = arith.minimumf %min3A_919, %abs3A_379 : vector<224x224xf32>
    %min3A_921 = arith.minimumf %min3A_920, %abs3A_413 : vector<224x224xf32>
    %min3A_922 = arith.minimumf %min3A_921, %broadcast_in_dim3A_443 : vector<224x224xf32>
    %min3A_923 = arith.minimumf %min3A_922, %abs3A_477 : vector<224x224xf32>
    %min3A_924 = arith.minimumf %min3A_923, %abs3A_511 : vector<224x224xf32>
    %min3A_925 = arith.minimumf %min3A_924, %abs3A_549 : vector<224x224xf32>
    %min3A_926 = arith.minimumf %min3A_925, %abs3A_587 : vector<224x224xf32>
    %min3A_927 = arith.minimumf %min3A_926, %abs3A_621 : vector<224x224xf32>
    %min3A_928 = arith.minimumf %min3A_927, %abs3A_659 : vector<224x224xf32>
    %min3A_929 = arith.minimumf %min3A_928, %abs3A_697 : vector<224x224xf32>
    %min3A_930 = arith.minimumf %min3A_929, %abs3A_735 : vector<224x224xf32>
    %min3A_931 = arith.minimumf %min3A_930, %abs3A_773 : vector<224x224xf32>
    %min3A_932 = arith.minimumf %min3A_931, %abs3A_807 : vector<224x224xf32>
    %min3A_933 = arith.minimumf %min3A_932, %abs3A_845 : vector<224x224xf32>
    %min3A_934 = arith.minimumf %min3A_933, %abs3A_883 : vector<224x224xf32>
    %broadcast_in_dim3A_935 = arith.constant false
    %broadcast_in_dim3A_936 = vector.broadcast %broadcast_in_dim3A_935 : i1 to vector<224x224xi1>
    %broadcast_in_dim3A_937 = arith.constant 50176 : i32
    %broadcast_in_dim3A_938 = vector.broadcast %broadcast_in_dim3A_937 : i32 to vector<224x224xi32>
    %not3A = arith.constant dense<true> : vector<224x224xi1>
    %not3A_939 = arith.xori %broadcast_in_dim3A_936, %not3A : vector<224x224xi1>
    %eq3A = arith.cmpf oeq, %abs3A, %min3A_934 : vector<224x224xf32>
    %and3A_940 = arith.andi %not3A_939, %eq3A : vector<224x224xi1>
    %or3A = arith.ori %broadcast_in_dim3A_936, %and3A_940 : vector<224x224xi1>
    %select_n3A_941 = arith.select %and3A_940, %select_n3A, %broadcast_in_dim3A_938 : vector<224x224xi1>, vector<224x224xi32>
    %jit3A_942 = arith.constant 0x7F800000 : f32
    %broadcast_in_dim3A_943 = vector.broadcast %jit3A_942 : f32 to vector<224x224xf32>
    %select_n3A_944 = arith.select %and3A_940, %broadcast_in_dim3A_943, %abs3A : vector<224x224xi1>, vector<224x224xf32>
    %not3A_945 = arith.constant dense<true> : vector<224x224xi1>
    %not3A_946 = arith.xori %or3A, %not3A_945 : vector<224x224xi1>
    %eq3A_947 = arith.cmpf oeq, %abs3A_49, %min3A_934 : vector<224x224xf32>
    %and3A_948 = arith.andi %not3A_946, %eq3A_947 : vector<224x224xi1>
    %or3A_949 = arith.ori %or3A, %and3A_948 : vector<224x224xi1>
    %select_n3A_950 = arith.select %and3A_948, %select_n3A_77, %select_n3A_941 : vector<224x224xi1>, vector<224x224xi32>
    %jit3A_951 = arith.constant 0x7F800000 : f32
    %broadcast_in_dim3A_952 = vector.broadcast %jit3A_951 : f32 to vector<224x224xf32>
    %select_n3A_953 = arith.select %and3A_948, %broadcast_in_dim3A_952, %abs3A_49 : vector<224x224xi1>, vector<224x224xf32>
    %not3A_954 = arith.constant dense<true> : vector<224x224xi1>
    %not3A_955 = arith.xori %or3A_949, %not3A_954 : vector<224x224xi1>
    %eq3A_956 = arith.cmpf oeq, %abs3A_83, %min3A_934 : vector<224x224xf32>
    %and3A_957 = arith.andi %not3A_955, %eq3A_956 : vector<224x224xi1>
    %or3A_958 = arith.ori %or3A_949, %and3A_957 : vector<224x224xi1>
    %select_n3A_959 = arith.select %and3A_957, %select_n3A_111, %select_n3A_950 : vector<224x224xi1>, vector<224x224xi32>
    %jit3A_960 = arith.constant 0x7F800000 : f32
    %broadcast_in_dim3A_961 = vector.broadcast %jit3A_960 : f32 to vector<224x224xf32>
    %select_n3A_962 = arith.select %and3A_957, %broadcast_in_dim3A_961, %abs3A_83 : vector<224x224xi1>, vector<224x224xf32>
    %not3A_963 = arith.constant dense<true> : vector<224x224xi1>
    %not3A_964 = arith.xori %or3A_958, %not3A_963 : vector<224x224xi1>
    %eq3A_965 = arith.cmpf oeq, %abs3A_121, %min3A_934 : vector<224x224xf32>
    %and3A_966 = arith.andi %not3A_964, %eq3A_965 : vector<224x224xi1>
    %or3A_967 = arith.ori %or3A_958, %and3A_966 : vector<224x224xi1>
    %select_n3A_968 = arith.select %and3A_966, %select_n3A_149, %select_n3A_959 : vector<224x224xi1>, vector<224x224xi32>
    %jit3A_969 = arith.constant 0x7F800000 : f32
    %broadcast_in_dim3A_970 = vector.broadcast %jit3A_969 : f32 to vector<224x224xf32>
    %select_n3A_971 = arith.select %and3A_966, %broadcast_in_dim3A_970, %abs3A_121 : vector<224x224xi1>, vector<224x224xf32>
    %not3A_972 = arith.constant dense<true> : vector<224x224xi1>
    %not3A_973 = arith.xori %or3A_967, %not3A_972 : vector<224x224xi1>
    %eq3A_974 = arith.cmpf oeq, %abs3A_159, %min3A_934 : vector<224x224xf32>
    %and3A_975 = arith.andi %not3A_973, %eq3A_974 : vector<224x224xi1>
    %or3A_976 = arith.ori %or3A_967, %and3A_975 : vector<224x224xi1>
    %select_n3A_977 = arith.select %and3A_975, %select_n3A_187, %select_n3A_968 : vector<224x224xi1>, vector<224x224xi32>
    %jit3A_978 = arith.constant 0x7F800000 : f32
    %broadcast_in_dim3A_979 = vector.broadcast %jit3A_978 : f32 to vector<224x224xf32>
    %select_n3A_980 = arith.select %and3A_975, %broadcast_in_dim3A_979, %abs3A_159 : vector<224x224xi1>, vector<224x224xf32>
    %not3A_981 = arith.constant dense<true> : vector<224x224xi1>
    %not3A_982 = arith.xori %or3A_976, %not3A_981 : vector<224x224xi1>
    %eq3A_983 = arith.cmpf oeq, %abs3A_197, %min3A_934 : vector<224x224xf32>
    %and3A_984 = arith.andi %not3A_982, %eq3A_983 : vector<224x224xi1>
    %or3A_985 = arith.ori %or3A_976, %and3A_984 : vector<224x224xi1>
    %select_n3A_986 = arith.select %and3A_984, %select_n3A_225, %select_n3A_977 : vector<224x224xi1>, vector<224x224xi32>
    %jit3A_987 = arith.constant 0x7F800000 : f32
    %broadcast_in_dim3A_988 = vector.broadcast %jit3A_987 : f32 to vector<224x224xf32>
    %select_n3A_989 = arith.select %and3A_984, %broadcast_in_dim3A_988, %abs3A_197 : vector<224x224xi1>, vector<224x224xf32>
    %not3A_990 = arith.constant dense<true> : vector<224x224xi1>
    %not3A_991 = arith.xori %or3A_985, %not3A_990 : vector<224x224xi1>
    %eq3A_992 = arith.cmpf oeq, %abs3A_235, %min3A_934 : vector<224x224xf32>
    %and3A_993 = arith.andi %not3A_991, %eq3A_992 : vector<224x224xi1>
    %or3A_994 = arith.ori %or3A_985, %and3A_993 : vector<224x224xi1>
    %select_n3A_995 = arith.select %and3A_993, %select_n3A_263, %select_n3A_986 : vector<224x224xi1>, vector<224x224xi32>
    %jit3A_996 = arith.constant 0x7F800000 : f32
    %broadcast_in_dim3A_997 = vector.broadcast %jit3A_996 : f32 to vector<224x224xf32>
    %select_n3A_998 = arith.select %and3A_993, %broadcast_in_dim3A_997, %abs3A_235 : vector<224x224xi1>, vector<224x224xf32>
    %not3A_999 = arith.constant dense<true> : vector<224x224xi1>
    %not3A_1000 = arith.xori %or3A_994, %not3A_999 : vector<224x224xi1>
    %eq3A_1001 = arith.cmpf oeq, %abs3A_269, %min3A_934 : vector<224x224xf32>
    %and3A_1002 = arith.andi %not3A_1000, %eq3A_1001 : vector<224x224xi1>
    %or3A_1003 = arith.ori %or3A_994, %and3A_1002 : vector<224x224xi1>
    %select_n3A_1004 = arith.select %and3A_1002, %select_n3A_297, %select_n3A_995 : vector<224x224xi1>, vector<224x224xi32>
    %jit3A_1005 = arith.constant 0x7F800000 : f32
    %broadcast_in_dim3A_1006 = vector.broadcast %jit3A_1005 : f32 to vector<224x224xf32>
    %select_n3A_1007 = arith.select %and3A_1002, %broadcast_in_dim3A_1006, %abs3A_269 : vector<224x224xi1>, vector<224x224xf32>
    %not3A_1008 = arith.constant dense<true> : vector<224x224xi1>
    %not3A_1009 = arith.xori %or3A_1003, %not3A_1008 : vector<224x224xi1>
    %eq3A_1010 = arith.cmpf oeq, %abs3A_307, %min3A_934 : vector<224x224xf32>
    %and3A_1011 = arith.andi %not3A_1009, %eq3A_1010 : vector<224x224xi1>
    %or3A_1012 = arith.ori %or3A_1003, %and3A_1011 : vector<224x224xi1>
    %select_n3A_1013 = arith.select %and3A_1011, %select_n3A_335, %select_n3A_1004 : vector<224x224xi1>, vector<224x224xi32>
    %jit3A_1014 = arith.constant 0x7F800000 : f32
    %broadcast_in_dim3A_1015 = vector.broadcast %jit3A_1014 : f32 to vector<224x224xf32>
    %select_n3A_1016 = arith.select %and3A_1011, %broadcast_in_dim3A_1015, %abs3A_307 : vector<224x224xi1>, vector<224x224xf32>
    %not3A_1017 = arith.constant dense<true> : vector<224x224xi1>
    %not3A_1018 = arith.xori %or3A_1012, %not3A_1017 : vector<224x224xi1>
    %eq3A_1019 = arith.cmpf oeq, %abs3A_345, %min3A_934 : vector<224x224xf32>
    %and3A_1020 = arith.andi %not3A_1018, %eq3A_1019 : vector<224x224xi1>
    %or3A_1021 = arith.ori %or3A_1012, %and3A_1020 : vector<224x224xi1>
    %select_n3A_1022 = arith.select %and3A_1020, %select_n3A_373, %select_n3A_1013 : vector<224x224xi1>, vector<224x224xi32>
    %jit3A_1023 = arith.constant 0x7F800000 : f32
    %broadcast_in_dim3A_1024 = vector.broadcast %jit3A_1023 : f32 to vector<224x224xf32>
    %select_n3A_1025 = arith.select %and3A_1020, %broadcast_in_dim3A_1024, %abs3A_345 : vector<224x224xi1>, vector<224x224xf32>
    %not3A_1026 = arith.constant dense<true> : vector<224x224xi1>
    %not3A_1027 = arith.xori %or3A_1021, %not3A_1026 : vector<224x224xi1>
    %eq3A_1028 = arith.cmpf oeq, %abs3A_379, %min3A_934 : vector<224x224xf32>
    %and3A_1029 = arith.andi %not3A_1027, %eq3A_1028 : vector<224x224xi1>
    %or3A_1030 = arith.ori %or3A_1021, %and3A_1029 : vector<224x224xi1>
    %select_n3A_1031 = arith.select %and3A_1029, %select_n3A_407, %select_n3A_1022 : vector<224x224xi1>, vector<224x224xi32>
    %jit3A_1032 = arith.constant 0x7F800000 : f32
    %broadcast_in_dim3A_1033 = vector.broadcast %jit3A_1032 : f32 to vector<224x224xf32>
    %select_n3A_1034 = arith.select %and3A_1029, %broadcast_in_dim3A_1033, %abs3A_379 : vector<224x224xi1>, vector<224x224xf32>
    %not3A_1035 = arith.constant dense<true> : vector<224x224xi1>
    %not3A_1036 = arith.xori %or3A_1030, %not3A_1035 : vector<224x224xi1>
    %eq3A_1037 = arith.cmpf oeq, %abs3A_413, %min3A_934 : vector<224x224xf32>
    %and3A_1038 = arith.andi %not3A_1036, %eq3A_1037 : vector<224x224xi1>
    %or3A_1039 = arith.ori %or3A_1030, %and3A_1038 : vector<224x224xi1>
    %select_n3A_1040 = arith.select %and3A_1038, %select_n3A_441, %select_n3A_1031 : vector<224x224xi1>, vector<224x224xi32>
    %jit3A_1041 = arith.constant 0x7F800000 : f32
    %broadcast_in_dim3A_1042 = vector.broadcast %jit3A_1041 : f32 to vector<224x224xf32>
    %select_n3A_1043 = arith.select %and3A_1038, %broadcast_in_dim3A_1042, %abs3A_413 : vector<224x224xi1>, vector<224x224xf32>
    %not3A_1044 = arith.constant dense<true> : vector<224x224xi1>
    %not3A_1045 = arith.xori %or3A_1039, %not3A_1044 : vector<224x224xi1>
    %eq3A_1046 = arith.cmpf oeq, %broadcast_in_dim3A_443, %min3A_934 : vector<224x224xf32>
    %and3A_1047 = arith.andi %not3A_1045, %eq3A_1046 : vector<224x224xi1>
    %or3A_1048 = arith.ori %or3A_1039, %and3A_1047 : vector<224x224xi1>
    %select_n3A_1049 = arith.select %and3A_1047, %select_n3A_471, %select_n3A_1040 : vector<224x224xi1>, vector<224x224xi32>
    %jit3A_1050 = arith.constant 0x7F800000 : f32
    %broadcast_in_dim3A_1051 = vector.broadcast %jit3A_1050 : f32 to vector<224x224xf32>
    %select_n3A_1052 = arith.select %and3A_1047, %broadcast_in_dim3A_1051, %broadcast_in_dim3A_443 : vector<224x224xi1>, vector<224x224xf32>
    %not3A_1053 = arith.constant dense<true> : vector<224x224xi1>
    %not3A_1054 = arith.xori %or3A_1048, %not3A_1053 : vector<224x224xi1>
    %eq3A_1055 = arith.cmpf oeq, %abs3A_477, %min3A_934 : vector<224x224xf32>
    %and3A_1056 = arith.andi %not3A_1054, %eq3A_1055 : vector<224x224xi1>
    %or3A_1057 = arith.ori %or3A_1048, %and3A_1056 : vector<224x224xi1>
    %select_n3A_1058 = arith.select %and3A_1056, %select_n3A_505, %select_n3A_1049 : vector<224x224xi1>, vector<224x224xi32>
    %jit3A_1059 = arith.constant 0x7F800000 : f32
    %broadcast_in_dim3A_1060 = vector.broadcast %jit3A_1059 : f32 to vector<224x224xf32>
    %select_n3A_1061 = arith.select %and3A_1056, %broadcast_in_dim3A_1060, %abs3A_477 : vector<224x224xi1>, vector<224x224xf32>
    %not3A_1062 = arith.constant dense<true> : vector<224x224xi1>
    %not3A_1063 = arith.xori %or3A_1057, %not3A_1062 : vector<224x224xi1>
    %eq3A_1064 = arith.cmpf oeq, %abs3A_511, %min3A_934 : vector<224x224xf32>
    %and3A_1065 = arith.andi %not3A_1063, %eq3A_1064 : vector<224x224xi1>
    %or3A_1066 = arith.ori %or3A_1057, %and3A_1065 : vector<224x224xi1>
    %select_n3A_1067 = arith.select %and3A_1065, %select_n3A_539, %select_n3A_1058 : vector<224x224xi1>, vector<224x224xi32>
    %jit3A_1068 = arith.constant 0x7F800000 : f32
    %broadcast_in_dim3A_1069 = vector.broadcast %jit3A_1068 : f32 to vector<224x224xf32>
    %select_n3A_1070 = arith.select %and3A_1065, %broadcast_in_dim3A_1069, %abs3A_511 : vector<224x224xi1>, vector<224x224xf32>
    %not3A_1071 = arith.constant dense<true> : vector<224x224xi1>
    %not3A_1072 = arith.xori %or3A_1066, %not3A_1071 : vector<224x224xi1>
    %eq3A_1073 = arith.cmpf oeq, %abs3A_549, %min3A_934 : vector<224x224xf32>
    %and3A_1074 = arith.andi %not3A_1072, %eq3A_1073 : vector<224x224xi1>
    %or3A_1075 = arith.ori %or3A_1066, %and3A_1074 : vector<224x224xi1>
    %select_n3A_1076 = arith.select %and3A_1074, %select_n3A_577, %select_n3A_1067 : vector<224x224xi1>, vector<224x224xi32>
    %jit3A_1077 = arith.constant 0x7F800000 : f32
    %broadcast_in_dim3A_1078 = vector.broadcast %jit3A_1077 : f32 to vector<224x224xf32>
    %select_n3A_1079 = arith.select %and3A_1074, %broadcast_in_dim3A_1078, %abs3A_549 : vector<224x224xi1>, vector<224x224xf32>
    %not3A_1080 = arith.constant dense<true> : vector<224x224xi1>
    %not3A_1081 = arith.xori %or3A_1075, %not3A_1080 : vector<224x224xi1>
    %eq3A_1082 = arith.cmpf oeq, %abs3A_587, %min3A_934 : vector<224x224xf32>
    %and3A_1083 = arith.andi %not3A_1081, %eq3A_1082 : vector<224x224xi1>
    %or3A_1084 = arith.ori %or3A_1075, %and3A_1083 : vector<224x224xi1>
    %select_n3A_1085 = arith.select %and3A_1083, %select_n3A_615, %select_n3A_1076 : vector<224x224xi1>, vector<224x224xi32>
    %jit3A_1086 = arith.constant 0x7F800000 : f32
    %broadcast_in_dim3A_1087 = vector.broadcast %jit3A_1086 : f32 to vector<224x224xf32>
    %select_n3A_1088 = arith.select %and3A_1083, %broadcast_in_dim3A_1087, %abs3A_587 : vector<224x224xi1>, vector<224x224xf32>
    %not3A_1089 = arith.constant dense<true> : vector<224x224xi1>
    %not3A_1090 = arith.xori %or3A_1084, %not3A_1089 : vector<224x224xi1>
    %eq3A_1091 = arith.cmpf oeq, %abs3A_621, %min3A_934 : vector<224x224xf32>
    %and3A_1092 = arith.andi %not3A_1090, %eq3A_1091 : vector<224x224xi1>
    %or3A_1093 = arith.ori %or3A_1084, %and3A_1092 : vector<224x224xi1>
    %select_n3A_1094 = arith.select %and3A_1092, %select_n3A_649, %select_n3A_1085 : vector<224x224xi1>, vector<224x224xi32>
    %jit3A_1095 = arith.constant 0x7F800000 : f32
    %broadcast_in_dim3A_1096 = vector.broadcast %jit3A_1095 : f32 to vector<224x224xf32>
    %select_n3A_1097 = arith.select %and3A_1092, %broadcast_in_dim3A_1096, %abs3A_621 : vector<224x224xi1>, vector<224x224xf32>
    %not3A_1098 = arith.constant dense<true> : vector<224x224xi1>
    %not3A_1099 = arith.xori %or3A_1093, %not3A_1098 : vector<224x224xi1>
    %eq3A_1100 = arith.cmpf oeq, %abs3A_659, %min3A_934 : vector<224x224xf32>
    %and3A_1101 = arith.andi %not3A_1099, %eq3A_1100 : vector<224x224xi1>
    %or3A_1102 = arith.ori %or3A_1093, %and3A_1101 : vector<224x224xi1>
    %select_n3A_1103 = arith.select %and3A_1101, %select_n3A_687, %select_n3A_1094 : vector<224x224xi1>, vector<224x224xi32>
    %jit3A_1104 = arith.constant 0x7F800000 : f32
    %broadcast_in_dim3A_1105 = vector.broadcast %jit3A_1104 : f32 to vector<224x224xf32>
    %select_n3A_1106 = arith.select %and3A_1101, %broadcast_in_dim3A_1105, %abs3A_659 : vector<224x224xi1>, vector<224x224xf32>
    %not3A_1107 = arith.constant dense<true> : vector<224x224xi1>
    %not3A_1108 = arith.xori %or3A_1102, %not3A_1107 : vector<224x224xi1>
    %eq3A_1109 = arith.cmpf oeq, %abs3A_697, %min3A_934 : vector<224x224xf32>
    %and3A_1110 = arith.andi %not3A_1108, %eq3A_1109 : vector<224x224xi1>
    %or3A_1111 = arith.ori %or3A_1102, %and3A_1110 : vector<224x224xi1>
    %select_n3A_1112 = arith.select %and3A_1110, %select_n3A_725, %select_n3A_1103 : vector<224x224xi1>, vector<224x224xi32>
    %jit3A_1113 = arith.constant 0x7F800000 : f32
    %broadcast_in_dim3A_1114 = vector.broadcast %jit3A_1113 : f32 to vector<224x224xf32>
    %select_n3A_1115 = arith.select %and3A_1110, %broadcast_in_dim3A_1114, %abs3A_697 : vector<224x224xi1>, vector<224x224xf32>
    %not3A_1116 = arith.constant dense<true> : vector<224x224xi1>
    %not3A_1117 = arith.xori %or3A_1111, %not3A_1116 : vector<224x224xi1>
    %eq3A_1118 = arith.cmpf oeq, %abs3A_735, %min3A_934 : vector<224x224xf32>
    %and3A_1119 = arith.andi %not3A_1117, %eq3A_1118 : vector<224x224xi1>
    %or3A_1120 = arith.ori %or3A_1111, %and3A_1119 : vector<224x224xi1>
    %select_n3A_1121 = arith.select %and3A_1119, %select_n3A_763, %select_n3A_1112 : vector<224x224xi1>, vector<224x224xi32>
    %jit3A_1122 = arith.constant 0x7F800000 : f32
    %broadcast_in_dim3A_1123 = vector.broadcast %jit3A_1122 : f32 to vector<224x224xf32>
    %select_n3A_1124 = arith.select %and3A_1119, %broadcast_in_dim3A_1123, %abs3A_735 : vector<224x224xi1>, vector<224x224xf32>
    %not3A_1125 = arith.constant dense<true> : vector<224x224xi1>
    %not3A_1126 = arith.xori %or3A_1120, %not3A_1125 : vector<224x224xi1>
    %eq3A_1127 = arith.cmpf oeq, %abs3A_773, %min3A_934 : vector<224x224xf32>
    %and3A_1128 = arith.andi %not3A_1126, %eq3A_1127 : vector<224x224xi1>
    %or3A_1129 = arith.ori %or3A_1120, %and3A_1128 : vector<224x224xi1>
    %select_n3A_1130 = arith.select %and3A_1128, %select_n3A_801, %select_n3A_1121 : vector<224x224xi1>, vector<224x224xi32>
    %jit3A_1131 = arith.constant 0x7F800000 : f32
    %broadcast_in_dim3A_1132 = vector.broadcast %jit3A_1131 : f32 to vector<224x224xf32>
    %select_n3A_1133 = arith.select %and3A_1128, %broadcast_in_dim3A_1132, %abs3A_773 : vector<224x224xi1>, vector<224x224xf32>
    %not3A_1134 = arith.constant dense<true> : vector<224x224xi1>
    %not3A_1135 = arith.xori %or3A_1129, %not3A_1134 : vector<224x224xi1>
    %eq3A_1136 = arith.cmpf oeq, %abs3A_807, %min3A_934 : vector<224x224xf32>
    %and3A_1137 = arith.andi %not3A_1135, %eq3A_1136 : vector<224x224xi1>
    %or3A_1138 = arith.ori %or3A_1129, %and3A_1137 : vector<224x224xi1>
    %select_n3A_1139 = arith.select %and3A_1137, %select_n3A_835, %select_n3A_1130 : vector<224x224xi1>, vector<224x224xi32>
    %jit3A_1140 = arith.constant 0x7F800000 : f32
    %broadcast_in_dim3A_1141 = vector.broadcast %jit3A_1140 : f32 to vector<224x224xf32>
    %select_n3A_1142 = arith.select %and3A_1137, %broadcast_in_dim3A_1141, %abs3A_807 : vector<224x224xi1>, vector<224x224xf32>
    %not3A_1143 = arith.constant dense<true> : vector<224x224xi1>
    %not3A_1144 = arith.xori %or3A_1138, %not3A_1143 : vector<224x224xi1>
    %eq3A_1145 = arith.cmpf oeq, %abs3A_845, %min3A_934 : vector<224x224xf32>
    %and3A_1146 = arith.andi %not3A_1144, %eq3A_1145 : vector<224x224xi1>
    %or3A_1147 = arith.ori %or3A_1138, %and3A_1146 : vector<224x224xi1>
    %select_n3A_1148 = arith.select %and3A_1146, %select_n3A_873, %select_n3A_1139 : vector<224x224xi1>, vector<224x224xi32>
    %jit3A_1149 = arith.constant 0x7F800000 : f32
    %broadcast_in_dim3A_1150 = vector.broadcast %jit3A_1149 : f32 to vector<224x224xf32>
    %select_n3A_1151 = arith.select %and3A_1146, %broadcast_in_dim3A_1150, %abs3A_845 : vector<224x224xi1>, vector<224x224xf32>
    %not3A_1152 = arith.constant dense<true> : vector<224x224xi1>
    %not3A_1153 = arith.xori %or3A_1147, %not3A_1152 : vector<224x224xi1>
    %eq3A_1154 = arith.cmpf oeq, %abs3A_883, %min3A_934 : vector<224x224xf32>
    %and3A_1155 = arith.andi %not3A_1153, %eq3A_1154 : vector<224x224xi1>
    %select_n3A_1156 = arith.select %and3A_1155, %select_n3A_911, %select_n3A_1148 : vector<224x224xi1>, vector<224x224xi32>
    %jit3A_1157 = arith.constant 0x7F800000 : f32
    %broadcast_in_dim3A_1158 = vector.broadcast %jit3A_1157 : f32 to vector<224x224xf32>
    %select_n3A_1159 = arith.select %and3A_1155, %broadcast_in_dim3A_1158, %abs3A_883 : vector<224x224xi1>, vector<224x224xf32>
    %swap3A = arith.constant 0 : index
    %swap3A_1160 = arith.constant 0 : index
    %swap3A_1161 = arith.constant 0 : index
    %swap3A_1162 = vector.load %arg2[%swap3A, %swap3A_1160, %swap3A_1161] : memref<9x224x224xi32, #tpu.memory_space<vmem>>, vector<1x224x224xi32>
    %swap3A_1163 = vector.shape_cast %swap3A_1162 : vector<1x224x224xi32> to vector<224x224xi32>
    %swap3A_1164 = vector.shape_cast %select_n3A_1156 : vector<224x224xi32> to vector<1x224x224xi32>
    tpu.vector_store %arg2[%swap3A, %swap3A_1160, %swap3A_1161], %swap3A_1164 {strides = array<i32>} : memref<9x224x224xi32, #tpu.memory_space<vmem>>, vector<1x224x224xi32>,
    %min3A_1165 = arith.minimumf %select_n3A_944, %select_n3A_953 : vector<224x224xf32>
    %min3A_1166 = arith.minimumf %min3A_1165, %select_n3A_962 : vector<224x224xf32>
    %min3A_1167 = arith.minimumf %min3A_1166, %select_n3A_971 : vector<224x224xf32>
    %min3A_1168 = arith.minimumf %min3A_1167, %select_n3A_980 : vector<224x224xf32>
    %min3A_1169 = arith.minimumf %min3A_1168, %select_n3A_989 : vector<224x224xf32>
    %min3A_1170 = arith.minimumf %min3A_1169, %select_n3A_998 : vector<224x224xf32>
    %min3A_1171 = arith.minimumf %min3A_1170, %select_n3A_1007 : vector<224x224xf32>
    %min3A_1172 = arith.minimumf %min3A_1171, %select_n3A_1016 : vector<224x224xf32>
    %min3A_1173 = arith.minimumf %min3A_1172, %select_n3A_1025 : vector<224x224xf32>
    %min3A_1174 = arith.minimumf %min3A_1173, %select_n3A_1034 : vector<224x224xf32>
    %min3A_1175 = arith.minimumf %min3A_1174, %select_n3A_1043 : vector<224x224xf32>
    %min3A_1176 = arith.minimumf %min3A_1175, %select_n3A_1052 : vector<224x224xf32>
    %min3A_1177 = arith.minimumf %min3A_1176, %select_n3A_1061 : vector<224x224xf32>
    %min3A_1178 = arith.minimumf %min3A_1177, %select_n3A_1070 : vector<224x224xf32>
    %min3A_1179 = arith.minimumf %min3A_1178, %select_n3A_1079 : vector<224x224xf32>
    %min3A_1180 = arith.minimumf %min3A_1179, %select_n3A_1088 : vector<224x224xf32>
    %min3A_1181 = arith.minimumf %min3A_1180, %select_n3A_1097 : vector<224x224xf32>
    %min3A_1182 = arith.minimumf %min3A_1181, %select_n3A_1106 : vector<224x224xf32>
    %min3A_1183 = arith.minimumf %min3A_1182, %select_n3A_1115 : vector<224x224xf32>
    %min3A_1184 = arith.minimumf %min3A_1183, %select_n3A_1124 : vector<224x224xf32>
    %min3A_1185 = arith.minimumf %min3A_1184, %select_n3A_1133 : vector<224x224xf32>
    %min3A_1186 = arith.minimumf %min3A_1185, %select_n3A_1142 : vector<224x224xf32>
    %min3A_1187 = arith.minimumf %min3A_1186, %select_n3A_1151 : vector<224x224xf32>
    %min3A_1188 = arith.minimumf %min3A_1187, %select_n3A_1159 : vector<224x224xf32>
    %broadcast_in_dim3A_1189 = arith.constant false
    %broadcast_in_dim3A_1190 = vector.broadcast %broadcast_in_dim3A_1189 : i1 to vector<224x224xi1>
    %broadcast_in_dim3A_1191 = arith.constant 50176 : i32
    %broadcast_in_dim3A_1192 = vector.broadcast %broadcast_in_dim3A_1191 : i32 to vector<224x224xi32>
    %not3A_1193 = arith.constant dense<true> : vector<224x224xi1>
    %not3A_1194 = arith.xori %broadcast_in_dim3A_1190, %not3A_1193 : vector<224x224xi1>
    %eq3A_1195 = arith.cmpf oeq, %select_n3A_944, %min3A_1188 : vector<224x224xf32>
    %and3A_1196 = arith.andi %not3A_1194, %eq3A_1195 : vector<224x224xi1>
    %or3A_1197 = arith.ori %broadcast_in_dim3A_1190, %and3A_1196 : vector<224x224xi1>
    %select_n3A_1198 = arith.select %and3A_1196, %select_n3A, %broadcast_in_dim3A_1192 : vector<224x224xi1>, vector<224x224xi32>
    %jit3A_1199 = arith.constant 0x7F800000 : f32
    %broadcast_in_dim3A_1200 = vector.broadcast %jit3A_1199 : f32 to vector<224x224xf32>
    %select_n3A_1201 = arith.select %and3A_1196, %broadcast_in_dim3A_1200, %select_n3A_944 : vector<224x224xi1>, vector<224x224xf32>
    %not3A_1202 = arith.constant dense<true> : vector<224x224xi1>
    %not3A_1203 = arith.xori %or3A_1197, %not3A_1202 : vector<224x224xi1>
    %eq3A_1204 = arith.cmpf oeq, %select_n3A_953, %min3A_1188 : vector<224x224xf32>
    %and3A_1205 = arith.andi %not3A_1203, %eq3A_1204 : vector<224x224xi1>
    %or3A_1206 = arith.ori %or3A_1197, %and3A_1205 : vector<224x224xi1>
    %select_n3A_1207 = arith.select %and3A_1205, %select_n3A_77, %select_n3A_1198 : vector<224x224xi1>, vector<224x224xi32>
    %jit3A_1208 = arith.constant 0x7F800000 : f32
    %broadcast_in_dim3A_1209 = vector.broadcast %jit3A_1208 : f32 to vector<224x224xf32>
    %select_n3A_1210 = arith.select %and3A_1205, %broadcast_in_dim3A_1209, %select_n3A_953 : vector<224x224xi1>, vector<224x224xf32>
    %not3A_1211 = arith.constant dense<true> : vector<224x224xi1>
    %not3A_1212 = arith.xori %or3A_1206, %not3A_1211 : vector<224x224xi1>
    %eq3A_1213 = arith.cmpf oeq, %select_n3A_962, %min3A_1188 : vector<224x224xf32>
    %and3A_1214 = arith.andi %not3A_1212, %eq3A_1213 : vector<224x224xi1>
    %or3A_1215 = arith.ori %or3A_1206, %and3A_1214 : vector<224x224xi1>
    %select_n3A_1216 = arith.select %and3A_1214, %select_n3A_111, %select_n3A_1207 : vector<224x224xi1>, vector<224x224xi32>
    %jit3A_1217 = arith.constant 0x7F800000 : f32
    %broadcast_in_dim3A_1218 = vector.broadcast %jit3A_1217 : f32 to vector<224x224xf32>
    %select_n3A_1219 = arith.select %and3A_1214, %broadcast_in_dim3A_1218, %select_n3A_962 : vector<224x224xi1>, vector<224x224xf32>
    %not3A_1220 = arith.constant dense<true> : vector<224x224xi1>
    %not3A_1221 = arith.xori %or3A_1215, %not3A_1220 : vector<224x224xi1>
    %eq3A_1222 = arith.cmpf oeq, %select_n3A_971, %min3A_1188 : vector<224x224xf32>
    %and3A_1223 = arith.andi %not3A_1221, %eq3A_1222 : vector<224x224xi1>
    %or3A_1224 = arith.ori %or3A_1215, %and3A_1223 : vector<224x224xi1>
    %select_n3A_1225 = arith.select %and3A_1223, %select_n3A_149, %select_n3A_1216 : vector<224x224xi1>, vector<224x224xi32>
    %jit3A_1226 = arith.constant 0x7F800000 : f32
    %broadcast_in_dim3A_1227 = vector.broadcast %jit3A_1226 : f32 to vector<224x224xf32>
    %select_n3A_1228 = arith.select %and3A_1223, %broadcast_in_dim3A_1227, %select_n3A_971 : vector<224x224xi1>, vector<224x224xf32>
    %not3A_1229 = arith.constant dense<true> : vector<224x224xi1>
    %not3A_1230 = arith.xori %or3A_1224, %not3A_1229 : vector<224x224xi1>
    %eq3A_1231 = arith.cmpf oeq, %select_n3A_980, %min3A_1188 : vector<224x224xf32>
    %and3A_1232 = arith.andi %not3A_1230, %eq3A_1231 : vector<224x224xi1>
    %or3A_1233 = arith.ori %or3A_1224, %and3A_1232 : vector<224x224xi1>
    %select_n3A_1234 = arith.select %and3A_1232, %select_n3A_187, %select_n3A_1225 : vector<224x224xi1>, vector<224x224xi32>
    %jit3A_1235 = arith.constant 0x7F800000 : f32
    %broadcast_in_dim3A_1236 = vector.broadcast %jit3A_1235 : f32 to vector<224x224xf32>
    %select_n3A_1237 = arith.select %and3A_1232, %broadcast_in_dim3A_1236, %select_n3A_980 : vector<224x224xi1>, vector<224x224xf32>
    %not3A_1238 = arith.constant dense<true> : vector<224x224xi1>
    %not3A_1239 = arith.xori %or3A_1233, %not3A_1238 : vector<224x224xi1>
    %eq3A_1240 = arith.cmpf oeq, %select_n3A_989, %min3A_1188 : vector<224x224xf32>
    %and3A_1241 = arith.andi %not3A_1239, %eq3A_1240 : vector<224x224xi1>
    %or3A_1242 = arith.ori %or3A_1233, %and3A_1241 : vector<224x224xi1>
    %select_n3A_1243 = arith.select %and3A_1241, %select_n3A_225, %select_n3A_1234 : vector<224x224xi1>, vector<224x224xi32>
    %jit3A_1244 = arith.constant 0x7F800000 : f32
    %broadcast_in_dim3A_1245 = vector.broadcast %jit3A_1244 : f32 to vector<224x224xf32>
    %select_n3A_1246 = arith.select %and3A_1241, %broadcast_in_dim3A_1245, %select_n3A_989 : vector<224x224xi1>, vector<224x224xf32>
    %not3A_1247 = arith.constant dense<true> : vector<224x224xi1>
    %not3A_1248 = arith.xori %or3A_1242, %not3A_1247 : vector<224x224xi1>
    %eq3A_1249 = arith.cmpf oeq, %select_n3A_998, %min3A_1188 : vector<224x224xf32>
    %and3A_1250 = arith.andi %not3A_1248, %eq3A_1249 : vector<224x224xi1>
    %or3A_1251 = arith.ori %or3A_1242, %and3A_1250 : vector<224x224xi1>
    %select_n3A_1252 = arith.select %and3A_1250, %select_n3A_263, %select_n3A_1243 : vector<224x224xi1>, vector<224x224xi32>
    %jit3A_1253 = arith.constant 0x7F800000 : f32
    %broadcast_in_dim3A_1254 = vector.broadcast %jit3A_1253 : f32 to vector<224x224xf32>
    %select_n3A_1255 = arith.select %and3A_1250, %broadcast_in_dim3A_1254, %select_n3A_998 : vector<224x224xi1>, vector<224x224xf32>
    %not3A_1256 = arith.constant dense<true> : vector<224x224xi1>
    %not3A_1257 = arith.xori %or3A_1251, %not3A_1256 : vector<224x224xi1>
    %eq3A_1258 = arith.cmpf oeq, %select_n3A_1007, %min3A_1188 : vector<224x224xf32>
    %and3A_1259 = arith.andi %not3A_1257, %eq3A_1258 : vector<224x224xi1>
    %or3A_1260 = arith.ori %or3A_1251, %and3A_1259 : vector<224x224xi1>
    %select_n3A_1261 = arith.select %and3A_1259, %select_n3A_297, %select_n3A_1252 : vector<224x224xi1>, vector<224x224xi32>
    %jit3A_1262 = arith.constant 0x7F800000 : f32
    %broadcast_in_dim3A_1263 = vector.broadcast %jit3A_1262 : f32 to vector<224x224xf32>
    %select_n3A_1264 = arith.select %and3A_1259, %broadcast_in_dim3A_1263, %select_n3A_1007 : vector<224x224xi1>, vector<224x224xf32>
    %not3A_1265 = arith.constant dense<true> : vector<224x224xi1>
    %not3A_1266 = arith.xori %or3A_1260, %not3A_1265 : vector<224x224xi1>
    %eq3A_1267 = arith.cmpf oeq, %select_n3A_1016, %min3A_1188 : vector<224x224xf32>
    %and3A_1268 = arith.andi %not3A_1266, %eq3A_1267 : vector<224x224xi1>
    %or3A_1269 = arith.ori %or3A_1260, %and3A_1268 : vector<224x224xi1>
    %select_n3A_1270 = arith.select %and3A_1268, %select_n3A_335, %select_n3A_1261 : vector<224x224xi1>, vector<224x224xi32>
    %jit3A_1271 = arith.constant 0x7F800000 : f32
    %broadcast_in_dim3A_1272 = vector.broadcast %jit3A_1271 : f32 to vector<224x224xf32>
    %select_n3A_1273 = arith.select %and3A_1268, %broadcast_in_dim3A_1272, %select_n3A_1016 : vector<224x224xi1>, vector<224x224xf32>
    %not3A_1274 = arith.constant dense<true> : vector<224x224xi1>
    %not3A_1275 = arith.xori %or3A_1269, %not3A_1274 : vector<224x224xi1>
    %eq3A_1276 = arith.cmpf oeq, %select_n3A_1025, %min3A_1188 : vector<224x224xf32>
    %and3A_1277 = arith.andi %not3A_1275, %eq3A_1276 : vector<224x224xi1>
    %or3A_1278 = arith.ori %or3A_1269, %and3A_1277 : vector<224x224xi1>
    %select_n3A_1279 = arith.select %and3A_1277, %select_n3A_373, %select_n3A_1270 : vector<224x224xi1>, vector<224x224xi32>
    %jit3A_1280 = arith.constant 0x7F800000 : f32
    %broadcast_in_dim3A_1281 = vector.broadcast %jit3A_1280 : f32 to vector<224x224xf32>
    %select_n3A_1282 = arith.select %and3A_1277, %broadcast_in_dim3A_1281, %select_n3A_1025 : vector<224x224xi1>, vector<224x224xf32>
    %not3A_1283 = arith.constant dense<true> : vector<224x224xi1>
    %not3A_1284 = arith.xori %or3A_1278, %not3A_1283 : vector<224x224xi1>
    %eq3A_1285 = arith.cmpf oeq, %select_n3A_1034, %min3A_1188 : vector<224x224xf32>
    %and3A_1286 = arith.andi %not3A_1284, %eq3A_1285 : vector<224x224xi1>
    %or3A_1287 = arith.ori %or3A_1278, %and3A_1286 : vector<224x224xi1>
    %select_n3A_1288 = arith.select %and3A_1286, %select_n3A_407, %select_n3A_1279 : vector<224x224xi1>, vector<224x224xi32>
    %jit3A_1289 = arith.constant 0x7F800000 : f32
    %broadcast_in_dim3A_1290 = vector.broadcast %jit3A_1289 : f32 to vector<224x224xf32>
    %select_n3A_1291 = arith.select %and3A_1286, %broadcast_in_dim3A_1290, %select_n3A_1034 : vector<224x224xi1>, vector<224x224xf32>
    %not3A_1292 = arith.constant dense<true> : vector<224x224xi1>
    %not3A_1293 = arith.xori %or3A_1287, %not3A_1292 : vector<224x224xi1>
    %eq3A_1294 = arith.cmpf oeq, %select_n3A_1043, %min3A_1188 : vector<224x224xf32>
    %and3A_1295 = arith.andi %not3A_1293, %eq3A_1294 : vector<224x224xi1>
    %or3A_1296 = arith.ori %or3A_1287, %and3A_1295 : vector<224x224xi1>
    %select_n3A_1297 = arith.select %and3A_1295, %select_n3A_441, %select_n3A_1288 : vector<224x224xi1>, vector<224x224xi32>
    %jit3A_1298 = arith.constant 0x7F800000 : f32
    %broadcast_in_dim3A_1299 = vector.broadcast %jit3A_1298 : f32 to vector<224x224xf32>
    %select_n3A_1300 = arith.select %and3A_1295, %broadcast_in_dim3A_1299, %select_n3A_1043 : vector<224x224xi1>, vector<224x224xf32>
    %not3A_1301 = arith.constant dense<true> : vector<224x224xi1>
    %not3A_1302 = arith.xori %or3A_1296, %not3A_1301 : vector<224x224xi1>
    %eq3A_1303 = arith.cmpf oeq, %select_n3A_1052, %min3A_1188 : vector<224x224xf32>
    %and3A_1304 = arith.andi %not3A_1302, %eq3A_1303 : vector<224x224xi1>
    %or3A_1305 = arith.ori %or3A_1296, %and3A_1304 : vector<224x224xi1>
    %select_n3A_1306 = arith.select %and3A_1304, %select_n3A_471, %select_n3A_1297 : vector<224x224xi1>, vector<224x224xi32>
    %jit3A_1307 = arith.constant 0x7F800000 : f32
    %broadcast_in_dim3A_1308 = vector.broadcast %jit3A_1307 : f32 to vector<224x224xf32>
    %select_n3A_1309 = arith.select %and3A_1304, %broadcast_in_dim3A_1308, %select_n3A_1052 : vector<224x224xi1>, vector<224x224xf32>
    %not3A_1310 = arith.constant dense<true> : vector<224x224xi1>
    %not3A_1311 = arith.xori %or3A_1305, %not3A_1310 : vector<224x224xi1>
    %eq3A_1312 = arith.cmpf oeq, %select_n3A_1061, %min3A_1188 : vector<224x224xf32>
    %and3A_1313 = arith.andi %not3A_1311, %eq3A_1312 : vector<224x224xi1>
    %or3A_1314 = arith.ori %or3A_1305, %and3A_1313 : vector<224x224xi1>
    %select_n3A_1315 = arith.select %and3A_1313, %select_n3A_505, %select_n3A_1306 : vector<224x224xi1>, vector<224x224xi32>
    %jit3A_1316 = arith.constant 0x7F800000 : f32
    %broadcast_in_dim3A_1317 = vector.broadcast %jit3A_1316 : f32 to vector<224x224xf32>
    %select_n3A_1318 = arith.select %and3A_1313, %broadcast_in_dim3A_1317, %select_n3A_1061 : vector<224x224xi1>, vector<224x224xf32>
    %not3A_1319 = arith.constant dense<true> : vector<224x224xi1>
    %not3A_1320 = arith.xori %or3A_1314, %not3A_1319 : vector<224x224xi1>
    %eq3A_1321 = arith.cmpf oeq, %select_n3A_1070, %min3A_1188 : vector<224x224xf32>
    %and3A_1322 = arith.andi %not3A_1320, %eq3A_1321 : vector<224x224xi1>
    %or3A_1323 = arith.ori %or3A_1314, %and3A_1322 : vector<224x224xi1>
    %select_n3A_1324 = arith.select %and3A_1322, %select_n3A_539, %select_n3A_1315 : vector<224x224xi1>, vector<224x224xi32>
    %jit3A_1325 = arith.constant 0x7F800000 : f32
    %broadcast_in_dim3A_1326 = vector.broadcast %jit3A_1325 : f32 to vector<224x224xf32>
    %select_n3A_1327 = arith.select %and3A_1322, %broadcast_in_dim3A_1326, %select_n3A_1070 : vector<224x224xi1>, vector<224x224xf32>
    %not3A_1328 = arith.constant dense<true> : vector<224x224xi1>
    %not3A_1329 = arith.xori %or3A_1323, %not3A_1328 : vector<224x224xi1>
    %eq3A_1330 = arith.cmpf oeq, %select_n3A_1079, %min3A_1188 : vector<224x224xf32>
    %and3A_1331 = arith.andi %not3A_1329, %eq3A_1330 : vector<224x224xi1>
    %or3A_1332 = arith.ori %or3A_1323, %and3A_1331 : vector<224x224xi1>
    %select_n3A_1333 = arith.select %and3A_1331, %select_n3A_577, %select_n3A_1324 : vector<224x224xi1>, vector<224x224xi32>
    %jit3A_1334 = arith.constant 0x7F800000 : f32
    %broadcast_in_dim3A_1335 = vector.broadcast %jit3A_1334 : f32 to vector<224x224xf32>
    %select_n3A_1336 = arith.select %and3A_1331, %broadcast_in_dim3A_1335, %select_n3A_1079 : vector<224x224xi1>, vector<224x224xf32>
    %not3A_1337 = arith.constant dense<true> : vector<224x224xi1>
    %not3A_1338 = arith.xori %or3A_1332, %not3A_1337 : vector<224x224xi1>
    %eq3A_1339 = arith.cmpf oeq, %select_n3A_1088, %min3A_1188 : vector<224x224xf32>
    %and3A_1340 = arith.andi %not3A_1338, %eq3A_1339 : vector<224x224xi1>
    %or3A_1341 = arith.ori %or3A_1332, %and3A_1340 : vector<224x224xi1>
    %select_n3A_1342 = arith.select %and3A_1340, %select_n3A_615, %select_n3A_1333 : vector<224x224xi1>, vector<224x224xi32>
    %jit3A_1343 = arith.constant 0x7F800000 : f32
    %broadcast_in_dim3A_1344 = vector.broadcast %jit3A_1343 : f32 to vector<224x224xf32>
    %select_n3A_1345 = arith.select %and3A_1340, %broadcast_in_dim3A_1344, %select_n3A_1088 : vector<224x224xi1>, vector<224x224xf32>
    %not3A_1346 = arith.constant dense<true> : vector<224x224xi1>
    %not3A_1347 = arith.xori %or3A_1341, %not3A_1346 : vector<224x224xi1>
    %eq3A_1348 = arith.cmpf oeq, %select_n3A_1097, %min3A_1188 : vector<224x224xf32>
    %and3A_1349 = arith.andi %not3A_1347, %eq3A_1348 : vector<224x224xi1>
    %or3A_1350 = arith.ori %or3A_1341, %and3A_1349 : vector<224x224xi1>
    %select_n3A_1351 = arith.select %and3A_1349, %select_n3A_649, %select_n3A_1342 : vector<224x224xi1>, vector<224x224xi32>
    %jit3A_1352 = arith.constant 0x7F800000 : f32
    %broadcast_in_dim3A_1353 = vector.broadcast %jit3A_1352 : f32 to vector<224x224xf32>
    %select_n3A_1354 = arith.select %and3A_1349, %broadcast_in_dim3A_1353, %select_n3A_1097 : vector<224x224xi1>, vector<224x224xf32>
    %not3A_1355 = arith.constant dense<true> : vector<224x224xi1>
    %not3A_1356 = arith.xori %or3A_1350, %not3A_1355 : vector<224x224xi1>
    %eq3A_1357 = arith.cmpf oeq, %select_n3A_1106, %min3A_1188 : vector<224x224xf32>
    %and3A_1358 = arith.andi %not3A_1356, %eq3A_1357 : vector<224x224xi1>
    %or3A_1359 = arith.ori %or3A_1350, %and3A_1358 : vector<224x224xi1>
    %select_n3A_1360 = arith.select %and3A_1358, %select_n3A_687, %select_n3A_1351 : vector<224x224xi1>, vector<224x224xi32>
    %jit3A_1361 = arith.constant 0x7F800000 : f32
    %broadcast_in_dim3A_1362 = vector.broadcast %jit3A_1361 : f32 to vector<224x224xf32>
    %select_n3A_1363 = arith.select %and3A_1358, %broadcast_in_dim3A_1362, %select_n3A_1106 : vector<224x224xi1>, vector<224x224xf32>
    %not3A_1364 = arith.constant dense<true> : vector<224x224xi1>
    %not3A_1365 = arith.xori %or3A_1359, %not3A_1364 : vector<224x224xi1>
    %eq3A_1366 = arith.cmpf oeq, %select_n3A_1115, %min3A_1188 : vector<224x224xf32>
    %and3A_1367 = arith.andi %not3A_1365, %eq3A_1366 : vector<224x224xi1>
    %or3A_1368 = arith.ori %or3A_1359, %and3A_1367 : vector<224x224xi1>
    %select_n3A_1369 = arith.select %and3A_1367, %select_n3A_725, %select_n3A_1360 : vector<224x224xi1>, vector<224x224xi32>
    %jit3A_1370 = arith.constant 0x7F800000 : f32
    %broadcast_in_dim3A_1371 = vector.broadcast %jit3A_1370 : f32 to vector<224x224xf32>
    %select_n3A_1372 = arith.select %and3A_1367, %broadcast_in_dim3A_1371, %select_n3A_1115 : vector<224x224xi1>, vector<224x224xf32>
    %not3A_1373 = arith.constant dense<true> : vector<224x224xi1>
    %not3A_1374 = arith.xori %or3A_1368, %not3A_1373 : vector<224x224xi1>
    %eq3A_1375 = arith.cmpf oeq, %select_n3A_1124, %min3A_1188 : vector<224x224xf32>
    %and3A_1376 = arith.andi %not3A_1374, %eq3A_1375 : vector<224x224xi1>
    %or3A_1377 = arith.ori %or3A_1368, %and3A_1376 : vector<224x224xi1>
    %select_n3A_1378 = arith.select %and3A_1376, %select_n3A_763, %select_n3A_1369 : vector<224x224xi1>, vector<224x224xi32>
    %jit3A_1379 = arith.constant 0x7F800000 : f32
    %broadcast_in_dim3A_1380 = vector.broadcast %jit3A_1379 : f32 to vector<224x224xf32>
    %select_n3A_1381 = arith.select %and3A_1376, %broadcast_in_dim3A_1380, %select_n3A_1124 : vector<224x224xi1>, vector<224x224xf32>
    %not3A_1382 = arith.constant dense<true> : vector<224x224xi1>
    %not3A_1383 = arith.xori %or3A_1377, %not3A_1382 : vector<224x224xi1>
    %eq3A_1384 = arith.cmpf oeq, %select_n3A_1133, %min3A_1188 : vector<224x224xf32>
    %and3A_1385 = arith.andi %not3A_1383, %eq3A_1384 : vector<224x224xi1>
    %or3A_1386 = arith.ori %or3A_1377, %and3A_1385 : vector<224x224xi1>
    %select_n3A_1387 = arith.select %and3A_1385, %select_n3A_801, %select_n3A_1378 : vector<224x224xi1>, vector<224x224xi32>
    %jit3A_1388 = arith.constant 0x7F800000 : f32
    %broadcast_in_dim3A_1389 = vector.broadcast %jit3A_1388 : f32 to vector<224x224xf32>
    %select_n3A_1390 = arith.select %and3A_1385, %broadcast_in_dim3A_1389, %select_n3A_1133 : vector<224x224xi1>, vector<224x224xf32>
    %not3A_1391 = arith.constant dense<true> : vector<224x224xi1>
    %not3A_1392 = arith.xori %or3A_1386, %not3A_1391 : vector<224x224xi1>
    %eq3A_1393 = arith.cmpf oeq, %select_n3A_1142, %min3A_1188 : vector<224x224xf32>
    %and3A_1394 = arith.andi %not3A_1392, %eq3A_1393 : vector<224x224xi1>
    %or3A_1395 = arith.ori %or3A_1386, %and3A_1394 : vector<224x224xi1>
    %select_n3A_1396 = arith.select %and3A_1394, %select_n3A_835, %select_n3A_1387 : vector<224x224xi1>, vector<224x224xi32>
    %jit3A_1397 = arith.constant 0x7F800000 : f32
    %broadcast_in_dim3A_1398 = vector.broadcast %jit3A_1397 : f32 to vector<224x224xf32>
    %select_n3A_1399 = arith.select %and3A_1394, %broadcast_in_dim3A_1398, %select_n3A_1142 : vector<224x224xi1>, vector<224x224xf32>
    %not3A_1400 = arith.constant dense<true> : vector<224x224xi1>
    %not3A_1401 = arith.xori %or3A_1395, %not3A_1400 : vector<224x224xi1>
    %eq3A_1402 = arith.cmpf oeq, %select_n3A_1151, %min3A_1188 : vector<224x224xf32>
    %and3A_1403 = arith.andi %not3A_1401, %eq3A_1402 : vector<224x224xi1>
    %or3A_1404 = arith.ori %or3A_1395, %and3A_1403 : vector<224x224xi1>
    %select_n3A_1405 = arith.select %and3A_1403, %select_n3A_873, %select_n3A_1396 : vector<224x224xi1>, vector<224x224xi32>
    %jit3A_1406 = arith.constant 0x7F800000 : f32
    %broadcast_in_dim3A_1407 = vector.broadcast %jit3A_1406 : f32 to vector<224x224xf32>
    %select_n3A_1408 = arith.select %and3A_1403, %broadcast_in_dim3A_1407, %select_n3A_1151 : vector<224x224xi1>, vector<224x224xf32>
    %not3A_1409 = arith.constant dense<true> : vector<224x224xi1>
    %not3A_1410 = arith.xori %or3A_1404, %not3A_1409 : vector<224x224xi1>
    %eq3A_1411 = arith.cmpf oeq, %select_n3A_1159, %min3A_1188 : vector<224x224xf32>
    %and3A_1412 = arith.andi %not3A_1410, %eq3A_1411 : vector<224x224xi1>
    %select_n3A_1413 = arith.select %and3A_1412, %select_n3A_911, %select_n3A_1405 : vector<224x224xi1>, vector<224x224xi32>
    %jit3A_1414 = arith.constant 0x7F800000 : f32
    %broadcast_in_dim3A_1415 = vector.broadcast %jit3A_1414 : f32 to vector<224x224xf32>
    %select_n3A_1416 = arith.select %and3A_1412, %broadcast_in_dim3A_1415, %select_n3A_1159 : vector<224x224xi1>, vector<224x224xf32>
    %swap3A_1417 = arith.constant 1 : index
    %swap3A_1418 = arith.constant 0 : index
    %swap3A_1419 = arith.constant 0 : index
    %swap3A_1420 = vector.load %arg2[%swap3A_1417, %swap3A_1418, %swap3A_1419] : memref<9x224x224xi32, #tpu.memory_space<vmem>>, vector<1x224x224xi32>
    %swap3A_1421 = vector.shape_cast %swap3A_1420 : vector<1x224x224xi32> to vector<224x224xi32>
    %swap3A_1422 = vector.shape_cast %select_n3A_1413 : vector<224x224xi32> to vector<1x224x224xi32>
    tpu.vector_store %arg2[%swap3A_1417, %swap3A_1418, %swap3A_1419], %swap3A_1422 {strides = array<i32>} : memref<9x224x224xi32, #tpu.memory_space<vmem>>, vector<1x224x224xi32>,
    %min3A_1423 = arith.minimumf %select_n3A_1201, %select_n3A_1210 : vector<224x224xf32>
    %min3A_1424 = arith.minimumf %min3A_1423, %select_n3A_1219 : vector<224x224xf32>
    %min3A_1425 = arith.minimumf %min3A_1424, %select_n3A_1228 : vector<224x224xf32>
    %min3A_1426 = arith.minimumf %min3A_1425, %select_n3A_1237 : vector<224x224xf32>
    %min3A_1427 = arith.minimumf %min3A_1426, %select_n3A_1246 : vector<224x224xf32>
    %min3A_1428 = arith.minimumf %min3A_1427, %select_n3A_1255 : vector<224x224xf32>
    %min3A_1429 = arith.minimumf %min3A_1428, %select_n3A_1264 : vector<224x224xf32>
    %min3A_1430 = arith.minimumf %min3A_1429, %select_n3A_1273 : vector<224x224xf32>
    %min3A_1431 = arith.minimumf %min3A_1430, %select_n3A_1282 : vector<224x224xf32>
    %min3A_1432 = arith.minimumf %min3A_1431, %select_n3A_1291 : vector<224x224xf32>
    %min3A_1433 = arith.minimumf %min3A_1432, %select_n3A_1300 : vector<224x224xf32>
    %min3A_1434 = arith.minimumf %min3A_1433, %select_n3A_1309 : vector<224x224xf32>
    %min3A_1435 = arith.minimumf %min3A_1434, %select_n3A_1318 : vector<224x224xf32>
    %min3A_1436 = arith.minimumf %min3A_1435, %select_n3A_1327 : vector<224x224xf32>
    %min3A_1437 = arith.minimumf %min3A_1436, %select_n3A_1336 : vector<224x224xf32>
    %min3A_1438 = arith.minimumf %min3A_1437, %select_n3A_1345 : vector<224x224xf32>
    %min3A_1439 = arith.minimumf %min3A_1438, %select_n3A_1354 : vector<224x224xf32>
    %min3A_1440 = arith.minimumf %min3A_1439, %select_n3A_1363 : vector<224x224xf32>
    %min3A_1441 = arith.minimumf %min3A_1440, %select_n3A_1372 : vector<224x224xf32>
    %min3A_1442 = arith.minimumf %min3A_1441, %select_n3A_1381 : vector<224x224xf32>
    %min3A_1443 = arith.minimumf %min3A_1442, %select_n3A_1390 : vector<224x224xf32>
    %min3A_1444 = arith.minimumf %min3A_1443, %select_n3A_1399 : vector<224x224xf32>
    %min3A_1445 = arith.minimumf %min3A_1444, %select_n3A_1408 : vector<224x224xf32>
    %min3A_1446 = arith.minimumf %min3A_1445, %select_n3A_1416 : vector<224x224xf32>
    %broadcast_in_dim3A_1447 = arith.constant false
    %broadcast_in_dim3A_1448 = vector.broadcast %broadcast_in_dim3A_1447 : i1 to vector<224x224xi1>
    %broadcast_in_dim3A_1449 = arith.constant 50176 : i32
    %broadcast_in_dim3A_1450 = vector.broadcast %broadcast_in_dim3A_1449 : i32 to vector<224x224xi32>
    %not3A_1451 = arith.constant dense<true> : vector<224x224xi1>
    %not3A_1452 = arith.xori %broadcast_in_dim3A_1448, %not3A_1451 : vector<224x224xi1>
    %eq3A_1453 = arith.cmpf oeq, %select_n3A_1201, %min3A_1446 : vector<224x224xf32>
    %and3A_1454 = arith.andi %not3A_1452, %eq3A_1453 : vector<224x224xi1>
    %or3A_1455 = arith.ori %broadcast_in_dim3A_1448, %and3A_1454 : vector<224x224xi1>
    %select_n3A_1456 = arith.select %and3A_1454, %select_n3A, %broadcast_in_dim3A_1450 : vector<224x224xi1>, vector<224x224xi32>
    %jit3A_1457 = arith.constant 0x7F800000 : f32
    %broadcast_in_dim3A_1458 = vector.broadcast %jit3A_1457 : f32 to vector<224x224xf32>
    %select_n3A_1459 = arith.select %and3A_1454, %broadcast_in_dim3A_1458, %select_n3A_1201 : vector<224x224xi1>, vector<224x224xf32>
    %not3A_1460 = arith.constant dense<true> : vector<224x224xi1>
    %not3A_1461 = arith.xori %or3A_1455, %not3A_1460 : vector<224x224xi1>
    %eq3A_1462 = arith.cmpf oeq, %select_n3A_1210, %min3A_1446 : vector<224x224xf32>
    %and3A_1463 = arith.andi %not3A_1461, %eq3A_1462 : vector<224x224xi1>
    %or3A_1464 = arith.ori %or3A_1455, %and3A_1463 : vector<224x224xi1>
    %select_n3A_1465 = arith.select %and3A_1463, %select_n3A_77, %select_n3A_1456 : vector<224x224xi1>, vector<224x224xi32>
    %jit3A_1466 = arith.constant 0x7F800000 : f32
    %broadcast_in_dim3A_1467 = vector.broadcast %jit3A_1466 : f32 to vector<224x224xf32>
    %select_n3A_1468 = arith.select %and3A_1463, %broadcast_in_dim3A_1467, %select_n3A_1210 : vector<224x224xi1>, vector<224x224xf32>
    %not3A_1469 = arith.constant dense<true> : vector<224x224xi1>
    %not3A_1470 = arith.xori %or3A_1464, %not3A_1469 : vector<224x224xi1>
    %eq3A_1471 = arith.cmpf oeq, %select_n3A_1219, %min3A_1446 : vector<224x224xf32>
    %and3A_1472 = arith.andi %not3A_1470, %eq3A_1471 : vector<224x224xi1>
    %or3A_1473 = arith.ori %or3A_1464, %and3A_1472 : vector<224x224xi1>
    %select_n3A_1474 = arith.select %and3A_1472, %select_n3A_111, %select_n3A_1465 : vector<224x224xi1>, vector<224x224xi32>
    %jit3A_1475 = arith.constant 0x7F800000 : f32
    %broadcast_in_dim3A_1476 = vector.broadcast %jit3A_1475 : f32 to vector<224x224xf32>
    %select_n3A_1477 = arith.select %and3A_1472, %broadcast_in_dim3A_1476, %select_n3A_1219 : vector<224x224xi1>, vector<224x224xf32>
    %not3A_1478 = arith.constant dense<true> : vector<224x224xi1>
    %not3A_1479 = arith.xori %or3A_1473, %not3A_1478 : vector<224x224xi1>
    %eq3A_1480 = arith.cmpf oeq, %select_n3A_1228, %min3A_1446 : vector<224x224xf32>
    %and3A_1481 = arith.andi %not3A_1479, %eq3A_1480 : vector<224x224xi1>
    %or3A_1482 = arith.ori %or3A_1473, %and3A_1481 : vector<224x224xi1>
    %select_n3A_1483 = arith.select %and3A_1481, %select_n3A_149, %select_n3A_1474 : vector<224x224xi1>, vector<224x224xi32>
    %jit3A_1484 = arith.constant 0x7F800000 : f32
    %broadcast_in_dim3A_1485 = vector.broadcast %jit3A_1484 : f32 to vector<224x224xf32>
    %select_n3A_1486 = arith.select %and3A_1481, %broadcast_in_dim3A_1485, %select_n3A_1228 : vector<224x224xi1>, vector<224x224xf32>
    %not3A_1487 = arith.constant dense<true> : vector<224x224xi1>
    %not3A_1488 = arith.xori %or3A_1482, %not3A_1487 : vector<224x224xi1>
    %eq3A_1489 = arith.cmpf oeq, %select_n3A_1237, %min3A_1446 : vector<224x224xf32>
    %and3A_1490 = arith.andi %not3A_1488, %eq3A_1489 : vector<224x224xi1>
    %or3A_1491 = arith.ori %or3A_1482, %and3A_1490 : vector<224x224xi1>
    %select_n3A_1492 = arith.select %and3A_1490, %select_n3A_187, %select_n3A_1483 : vector<224x224xi1>, vector<224x224xi32>
    %jit3A_1493 = arith.constant 0x7F800000 : f32
    %broadcast_in_dim3A_1494 = vector.broadcast %jit3A_1493 : f32 to vector<224x224xf32>
    %select_n3A_1495 = arith.select %and3A_1490, %broadcast_in_dim3A_1494, %select_n3A_1237 : vector<224x224xi1>, vector<224x224xf32>
    %not3A_1496 = arith.constant dense<true> : vector<224x224xi1>
    %not3A_1497 = arith.xori %or3A_1491, %not3A_1496 : vector<224x224xi1>
    %eq3A_1498 = arith.cmpf oeq, %select_n3A_1246, %min3A_1446 : vector<224x224xf32>
    %and3A_1499 = arith.andi %not3A_1497, %eq3A_1498 : vector<224x224xi1>
    %or3A_1500 = arith.ori %or3A_1491, %and3A_1499 : vector<224x224xi1>
    %select_n3A_1501 = arith.select %and3A_1499, %select_n3A_225, %select_n3A_1492 : vector<224x224xi1>, vector<224x224xi32>
    %jit3A_1502 = arith.constant 0x7F800000 : f32
    %broadcast_in_dim3A_1503 = vector.broadcast %jit3A_1502 : f32 to vector<224x224xf32>
    %select_n3A_1504 = arith.select %and3A_1499, %broadcast_in_dim3A_1503, %select_n3A_1246 : vector<224x224xi1>, vector<224x224xf32>
    %not3A_1505 = arith.constant dense<true> : vector<224x224xi1>
    %not3A_1506 = arith.xori %or3A_1500, %not3A_1505 : vector<224x224xi1>
    %eq3A_1507 = arith.cmpf oeq, %select_n3A_1255, %min3A_1446 : vector<224x224xf32>
    %and3A_1508 = arith.andi %not3A_1506, %eq3A_1507 : vector<224x224xi1>
    %or3A_1509 = arith.ori %or3A_1500, %and3A_1508 : vector<224x224xi1>
    %select_n3A_1510 = arith.select %and3A_1508, %select_n3A_263, %select_n3A_1501 : vector<224x224xi1>, vector<224x224xi32>
    %jit3A_1511 = arith.constant 0x7F800000 : f32
    %broadcast_in_dim3A_1512 = vector.broadcast %jit3A_1511 : f32 to vector<224x224xf32>
    %select_n3A_1513 = arith.select %and3A_1508, %broadcast_in_dim3A_1512, %select_n3A_1255 : vector<224x224xi1>, vector<224x224xf32>
    %not3A_1514 = arith.constant dense<true> : vector<224x224xi1>
    %not3A_1515 = arith.xori %or3A_1509, %not3A_1514 : vector<224x224xi1>
    %eq3A_1516 = arith.cmpf oeq, %select_n3A_1264, %min3A_1446 : vector<224x224xf32>
    %and3A_1517 = arith.andi %not3A_1515, %eq3A_1516 : vector<224x224xi1>
    %or3A_1518 = arith.ori %or3A_1509, %and3A_1517 : vector<224x224xi1>
    %select_n3A_1519 = arith.select %and3A_1517, %select_n3A_297, %select_n3A_1510 : vector<224x224xi1>, vector<224x224xi32>
    %jit3A_1520 = arith.constant 0x7F800000 : f32
    %broadcast_in_dim3A_1521 = vector.broadcast %jit3A_1520 : f32 to vector<224x224xf32>
    %select_n3A_1522 = arith.select %and3A_1517, %broadcast_in_dim3A_1521, %select_n3A_1264 : vector<224x224xi1>, vector<224x224xf32>
    %not3A_1523 = arith.constant dense<true> : vector<224x224xi1>
    %not3A_1524 = arith.xori %or3A_1518, %not3A_1523 : vector<224x224xi1>
    %eq3A_1525 = arith.cmpf oeq, %select_n3A_1273, %min3A_1446 : vector<224x224xf32>
    %and3A_1526 = arith.andi %not3A_1524, %eq3A_1525 : vector<224x224xi1>
    %or3A_1527 = arith.ori %or3A_1518, %and3A_1526 : vector<224x224xi1>
    %select_n3A_1528 = arith.select %and3A_1526, %select_n3A_335, %select_n3A_1519 : vector<224x224xi1>, vector<224x224xi32>
    %jit3A_1529 = arith.constant 0x7F800000 : f32
    %broadcast_in_dim3A_1530 = vector.broadcast %jit3A_1529 : f32 to vector<224x224xf32>
    %select_n3A_1531 = arith.select %and3A_1526, %broadcast_in_dim3A_1530, %select_n3A_1273 : vector<224x224xi1>, vector<224x224xf32>
    %not3A_1532 = arith.constant dense<true> : vector<224x224xi1>
    %not3A_1533 = arith.xori %or3A_1527, %not3A_1532 : vector<224x224xi1>
    %eq3A_1534 = arith.cmpf oeq, %select_n3A_1282, %min3A_1446 : vector<224x224xf32>
    %and3A_1535 = arith.andi %not3A_1533, %eq3A_1534 : vector<224x224xi1>
    %or3A_1536 = arith.ori %or3A_1527, %and3A_1535 : vector<224x224xi1>
    %select_n3A_1537 = arith.select %and3A_1535, %select_n3A_373, %select_n3A_1528 : vector<224x224xi1>, vector<224x224xi32>
    %jit3A_1538 = arith.constant 0x7F800000 : f32
    %broadcast_in_dim3A_1539 = vector.broadcast %jit3A_1538 : f32 to vector<224x224xf32>
    %select_n3A_1540 = arith.select %and3A_1535, %broadcast_in_dim3A_1539, %select_n3A_1282 : vector<224x224xi1>, vector<224x224xf32>
    %not3A_1541 = arith.constant dense<true> : vector<224x224xi1>
    %not3A_1542 = arith.xori %or3A_1536, %not3A_1541 : vector<224x224xi1>
    %eq3A_1543 = arith.cmpf oeq, %select_n3A_1291, %min3A_1446 : vector<224x224xf32>
    %and3A_1544 = arith.andi %not3A_1542, %eq3A_1543 : vector<224x224xi1>
    %or3A_1545 = arith.ori %or3A_1536, %and3A_1544 : vector<224x224xi1>
    %select_n3A_1546 = arith.select %and3A_1544, %select_n3A_407, %select_n3A_1537 : vector<224x224xi1>, vector<224x224xi32>
    %jit3A_1547 = arith.constant 0x7F800000 : f32
    %broadcast_in_dim3A_1548 = vector.broadcast %jit3A_1547 : f32 to vector<224x224xf32>
    %select_n3A_1549 = arith.select %and3A_1544, %broadcast_in_dim3A_1548, %select_n3A_1291 : vector<224x224xi1>, vector<224x224xf32>
    %not3A_1550 = arith.constant dense<true> : vector<224x224xi1>
    %not3A_1551 = arith.xori %or3A_1545, %not3A_1550 : vector<224x224xi1>
    %eq3A_1552 = arith.cmpf oeq, %select_n3A_1300, %min3A_1446 : vector<224x224xf32>
    %and3A_1553 = arith.andi %not3A_1551, %eq3A_1552 : vector<224x224xi1>
    %or3A_1554 = arith.ori %or3A_1545, %and3A_1553 : vector<224x224xi1>
    %select_n3A_1555 = arith.select %and3A_1553, %select_n3A_441, %select_n3A_1546 : vector<224x224xi1>, vector<224x224xi32>
    %jit3A_1556 = arith.constant 0x7F800000 : f32
    %broadcast_in_dim3A_1557 = vector.broadcast %jit3A_1556 : f32 to vector<224x224xf32>
    %select_n3A_1558 = arith.select %and3A_1553, %broadcast_in_dim3A_1557, %select_n3A_1300 : vector<224x224xi1>, vector<224x224xf32>
    %not3A_1559 = arith.constant dense<true> : vector<224x224xi1>
    %not3A_1560 = arith.xori %or3A_1554, %not3A_1559 : vector<224x224xi1>
    %eq3A_1561 = arith.cmpf oeq, %select_n3A_1309, %min3A_1446 : vector<224x224xf32>
    %and3A_1562 = arith.andi %not3A_1560, %eq3A_1561 : vector<224x224xi1>
    %or3A_1563 = arith.ori %or3A_1554, %and3A_1562 : vector<224x224xi1>
    %select_n3A_1564 = arith.select %and3A_1562, %select_n3A_471, %select_n3A_1555 : vector<224x224xi1>, vector<224x224xi32>
    %jit3A_1565 = arith.constant 0x7F800000 : f32
    %broadcast_in_dim3A_1566 = vector.broadcast %jit3A_1565 : f32 to vector<224x224xf32>
    %select_n3A_1567 = arith.select %and3A_1562, %broadcast_in_dim3A_1566, %select_n3A_1309 : vector<224x224xi1>, vector<224x224xf32>
    %not3A_1568 = arith.constant dense<true> : vector<224x224xi1>
    %not3A_1569 = arith.xori %or3A_1563, %not3A_1568 : vector<224x224xi1>
    %eq3A_1570 = arith.cmpf oeq, %select_n3A_1318, %min3A_1446 : vector<224x224xf32>
    %and3A_1571 = arith.andi %not3A_1569, %eq3A_1570 : vector<224x224xi1>
    %or3A_1572 = arith.ori %or3A_1563, %and3A_1571 : vector<224x224xi1>
    %select_n3A_1573 = arith.select %and3A_1571, %select_n3A_505, %select_n3A_1564 : vector<224x224xi1>, vector<224x224xi32>
    %jit3A_1574 = arith.constant 0x7F800000 : f32
    %broadcast_in_dim3A_1575 = vector.broadcast %jit3A_1574 : f32 to vector<224x224xf32>
    %select_n3A_1576 = arith.select %and3A_1571, %broadcast_in_dim3A_1575, %select_n3A_1318 : vector<224x224xi1>, vector<224x224xf32>
    %not3A_1577 = arith.constant dense<true> : vector<224x224xi1>
    %not3A_1578 = arith.xori %or3A_1572, %not3A_1577 : vector<224x224xi1>
    %eq3A_1579 = arith.cmpf oeq, %select_n3A_1327, %min3A_1446 : vector<224x224xf32>
    %and3A_1580 = arith.andi %not3A_1578, %eq3A_1579 : vector<224x224xi1>
    %or3A_1581 = arith.ori %or3A_1572, %and3A_1580 : vector<224x224xi1>
    %select_n3A_1582 = arith.select %and3A_1580, %select_n3A_539, %select_n3A_1573 : vector<224x224xi1>, vector<224x224xi32>
    %jit3A_1583 = arith.constant 0x7F800000 : f32
    %broadcast_in_dim3A_1584 = vector.broadcast %jit3A_1583 : f32 to vector<224x224xf32>
    %select_n3A_1585 = arith.select %and3A_1580, %broadcast_in_dim3A_1584, %select_n3A_1327 : vector<224x224xi1>, vector<224x224xf32>
    %not3A_1586 = arith.constant dense<true> : vector<224x224xi1>
    %not3A_1587 = arith.xori %or3A_1581, %not3A_1586 : vector<224x224xi1>
    %eq3A_1588 = arith.cmpf oeq, %select_n3A_1336, %min3A_1446 : vector<224x224xf32>
    %and3A_1589 = arith.andi %not3A_1587, %eq3A_1588 : vector<224x224xi1>
    %or3A_1590 = arith.ori %or3A_1581, %and3A_1589 : vector<224x224xi1>
    %select_n3A_1591 = arith.select %and3A_1589, %select_n3A_577, %select_n3A_1582 : vector<224x224xi1>, vector<224x224xi32>
    %jit3A_1592 = arith.constant 0x7F800000 : f32
    %broadcast_in_dim3A_1593 = vector.broadcast %jit3A_1592 : f32 to vector<224x224xf32>
    %select_n3A_1594 = arith.select %and3A_1589, %broadcast_in_dim3A_1593, %select_n3A_1336 : vector<224x224xi1>, vector<224x224xf32>
    %not3A_1595 = arith.constant dense<true> : vector<224x224xi1>
    %not3A_1596 = arith.xori %or3A_1590, %not3A_1595 : vector<224x224xi1>
    %eq3A_1597 = arith.cmpf oeq, %select_n3A_1345, %min3A_1446 : vector<224x224xf32>
    %and3A_1598 = arith.andi %not3A_1596, %eq3A_1597 : vector<224x224xi1>
    %or3A_1599 = arith.ori %or3A_1590, %and3A_1598 : vector<224x224xi1>
    %select_n3A_1600 = arith.select %and3A_1598, %select_n3A_615, %select_n3A_1591 : vector<224x224xi1>, vector<224x224xi32>
    %jit3A_1601 = arith.constant 0x7F800000 : f32
    %broadcast_in_dim3A_1602 = vector.broadcast %jit3A_1601 : f32 to vector<224x224xf32>
    %select_n3A_1603 = arith.select %and3A_1598, %broadcast_in_dim3A_1602, %select_n3A_1345 : vector<224x224xi1>, vector<224x224xf32>
    %not3A_1604 = arith.constant dense<true> : vector<224x224xi1>
    %not3A_1605 = arith.xori %or3A_1599, %not3A_1604 : vector<224x224xi1>
    %eq3A_1606 = arith.cmpf oeq, %select_n3A_1354, %min3A_1446 : vector<224x224xf32>
    %and3A_1607 = arith.andi %not3A_1605, %eq3A_1606 : vector<224x224xi1>
    %or3A_1608 = arith.ori %or3A_1599, %and3A_1607 : vector<224x224xi1>
    %select_n3A_1609 = arith.select %and3A_1607, %select_n3A_649, %select_n3A_1600 : vector<224x224xi1>, vector<224x224xi32>
    %jit3A_1610 = arith.constant 0x7F800000 : f32
    %broadcast_in_dim3A_1611 = vector.broadcast %jit3A_1610 : f32 to vector<224x224xf32>
    %select_n3A_1612 = arith.select %and3A_1607, %broadcast_in_dim3A_1611, %select_n3A_1354 : vector<224x224xi1>, vector<224x224xf32>
    %not3A_1613 = arith.constant dense<true> : vector<224x224xi1>
    %not3A_1614 = arith.xori %or3A_1608, %not3A_1613 : vector<224x224xi1>
    %eq3A_1615 = arith.cmpf oeq, %select_n3A_1363, %min3A_1446 : vector<224x224xf32>
    %and3A_1616 = arith.andi %not3A_1614, %eq3A_1615 : vector<224x224xi1>
    %or3A_1617 = arith.ori %or3A_1608, %and3A_1616 : vector<224x224xi1>
    %select_n3A_1618 = arith.select %and3A_1616, %select_n3A_687, %select_n3A_1609 : vector<224x224xi1>, vector<224x224xi32>
    %jit3A_1619 = arith.constant 0x7F800000 : f32
    %broadcast_in_dim3A_1620 = vector.broadcast %jit3A_1619 : f32 to vector<224x224xf32>
    %select_n3A_1621 = arith.select %and3A_1616, %broadcast_in_dim3A_1620, %select_n3A_1363 : vector<224x224xi1>, vector<224x224xf32>
    %not3A_1622 = arith.constant dense<true> : vector<224x224xi1>
    %not3A_1623 = arith.xori %or3A_1617, %not3A_1622 : vector<224x224xi1>
    %eq3A_1624 = arith.cmpf oeq, %select_n3A_1372, %min3A_1446 : vector<224x224xf32>
    %and3A_1625 = arith.andi %not3A_1623, %eq3A_1624 : vector<224x224xi1>
    %or3A_1626 = arith.ori %or3A_1617, %and3A_1625 : vector<224x224xi1>
    %select_n3A_1627 = arith.select %and3A_1625, %select_n3A_725, %select_n3A_1618 : vector<224x224xi1>, vector<224x224xi32>
    %jit3A_1628 = arith.constant 0x7F800000 : f32
    %broadcast_in_dim3A_1629 = vector.broadcast %jit3A_1628 : f32 to vector<224x224xf32>
    %select_n3A_1630 = arith.select %and3A_1625, %broadcast_in_dim3A_1629, %select_n3A_1372 : vector<224x224xi1>, vector<224x224xf32>
    %not3A_1631 = arith.constant dense<true> : vector<224x224xi1>
    %not3A_1632 = arith.xori %or3A_1626, %not3A_1631 : vector<224x224xi1>
    %eq3A_1633 = arith.cmpf oeq, %select_n3A_1381, %min3A_1446 : vector<224x224xf32>
    %and3A_1634 = arith.andi %not3A_1632, %eq3A_1633 : vector<224x224xi1>
    %or3A_1635 = arith.ori %or3A_1626, %and3A_1634 : vector<224x224xi1>
    %select_n3A_1636 = arith.select %and3A_1634, %select_n3A_763, %select_n3A_1627 : vector<224x224xi1>, vector<224x224xi32>
    %jit3A_1637 = arith.constant 0x7F800000 : f32
    %broadcast_in_dim3A_1638 = vector.broadcast %jit3A_1637 : f32 to vector<224x224xf32>
    %select_n3A_1639 = arith.select %and3A_1634, %broadcast_in_dim3A_1638, %select_n3A_1381 : vector<224x224xi1>, vector<224x224xf32>
    %not3A_1640 = arith.constant dense<true> : vector<224x224xi1>
    %not3A_1641 = arith.xori %or3A_1635, %not3A_1640 : vector<224x224xi1>
    %eq3A_1642 = arith.cmpf oeq, %select_n3A_1390, %min3A_1446 : vector<224x224xf32>
    %and3A_1643 = arith.andi %not3A_1641, %eq3A_1642 : vector<224x224xi1>
    %or3A_1644 = arith.ori %or3A_1635, %and3A_1643 : vector<224x224xi1>
    %select_n3A_1645 = arith.select %and3A_1643, %select_n3A_801, %select_n3A_1636 : vector<224x224xi1>, vector<224x224xi32>
    %jit3A_1646 = arith.constant 0x7F800000 : f32
    %broadcast_in_dim3A_1647 = vector.broadcast %jit3A_1646 : f32 to vector<224x224xf32>
    %select_n3A_1648 = arith.select %and3A_1643, %broadcast_in_dim3A_1647, %select_n3A_1390 : vector<224x224xi1>, vector<224x224xf32>
    %not3A_1649 = arith.constant dense<true> : vector<224x224xi1>
    %not3A_1650 = arith.xori %or3A_1644, %not3A_1649 : vector<224x224xi1>
    %eq3A_1651 = arith.cmpf oeq, %select_n3A_1399, %min3A_1446 : vector<224x224xf32>
    %and3A_1652 = arith.andi %not3A_1650, %eq3A_1651 : vector<224x224xi1>
    %or3A_1653 = arith.ori %or3A_1644, %and3A_1652 : vector<224x224xi1>
    %select_n3A_1654 = arith.select %and3A_1652, %select_n3A_835, %select_n3A_1645 : vector<224x224xi1>, vector<224x224xi32>
    %jit3A_1655 = arith.constant 0x7F800000 : f32
    %broadcast_in_dim3A_1656 = vector.broadcast %jit3A_1655 : f32 to vector<224x224xf32>
    %select_n3A_1657 = arith.select %and3A_1652, %broadcast_in_dim3A_1656, %select_n3A_1399 : vector<224x224xi1>, vector<224x224xf32>
    %not3A_1658 = arith.constant dense<true> : vector<224x224xi1>
    %not3A_1659 = arith.xori %or3A_1653, %not3A_1658 : vector<224x224xi1>
    %eq3A_1660 = arith.cmpf oeq, %select_n3A_1408, %min3A_1446 : vector<224x224xf32>
    %and3A_1661 = arith.andi %not3A_1659, %eq3A_1660 : vector<224x224xi1>
    %or3A_1662 = arith.ori %or3A_1653, %and3A_1661 : vector<224x224xi1>
    %select_n3A_1663 = arith.select %and3A_1661, %select_n3A_873, %select_n3A_1654 : vector<224x224xi1>, vector<224x224xi32>
    %jit3A_1664 = arith.constant 0x7F800000 : f32
    %broadcast_in_dim3A_1665 = vector.broadcast %jit3A_1664 : f32 to vector<224x224xf32>
    %select_n3A_1666 = arith.select %and3A_1661, %broadcast_in_dim3A_1665, %select_n3A_1408 : vector<224x224xi1>, vector<224x224xf32>
    %not3A_1667 = arith.constant dense<true> : vector<224x224xi1>
    %not3A_1668 = arith.xori %or3A_1662, %not3A_1667 : vector<224x224xi1>
    %eq3A_1669 = arith.cmpf oeq, %select_n3A_1416, %min3A_1446 : vector<224x224xf32>
    %and3A_1670 = arith.andi %not3A_1668, %eq3A_1669 : vector<224x224xi1>
    %select_n3A_1671 = arith.select %and3A_1670, %select_n3A_911, %select_n3A_1663 : vector<224x224xi1>, vector<224x224xi32>
    %jit3A_1672 = arith.constant 0x7F800000 : f32
    %broadcast_in_dim3A_1673 = vector.broadcast %jit3A_1672 : f32 to vector<224x224xf32>
    %select_n3A_1674 = arith.select %and3A_1670, %broadcast_in_dim3A_1673, %select_n3A_1416 : vector<224x224xi1>, vector<224x224xf32>
    %swap3A_1675 = arith.constant 2 : index
    %swap3A_1676 = arith.constant 0 : index
    %swap3A_1677 = arith.constant 0 : index
    %swap3A_1678 = vector.load %arg2[%swap3A_1675, %swap3A_1676, %swap3A_1677] : memref<9x224x224xi32, #tpu.memory_space<vmem>>, vector<1x224x224xi32>
    %swap3A_1679 = vector.shape_cast %swap3A_1678 : vector<1x224x224xi32> to vector<224x224xi32>
    %swap3A_1680 = vector.shape_cast %select_n3A_1671 : vector<224x224xi32> to vector<1x224x224xi32>
    tpu.vector_store %arg2[%swap3A_1675, %swap3A_1676, %swap3A_1677], %swap3A_1680 {strides = array<i32>} : memref<9x224x224xi32, #tpu.memory_space<vmem>>, vector<1x224x224xi32>,
    %min3A_1681 = arith.minimumf %select_n3A_1459, %select_n3A_1468 : vector<224x224xf32>
    %min3A_1682 = arith.minimumf %min3A_1681, %select_n3A_1477 : vector<224x224xf32>
    %min3A_1683 = arith.minimumf %min3A_1682, %select_n3A_1486 : vector<224x224xf32>
    %min3A_1684 = arith.minimumf %min3A_1683, %select_n3A_1495 : vector<224x224xf32>
    %min3A_1685 = arith.minimumf %min3A_1684, %select_n3A_1504 : vector<224x224xf32>
    %min3A_1686 = arith.minimumf %min3A_1685, %select_n3A_1513 : vector<224x224xf32>
    %min3A_1687 = arith.minimumf %min3A_1686, %select_n3A_1522 : vector<224x224xf32>
    %min3A_1688 = arith.minimumf %min3A_1687, %select_n3A_1531 : vector<224x224xf32>
    %min3A_1689 = arith.minimumf %min3A_1688, %select_n3A_1540 : vector<224x224xf32>
    %min3A_1690 = arith.minimumf %min3A_1689, %select_n3A_1549 : vector<224x224xf32>
    %min3A_1691 = arith.minimumf %min3A_1690, %select_n3A_1558 : vector<224x224xf32>
    %min3A_1692 = arith.minimumf %min3A_1691, %select_n3A_1567 : vector<224x224xf32>
    %min3A_1693 = arith.minimumf %min3A_1692, %select_n3A_1576 : vector<224x224xf32>
    %min3A_1694 = arith.minimumf %min3A_1693, %select_n3A_1585 : vector<224x224xf32>
    %min3A_1695 = arith.minimumf %min3A_1694, %select_n3A_1594 : vector<224x224xf32>
    %min3A_1696 = arith.minimumf %min3A_1695, %select_n3A_1603 : vector<224x224xf32>
    %min3A_1697 = arith.minimumf %min3A_1696, %select_n3A_1612 : vector<224x224xf32>
    %min3A_1698 = arith.minimumf %min3A_1697, %select_n3A_1621 : vector<224x224xf32>
    %min3A_1699 = arith.minimumf %min3A_1698, %select_n3A_1630 : vector<224x224xf32>
    %min3A_1700 = arith.minimumf %min3A_1699, %select_n3A_1639 : vector<224x224xf32>
    %min3A_1701 = arith.minimumf %min3A_1700, %select_n3A_1648 : vector<224x224xf32>
    %min3A_1702 = arith.minimumf %min3A_1701, %select_n3A_1657 : vector<224x224xf32>
    %min3A_1703 = arith.minimumf %min3A_1702, %select_n3A_1666 : vector<224x224xf32>
    %min3A_1704 = arith.minimumf %min3A_1703, %select_n3A_1674 : vector<224x224xf32>
    %broadcast_in_dim3A_1705 = arith.constant false
    %broadcast_in_dim3A_1706 = vector.broadcast %broadcast_in_dim3A_1705 : i1 to vector<224x224xi1>
    %broadcast_in_dim3A_1707 = arith.constant 50176 : i32
    %broadcast_in_dim3A_1708 = vector.broadcast %broadcast_in_dim3A_1707 : i32 to vector<224x224xi32>
    %not3A_1709 = arith.constant dense<true> : vector<224x224xi1>
    %not3A_1710 = arith.xori %broadcast_in_dim3A_1706, %not3A_1709 : vector<224x224xi1>
    %eq3A_1711 = arith.cmpf oeq, %select_n3A_1459, %min3A_1704 : vector<224x224xf32>
    %and3A_1712 = arith.andi %not3A_1710, %eq3A_1711 : vector<224x224xi1>
    %or3A_1713 = arith.ori %broadcast_in_dim3A_1706, %and3A_1712 : vector<224x224xi1>
    %select_n3A_1714 = arith.select %and3A_1712, %select_n3A, %broadcast_in_dim3A_1708 : vector<224x224xi1>, vector<224x224xi32>
    %jit3A_1715 = arith.constant 0x7F800000 : f32
    %broadcast_in_dim3A_1716 = vector.broadcast %jit3A_1715 : f32 to vector<224x224xf32>
    %select_n3A_1717 = arith.select %and3A_1712, %broadcast_in_dim3A_1716, %select_n3A_1459 : vector<224x224xi1>, vector<224x224xf32>
    %not3A_1718 = arith.constant dense<true> : vector<224x224xi1>
    %not3A_1719 = arith.xori %or3A_1713, %not3A_1718 : vector<224x224xi1>
    %eq3A_1720 = arith.cmpf oeq, %select_n3A_1468, %min3A_1704 : vector<224x224xf32>
    %and3A_1721 = arith.andi %not3A_1719, %eq3A_1720 : vector<224x224xi1>
    %or3A_1722 = arith.ori %or3A_1713, %and3A_1721 : vector<224x224xi1>
    %select_n3A_1723 = arith.select %and3A_1721, %select_n3A_77, %select_n3A_1714 : vector<224x224xi1>, vector<224x224xi32>
    %jit3A_1724 = arith.constant 0x7F800000 : f32
    %broadcast_in_dim3A_1725 = vector.broadcast %jit3A_1724 : f32 to vector<224x224xf32>
    %select_n3A_1726 = arith.select %and3A_1721, %broadcast_in_dim3A_1725, %select_n3A_1468 : vector<224x224xi1>, vector<224x224xf32>
    %not3A_1727 = arith.constant dense<true> : vector<224x224xi1>
    %not3A_1728 = arith.xori %or3A_1722, %not3A_1727 : vector<224x224xi1>
    %eq3A_1729 = arith.cmpf oeq, %select_n3A_1477, %min3A_1704 : vector<224x224xf32>
    %and3A_1730 = arith.andi %not3A_1728, %eq3A_1729 : vector<224x224xi1>
    %or3A_1731 = arith.ori %or3A_1722, %and3A_1730 : vector<224x224xi1>
    %select_n3A_1732 = arith.select %and3A_1730, %select_n3A_111, %select_n3A_1723 : vector<224x224xi1>, vector<224x224xi32>
    %jit3A_1733 = arith.constant 0x7F800000 : f32
    %broadcast_in_dim3A_1734 = vector.broadcast %jit3A_1733 : f32 to vector<224x224xf32>
    %select_n3A_1735 = arith.select %and3A_1730, %broadcast_in_dim3A_1734, %select_n3A_1477 : vector<224x224xi1>, vector<224x224xf32>
    %not3A_1736 = arith.constant dense<true> : vector<224x224xi1>
    %not3A_1737 = arith.xori %or3A_1731, %not3A_1736 : vector<224x224xi1>
    %eq3A_1738 = arith.cmpf oeq, %select_n3A_1486, %min3A_1704 : vector<224x224xf32>
    %and3A_1739 = arith.andi %not3A_1737, %eq3A_1738 : vector<224x224xi1>
    %or3A_1740 = arith.ori %or3A_1731, %and3A_1739 : vector<224x224xi1>
    %select_n3A_1741 = arith.select %and3A_1739, %select_n3A_149, %select_n3A_1732 : vector<224x224xi1>, vector<224x224xi32>
    %jit3A_1742 = arith.constant 0x7F800000 : f32
    %broadcast_in_dim3A_1743 = vector.broadcast %jit3A_1742 : f32 to vector<224x224xf32>
    %select_n3A_1744 = arith.select %and3A_1739, %broadcast_in_dim3A_1743, %select_n3A_1486 : vector<224x224xi1>, vector<224x224xf32>
    %not3A_1745 = arith.constant dense<true> : vector<224x224xi1>
    %not3A_1746 = arith.xori %or3A_1740, %not3A_1745 : vector<224x224xi1>
    %eq3A_1747 = arith.cmpf oeq, %select_n3A_1495, %min3A_1704 : vector<224x224xf32>
    %and3A_1748 = arith.andi %not3A_1746, %eq3A_1747 : vector<224x224xi1>
    %or3A_1749 = arith.ori %or3A_1740, %and3A_1748 : vector<224x224xi1>
    %select_n3A_1750 = arith.select %and3A_1748, %select_n3A_187, %select_n3A_1741 : vector<224x224xi1>, vector<224x224xi32>
    %jit3A_1751 = arith.constant 0x7F800000 : f32
    %broadcast_in_dim3A_1752 = vector.broadcast %jit3A_1751 : f32 to vector<224x224xf32>
    %select_n3A_1753 = arith.select %and3A_1748, %broadcast_in_dim3A_1752, %select_n3A_1495 : vector<224x224xi1>, vector<224x224xf32>
    %not3A_1754 = arith.constant dense<true> : vector<224x224xi1>
    %not3A_1755 = arith.xori %or3A_1749, %not3A_1754 : vector<224x224xi1>
    %eq3A_1756 = arith.cmpf oeq, %select_n3A_1504, %min3A_1704 : vector<224x224xf32>
    %and3A_1757 = arith.andi %not3A_1755, %eq3A_1756 : vector<224x224xi1>
    %or3A_1758 = arith.ori %or3A_1749, %and3A_1757 : vector<224x224xi1>
    %select_n3A_1759 = arith.select %and3A_1757, %select_n3A_225, %select_n3A_1750 : vector<224x224xi1>, vector<224x224xi32>
    %jit3A_1760 = arith.constant 0x7F800000 : f32
    %broadcast_in_dim3A_1761 = vector.broadcast %jit3A_1760 : f32 to vector<224x224xf32>
    %select_n3A_1762 = arith.select %and3A_1757, %broadcast_in_dim3A_1761, %select_n3A_1504 : vector<224x224xi1>, vector<224x224xf32>
    %not3A_1763 = arith.constant dense<true> : vector<224x224xi1>
    %not3A_1764 = arith.xori %or3A_1758, %not3A_1763 : vector<224x224xi1>
    %eq3A_1765 = arith.cmpf oeq, %select_n3A_1513, %min3A_1704 : vector<224x224xf32>
    %and3A_1766 = arith.andi %not3A_1764, %eq3A_1765 : vector<224x224xi1>
    %or3A_1767 = arith.ori %or3A_1758, %and3A_1766 : vector<224x224xi1>
    %select_n3A_1768 = arith.select %and3A_1766, %select_n3A_263, %select_n3A_1759 : vector<224x224xi1>, vector<224x224xi32>
    %jit3A_1769 = arith.constant 0x7F800000 : f32
    %broadcast_in_dim3A_1770 = vector.broadcast %jit3A_1769 : f32 to vector<224x224xf32>
    %select_n3A_1771 = arith.select %and3A_1766, %broadcast_in_dim3A_1770, %select_n3A_1513 : vector<224x224xi1>, vector<224x224xf32>
    %not3A_1772 = arith.constant dense<true> : vector<224x224xi1>
    %not3A_1773 = arith.xori %or3A_1767, %not3A_1772 : vector<224x224xi1>
    %eq3A_1774 = arith.cmpf oeq, %select_n3A_1522, %min3A_1704 : vector<224x224xf32>
    %and3A_1775 = arith.andi %not3A_1773, %eq3A_1774 : vector<224x224xi1>
    %or3A_1776 = arith.ori %or3A_1767, %and3A_1775 : vector<224x224xi1>
    %select_n3A_1777 = arith.select %and3A_1775, %select_n3A_297, %select_n3A_1768 : vector<224x224xi1>, vector<224x224xi32>
    %jit3A_1778 = arith.constant 0x7F800000 : f32
    %broadcast_in_dim3A_1779 = vector.broadcast %jit3A_1778 : f32 to vector<224x224xf32>
    %select_n3A_1780 = arith.select %and3A_1775, %broadcast_in_dim3A_1779, %select_n3A_1522 : vector<224x224xi1>, vector<224x224xf32>
    %not3A_1781 = arith.constant dense<true> : vector<224x224xi1>
    %not3A_1782 = arith.xori %or3A_1776, %not3A_1781 : vector<224x224xi1>
    %eq3A_1783 = arith.cmpf oeq, %select_n3A_1531, %min3A_1704 : vector<224x224xf32>
    %and3A_1784 = arith.andi %not3A_1782, %eq3A_1783 : vector<224x224xi1>
    %or3A_1785 = arith.ori %or3A_1776, %and3A_1784 : vector<224x224xi1>
    %select_n3A_1786 = arith.select %and3A_1784, %select_n3A_335, %select_n3A_1777 : vector<224x224xi1>, vector<224x224xi32>
    %jit3A_1787 = arith.constant 0x7F800000 : f32
    %broadcast_in_dim3A_1788 = vector.broadcast %jit3A_1787 : f32 to vector<224x224xf32>
    %select_n3A_1789 = arith.select %and3A_1784, %broadcast_in_dim3A_1788, %select_n3A_1531 : vector<224x224xi1>, vector<224x224xf32>
    %not3A_1790 = arith.constant dense<true> : vector<224x224xi1>
    %not3A_1791 = arith.xori %or3A_1785, %not3A_1790 : vector<224x224xi1>
    %eq3A_1792 = arith.cmpf oeq, %select_n3A_1540, %min3A_1704 : vector<224x224xf32>
    %and3A_1793 = arith.andi %not3A_1791, %eq3A_1792 : vector<224x224xi1>
    %or3A_1794 = arith.ori %or3A_1785, %and3A_1793 : vector<224x224xi1>
    %select_n3A_1795 = arith.select %and3A_1793, %select_n3A_373, %select_n3A_1786 : vector<224x224xi1>, vector<224x224xi32>
    %jit3A_1796 = arith.constant 0x7F800000 : f32
    %broadcast_in_dim3A_1797 = vector.broadcast %jit3A_1796 : f32 to vector<224x224xf32>
    %select_n3A_1798 = arith.select %and3A_1793, %broadcast_in_dim3A_1797, %select_n3A_1540 : vector<224x224xi1>, vector<224x224xf32>
    %not3A_1799 = arith.constant dense<true> : vector<224x224xi1>
    %not3A_1800 = arith.xori %or3A_1794, %not3A_1799 : vector<224x224xi1>
    %eq3A_1801 = arith.cmpf oeq, %select_n3A_1549, %min3A_1704 : vector<224x224xf32>
    %and3A_1802 = arith.andi %not3A_1800, %eq3A_1801 : vector<224x224xi1>
    %or3A_1803 = arith.ori %or3A_1794, %and3A_1802 : vector<224x224xi1>
    %select_n3A_1804 = arith.select %and3A_1802, %select_n3A_407, %select_n3A_1795 : vector<224x224xi1>, vector<224x224xi32>
    %jit3A_1805 = arith.constant 0x7F800000 : f32
    %broadcast_in_dim3A_1806 = vector.broadcast %jit3A_1805 : f32 to vector<224x224xf32>
    %select_n3A_1807 = arith.select %and3A_1802, %broadcast_in_dim3A_1806, %select_n3A_1549 : vector<224x224xi1>, vector<224x224xf32>
    %not3A_1808 = arith.constant dense<true> : vector<224x224xi1>
    %not3A_1809 = arith.xori %or3A_1803, %not3A_1808 : vector<224x224xi1>
    %eq3A_1810 = arith.cmpf oeq, %select_n3A_1558, %min3A_1704 : vector<224x224xf32>
    %and3A_1811 = arith.andi %not3A_1809, %eq3A_1810 : vector<224x224xi1>
    %or3A_1812 = arith.ori %or3A_1803, %and3A_1811 : vector<224x224xi1>
    %select_n3A_1813 = arith.select %and3A_1811, %select_n3A_441, %select_n3A_1804 : vector<224x224xi1>, vector<224x224xi32>
    %jit3A_1814 = arith.constant 0x7F800000 : f32
    %broadcast_in_dim3A_1815 = vector.broadcast %jit3A_1814 : f32 to vector<224x224xf32>
    %select_n3A_1816 = arith.select %and3A_1811, %broadcast_in_dim3A_1815, %select_n3A_1558 : vector<224x224xi1>, vector<224x224xf32>
    %not3A_1817 = arith.constant dense<true> : vector<224x224xi1>
    %not3A_1818 = arith.xori %or3A_1812, %not3A_1817 : vector<224x224xi1>
    %eq3A_1819 = arith.cmpf oeq, %select_n3A_1567, %min3A_1704 : vector<224x224xf32>
    %and3A_1820 = arith.andi %not3A_1818, %eq3A_1819 : vector<224x224xi1>
    %or3A_1821 = arith.ori %or3A_1812, %and3A_1820 : vector<224x224xi1>
    %select_n3A_1822 = arith.select %and3A_1820, %select_n3A_471, %select_n3A_1813 : vector<224x224xi1>, vector<224x224xi32>
    %jit3A_1823 = arith.constant 0x7F800000 : f32
    %broadcast_in_dim3A_1824 = vector.broadcast %jit3A_1823 : f32 to vector<224x224xf32>
    %select_n3A_1825 = arith.select %and3A_1820, %broadcast_in_dim3A_1824, %select_n3A_1567 : vector<224x224xi1>, vector<224x224xf32>
    %not3A_1826 = arith.constant dense<true> : vector<224x224xi1>
    %not3A_1827 = arith.xori %or3A_1821, %not3A_1826 : vector<224x224xi1>
    %eq3A_1828 = arith.cmpf oeq, %select_n3A_1576, %min3A_1704 : vector<224x224xf32>
    %and3A_1829 = arith.andi %not3A_1827, %eq3A_1828 : vector<224x224xi1>
    %or3A_1830 = arith.ori %or3A_1821, %and3A_1829 : vector<224x224xi1>
    %select_n3A_1831 = arith.select %and3A_1829, %select_n3A_505, %select_n3A_1822 : vector<224x224xi1>, vector<224x224xi32>
    %jit3A_1832 = arith.constant 0x7F800000 : f32
    %broadcast_in_dim3A_1833 = vector.broadcast %jit3A_1832 : f32 to vector<224x224xf32>
    %select_n3A_1834 = arith.select %and3A_1829, %broadcast_in_dim3A_1833, %select_n3A_1576 : vector<224x224xi1>, vector<224x224xf32>
    %not3A_1835 = arith.constant dense<true> : vector<224x224xi1>
    %not3A_1836 = arith.xori %or3A_1830, %not3A_1835 : vector<224x224xi1>
    %eq3A_1837 = arith.cmpf oeq, %select_n3A_1585, %min3A_1704 : vector<224x224xf32>
    %and3A_1838 = arith.andi %not3A_1836, %eq3A_1837 : vector<224x224xi1>
    %or3A_1839 = arith.ori %or3A_1830, %and3A_1838 : vector<224x224xi1>
    %select_n3A_1840 = arith.select %and3A_1838, %select_n3A_539, %select_n3A_1831 : vector<224x224xi1>, vector<224x224xi32>
    %jit3A_1841 = arith.constant 0x7F800000 : f32
    %broadcast_in_dim3A_1842 = vector.broadcast %jit3A_1841 : f32 to vector<224x224xf32>
    %select_n3A_1843 = arith.select %and3A_1838, %broadcast_in_dim3A_1842, %select_n3A_1585 : vector<224x224xi1>, vector<224x224xf32>
    %not3A_1844 = arith.constant dense<true> : vector<224x224xi1>
    %not3A_1845 = arith.xori %or3A_1839, %not3A_1844 : vector<224x224xi1>
    %eq3A_1846 = arith.cmpf oeq, %select_n3A_1594, %min3A_1704 : vector<224x224xf32>
    %and3A_1847 = arith.andi %not3A_1845, %eq3A_1846 : vector<224x224xi1>
    %or3A_1848 = arith.ori %or3A_1839, %and3A_1847 : vector<224x224xi1>
    %select_n3A_1849 = arith.select %and3A_1847, %select_n3A_577, %select_n3A_1840 : vector<224x224xi1>, vector<224x224xi32>
    %jit3A_1850 = arith.constant 0x7F800000 : f32
    %broadcast_in_dim3A_1851 = vector.broadcast %jit3A_1850 : f32 to vector<224x224xf32>
    %select_n3A_1852 = arith.select %and3A_1847, %broadcast_in_dim3A_1851, %select_n3A_1594 : vector<224x224xi1>, vector<224x224xf32>
    %not3A_1853 = arith.constant dense<true> : vector<224x224xi1>
    %not3A_1854 = arith.xori %or3A_1848, %not3A_1853 : vector<224x224xi1>
    %eq3A_1855 = arith.cmpf oeq, %select_n3A_1603, %min3A_1704 : vector<224x224xf32>
    %and3A_1856 = arith.andi %not3A_1854, %eq3A_1855 : vector<224x224xi1>
    %or3A_1857 = arith.ori %or3A_1848, %and3A_1856 : vector<224x224xi1>
    %select_n3A_1858 = arith.select %and3A_1856, %select_n3A_615, %select_n3A_1849 : vector<224x224xi1>, vector<224x224xi32>
    %jit3A_1859 = arith.constant 0x7F800000 : f32
    %broadcast_in_dim3A_1860 = vector.broadcast %jit3A_1859 : f32 to vector<224x224xf32>
    %select_n3A_1861 = arith.select %and3A_1856, %broadcast_in_dim3A_1860, %select_n3A_1603 : vector<224x224xi1>, vector<224x224xf32>
    %not3A_1862 = arith.constant dense<true> : vector<224x224xi1>
    %not3A_1863 = arith.xori %or3A_1857, %not3A_1862 : vector<224x224xi1>
    %eq3A_1864 = arith.cmpf oeq, %select_n3A_1612, %min3A_1704 : vector<224x224xf32>
    %and3A_1865 = arith.andi %not3A_1863, %eq3A_1864 : vector<224x224xi1>
    %or3A_1866 = arith.ori %or3A_1857, %and3A_1865 : vector<224x224xi1>
    %select_n3A_1867 = arith.select %and3A_1865, %select_n3A_649, %select_n3A_1858 : vector<224x224xi1>, vector<224x224xi32>
    %jit3A_1868 = arith.constant 0x7F800000 : f32
    %broadcast_in_dim3A_1869 = vector.broadcast %jit3A_1868 : f32 to vector<224x224xf32>
    %select_n3A_1870 = arith.select %and3A_1865, %broadcast_in_dim3A_1869, %select_n3A_1612 : vector<224x224xi1>, vector<224x224xf32>
    %not3A_1871 = arith.constant dense<true> : vector<224x224xi1>
    %not3A_1872 = arith.xori %or3A_1866, %not3A_1871 : vector<224x224xi1>
    %eq3A_1873 = arith.cmpf oeq, %select_n3A_1621, %min3A_1704 : vector<224x224xf32>
    %and3A_1874 = arith.andi %not3A_1872, %eq3A_1873 : vector<224x224xi1>
    %or3A_1875 = arith.ori %or3A_1866, %and3A_1874 : vector<224x224xi1>
    %select_n3A_1876 = arith.select %and3A_1874, %select_n3A_687, %select_n3A_1867 : vector<224x224xi1>, vector<224x224xi32>
    %jit3A_1877 = arith.constant 0x7F800000 : f32
    %broadcast_in_dim3A_1878 = vector.broadcast %jit3A_1877 : f32 to vector<224x224xf32>
    %select_n3A_1879 = arith.select %and3A_1874, %broadcast_in_dim3A_1878, %select_n3A_1621 : vector<224x224xi1>, vector<224x224xf32>
    %not3A_1880 = arith.constant dense<true> : vector<224x224xi1>
    %not3A_1881 = arith.xori %or3A_1875, %not3A_1880 : vector<224x224xi1>
    %eq3A_1882 = arith.cmpf oeq, %select_n3A_1630, %min3A_1704 : vector<224x224xf32>
    %and3A_1883 = arith.andi %not3A_1881, %eq3A_1882 : vector<224x224xi1>
    %or3A_1884 = arith.ori %or3A_1875, %and3A_1883 : vector<224x224xi1>
    %select_n3A_1885 = arith.select %and3A_1883, %select_n3A_725, %select_n3A_1876 : vector<224x224xi1>, vector<224x224xi32>
    %jit3A_1886 = arith.constant 0x7F800000 : f32
    %broadcast_in_dim3A_1887 = vector.broadcast %jit3A_1886 : f32 to vector<224x224xf32>
    %select_n3A_1888 = arith.select %and3A_1883, %broadcast_in_dim3A_1887, %select_n3A_1630 : vector<224x224xi1>, vector<224x224xf32>
    %not3A_1889 = arith.constant dense<true> : vector<224x224xi1>
    %not3A_1890 = arith.xori %or3A_1884, %not3A_1889 : vector<224x224xi1>
    %eq3A_1891 = arith.cmpf oeq, %select_n3A_1639, %min3A_1704 : vector<224x224xf32>
    %and3A_1892 = arith.andi %not3A_1890, %eq3A_1891 : vector<224x224xi1>
    %or3A_1893 = arith.ori %or3A_1884, %and3A_1892 : vector<224x224xi1>
    %select_n3A_1894 = arith.select %and3A_1892, %select_n3A_763, %select_n3A_1885 : vector<224x224xi1>, vector<224x224xi32>
    %jit3A_1895 = arith.constant 0x7F800000 : f32
    %broadcast_in_dim3A_1896 = vector.broadcast %jit3A_1895 : f32 to vector<224x224xf32>
    %select_n3A_1897 = arith.select %and3A_1892, %broadcast_in_dim3A_1896, %select_n3A_1639 : vector<224x224xi1>, vector<224x224xf32>
    %not3A_1898 = arith.constant dense<true> : vector<224x224xi1>
    %not3A_1899 = arith.xori %or3A_1893, %not3A_1898 : vector<224x224xi1>
    %eq3A_1900 = arith.cmpf oeq, %select_n3A_1648, %min3A_1704 : vector<224x224xf32>
    %and3A_1901 = arith.andi %not3A_1899, %eq3A_1900 : vector<224x224xi1>
    %or3A_1902 = arith.ori %or3A_1893, %and3A_1901 : vector<224x224xi1>
    %select_n3A_1903 = arith.select %and3A_1901, %select_n3A_801, %select_n3A_1894 : vector<224x224xi1>, vector<224x224xi32>
    %jit3A_1904 = arith.constant 0x7F800000 : f32
    %broadcast_in_dim3A_1905 = vector.broadcast %jit3A_1904 : f32 to vector<224x224xf32>
    %select_n3A_1906 = arith.select %and3A_1901, %broadcast_in_dim3A_1905, %select_n3A_1648 : vector<224x224xi1>, vector<224x224xf32>
    %not3A_1907 = arith.constant dense<true> : vector<224x224xi1>
    %not3A_1908 = arith.xori %or3A_1902, %not3A_1907 : vector<224x224xi1>
    %eq3A_1909 = arith.cmpf oeq, %select_n3A_1657, %min3A_1704 : vector<224x224xf32>
    %and3A_1910 = arith.andi %not3A_1908, %eq3A_1909 : vector<224x224xi1>
    %or3A_1911 = arith.ori %or3A_1902, %and3A_1910 : vector<224x224xi1>
    %select_n3A_1912 = arith.select %and3A_1910, %select_n3A_835, %select_n3A_1903 : vector<224x224xi1>, vector<224x224xi32>
    %jit3A_1913 = arith.constant 0x7F800000 : f32
    %broadcast_in_dim3A_1914 = vector.broadcast %jit3A_1913 : f32 to vector<224x224xf32>
    %select_n3A_1915 = arith.select %and3A_1910, %broadcast_in_dim3A_1914, %select_n3A_1657 : vector<224x224xi1>, vector<224x224xf32>
    %not3A_1916 = arith.constant dense<true> : vector<224x224xi1>
    %not3A_1917 = arith.xori %or3A_1911, %not3A_1916 : vector<224x224xi1>
    %eq3A_1918 = arith.cmpf oeq, %select_n3A_1666, %min3A_1704 : vector<224x224xf32>
    %and3A_1919 = arith.andi %not3A_1917, %eq3A_1918 : vector<224x224xi1>
    %or3A_1920 = arith.ori %or3A_1911, %and3A_1919 : vector<224x224xi1>
    %select_n3A_1921 = arith.select %and3A_1919, %select_n3A_873, %select_n3A_1912 : vector<224x224xi1>, vector<224x224xi32>
    %jit3A_1922 = arith.constant 0x7F800000 : f32
    %broadcast_in_dim3A_1923 = vector.broadcast %jit3A_1922 : f32 to vector<224x224xf32>
    %select_n3A_1924 = arith.select %and3A_1919, %broadcast_in_dim3A_1923, %select_n3A_1666 : vector<224x224xi1>, vector<224x224xf32>
    %not3A_1925 = arith.constant dense<true> : vector<224x224xi1>
    %not3A_1926 = arith.xori %or3A_1920, %not3A_1925 : vector<224x224xi1>
    %eq3A_1927 = arith.cmpf oeq, %select_n3A_1674, %min3A_1704 : vector<224x224xf32>
    %and3A_1928 = arith.andi %not3A_1926, %eq3A_1927 : vector<224x224xi1>
    %select_n3A_1929 = arith.select %and3A_1928, %select_n3A_911, %select_n3A_1921 : vector<224x224xi1>, vector<224x224xi32>
    %jit3A_1930 = arith.constant 0x7F800000 : f32
    %broadcast_in_dim3A_1931 = vector.broadcast %jit3A_1930 : f32 to vector<224x224xf32>
    %select_n3A_1932 = arith.select %and3A_1928, %broadcast_in_dim3A_1931, %select_n3A_1674 : vector<224x224xi1>, vector<224x224xf32>
    %swap3A_1933 = arith.constant 3 : index
    %swap3A_1934 = arith.constant 0 : index
    %swap3A_1935 = arith.constant 0 : index
    %swap3A_1936 = vector.load %arg2[%swap3A_1933, %swap3A_1934, %swap3A_1935] : memref<9x224x224xi32, #tpu.memory_space<vmem>>, vector<1x224x224xi32>
    %swap3A_1937 = vector.shape_cast %swap3A_1936 : vector<1x224x224xi32> to vector<224x224xi32>
    %swap3A_1938 = vector.shape_cast %select_n3A_1929 : vector<224x224xi32> to vector<1x224x224xi32>
    tpu.vector_store %arg2[%swap3A_1933, %swap3A_1934, %swap3A_1935], %swap3A_1938 {strides = array<i32>} : memref<9x224x224xi32, #tpu.memory_space<vmem>>, vector<1x224x224xi32>,
    %min3A_1939 = arith.minimumf %select_n3A_1717, %select_n3A_1726 : vector<224x224xf32>
    %min3A_1940 = arith.minimumf %min3A_1939, %select_n3A_1735 : vector<224x224xf32>
    %min3A_1941 = arith.minimumf %min3A_1940, %select_n3A_1744 : vector<224x224xf32>
    %min3A_1942 = arith.minimumf %min3A_1941, %select_n3A_1753 : vector<224x224xf32>
    %min3A_1943 = arith.minimumf %min3A_1942, %select_n3A_1762 : vector<224x224xf32>
    %min3A_1944 = arith.minimumf %min3A_1943, %select_n3A_1771 : vector<224x224xf32>
    %min3A_1945 = arith.minimumf %min3A_1944, %select_n3A_1780 : vector<224x224xf32>
    %min3A_1946 = arith.minimumf %min3A_1945, %select_n3A_1789 : vector<224x224xf32>
    %min3A_1947 = arith.minimumf %min3A_1946, %select_n3A_1798 : vector<224x224xf32>
    %min3A_1948 = arith.minimumf %min3A_1947, %select_n3A_1807 : vector<224x224xf32>
    %min3A_1949 = arith.minimumf %min3A_1948, %select_n3A_1816 : vector<224x224xf32>
    %min3A_1950 = arith.minimumf %min3A_1949, %select_n3A_1825 : vector<224x224xf32>
    %min3A_1951 = arith.minimumf %min3A_1950, %select_n3A_1834 : vector<224x224xf32>
    %min3A_1952 = arith.minimumf %min3A_1951, %select_n3A_1843 : vector<224x224xf32>
    %min3A_1953 = arith.minimumf %min3A_1952, %select_n3A_1852 : vector<224x224xf32>
    %min3A_1954 = arith.minimumf %min3A_1953, %select_n3A_1861 : vector<224x224xf32>
    %min3A_1955 = arith.minimumf %min3A_1954, %select_n3A_1870 : vector<224x224xf32>
    %min3A_1956 = arith.minimumf %min3A_1955, %select_n3A_1879 : vector<224x224xf32>
    %min3A_1957 = arith.minimumf %min3A_1956, %select_n3A_1888 : vector<224x224xf32>
    %min3A_1958 = arith.minimumf %min3A_1957, %select_n3A_1897 : vector<224x224xf32>
    %min3A_1959 = arith.minimumf %min3A_1958, %select_n3A_1906 : vector<224x224xf32>
    %min3A_1960 = arith.minimumf %min3A_1959, %select_n3A_1915 : vector<224x224xf32>
    %min3A_1961 = arith.minimumf %min3A_1960, %select_n3A_1924 : vector<224x224xf32>
    %min3A_1962 = arith.minimumf %min3A_1961, %select_n3A_1932 : vector<224x224xf32>
    %broadcast_in_dim3A_1963 = arith.constant false
    %broadcast_in_dim3A_1964 = vector.broadcast %broadcast_in_dim3A_1963 : i1 to vector<224x224xi1>
    %broadcast_in_dim3A_1965 = arith.constant 50176 : i32
    %broadcast_in_dim3A_1966 = vector.broadcast %broadcast_in_dim3A_1965 : i32 to vector<224x224xi32>
    %not3A_1967 = arith.constant dense<true> : vector<224x224xi1>
    %not3A_1968 = arith.xori %broadcast_in_dim3A_1964, %not3A_1967 : vector<224x224xi1>
    %eq3A_1969 = arith.cmpf oeq, %select_n3A_1717, %min3A_1962 : vector<224x224xf32>
    %and3A_1970 = arith.andi %not3A_1968, %eq3A_1969 : vector<224x224xi1>
    %or3A_1971 = arith.ori %broadcast_in_dim3A_1964, %and3A_1970 : vector<224x224xi1>
    %select_n3A_1972 = arith.select %and3A_1970, %select_n3A, %broadcast_in_dim3A_1966 : vector<224x224xi1>, vector<224x224xi32>
    %jit3A_1973 = arith.constant 0x7F800000 : f32
    %broadcast_in_dim3A_1974 = vector.broadcast %jit3A_1973 : f32 to vector<224x224xf32>
    %select_n3A_1975 = arith.select %and3A_1970, %broadcast_in_dim3A_1974, %select_n3A_1717 : vector<224x224xi1>, vector<224x224xf32>
    %not3A_1976 = arith.constant dense<true> : vector<224x224xi1>
    %not3A_1977 = arith.xori %or3A_1971, %not3A_1976 : vector<224x224xi1>
    %eq3A_1978 = arith.cmpf oeq, %select_n3A_1726, %min3A_1962 : vector<224x224xf32>
    %and3A_1979 = arith.andi %not3A_1977, %eq3A_1978 : vector<224x224xi1>
    %or3A_1980 = arith.ori %or3A_1971, %and3A_1979 : vector<224x224xi1>
    %select_n3A_1981 = arith.select %and3A_1979, %select_n3A_77, %select_n3A_1972 : vector<224x224xi1>, vector<224x224xi32>
    %jit3A_1982 = arith.constant 0x7F800000 : f32
    %broadcast_in_dim3A_1983 = vector.broadcast %jit3A_1982 : f32 to vector<224x224xf32>
    %select_n3A_1984 = arith.select %and3A_1979, %broadcast_in_dim3A_1983, %select_n3A_1726 : vector<224x224xi1>, vector<224x224xf32>
    %not3A_1985 = arith.constant dense<true> : vector<224x224xi1>
    %not3A_1986 = arith.xori %or3A_1980, %not3A_1985 : vector<224x224xi1>
    %eq3A_1987 = arith.cmpf oeq, %select_n3A_1735, %min3A_1962 : vector<224x224xf32>
    %and3A_1988 = arith.andi %not3A_1986, %eq3A_1987 : vector<224x224xi1>
    %or3A_1989 = arith.ori %or3A_1980, %and3A_1988 : vector<224x224xi1>
    %select_n3A_1990 = arith.select %and3A_1988, %select_n3A_111, %select_n3A_1981 : vector<224x224xi1>, vector<224x224xi32>
    %jit3A_1991 = arith.constant 0x7F800000 : f32
    %broadcast_in_dim3A_1992 = vector.broadcast %jit3A_1991 : f32 to vector<224x224xf32>
    %select_n3A_1993 = arith.select %and3A_1988, %broadcast_in_dim3A_1992, %select_n3A_1735 : vector<224x224xi1>, vector<224x224xf32>
    %not3A_1994 = arith.constant dense<true> : vector<224x224xi1>
    %not3A_1995 = arith.xori %or3A_1989, %not3A_1994 : vector<224x224xi1>
    %eq3A_1996 = arith.cmpf oeq, %select_n3A_1744, %min3A_1962 : vector<224x224xf32>
    %and3A_1997 = arith.andi %not3A_1995, %eq3A_1996 : vector<224x224xi1>
    %or3A_1998 = arith.ori %or3A_1989, %and3A_1997 : vector<224x224xi1>
    %select_n3A_1999 = arith.select %and3A_1997, %select_n3A_149, %select_n3A_1990 : vector<224x224xi1>, vector<224x224xi32>
    %jit3A_2000 = arith.constant 0x7F800000 : f32
    %broadcast_in_dim3A_2001 = vector.broadcast %jit3A_2000 : f32 to vector<224x224xf32>
    %select_n3A_2002 = arith.select %and3A_1997, %broadcast_in_dim3A_2001, %select_n3A_1744 : vector<224x224xi1>, vector<224x224xf32>
    %not3A_2003 = arith.constant dense<true> : vector<224x224xi1>
    %not3A_2004 = arith.xori %or3A_1998, %not3A_2003 : vector<224x224xi1>
    %eq3A_2005 = arith.cmpf oeq, %select_n3A_1753, %min3A_1962 : vector<224x224xf32>
    %and3A_2006 = arith.andi %not3A_2004, %eq3A_2005 : vector<224x224xi1>
    %or3A_2007 = arith.ori %or3A_1998, %and3A_2006 : vector<224x224xi1>
    %select_n3A_2008 = arith.select %and3A_2006, %select_n3A_187, %select_n3A_1999 : vector<224x224xi1>, vector<224x224xi32>
    %jit3A_2009 = arith.constant 0x7F800000 : f32
    %broadcast_in_dim3A_2010 = vector.broadcast %jit3A_2009 : f32 to vector<224x224xf32>
    %select_n3A_2011 = arith.select %and3A_2006, %broadcast_in_dim3A_2010, %select_n3A_1753 : vector<224x224xi1>, vector<224x224xf32>
    %not3A_2012 = arith.constant dense<true> : vector<224x224xi1>
    %not3A_2013 = arith.xori %or3A_2007, %not3A_2012 : vector<224x224xi1>
    %eq3A_2014 = arith.cmpf oeq, %select_n3A_1762, %min3A_1962 : vector<224x224xf32>
    %and3A_2015 = arith.andi %not3A_2013, %eq3A_2014 : vector<224x224xi1>
    %or3A_2016 = arith.ori %or3A_2007, %and3A_2015 : vector<224x224xi1>
    %select_n3A_2017 = arith.select %and3A_2015, %select_n3A_225, %select_n3A_2008 : vector<224x224xi1>, vector<224x224xi32>
    %jit3A_2018 = arith.constant 0x7F800000 : f32
    %broadcast_in_dim3A_2019 = vector.broadcast %jit3A_2018 : f32 to vector<224x224xf32>
    %select_n3A_2020 = arith.select %and3A_2015, %broadcast_in_dim3A_2019, %select_n3A_1762 : vector<224x224xi1>, vector<224x224xf32>
    %not3A_2021 = arith.constant dense<true> : vector<224x224xi1>
    %not3A_2022 = arith.xori %or3A_2016, %not3A_2021 : vector<224x224xi1>
    %eq3A_2023 = arith.cmpf oeq, %select_n3A_1771, %min3A_1962 : vector<224x224xf32>
    %and3A_2024 = arith.andi %not3A_2022, %eq3A_2023 : vector<224x224xi1>
    %or3A_2025 = arith.ori %or3A_2016, %and3A_2024 : vector<224x224xi1>
    %select_n3A_2026 = arith.select %and3A_2024, %select_n3A_263, %select_n3A_2017 : vector<224x224xi1>, vector<224x224xi32>
    %jit3A_2027 = arith.constant 0x7F800000 : f32
    %broadcast_in_dim3A_2028 = vector.broadcast %jit3A_2027 : f32 to vector<224x224xf32>
    %select_n3A_2029 = arith.select %and3A_2024, %broadcast_in_dim3A_2028, %select_n3A_1771 : vector<224x224xi1>, vector<224x224xf32>
    %not3A_2030 = arith.constant dense<true> : vector<224x224xi1>
    %not3A_2031 = arith.xori %or3A_2025, %not3A_2030 : vector<224x224xi1>
    %eq3A_2032 = arith.cmpf oeq, %select_n3A_1780, %min3A_1962 : vector<224x224xf32>
    %and3A_2033 = arith.andi %not3A_2031, %eq3A_2032 : vector<224x224xi1>
    %or3A_2034 = arith.ori %or3A_2025, %and3A_2033 : vector<224x224xi1>
    %select_n3A_2035 = arith.select %and3A_2033, %select_n3A_297, %select_n3A_2026 : vector<224x224xi1>, vector<224x224xi32>
    %jit3A_2036 = arith.constant 0x7F800000 : f32
    %broadcast_in_dim3A_2037 = vector.broadcast %jit3A_2036 : f32 to vector<224x224xf32>
    %select_n3A_2038 = arith.select %and3A_2033, %broadcast_in_dim3A_2037, %select_n3A_1780 : vector<224x224xi1>, vector<224x224xf32>
    %not3A_2039 = arith.constant dense<true> : vector<224x224xi1>
    %not3A_2040 = arith.xori %or3A_2034, %not3A_2039 : vector<224x224xi1>
    %eq3A_2041 = arith.cmpf oeq, %select_n3A_1789, %min3A_1962 : vector<224x224xf32>
    %and3A_2042 = arith.andi %not3A_2040, %eq3A_2041 : vector<224x224xi1>
    %or3A_2043 = arith.ori %or3A_2034, %and3A_2042 : vector<224x224xi1>
    %select_n3A_2044 = arith.select %and3A_2042, %select_n3A_335, %select_n3A_2035 : vector<224x224xi1>, vector<224x224xi32>
    %jit3A_2045 = arith.constant 0x7F800000 : f32
    %broadcast_in_dim3A_2046 = vector.broadcast %jit3A_2045 : f32 to vector<224x224xf32>
    %select_n3A_2047 = arith.select %and3A_2042, %broadcast_in_dim3A_2046, %select_n3A_1789 : vector<224x224xi1>, vector<224x224xf32>
    %not3A_2048 = arith.constant dense<true> : vector<224x224xi1>
    %not3A_2049 = arith.xori %or3A_2043, %not3A_2048 : vector<224x224xi1>
    %eq3A_2050 = arith.cmpf oeq, %select_n3A_1798, %min3A_1962 : vector<224x224xf32>
    %and3A_2051 = arith.andi %not3A_2049, %eq3A_2050 : vector<224x224xi1>
    %or3A_2052 = arith.ori %or3A_2043, %and3A_2051 : vector<224x224xi1>
    %select_n3A_2053 = arith.select %and3A_2051, %select_n3A_373, %select_n3A_2044 : vector<224x224xi1>, vector<224x224xi32>
    %jit3A_2054 = arith.constant 0x7F800000 : f32
    %broadcast_in_dim3A_2055 = vector.broadcast %jit3A_2054 : f32 to vector<224x224xf32>
    %select_n3A_2056 = arith.select %and3A_2051, %broadcast_in_dim3A_2055, %select_n3A_1798 : vector<224x224xi1>, vector<224x224xf32>
    %not3A_2057 = arith.constant dense<true> : vector<224x224xi1>
    %not3A_2058 = arith.xori %or3A_2052, %not3A_2057 : vector<224x224xi1>
    %eq3A_2059 = arith.cmpf oeq, %select_n3A_1807, %min3A_1962 : vector<224x224xf32>
    %and3A_2060 = arith.andi %not3A_2058, %eq3A_2059 : vector<224x224xi1>
    %or3A_2061 = arith.ori %or3A_2052, %and3A_2060 : vector<224x224xi1>
    %select_n3A_2062 = arith.select %and3A_2060, %select_n3A_407, %select_n3A_2053 : vector<224x224xi1>, vector<224x224xi32>
    %jit3A_2063 = arith.constant 0x7F800000 : f32
    %broadcast_in_dim3A_2064 = vector.broadcast %jit3A_2063 : f32 to vector<224x224xf32>
    %select_n3A_2065 = arith.select %and3A_2060, %broadcast_in_dim3A_2064, %select_n3A_1807 : vector<224x224xi1>, vector<224x224xf32>
    %not3A_2066 = arith.constant dense<true> : vector<224x224xi1>
    %not3A_2067 = arith.xori %or3A_2061, %not3A_2066 : vector<224x224xi1>
    %eq3A_2068 = arith.cmpf oeq, %select_n3A_1816, %min3A_1962 : vector<224x224xf32>
    %and3A_2069 = arith.andi %not3A_2067, %eq3A_2068 : vector<224x224xi1>
    %or3A_2070 = arith.ori %or3A_2061, %and3A_2069 : vector<224x224xi1>
    %select_n3A_2071 = arith.select %and3A_2069, %select_n3A_441, %select_n3A_2062 : vector<224x224xi1>, vector<224x224xi32>
    %jit3A_2072 = arith.constant 0x7F800000 : f32
    %broadcast_in_dim3A_2073 = vector.broadcast %jit3A_2072 : f32 to vector<224x224xf32>
    %select_n3A_2074 = arith.select %and3A_2069, %broadcast_in_dim3A_2073, %select_n3A_1816 : vector<224x224xi1>, vector<224x224xf32>
    %not3A_2075 = arith.constant dense<true> : vector<224x224xi1>
    %not3A_2076 = arith.xori %or3A_2070, %not3A_2075 : vector<224x224xi1>
    %eq3A_2077 = arith.cmpf oeq, %select_n3A_1825, %min3A_1962 : vector<224x224xf32>
    %and3A_2078 = arith.andi %not3A_2076, %eq3A_2077 : vector<224x224xi1>
    %or3A_2079 = arith.ori %or3A_2070, %and3A_2078 : vector<224x224xi1>
    %select_n3A_2080 = arith.select %and3A_2078, %select_n3A_471, %select_n3A_2071 : vector<224x224xi1>, vector<224x224xi32>
    %jit3A_2081 = arith.constant 0x7F800000 : f32
    %broadcast_in_dim3A_2082 = vector.broadcast %jit3A_2081 : f32 to vector<224x224xf32>
    %select_n3A_2083 = arith.select %and3A_2078, %broadcast_in_dim3A_2082, %select_n3A_1825 : vector<224x224xi1>, vector<224x224xf32>
    %not3A_2084 = arith.constant dense<true> : vector<224x224xi1>
    %not3A_2085 = arith.xori %or3A_2079, %not3A_2084 : vector<224x224xi1>
    %eq3A_2086 = arith.cmpf oeq, %select_n3A_1834, %min3A_1962 : vector<224x224xf32>
    %and3A_2087 = arith.andi %not3A_2085, %eq3A_2086 : vector<224x224xi1>
    %or3A_2088 = arith.ori %or3A_2079, %and3A_2087 : vector<224x224xi1>
    %select_n3A_2089 = arith.select %and3A_2087, %select_n3A_505, %select_n3A_2080 : vector<224x224xi1>, vector<224x224xi32>
    %jit3A_2090 = arith.constant 0x7F800000 : f32
    %broadcast_in_dim3A_2091 = vector.broadcast %jit3A_2090 : f32 to vector<224x224xf32>
    %select_n3A_2092 = arith.select %and3A_2087, %broadcast_in_dim3A_2091, %select_n3A_1834 : vector<224x224xi1>, vector<224x224xf32>
    %not3A_2093 = arith.constant dense<true> : vector<224x224xi1>
    %not3A_2094 = arith.xori %or3A_2088, %not3A_2093 : vector<224x224xi1>
    %eq3A_2095 = arith.cmpf oeq, %select_n3A_1843, %min3A_1962 : vector<224x224xf32>
    %and3A_2096 = arith.andi %not3A_2094, %eq3A_2095 : vector<224x224xi1>
    %or3A_2097 = arith.ori %or3A_2088, %and3A_2096 : vector<224x224xi1>
    %select_n3A_2098 = arith.select %and3A_2096, %select_n3A_539, %select_n3A_2089 : vector<224x224xi1>, vector<224x224xi32>
    %jit3A_2099 = arith.constant 0x7F800000 : f32
    %broadcast_in_dim3A_2100 = vector.broadcast %jit3A_2099 : f32 to vector<224x224xf32>
    %select_n3A_2101 = arith.select %and3A_2096, %broadcast_in_dim3A_2100, %select_n3A_1843 : vector<224x224xi1>, vector<224x224xf32>
    %not3A_2102 = arith.constant dense<true> : vector<224x224xi1>
    %not3A_2103 = arith.xori %or3A_2097, %not3A_2102 : vector<224x224xi1>
    %eq3A_2104 = arith.cmpf oeq, %select_n3A_1852, %min3A_1962 : vector<224x224xf32>
    %and3A_2105 = arith.andi %not3A_2103, %eq3A_2104 : vector<224x224xi1>
    %or3A_2106 = arith.ori %or3A_2097, %and3A_2105 : vector<224x224xi1>
    %select_n3A_2107 = arith.select %and3A_2105, %select_n3A_577, %select_n3A_2098 : vector<224x224xi1>, vector<224x224xi32>
    %jit3A_2108 = arith.constant 0x7F800000 : f32
    %broadcast_in_dim3A_2109 = vector.broadcast %jit3A_2108 : f32 to vector<224x224xf32>
    %select_n3A_2110 = arith.select %and3A_2105, %broadcast_in_dim3A_2109, %select_n3A_1852 : vector<224x224xi1>, vector<224x224xf32>
    %not3A_2111 = arith.constant dense<true> : vector<224x224xi1>
    %not3A_2112 = arith.xori %or3A_2106, %not3A_2111 : vector<224x224xi1>
    %eq3A_2113 = arith.cmpf oeq, %select_n3A_1861, %min3A_1962 : vector<224x224xf32>
    %and3A_2114 = arith.andi %not3A_2112, %eq3A_2113 : vector<224x224xi1>
    %or3A_2115 = arith.ori %or3A_2106, %and3A_2114 : vector<224x224xi1>
    %select_n3A_2116 = arith.select %and3A_2114, %select_n3A_615, %select_n3A_2107 : vector<224x224xi1>, vector<224x224xi32>
    %jit3A_2117 = arith.constant 0x7F800000 : f32
    %broadcast_in_dim3A_2118 = vector.broadcast %jit3A_2117 : f32 to vector<224x224xf32>
    %select_n3A_2119 = arith.select %and3A_2114, %broadcast_in_dim3A_2118, %select_n3A_1861 : vector<224x224xi1>, vector<224x224xf32>
    %not3A_2120 = arith.constant dense<true> : vector<224x224xi1>
    %not3A_2121 = arith.xori %or3A_2115, %not3A_2120 : vector<224x224xi1>
    %eq3A_2122 = arith.cmpf oeq, %select_n3A_1870, %min3A_1962 : vector<224x224xf32>
    %and3A_2123 = arith.andi %not3A_2121, %eq3A_2122 : vector<224x224xi1>
    %or3A_2124 = arith.ori %or3A_2115, %and3A_2123 : vector<224x224xi1>
    %select_n3A_2125 = arith.select %and3A_2123, %select_n3A_649, %select_n3A_2116 : vector<224x224xi1>, vector<224x224xi32>
    %jit3A_2126 = arith.constant 0x7F800000 : f32
    %broadcast_in_dim3A_2127 = vector.broadcast %jit3A_2126 : f32 to vector<224x224xf32>
    %select_n3A_2128 = arith.select %and3A_2123, %broadcast_in_dim3A_2127, %select_n3A_1870 : vector<224x224xi1>, vector<224x224xf32>
    %not3A_2129 = arith.constant dense<true> : vector<224x224xi1>
    %not3A_2130 = arith.xori %or3A_2124, %not3A_2129 : vector<224x224xi1>
    %eq3A_2131 = arith.cmpf oeq, %select_n3A_1879, %min3A_1962 : vector<224x224xf32>
    %and3A_2132 = arith.andi %not3A_2130, %eq3A_2131 : vector<224x224xi1>
    %or3A_2133 = arith.ori %or3A_2124, %and3A_2132 : vector<224x224xi1>
    %select_n3A_2134 = arith.select %and3A_2132, %select_n3A_687, %select_n3A_2125 : vector<224x224xi1>, vector<224x224xi32>
    %jit3A_2135 = arith.constant 0x7F800000 : f32
    %broadcast_in_dim3A_2136 = vector.broadcast %jit3A_2135 : f32 to vector<224x224xf32>
    %select_n3A_2137 = arith.select %and3A_2132, %broadcast_in_dim3A_2136, %select_n3A_1879 : vector<224x224xi1>, vector<224x224xf32>
    %not3A_2138 = arith.constant dense<true> : vector<224x224xi1>
    %not3A_2139 = arith.xori %or3A_2133, %not3A_2138 : vector<224x224xi1>
    %eq3A_2140 = arith.cmpf oeq, %select_n3A_1888, %min3A_1962 : vector<224x224xf32>
    %and3A_2141 = arith.andi %not3A_2139, %eq3A_2140 : vector<224x224xi1>
    %or3A_2142 = arith.ori %or3A_2133, %and3A_2141 : vector<224x224xi1>
    %select_n3A_2143 = arith.select %and3A_2141, %select_n3A_725, %select_n3A_2134 : vector<224x224xi1>, vector<224x224xi32>
    %jit3A_2144 = arith.constant 0x7F800000 : f32
    %broadcast_in_dim3A_2145 = vector.broadcast %jit3A_2144 : f32 to vector<224x224xf32>
    %select_n3A_2146 = arith.select %and3A_2141, %broadcast_in_dim3A_2145, %select_n3A_1888 : vector<224x224xi1>, vector<224x224xf32>
    %not3A_2147 = arith.constant dense<true> : vector<224x224xi1>
    %not3A_2148 = arith.xori %or3A_2142, %not3A_2147 : vector<224x224xi1>
    %eq3A_2149 = arith.cmpf oeq, %select_n3A_1897, %min3A_1962 : vector<224x224xf32>
    %and3A_2150 = arith.andi %not3A_2148, %eq3A_2149 : vector<224x224xi1>
    %or3A_2151 = arith.ori %or3A_2142, %and3A_2150 : vector<224x224xi1>
    %select_n3A_2152 = arith.select %and3A_2150, %select_n3A_763, %select_n3A_2143 : vector<224x224xi1>, vector<224x224xi32>
    %jit3A_2153 = arith.constant 0x7F800000 : f32
    %broadcast_in_dim3A_2154 = vector.broadcast %jit3A_2153 : f32 to vector<224x224xf32>
    %select_n3A_2155 = arith.select %and3A_2150, %broadcast_in_dim3A_2154, %select_n3A_1897 : vector<224x224xi1>, vector<224x224xf32>
    %not3A_2156 = arith.constant dense<true> : vector<224x224xi1>
    %not3A_2157 = arith.xori %or3A_2151, %not3A_2156 : vector<224x224xi1>
    %eq3A_2158 = arith.cmpf oeq, %select_n3A_1906, %min3A_1962 : vector<224x224xf32>
    %and3A_2159 = arith.andi %not3A_2157, %eq3A_2158 : vector<224x224xi1>
    %or3A_2160 = arith.ori %or3A_2151, %and3A_2159 : vector<224x224xi1>
    %select_n3A_2161 = arith.select %and3A_2159, %select_n3A_801, %select_n3A_2152 : vector<224x224xi1>, vector<224x224xi32>
    %jit3A_2162 = arith.constant 0x7F800000 : f32
    %broadcast_in_dim3A_2163 = vector.broadcast %jit3A_2162 : f32 to vector<224x224xf32>
    %select_n3A_2164 = arith.select %and3A_2159, %broadcast_in_dim3A_2163, %select_n3A_1906 : vector<224x224xi1>, vector<224x224xf32>
    %not3A_2165 = arith.constant dense<true> : vector<224x224xi1>
    %not3A_2166 = arith.xori %or3A_2160, %not3A_2165 : vector<224x224xi1>
    %eq3A_2167 = arith.cmpf oeq, %select_n3A_1915, %min3A_1962 : vector<224x224xf32>
    %and3A_2168 = arith.andi %not3A_2166, %eq3A_2167 : vector<224x224xi1>
    %or3A_2169 = arith.ori %or3A_2160, %and3A_2168 : vector<224x224xi1>
    %select_n3A_2170 = arith.select %and3A_2168, %select_n3A_835, %select_n3A_2161 : vector<224x224xi1>, vector<224x224xi32>
    %jit3A_2171 = arith.constant 0x7F800000 : f32
    %broadcast_in_dim3A_2172 = vector.broadcast %jit3A_2171 : f32 to vector<224x224xf32>
    %select_n3A_2173 = arith.select %and3A_2168, %broadcast_in_dim3A_2172, %select_n3A_1915 : vector<224x224xi1>, vector<224x224xf32>
    %not3A_2174 = arith.constant dense<true> : vector<224x224xi1>
    %not3A_2175 = arith.xori %or3A_2169, %not3A_2174 : vector<224x224xi1>
    %eq3A_2176 = arith.cmpf oeq, %select_n3A_1924, %min3A_1962 : vector<224x224xf32>
    %and3A_2177 = arith.andi %not3A_2175, %eq3A_2176 : vector<224x224xi1>
    %or3A_2178 = arith.ori %or3A_2169, %and3A_2177 : vector<224x224xi1>
    %select_n3A_2179 = arith.select %and3A_2177, %select_n3A_873, %select_n3A_2170 : vector<224x224xi1>, vector<224x224xi32>
    %jit3A_2180 = arith.constant 0x7F800000 : f32
    %broadcast_in_dim3A_2181 = vector.broadcast %jit3A_2180 : f32 to vector<224x224xf32>
    %select_n3A_2182 = arith.select %and3A_2177, %broadcast_in_dim3A_2181, %select_n3A_1924 : vector<224x224xi1>, vector<224x224xf32>
    %not3A_2183 = arith.constant dense<true> : vector<224x224xi1>
    %not3A_2184 = arith.xori %or3A_2178, %not3A_2183 : vector<224x224xi1>
    %eq3A_2185 = arith.cmpf oeq, %select_n3A_1932, %min3A_1962 : vector<224x224xf32>
    %and3A_2186 = arith.andi %not3A_2184, %eq3A_2185 : vector<224x224xi1>
    %select_n3A_2187 = arith.select %and3A_2186, %select_n3A_911, %select_n3A_2179 : vector<224x224xi1>, vector<224x224xi32>
    %jit3A_2188 = arith.constant 0x7F800000 : f32
    %broadcast_in_dim3A_2189 = vector.broadcast %jit3A_2188 : f32 to vector<224x224xf32>
    %select_n3A_2190 = arith.select %and3A_2186, %broadcast_in_dim3A_2189, %select_n3A_1932 : vector<224x224xi1>, vector<224x224xf32>
    %swap3A_2191 = arith.constant 4 : index
    %swap3A_2192 = arith.constant 0 : index
    %swap3A_2193 = arith.constant 0 : index
    %swap3A_2194 = vector.load %arg2[%swap3A_2191, %swap3A_2192, %swap3A_2193] : memref<9x224x224xi32, #tpu.memory_space<vmem>>, vector<1x224x224xi32>
    %swap3A_2195 = vector.shape_cast %swap3A_2194 : vector<1x224x224xi32> to vector<224x224xi32>
    %swap3A_2196 = vector.shape_cast %select_n3A_2187 : vector<224x224xi32> to vector<1x224x224xi32>
    tpu.vector_store %arg2[%swap3A_2191, %swap3A_2192, %swap3A_2193], %swap3A_2196 {strides = array<i32>} : memref<9x224x224xi32, #tpu.memory_space<vmem>>, vector<1x224x224xi32>,
    %min3A_2197 = arith.minimumf %select_n3A_1975, %select_n3A_1984 : vector<224x224xf32>
    %min3A_2198 = arith.minimumf %min3A_2197, %select_n3A_1993 : vector<224x224xf32>
    %min3A_2199 = arith.minimumf %min3A_2198, %select_n3A_2002 : vector<224x224xf32>
    %min3A_2200 = arith.minimumf %min3A_2199, %select_n3A_2011 : vector<224x224xf32>
    %min3A_2201 = arith.minimumf %min3A_2200, %select_n3A_2020 : vector<224x224xf32>
    %min3A_2202 = arith.minimumf %min3A_2201, %select_n3A_2029 : vector<224x224xf32>
    %min3A_2203 = arith.minimumf %min3A_2202, %select_n3A_2038 : vector<224x224xf32>
    %min3A_2204 = arith.minimumf %min3A_2203, %select_n3A_2047 : vector<224x224xf32>
    %min3A_2205 = arith.minimumf %min3A_2204, %select_n3A_2056 : vector<224x224xf32>
    %min3A_2206 = arith.minimumf %min3A_2205, %select_n3A_2065 : vector<224x224xf32>
    %min3A_2207 = arith.minimumf %min3A_2206, %select_n3A_2074 : vector<224x224xf32>
    %min3A_2208 = arith.minimumf %min3A_2207, %select_n3A_2083 : vector<224x224xf32>
    %min3A_2209 = arith.minimumf %min3A_2208, %select_n3A_2092 : vector<224x224xf32>
    %min3A_2210 = arith.minimumf %min3A_2209, %select_n3A_2101 : vector<224x224xf32>
    %min3A_2211 = arith.minimumf %min3A_2210, %select_n3A_2110 : vector<224x224xf32>
    %min3A_2212 = arith.minimumf %min3A_2211, %select_n3A_2119 : vector<224x224xf32>
    %min3A_2213 = arith.minimumf %min3A_2212, %select_n3A_2128 : vector<224x224xf32>
    %min3A_2214 = arith.minimumf %min3A_2213, %select_n3A_2137 : vector<224x224xf32>
    %min3A_2215 = arith.minimumf %min3A_2214, %select_n3A_2146 : vector<224x224xf32>
    %min3A_2216 = arith.minimumf %min3A_2215, %select_n3A_2155 : vector<224x224xf32>
    %min3A_2217 = arith.minimumf %min3A_2216, %select_n3A_2164 : vector<224x224xf32>
    %min3A_2218 = arith.minimumf %min3A_2217, %select_n3A_2173 : vector<224x224xf32>
    %min3A_2219 = arith.minimumf %min3A_2218, %select_n3A_2182 : vector<224x224xf32>
    %min3A_2220 = arith.minimumf %min3A_2219, %select_n3A_2190 : vector<224x224xf32>
    %broadcast_in_dim3A_2221 = arith.constant false
    %broadcast_in_dim3A_2222 = vector.broadcast %broadcast_in_dim3A_2221 : i1 to vector<224x224xi1>
    %broadcast_in_dim3A_2223 = arith.constant 50176 : i32
    %broadcast_in_dim3A_2224 = vector.broadcast %broadcast_in_dim3A_2223 : i32 to vector<224x224xi32>
    %not3A_2225 = arith.constant dense<true> : vector<224x224xi1>
    %not3A_2226 = arith.xori %broadcast_in_dim3A_2222, %not3A_2225 : vector<224x224xi1>
    %eq3A_2227 = arith.cmpf oeq, %select_n3A_1975, %min3A_2220 : vector<224x224xf32>
    %and3A_2228 = arith.andi %not3A_2226, %eq3A_2227 : vector<224x224xi1>
    %or3A_2229 = arith.ori %broadcast_in_dim3A_2222, %and3A_2228 : vector<224x224xi1>
    %select_n3A_2230 = arith.select %and3A_2228, %select_n3A, %broadcast_in_dim3A_2224 : vector<224x224xi1>, vector<224x224xi32>
    %jit3A_2231 = arith.constant 0x7F800000 : f32
    %broadcast_in_dim3A_2232 = vector.broadcast %jit3A_2231 : f32 to vector<224x224xf32>
    %select_n3A_2233 = arith.select %and3A_2228, %broadcast_in_dim3A_2232, %select_n3A_1975 : vector<224x224xi1>, vector<224x224xf32>
    %not3A_2234 = arith.constant dense<true> : vector<224x224xi1>
    %not3A_2235 = arith.xori %or3A_2229, %not3A_2234 : vector<224x224xi1>
    %eq3A_2236 = arith.cmpf oeq, %select_n3A_1984, %min3A_2220 : vector<224x224xf32>
    %and3A_2237 = arith.andi %not3A_2235, %eq3A_2236 : vector<224x224xi1>
    %or3A_2238 = arith.ori %or3A_2229, %and3A_2237 : vector<224x224xi1>
    %select_n3A_2239 = arith.select %and3A_2237, %select_n3A_77, %select_n3A_2230 : vector<224x224xi1>, vector<224x224xi32>
    %jit3A_2240 = arith.constant 0x7F800000 : f32
    %broadcast_in_dim3A_2241 = vector.broadcast %jit3A_2240 : f32 to vector<224x224xf32>
    %select_n3A_2242 = arith.select %and3A_2237, %broadcast_in_dim3A_2241, %select_n3A_1984 : vector<224x224xi1>, vector<224x224xf32>
    %not3A_2243 = arith.constant dense<true> : vector<224x224xi1>
    %not3A_2244 = arith.xori %or3A_2238, %not3A_2243 : vector<224x224xi1>
    %eq3A_2245 = arith.cmpf oeq, %select_n3A_1993, %min3A_2220 : vector<224x224xf32>
    %and3A_2246 = arith.andi %not3A_2244, %eq3A_2245 : vector<224x224xi1>
    %or3A_2247 = arith.ori %or3A_2238, %and3A_2246 : vector<224x224xi1>
    %select_n3A_2248 = arith.select %and3A_2246, %select_n3A_111, %select_n3A_2239 : vector<224x224xi1>, vector<224x224xi32>
    %jit3A_2249 = arith.constant 0x7F800000 : f32
    %broadcast_in_dim3A_2250 = vector.broadcast %jit3A_2249 : f32 to vector<224x224xf32>
    %select_n3A_2251 = arith.select %and3A_2246, %broadcast_in_dim3A_2250, %select_n3A_1993 : vector<224x224xi1>, vector<224x224xf32>
    %not3A_2252 = arith.constant dense<true> : vector<224x224xi1>
    %not3A_2253 = arith.xori %or3A_2247, %not3A_2252 : vector<224x224xi1>
    %eq3A_2254 = arith.cmpf oeq, %select_n3A_2002, %min3A_2220 : vector<224x224xf32>
    %and3A_2255 = arith.andi %not3A_2253, %eq3A_2254 : vector<224x224xi1>
    %or3A_2256 = arith.ori %or3A_2247, %and3A_2255 : vector<224x224xi1>
    %select_n3A_2257 = arith.select %and3A_2255, %select_n3A_149, %select_n3A_2248 : vector<224x224xi1>, vector<224x224xi32>
    %jit3A_2258 = arith.constant 0x7F800000 : f32
    %broadcast_in_dim3A_2259 = vector.broadcast %jit3A_2258 : f32 to vector<224x224xf32>
    %select_n3A_2260 = arith.select %and3A_2255, %broadcast_in_dim3A_2259, %select_n3A_2002 : vector<224x224xi1>, vector<224x224xf32>
    %not3A_2261 = arith.constant dense<true> : vector<224x224xi1>
    %not3A_2262 = arith.xori %or3A_2256, %not3A_2261 : vector<224x224xi1>
    %eq3A_2263 = arith.cmpf oeq, %select_n3A_2011, %min3A_2220 : vector<224x224xf32>
    %and3A_2264 = arith.andi %not3A_2262, %eq3A_2263 : vector<224x224xi1>
    %or3A_2265 = arith.ori %or3A_2256, %and3A_2264 : vector<224x224xi1>
    %select_n3A_2266 = arith.select %and3A_2264, %select_n3A_187, %select_n3A_2257 : vector<224x224xi1>, vector<224x224xi32>
    %jit3A_2267 = arith.constant 0x7F800000 : f32
    %broadcast_in_dim3A_2268 = vector.broadcast %jit3A_2267 : f32 to vector<224x224xf32>
    %select_n3A_2269 = arith.select %and3A_2264, %broadcast_in_dim3A_2268, %select_n3A_2011 : vector<224x224xi1>, vector<224x224xf32>
    %not3A_2270 = arith.constant dense<true> : vector<224x224xi1>
    %not3A_2271 = arith.xori %or3A_2265, %not3A_2270 : vector<224x224xi1>
    %eq3A_2272 = arith.cmpf oeq, %select_n3A_2020, %min3A_2220 : vector<224x224xf32>
    %and3A_2273 = arith.andi %not3A_2271, %eq3A_2272 : vector<224x224xi1>
    %or3A_2274 = arith.ori %or3A_2265, %and3A_2273 : vector<224x224xi1>
    %select_n3A_2275 = arith.select %and3A_2273, %select_n3A_225, %select_n3A_2266 : vector<224x224xi1>, vector<224x224xi32>
    %jit3A_2276 = arith.constant 0x7F800000 : f32
    %broadcast_in_dim3A_2277 = vector.broadcast %jit3A_2276 : f32 to vector<224x224xf32>
    %select_n3A_2278 = arith.select %and3A_2273, %broadcast_in_dim3A_2277, %select_n3A_2020 : vector<224x224xi1>, vector<224x224xf32>
    %not3A_2279 = arith.constant dense<true> : vector<224x224xi1>
    %not3A_2280 = arith.xori %or3A_2274, %not3A_2279 : vector<224x224xi1>
    %eq3A_2281 = arith.cmpf oeq, %select_n3A_2029, %min3A_2220 : vector<224x224xf32>
    %and3A_2282 = arith.andi %not3A_2280, %eq3A_2281 : vector<224x224xi1>
    %or3A_2283 = arith.ori %or3A_2274, %and3A_2282 : vector<224x224xi1>
    %select_n3A_2284 = arith.select %and3A_2282, %select_n3A_263, %select_n3A_2275 : vector<224x224xi1>, vector<224x224xi32>
    %jit3A_2285 = arith.constant 0x7F800000 : f32
    %broadcast_in_dim3A_2286 = vector.broadcast %jit3A_2285 : f32 to vector<224x224xf32>
    %select_n3A_2287 = arith.select %and3A_2282, %broadcast_in_dim3A_2286, %select_n3A_2029 : vector<224x224xi1>, vector<224x224xf32>
    %not3A_2288 = arith.constant dense<true> : vector<224x224xi1>
    %not3A_2289 = arith.xori %or3A_2283, %not3A_2288 : vector<224x224xi1>
    %eq3A_2290 = arith.cmpf oeq, %select_n3A_2038, %min3A_2220 : vector<224x224xf32>
    %and3A_2291 = arith.andi %not3A_2289, %eq3A_2290 : vector<224x224xi1>
    %or3A_2292 = arith.ori %or3A_2283, %and3A_2291 : vector<224x224xi1>
    %select_n3A_2293 = arith.select %and3A_2291, %select_n3A_297, %select_n3A_2284 : vector<224x224xi1>, vector<224x224xi32>
    %jit3A_2294 = arith.constant 0x7F800000 : f32
    %broadcast_in_dim3A_2295 = vector.broadcast %jit3A_2294 : f32 to vector<224x224xf32>
    %select_n3A_2296 = arith.select %and3A_2291, %broadcast_in_dim3A_2295, %select_n3A_2038 : vector<224x224xi1>, vector<224x224xf32>
    %not3A_2297 = arith.constant dense<true> : vector<224x224xi1>
    %not3A_2298 = arith.xori %or3A_2292, %not3A_2297 : vector<224x224xi1>
    %eq3A_2299 = arith.cmpf oeq, %select_n3A_2047, %min3A_2220 : vector<224x224xf32>
    %and3A_2300 = arith.andi %not3A_2298, %eq3A_2299 : vector<224x224xi1>
    %or3A_2301 = arith.ori %or3A_2292, %and3A_2300 : vector<224x224xi1>
    %select_n3A_2302 = arith.select %and3A_2300, %select_n3A_335, %select_n3A_2293 : vector<224x224xi1>, vector<224x224xi32>
    %jit3A_2303 = arith.constant 0x7F800000 : f32
    %broadcast_in_dim3A_2304 = vector.broadcast %jit3A_2303 : f32 to vector<224x224xf32>
    %select_n3A_2305 = arith.select %and3A_2300, %broadcast_in_dim3A_2304, %select_n3A_2047 : vector<224x224xi1>, vector<224x224xf32>
    %not3A_2306 = arith.constant dense<true> : vector<224x224xi1>
    %not3A_2307 = arith.xori %or3A_2301, %not3A_2306 : vector<224x224xi1>
    %eq3A_2308 = arith.cmpf oeq, %select_n3A_2056, %min3A_2220 : vector<224x224xf32>
    %and3A_2309 = arith.andi %not3A_2307, %eq3A_2308 : vector<224x224xi1>
    %or3A_2310 = arith.ori %or3A_2301, %and3A_2309 : vector<224x224xi1>
    %select_n3A_2311 = arith.select %and3A_2309, %select_n3A_373, %select_n3A_2302 : vector<224x224xi1>, vector<224x224xi32>
    %jit3A_2312 = arith.constant 0x7F800000 : f32
    %broadcast_in_dim3A_2313 = vector.broadcast %jit3A_2312 : f32 to vector<224x224xf32>
    %select_n3A_2314 = arith.select %and3A_2309, %broadcast_in_dim3A_2313, %select_n3A_2056 : vector<224x224xi1>, vector<224x224xf32>
    %not3A_2315 = arith.constant dense<true> : vector<224x224xi1>
    %not3A_2316 = arith.xori %or3A_2310, %not3A_2315 : vector<224x224xi1>
    %eq3A_2317 = arith.cmpf oeq, %select_n3A_2065, %min3A_2220 : vector<224x224xf32>
    %and3A_2318 = arith.andi %not3A_2316, %eq3A_2317 : vector<224x224xi1>
    %or3A_2319 = arith.ori %or3A_2310, %and3A_2318 : vector<224x224xi1>
    %select_n3A_2320 = arith.select %and3A_2318, %select_n3A_407, %select_n3A_2311 : vector<224x224xi1>, vector<224x224xi32>
    %jit3A_2321 = arith.constant 0x7F800000 : f32
    %broadcast_in_dim3A_2322 = vector.broadcast %jit3A_2321 : f32 to vector<224x224xf32>
    %select_n3A_2323 = arith.select %and3A_2318, %broadcast_in_dim3A_2322, %select_n3A_2065 : vector<224x224xi1>, vector<224x224xf32>
    %not3A_2324 = arith.constant dense<true> : vector<224x224xi1>
    %not3A_2325 = arith.xori %or3A_2319, %not3A_2324 : vector<224x224xi1>
    %eq3A_2326 = arith.cmpf oeq, %select_n3A_2074, %min3A_2220 : vector<224x224xf32>
    %and3A_2327 = arith.andi %not3A_2325, %eq3A_2326 : vector<224x224xi1>
    %or3A_2328 = arith.ori %or3A_2319, %and3A_2327 : vector<224x224xi1>
    %select_n3A_2329 = arith.select %and3A_2327, %select_n3A_441, %select_n3A_2320 : vector<224x224xi1>, vector<224x224xi32>
    %jit3A_2330 = arith.constant 0x7F800000 : f32
    %broadcast_in_dim3A_2331 = vector.broadcast %jit3A_2330 : f32 to vector<224x224xf32>
    %select_n3A_2332 = arith.select %and3A_2327, %broadcast_in_dim3A_2331, %select_n3A_2074 : vector<224x224xi1>, vector<224x224xf32>
    %not3A_2333 = arith.constant dense<true> : vector<224x224xi1>
    %not3A_2334 = arith.xori %or3A_2328, %not3A_2333 : vector<224x224xi1>
    %eq3A_2335 = arith.cmpf oeq, %select_n3A_2083, %min3A_2220 : vector<224x224xf32>
    %and3A_2336 = arith.andi %not3A_2334, %eq3A_2335 : vector<224x224xi1>
    %or3A_2337 = arith.ori %or3A_2328, %and3A_2336 : vector<224x224xi1>
    %select_n3A_2338 = arith.select %and3A_2336, %select_n3A_471, %select_n3A_2329 : vector<224x224xi1>, vector<224x224xi32>
    %jit3A_2339 = arith.constant 0x7F800000 : f32
    %broadcast_in_dim3A_2340 = vector.broadcast %jit3A_2339 : f32 to vector<224x224xf32>
    %select_n3A_2341 = arith.select %and3A_2336, %broadcast_in_dim3A_2340, %select_n3A_2083 : vector<224x224xi1>, vector<224x224xf32>
    %not3A_2342 = arith.constant dense<true> : vector<224x224xi1>
    %not3A_2343 = arith.xori %or3A_2337, %not3A_2342 : vector<224x224xi1>
    %eq3A_2344 = arith.cmpf oeq, %select_n3A_2092, %min3A_2220 : vector<224x224xf32>
    %and3A_2345 = arith.andi %not3A_2343, %eq3A_2344 : vector<224x224xi1>
    %or3A_2346 = arith.ori %or3A_2337, %and3A_2345 : vector<224x224xi1>
    %select_n3A_2347 = arith.select %and3A_2345, %select_n3A_505, %select_n3A_2338 : vector<224x224xi1>, vector<224x224xi32>
    %jit3A_2348 = arith.constant 0x7F800000 : f32
    %broadcast_in_dim3A_2349 = vector.broadcast %jit3A_2348 : f32 to vector<224x224xf32>
    %select_n3A_2350 = arith.select %and3A_2345, %broadcast_in_dim3A_2349, %select_n3A_2092 : vector<224x224xi1>, vector<224x224xf32>
    %not3A_2351 = arith.constant dense<true> : vector<224x224xi1>
    %not3A_2352 = arith.xori %or3A_2346, %not3A_2351 : vector<224x224xi1>
    %eq3A_2353 = arith.cmpf oeq, %select_n3A_2101, %min3A_2220 : vector<224x224xf32>
    %and3A_2354 = arith.andi %not3A_2352, %eq3A_2353 : vector<224x224xi1>
    %or3A_2355 = arith.ori %or3A_2346, %and3A_2354 : vector<224x224xi1>
    %select_n3A_2356 = arith.select %and3A_2354, %select_n3A_539, %select_n3A_2347 : vector<224x224xi1>, vector<224x224xi32>
    %jit3A_2357 = arith.constant 0x7F800000 : f32
    %broadcast_in_dim3A_2358 = vector.broadcast %jit3A_2357 : f32 to vector<224x224xf32>
    %select_n3A_2359 = arith.select %and3A_2354, %broadcast_in_dim3A_2358, %select_n3A_2101 : vector<224x224xi1>, vector<224x224xf32>
    %not3A_2360 = arith.constant dense<true> : vector<224x224xi1>
    %not3A_2361 = arith.xori %or3A_2355, %not3A_2360 : vector<224x224xi1>
    %eq3A_2362 = arith.cmpf oeq, %select_n3A_2110, %min3A_2220 : vector<224x224xf32>
    %and3A_2363 = arith.andi %not3A_2361, %eq3A_2362 : vector<224x224xi1>
    %or3A_2364 = arith.ori %or3A_2355, %and3A_2363 : vector<224x224xi1>
    %select_n3A_2365 = arith.select %and3A_2363, %select_n3A_577, %select_n3A_2356 : vector<224x224xi1>, vector<224x224xi32>
    %jit3A_2366 = arith.constant 0x7F800000 : f32
    %broadcast_in_dim3A_2367 = vector.broadcast %jit3A_2366 : f32 to vector<224x224xf32>
    %select_n3A_2368 = arith.select %and3A_2363, %broadcast_in_dim3A_2367, %select_n3A_2110 : vector<224x224xi1>, vector<224x224xf32>
    %not3A_2369 = arith.constant dense<true> : vector<224x224xi1>
    %not3A_2370 = arith.xori %or3A_2364, %not3A_2369 : vector<224x224xi1>
    %eq3A_2371 = arith.cmpf oeq, %select_n3A_2119, %min3A_2220 : vector<224x224xf32>
    %and3A_2372 = arith.andi %not3A_2370, %eq3A_2371 : vector<224x224xi1>
    %or3A_2373 = arith.ori %or3A_2364, %and3A_2372 : vector<224x224xi1>
    %select_n3A_2374 = arith.select %and3A_2372, %select_n3A_615, %select_n3A_2365 : vector<224x224xi1>, vector<224x224xi32>
    %jit3A_2375 = arith.constant 0x7F800000 : f32
    %broadcast_in_dim3A_2376 = vector.broadcast %jit3A_2375 : f32 to vector<224x224xf32>
    %select_n3A_2377 = arith.select %and3A_2372, %broadcast_in_dim3A_2376, %select_n3A_2119 : vector<224x224xi1>, vector<224x224xf32>
    %not3A_2378 = arith.constant dense<true> : vector<224x224xi1>
    %not3A_2379 = arith.xori %or3A_2373, %not3A_2378 : vector<224x224xi1>
    %eq3A_2380 = arith.cmpf oeq, %select_n3A_2128, %min3A_2220 : vector<224x224xf32>
    %and3A_2381 = arith.andi %not3A_2379, %eq3A_2380 : vector<224x224xi1>
    %or3A_2382 = arith.ori %or3A_2373, %and3A_2381 : vector<224x224xi1>
    %select_n3A_2383 = arith.select %and3A_2381, %select_n3A_649, %select_n3A_2374 : vector<224x224xi1>, vector<224x224xi32>
    %jit3A_2384 = arith.constant 0x7F800000 : f32
    %broadcast_in_dim3A_2385 = vector.broadcast %jit3A_2384 : f32 to vector<224x224xf32>
    %select_n3A_2386 = arith.select %and3A_2381, %broadcast_in_dim3A_2385, %select_n3A_2128 : vector<224x224xi1>, vector<224x224xf32>
    %not3A_2387 = arith.constant dense<true> : vector<224x224xi1>
    %not3A_2388 = arith.xori %or3A_2382, %not3A_2387 : vector<224x224xi1>
    %eq3A_2389 = arith.cmpf oeq, %select_n3A_2137, %min3A_2220 : vector<224x224xf32>
    %and3A_2390 = arith.andi %not3A_2388, %eq3A_2389 : vector<224x224xi1>
    %or3A_2391 = arith.ori %or3A_2382, %and3A_2390 : vector<224x224xi1>
    %select_n3A_2392 = arith.select %and3A_2390, %select_n3A_687, %select_n3A_2383 : vector<224x224xi1>, vector<224x224xi32>
    %jit3A_2393 = arith.constant 0x7F800000 : f32
    %broadcast_in_dim3A_2394 = vector.broadcast %jit3A_2393 : f32 to vector<224x224xf32>
    %select_n3A_2395 = arith.select %and3A_2390, %broadcast_in_dim3A_2394, %select_n3A_2137 : vector<224x224xi1>, vector<224x224xf32>
    %not3A_2396 = arith.constant dense<true> : vector<224x224xi1>
    %not3A_2397 = arith.xori %or3A_2391, %not3A_2396 : vector<224x224xi1>
    %eq3A_2398 = arith.cmpf oeq, %select_n3A_2146, %min3A_2220 : vector<224x224xf32>
    %and3A_2399 = arith.andi %not3A_2397, %eq3A_2398 : vector<224x224xi1>
    %or3A_2400 = arith.ori %or3A_2391, %and3A_2399 : vector<224x224xi1>
    %select_n3A_2401 = arith.select %and3A_2399, %select_n3A_725, %select_n3A_2392 : vector<224x224xi1>, vector<224x224xi32>
    %jit3A_2402 = arith.constant 0x7F800000 : f32
    %broadcast_in_dim3A_2403 = vector.broadcast %jit3A_2402 : f32 to vector<224x224xf32>
    %select_n3A_2404 = arith.select %and3A_2399, %broadcast_in_dim3A_2403, %select_n3A_2146 : vector<224x224xi1>, vector<224x224xf32>
    %not3A_2405 = arith.constant dense<true> : vector<224x224xi1>
    %not3A_2406 = arith.xori %or3A_2400, %not3A_2405 : vector<224x224xi1>
    %eq3A_2407 = arith.cmpf oeq, %select_n3A_2155, %min3A_2220 : vector<224x224xf32>
    %and3A_2408 = arith.andi %not3A_2406, %eq3A_2407 : vector<224x224xi1>
    %or3A_2409 = arith.ori %or3A_2400, %and3A_2408 : vector<224x224xi1>
    %select_n3A_2410 = arith.select %and3A_2408, %select_n3A_763, %select_n3A_2401 : vector<224x224xi1>, vector<224x224xi32>
    %jit3A_2411 = arith.constant 0x7F800000 : f32
    %broadcast_in_dim3A_2412 = vector.broadcast %jit3A_2411 : f32 to vector<224x224xf32>
    %select_n3A_2413 = arith.select %and3A_2408, %broadcast_in_dim3A_2412, %select_n3A_2155 : vector<224x224xi1>, vector<224x224xf32>
    %not3A_2414 = arith.constant dense<true> : vector<224x224xi1>
    %not3A_2415 = arith.xori %or3A_2409, %not3A_2414 : vector<224x224xi1>
    %eq3A_2416 = arith.cmpf oeq, %select_n3A_2164, %min3A_2220 : vector<224x224xf32>
    %and3A_2417 = arith.andi %not3A_2415, %eq3A_2416 : vector<224x224xi1>
    %or3A_2418 = arith.ori %or3A_2409, %and3A_2417 : vector<224x224xi1>
    %select_n3A_2419 = arith.select %and3A_2417, %select_n3A_801, %select_n3A_2410 : vector<224x224xi1>, vector<224x224xi32>
    %jit3A_2420 = arith.constant 0x7F800000 : f32
    %broadcast_in_dim3A_2421 = vector.broadcast %jit3A_2420 : f32 to vector<224x224xf32>
    %select_n3A_2422 = arith.select %and3A_2417, %broadcast_in_dim3A_2421, %select_n3A_2164 : vector<224x224xi1>, vector<224x224xf32>
    %not3A_2423 = arith.constant dense<true> : vector<224x224xi1>
    %not3A_2424 = arith.xori %or3A_2418, %not3A_2423 : vector<224x224xi1>
    %eq3A_2425 = arith.cmpf oeq, %select_n3A_2173, %min3A_2220 : vector<224x224xf32>
    %and3A_2426 = arith.andi %not3A_2424, %eq3A_2425 : vector<224x224xi1>
    %or3A_2427 = arith.ori %or3A_2418, %and3A_2426 : vector<224x224xi1>
    %select_n3A_2428 = arith.select %and3A_2426, %select_n3A_835, %select_n3A_2419 : vector<224x224xi1>, vector<224x224xi32>
    %jit3A_2429 = arith.constant 0x7F800000 : f32
    %broadcast_in_dim3A_2430 = vector.broadcast %jit3A_2429 : f32 to vector<224x224xf32>
    %select_n3A_2431 = arith.select %and3A_2426, %broadcast_in_dim3A_2430, %select_n3A_2173 : vector<224x224xi1>, vector<224x224xf32>
    %not3A_2432 = arith.constant dense<true> : vector<224x224xi1>
    %not3A_2433 = arith.xori %or3A_2427, %not3A_2432 : vector<224x224xi1>
    %eq3A_2434 = arith.cmpf oeq, %select_n3A_2182, %min3A_2220 : vector<224x224xf32>
    %and3A_2435 = arith.andi %not3A_2433, %eq3A_2434 : vector<224x224xi1>
    %or3A_2436 = arith.ori %or3A_2427, %and3A_2435 : vector<224x224xi1>
    %select_n3A_2437 = arith.select %and3A_2435, %select_n3A_873, %select_n3A_2428 : vector<224x224xi1>, vector<224x224xi32>
    %jit3A_2438 = arith.constant 0x7F800000 : f32
    %broadcast_in_dim3A_2439 = vector.broadcast %jit3A_2438 : f32 to vector<224x224xf32>
    %select_n3A_2440 = arith.select %and3A_2435, %broadcast_in_dim3A_2439, %select_n3A_2182 : vector<224x224xi1>, vector<224x224xf32>
    %not3A_2441 = arith.constant dense<true> : vector<224x224xi1>
    %not3A_2442 = arith.xori %or3A_2436, %not3A_2441 : vector<224x224xi1>
    %eq3A_2443 = arith.cmpf oeq, %select_n3A_2190, %min3A_2220 : vector<224x224xf32>
    %and3A_2444 = arith.andi %not3A_2442, %eq3A_2443 : vector<224x224xi1>
    %select_n3A_2445 = arith.select %and3A_2444, %select_n3A_911, %select_n3A_2437 : vector<224x224xi1>, vector<224x224xi32>
    %jit3A_2446 = arith.constant 0x7F800000 : f32
    %broadcast_in_dim3A_2447 = vector.broadcast %jit3A_2446 : f32 to vector<224x224xf32>
    %select_n3A_2448 = arith.select %and3A_2444, %broadcast_in_dim3A_2447, %select_n3A_2190 : vector<224x224xi1>, vector<224x224xf32>
    %swap3A_2449 = arith.constant 5 : index
    %swap3A_2450 = arith.constant 0 : index
    %swap3A_2451 = arith.constant 0 : index
    %swap3A_2452 = vector.load %arg2[%swap3A_2449, %swap3A_2450, %swap3A_2451] : memref<9x224x224xi32, #tpu.memory_space<vmem>>, vector<1x224x224xi32>
    %swap3A_2453 = vector.shape_cast %swap3A_2452 : vector<1x224x224xi32> to vector<224x224xi32>
    %swap3A_2454 = vector.shape_cast %select_n3A_2445 : vector<224x224xi32> to vector<1x224x224xi32>
    tpu.vector_store %arg2[%swap3A_2449, %swap3A_2450, %swap3A_2451], %swap3A_2454 {strides = array<i32>} : memref<9x224x224xi32, #tpu.memory_space<vmem>>, vector<1x224x224xi32>,
    %min3A_2455 = arith.minimumf %select_n3A_2233, %select_n3A_2242 : vector<224x224xf32>
    %min3A_2456 = arith.minimumf %min3A_2455, %select_n3A_2251 : vector<224x224xf32>
    %min3A_2457 = arith.minimumf %min3A_2456, %select_n3A_2260 : vector<224x224xf32>
    %min3A_2458 = arith.minimumf %min3A_2457, %select_n3A_2269 : vector<224x224xf32>
    %min3A_2459 = arith.minimumf %min3A_2458, %select_n3A_2278 : vector<224x224xf32>
    %min3A_2460 = arith.minimumf %min3A_2459, %select_n3A_2287 : vector<224x224xf32>
    %min3A_2461 = arith.minimumf %min3A_2460, %select_n3A_2296 : vector<224x224xf32>
    %min3A_2462 = arith.minimumf %min3A_2461, %select_n3A_2305 : vector<224x224xf32>
    %min3A_2463 = arith.minimumf %min3A_2462, %select_n3A_2314 : vector<224x224xf32>
    %min3A_2464 = arith.minimumf %min3A_2463, %select_n3A_2323 : vector<224x224xf32>
    %min3A_2465 = arith.minimumf %min3A_2464, %select_n3A_2332 : vector<224x224xf32>
    %min3A_2466 = arith.minimumf %min3A_2465, %select_n3A_2341 : vector<224x224xf32>
    %min3A_2467 = arith.minimumf %min3A_2466, %select_n3A_2350 : vector<224x224xf32>
    %min3A_2468 = arith.minimumf %min3A_2467, %select_n3A_2359 : vector<224x224xf32>
    %min3A_2469 = arith.minimumf %min3A_2468, %select_n3A_2368 : vector<224x224xf32>
    %min3A_2470 = arith.minimumf %min3A_2469, %select_n3A_2377 : vector<224x224xf32>
    %min3A_2471 = arith.minimumf %min3A_2470, %select_n3A_2386 : vector<224x224xf32>
    %min3A_2472 = arith.minimumf %min3A_2471, %select_n3A_2395 : vector<224x224xf32>
    %min3A_2473 = arith.minimumf %min3A_2472, %select_n3A_2404 : vector<224x224xf32>
    %min3A_2474 = arith.minimumf %min3A_2473, %select_n3A_2413 : vector<224x224xf32>
    %min3A_2475 = arith.minimumf %min3A_2474, %select_n3A_2422 : vector<224x224xf32>
    %min3A_2476 = arith.minimumf %min3A_2475, %select_n3A_2431 : vector<224x224xf32>
    %min3A_2477 = arith.minimumf %min3A_2476, %select_n3A_2440 : vector<224x224xf32>
    %min3A_2478 = arith.minimumf %min3A_2477, %select_n3A_2448 : vector<224x224xf32>
    %broadcast_in_dim3A_2479 = arith.constant false
    %broadcast_in_dim3A_2480 = vector.broadcast %broadcast_in_dim3A_2479 : i1 to vector<224x224xi1>
    %broadcast_in_dim3A_2481 = arith.constant 50176 : i32
    %broadcast_in_dim3A_2482 = vector.broadcast %broadcast_in_dim3A_2481 : i32 to vector<224x224xi32>
    %not3A_2483 = arith.constant dense<true> : vector<224x224xi1>
    %not3A_2484 = arith.xori %broadcast_in_dim3A_2480, %not3A_2483 : vector<224x224xi1>
    %eq3A_2485 = arith.cmpf oeq, %select_n3A_2233, %min3A_2478 : vector<224x224xf32>
    %and3A_2486 = arith.andi %not3A_2484, %eq3A_2485 : vector<224x224xi1>
    %or3A_2487 = arith.ori %broadcast_in_dim3A_2480, %and3A_2486 : vector<224x224xi1>
    %select_n3A_2488 = arith.select %and3A_2486, %select_n3A, %broadcast_in_dim3A_2482 : vector<224x224xi1>, vector<224x224xi32>
    %jit3A_2489 = arith.constant 0x7F800000 : f32
    %broadcast_in_dim3A_2490 = vector.broadcast %jit3A_2489 : f32 to vector<224x224xf32>
    %select_n3A_2491 = arith.select %and3A_2486, %broadcast_in_dim3A_2490, %select_n3A_2233 : vector<224x224xi1>, vector<224x224xf32>
    %not3A_2492 = arith.constant dense<true> : vector<224x224xi1>
    %not3A_2493 = arith.xori %or3A_2487, %not3A_2492 : vector<224x224xi1>
    %eq3A_2494 = arith.cmpf oeq, %select_n3A_2242, %min3A_2478 : vector<224x224xf32>
    %and3A_2495 = arith.andi %not3A_2493, %eq3A_2494 : vector<224x224xi1>
    %or3A_2496 = arith.ori %or3A_2487, %and3A_2495 : vector<224x224xi1>
    %select_n3A_2497 = arith.select %and3A_2495, %select_n3A_77, %select_n3A_2488 : vector<224x224xi1>, vector<224x224xi32>
    %jit3A_2498 = arith.constant 0x7F800000 : f32
    %broadcast_in_dim3A_2499 = vector.broadcast %jit3A_2498 : f32 to vector<224x224xf32>
    %select_n3A_2500 = arith.select %and3A_2495, %broadcast_in_dim3A_2499, %select_n3A_2242 : vector<224x224xi1>, vector<224x224xf32>
    %not3A_2501 = arith.constant dense<true> : vector<224x224xi1>
    %not3A_2502 = arith.xori %or3A_2496, %not3A_2501 : vector<224x224xi1>
    %eq3A_2503 = arith.cmpf oeq, %select_n3A_2251, %min3A_2478 : vector<224x224xf32>
    %and3A_2504 = arith.andi %not3A_2502, %eq3A_2503 : vector<224x224xi1>
    %or3A_2505 = arith.ori %or3A_2496, %and3A_2504 : vector<224x224xi1>
    %select_n3A_2506 = arith.select %and3A_2504, %select_n3A_111, %select_n3A_2497 : vector<224x224xi1>, vector<224x224xi32>
    %jit3A_2507 = arith.constant 0x7F800000 : f32
    %broadcast_in_dim3A_2508 = vector.broadcast %jit3A_2507 : f32 to vector<224x224xf32>
    %select_n3A_2509 = arith.select %and3A_2504, %broadcast_in_dim3A_2508, %select_n3A_2251 : vector<224x224xi1>, vector<224x224xf32>
    %not3A_2510 = arith.constant dense<true> : vector<224x224xi1>
    %not3A_2511 = arith.xori %or3A_2505, %not3A_2510 : vector<224x224xi1>
    %eq3A_2512 = arith.cmpf oeq, %select_n3A_2260, %min3A_2478 : vector<224x224xf32>
    %and3A_2513 = arith.andi %not3A_2511, %eq3A_2512 : vector<224x224xi1>
    %or3A_2514 = arith.ori %or3A_2505, %and3A_2513 : vector<224x224xi1>
    %select_n3A_2515 = arith.select %and3A_2513, %select_n3A_149, %select_n3A_2506 : vector<224x224xi1>, vector<224x224xi32>
    %jit3A_2516 = arith.constant 0x7F800000 : f32
    %broadcast_in_dim3A_2517 = vector.broadcast %jit3A_2516 : f32 to vector<224x224xf32>
    %select_n3A_2518 = arith.select %and3A_2513, %broadcast_in_dim3A_2517, %select_n3A_2260 : vector<224x224xi1>, vector<224x224xf32>
    %not3A_2519 = arith.constant dense<true> : vector<224x224xi1>
    %not3A_2520 = arith.xori %or3A_2514, %not3A_2519 : vector<224x224xi1>
    %eq3A_2521 = arith.cmpf oeq, %select_n3A_2269, %min3A_2478 : vector<224x224xf32>
    %and3A_2522 = arith.andi %not3A_2520, %eq3A_2521 : vector<224x224xi1>
    %or3A_2523 = arith.ori %or3A_2514, %and3A_2522 : vector<224x224xi1>
    %select_n3A_2524 = arith.select %and3A_2522, %select_n3A_187, %select_n3A_2515 : vector<224x224xi1>, vector<224x224xi32>
    %jit3A_2525 = arith.constant 0x7F800000 : f32
    %broadcast_in_dim3A_2526 = vector.broadcast %jit3A_2525 : f32 to vector<224x224xf32>
    %select_n3A_2527 = arith.select %and3A_2522, %broadcast_in_dim3A_2526, %select_n3A_2269 : vector<224x224xi1>, vector<224x224xf32>
    %not3A_2528 = arith.constant dense<true> : vector<224x224xi1>
    %not3A_2529 = arith.xori %or3A_2523, %not3A_2528 : vector<224x224xi1>
    %eq3A_2530 = arith.cmpf oeq, %select_n3A_2278, %min3A_2478 : vector<224x224xf32>
    %and3A_2531 = arith.andi %not3A_2529, %eq3A_2530 : vector<224x224xi1>
    %or3A_2532 = arith.ori %or3A_2523, %and3A_2531 : vector<224x224xi1>
    %select_n3A_2533 = arith.select %and3A_2531, %select_n3A_225, %select_n3A_2524 : vector<224x224xi1>, vector<224x224xi32>
    %jit3A_2534 = arith.constant 0x7F800000 : f32
    %broadcast_in_dim3A_2535 = vector.broadcast %jit3A_2534 : f32 to vector<224x224xf32>
    %select_n3A_2536 = arith.select %and3A_2531, %broadcast_in_dim3A_2535, %select_n3A_2278 : vector<224x224xi1>, vector<224x224xf32>
    %not3A_2537 = arith.constant dense<true> : vector<224x224xi1>
    %not3A_2538 = arith.xori %or3A_2532, %not3A_2537 : vector<224x224xi1>
    %eq3A_2539 = arith.cmpf oeq, %select_n3A_2287, %min3A_2478 : vector<224x224xf32>
    %and3A_2540 = arith.andi %not3A_2538, %eq3A_2539 : vector<224x224xi1>
    %or3A_2541 = arith.ori %or3A_2532, %and3A_2540 : vector<224x224xi1>
    %select_n3A_2542 = arith.select %and3A_2540, %select_n3A_263, %select_n3A_2533 : vector<224x224xi1>, vector<224x224xi32>
    %jit3A_2543 = arith.constant 0x7F800000 : f32
    %broadcast_in_dim3A_2544 = vector.broadcast %jit3A_2543 : f32 to vector<224x224xf32>
    %select_n3A_2545 = arith.select %and3A_2540, %broadcast_in_dim3A_2544, %select_n3A_2287 : vector<224x224xi1>, vector<224x224xf32>
    %not3A_2546 = arith.constant dense<true> : vector<224x224xi1>
    %not3A_2547 = arith.xori %or3A_2541, %not3A_2546 : vector<224x224xi1>
    %eq3A_2548 = arith.cmpf oeq, %select_n3A_2296, %min3A_2478 : vector<224x224xf32>
    %and3A_2549 = arith.andi %not3A_2547, %eq3A_2548 : vector<224x224xi1>
    %or3A_2550 = arith.ori %or3A_2541, %and3A_2549 : vector<224x224xi1>
    %select_n3A_2551 = arith.select %and3A_2549, %select_n3A_297, %select_n3A_2542 : vector<224x224xi1>, vector<224x224xi32>
    %jit3A_2552 = arith.constant 0x7F800000 : f32
    %broadcast_in_dim3A_2553 = vector.broadcast %jit3A_2552 : f32 to vector<224x224xf32>
    %select_n3A_2554 = arith.select %and3A_2549, %broadcast_in_dim3A_2553, %select_n3A_2296 : vector<224x224xi1>, vector<224x224xf32>
    %not3A_2555 = arith.constant dense<true> : vector<224x224xi1>
    %not3A_2556 = arith.xori %or3A_2550, %not3A_2555 : vector<224x224xi1>
    %eq3A_2557 = arith.cmpf oeq, %select_n3A_2305, %min3A_2478 : vector<224x224xf32>
    %and3A_2558 = arith.andi %not3A_2556, %eq3A_2557 : vector<224x224xi1>
    %or3A_2559 = arith.ori %or3A_2550, %and3A_2558 : vector<224x224xi1>
    %select_n3A_2560 = arith.select %and3A_2558, %select_n3A_335, %select_n3A_2551 : vector<224x224xi1>, vector<224x224xi32>
    %jit3A_2561 = arith.constant 0x7F800000 : f32
    %broadcast_in_dim3A_2562 = vector.broadcast %jit3A_2561 : f32 to vector<224x224xf32>
    %select_n3A_2563 = arith.select %and3A_2558, %broadcast_in_dim3A_2562, %select_n3A_2305 : vector<224x224xi1>, vector<224x224xf32>
    %not3A_2564 = arith.constant dense<true> : vector<224x224xi1>
    %not3A_2565 = arith.xori %or3A_2559, %not3A_2564 : vector<224x224xi1>
    %eq3A_2566 = arith.cmpf oeq, %select_n3A_2314, %min3A_2478 : vector<224x224xf32>
    %and3A_2567 = arith.andi %not3A_2565, %eq3A_2566 : vector<224x224xi1>
    %or3A_2568 = arith.ori %or3A_2559, %and3A_2567 : vector<224x224xi1>
    %select_n3A_2569 = arith.select %and3A_2567, %select_n3A_373, %select_n3A_2560 : vector<224x224xi1>, vector<224x224xi32>
    %jit3A_2570 = arith.constant 0x7F800000 : f32
    %broadcast_in_dim3A_2571 = vector.broadcast %jit3A_2570 : f32 to vector<224x224xf32>
    %select_n3A_2572 = arith.select %and3A_2567, %broadcast_in_dim3A_2571, %select_n3A_2314 : vector<224x224xi1>, vector<224x224xf32>
    %not3A_2573 = arith.constant dense<true> : vector<224x224xi1>
    %not3A_2574 = arith.xori %or3A_2568, %not3A_2573 : vector<224x224xi1>
    %eq3A_2575 = arith.cmpf oeq, %select_n3A_2323, %min3A_2478 : vector<224x224xf32>
    %and3A_2576 = arith.andi %not3A_2574, %eq3A_2575 : vector<224x224xi1>
    %or3A_2577 = arith.ori %or3A_2568, %and3A_2576 : vector<224x224xi1>
    %select_n3A_2578 = arith.select %and3A_2576, %select_n3A_407, %select_n3A_2569 : vector<224x224xi1>, vector<224x224xi32>
    %jit3A_2579 = arith.constant 0x7F800000 : f32
    %broadcast_in_dim3A_2580 = vector.broadcast %jit3A_2579 : f32 to vector<224x224xf32>
    %select_n3A_2581 = arith.select %and3A_2576, %broadcast_in_dim3A_2580, %select_n3A_2323 : vector<224x224xi1>, vector<224x224xf32>
    %not3A_2582 = arith.constant dense<true> : vector<224x224xi1>
    %not3A_2583 = arith.xori %or3A_2577, %not3A_2582 : vector<224x224xi1>
    %eq3A_2584 = arith.cmpf oeq, %select_n3A_2332, %min3A_2478 : vector<224x224xf32>
    %and3A_2585 = arith.andi %not3A_2583, %eq3A_2584 : vector<224x224xi1>
    %or3A_2586 = arith.ori %or3A_2577, %and3A_2585 : vector<224x224xi1>
    %select_n3A_2587 = arith.select %and3A_2585, %select_n3A_441, %select_n3A_2578 : vector<224x224xi1>, vector<224x224xi32>
    %jit3A_2588 = arith.constant 0x7F800000 : f32
    %broadcast_in_dim3A_2589 = vector.broadcast %jit3A_2588 : f32 to vector<224x224xf32>
    %select_n3A_2590 = arith.select %and3A_2585, %broadcast_in_dim3A_2589, %select_n3A_2332 : vector<224x224xi1>, vector<224x224xf32>
    %not3A_2591 = arith.constant dense<true> : vector<224x224xi1>
    %not3A_2592 = arith.xori %or3A_2586, %not3A_2591 : vector<224x224xi1>
    %eq3A_2593 = arith.cmpf oeq, %select_n3A_2341, %min3A_2478 : vector<224x224xf32>
    %and3A_2594 = arith.andi %not3A_2592, %eq3A_2593 : vector<224x224xi1>
    %or3A_2595 = arith.ori %or3A_2586, %and3A_2594 : vector<224x224xi1>
    %select_n3A_2596 = arith.select %and3A_2594, %select_n3A_471, %select_n3A_2587 : vector<224x224xi1>, vector<224x224xi32>
    %jit3A_2597 = arith.constant 0x7F800000 : f32
    %broadcast_in_dim3A_2598 = vector.broadcast %jit3A_2597 : f32 to vector<224x224xf32>
    %select_n3A_2599 = arith.select %and3A_2594, %broadcast_in_dim3A_2598, %select_n3A_2341 : vector<224x224xi1>, vector<224x224xf32>
    %not3A_2600 = arith.constant dense<true> : vector<224x224xi1>
    %not3A_2601 = arith.xori %or3A_2595, %not3A_2600 : vector<224x224xi1>
    %eq3A_2602 = arith.cmpf oeq, %select_n3A_2350, %min3A_2478 : vector<224x224xf32>
    %and3A_2603 = arith.andi %not3A_2601, %eq3A_2602 : vector<224x224xi1>
    %or3A_2604 = arith.ori %or3A_2595, %and3A_2603 : vector<224x224xi1>
    %select_n3A_2605 = arith.select %and3A_2603, %select_n3A_505, %select_n3A_2596 : vector<224x224xi1>, vector<224x224xi32>
    %jit3A_2606 = arith.constant 0x7F800000 : f32
    %broadcast_in_dim3A_2607 = vector.broadcast %jit3A_2606 : f32 to vector<224x224xf32>
    %select_n3A_2608 = arith.select %and3A_2603, %broadcast_in_dim3A_2607, %select_n3A_2350 : vector<224x224xi1>, vector<224x224xf32>
    %not3A_2609 = arith.constant dense<true> : vector<224x224xi1>
    %not3A_2610 = arith.xori %or3A_2604, %not3A_2609 : vector<224x224xi1>
    %eq3A_2611 = arith.cmpf oeq, %select_n3A_2359, %min3A_2478 : vector<224x224xf32>
    %and3A_2612 = arith.andi %not3A_2610, %eq3A_2611 : vector<224x224xi1>
    %or3A_2613 = arith.ori %or3A_2604, %and3A_2612 : vector<224x224xi1>
    %select_n3A_2614 = arith.select %and3A_2612, %select_n3A_539, %select_n3A_2605 : vector<224x224xi1>, vector<224x224xi32>
    %jit3A_2615 = arith.constant 0x7F800000 : f32
    %broadcast_in_dim3A_2616 = vector.broadcast %jit3A_2615 : f32 to vector<224x224xf32>
    %select_n3A_2617 = arith.select %and3A_2612, %broadcast_in_dim3A_2616, %select_n3A_2359 : vector<224x224xi1>, vector<224x224xf32>
    %not3A_2618 = arith.constant dense<true> : vector<224x224xi1>
    %not3A_2619 = arith.xori %or3A_2613, %not3A_2618 : vector<224x224xi1>
    %eq3A_2620 = arith.cmpf oeq, %select_n3A_2368, %min3A_2478 : vector<224x224xf32>
    %and3A_2621 = arith.andi %not3A_2619, %eq3A_2620 : vector<224x224xi1>
    %or3A_2622 = arith.ori %or3A_2613, %and3A_2621 : vector<224x224xi1>
    %select_n3A_2623 = arith.select %and3A_2621, %select_n3A_577, %select_n3A_2614 : vector<224x224xi1>, vector<224x224xi32>
    %jit3A_2624 = arith.constant 0x7F800000 : f32
    %broadcast_in_dim3A_2625 = vector.broadcast %jit3A_2624 : f32 to vector<224x224xf32>
    %select_n3A_2626 = arith.select %and3A_2621, %broadcast_in_dim3A_2625, %select_n3A_2368 : vector<224x224xi1>, vector<224x224xf32>
    %not3A_2627 = arith.constant dense<true> : vector<224x224xi1>
    %not3A_2628 = arith.xori %or3A_2622, %not3A_2627 : vector<224x224xi1>
    %eq3A_2629 = arith.cmpf oeq, %select_n3A_2377, %min3A_2478 : vector<224x224xf32>
    %and3A_2630 = arith.andi %not3A_2628, %eq3A_2629 : vector<224x224xi1>
    %or3A_2631 = arith.ori %or3A_2622, %and3A_2630 : vector<224x224xi1>
    %select_n3A_2632 = arith.select %and3A_2630, %select_n3A_615, %select_n3A_2623 : vector<224x224xi1>, vector<224x224xi32>
    %jit3A_2633 = arith.constant 0x7F800000 : f32
    %broadcast_in_dim3A_2634 = vector.broadcast %jit3A_2633 : f32 to vector<224x224xf32>
    %select_n3A_2635 = arith.select %and3A_2630, %broadcast_in_dim3A_2634, %select_n3A_2377 : vector<224x224xi1>, vector<224x224xf32>
    %not3A_2636 = arith.constant dense<true> : vector<224x224xi1>
    %not3A_2637 = arith.xori %or3A_2631, %not3A_2636 : vector<224x224xi1>
    %eq3A_2638 = arith.cmpf oeq, %select_n3A_2386, %min3A_2478 : vector<224x224xf32>
    %and3A_2639 = arith.andi %not3A_2637, %eq3A_2638 : vector<224x224xi1>
    %or3A_2640 = arith.ori %or3A_2631, %and3A_2639 : vector<224x224xi1>
    %select_n3A_2641 = arith.select %and3A_2639, %select_n3A_649, %select_n3A_2632 : vector<224x224xi1>, vector<224x224xi32>
    %jit3A_2642 = arith.constant 0x7F800000 : f32
    %broadcast_in_dim3A_2643 = vector.broadcast %jit3A_2642 : f32 to vector<224x224xf32>
    %select_n3A_2644 = arith.select %and3A_2639, %broadcast_in_dim3A_2643, %select_n3A_2386 : vector<224x224xi1>, vector<224x224xf32>
    %not3A_2645 = arith.constant dense<true> : vector<224x224xi1>
    %not3A_2646 = arith.xori %or3A_2640, %not3A_2645 : vector<224x224xi1>
    %eq3A_2647 = arith.cmpf oeq, %select_n3A_2395, %min3A_2478 : vector<224x224xf32>
    %and3A_2648 = arith.andi %not3A_2646, %eq3A_2647 : vector<224x224xi1>
    %or3A_2649 = arith.ori %or3A_2640, %and3A_2648 : vector<224x224xi1>
    %select_n3A_2650 = arith.select %and3A_2648, %select_n3A_687, %select_n3A_2641 : vector<224x224xi1>, vector<224x224xi32>
    %jit3A_2651 = arith.constant 0x7F800000 : f32
    %broadcast_in_dim3A_2652 = vector.broadcast %jit3A_2651 : f32 to vector<224x224xf32>
    %select_n3A_2653 = arith.select %and3A_2648, %broadcast_in_dim3A_2652, %select_n3A_2395 : vector<224x224xi1>, vector<224x224xf32>
    %not3A_2654 = arith.constant dense<true> : vector<224x224xi1>
    %not3A_2655 = arith.xori %or3A_2649, %not3A_2654 : vector<224x224xi1>
    %eq3A_2656 = arith.cmpf oeq, %select_n3A_2404, %min3A_2478 : vector<224x224xf32>
    %and3A_2657 = arith.andi %not3A_2655, %eq3A_2656 : vector<224x224xi1>
    %or3A_2658 = arith.ori %or3A_2649, %and3A_2657 : vector<224x224xi1>
    %select_n3A_2659 = arith.select %and3A_2657, %select_n3A_725, %select_n3A_2650 : vector<224x224xi1>, vector<224x224xi32>
    %jit3A_2660 = arith.constant 0x7F800000 : f32
    %broadcast_in_dim3A_2661 = vector.broadcast %jit3A_2660 : f32 to vector<224x224xf32>
    %select_n3A_2662 = arith.select %and3A_2657, %broadcast_in_dim3A_2661, %select_n3A_2404 : vector<224x224xi1>, vector<224x224xf32>
    %not3A_2663 = arith.constant dense<true> : vector<224x224xi1>
    %not3A_2664 = arith.xori %or3A_2658, %not3A_2663 : vector<224x224xi1>
    %eq3A_2665 = arith.cmpf oeq, %select_n3A_2413, %min3A_2478 : vector<224x224xf32>
    %and3A_2666 = arith.andi %not3A_2664, %eq3A_2665 : vector<224x224xi1>
    %or3A_2667 = arith.ori %or3A_2658, %and3A_2666 : vector<224x224xi1>
    %select_n3A_2668 = arith.select %and3A_2666, %select_n3A_763, %select_n3A_2659 : vector<224x224xi1>, vector<224x224xi32>
    %jit3A_2669 = arith.constant 0x7F800000 : f32
    %broadcast_in_dim3A_2670 = vector.broadcast %jit3A_2669 : f32 to vector<224x224xf32>
    %select_n3A_2671 = arith.select %and3A_2666, %broadcast_in_dim3A_2670, %select_n3A_2413 : vector<224x224xi1>, vector<224x224xf32>
    %not3A_2672 = arith.constant dense<true> : vector<224x224xi1>
    %not3A_2673 = arith.xori %or3A_2667, %not3A_2672 : vector<224x224xi1>
    %eq3A_2674 = arith.cmpf oeq, %select_n3A_2422, %min3A_2478 : vector<224x224xf32>
    %and3A_2675 = arith.andi %not3A_2673, %eq3A_2674 : vector<224x224xi1>
    %or3A_2676 = arith.ori %or3A_2667, %and3A_2675 : vector<224x224xi1>
    %select_n3A_2677 = arith.select %and3A_2675, %select_n3A_801, %select_n3A_2668 : vector<224x224xi1>, vector<224x224xi32>
    %jit3A_2678 = arith.constant 0x7F800000 : f32
    %broadcast_in_dim3A_2679 = vector.broadcast %jit3A_2678 : f32 to vector<224x224xf32>
    %select_n3A_2680 = arith.select %and3A_2675, %broadcast_in_dim3A_2679, %select_n3A_2422 : vector<224x224xi1>, vector<224x224xf32>
    %not3A_2681 = arith.constant dense<true> : vector<224x224xi1>
    %not3A_2682 = arith.xori %or3A_2676, %not3A_2681 : vector<224x224xi1>
    %eq3A_2683 = arith.cmpf oeq, %select_n3A_2431, %min3A_2478 : vector<224x224xf32>
    %and3A_2684 = arith.andi %not3A_2682, %eq3A_2683 : vector<224x224xi1>
    %or3A_2685 = arith.ori %or3A_2676, %and3A_2684 : vector<224x224xi1>
    %select_n3A_2686 = arith.select %and3A_2684, %select_n3A_835, %select_n3A_2677 : vector<224x224xi1>, vector<224x224xi32>
    %jit3A_2687 = arith.constant 0x7F800000 : f32
    %broadcast_in_dim3A_2688 = vector.broadcast %jit3A_2687 : f32 to vector<224x224xf32>
    %select_n3A_2689 = arith.select %and3A_2684, %broadcast_in_dim3A_2688, %select_n3A_2431 : vector<224x224xi1>, vector<224x224xf32>
    %not3A_2690 = arith.constant dense<true> : vector<224x224xi1>
    %not3A_2691 = arith.xori %or3A_2685, %not3A_2690 : vector<224x224xi1>
    %eq3A_2692 = arith.cmpf oeq, %select_n3A_2440, %min3A_2478 : vector<224x224xf32>
    %and3A_2693 = arith.andi %not3A_2691, %eq3A_2692 : vector<224x224xi1>
    %or3A_2694 = arith.ori %or3A_2685, %and3A_2693 : vector<224x224xi1>
    %select_n3A_2695 = arith.select %and3A_2693, %select_n3A_873, %select_n3A_2686 : vector<224x224xi1>, vector<224x224xi32>
    %jit3A_2696 = arith.constant 0x7F800000 : f32
    %broadcast_in_dim3A_2697 = vector.broadcast %jit3A_2696 : f32 to vector<224x224xf32>
    %select_n3A_2698 = arith.select %and3A_2693, %broadcast_in_dim3A_2697, %select_n3A_2440 : vector<224x224xi1>, vector<224x224xf32>
    %not3A_2699 = arith.constant dense<true> : vector<224x224xi1>
    %not3A_2700 = arith.xori %or3A_2694, %not3A_2699 : vector<224x224xi1>
    %eq3A_2701 = arith.cmpf oeq, %select_n3A_2448, %min3A_2478 : vector<224x224xf32>
    %and3A_2702 = arith.andi %not3A_2700, %eq3A_2701 : vector<224x224xi1>
    %select_n3A_2703 = arith.select %and3A_2702, %select_n3A_911, %select_n3A_2695 : vector<224x224xi1>, vector<224x224xi32>
    %jit3A_2704 = arith.constant 0x7F800000 : f32
    %broadcast_in_dim3A_2705 = vector.broadcast %jit3A_2704 : f32 to vector<224x224xf32>
    %select_n3A_2706 = arith.select %and3A_2702, %broadcast_in_dim3A_2705, %select_n3A_2448 : vector<224x224xi1>, vector<224x224xf32>
    %swap3A_2707 = arith.constant 6 : index
    %swap3A_2708 = arith.constant 0 : index
    %swap3A_2709 = arith.constant 0 : index
    %swap3A_2710 = vector.load %arg2[%swap3A_2707, %swap3A_2708, %swap3A_2709] : memref<9x224x224xi32, #tpu.memory_space<vmem>>, vector<1x224x224xi32>
    %swap3A_2711 = vector.shape_cast %swap3A_2710 : vector<1x224x224xi32> to vector<224x224xi32>
    %swap3A_2712 = vector.shape_cast %select_n3A_2703 : vector<224x224xi32> to vector<1x224x224xi32>
    tpu.vector_store %arg2[%swap3A_2707, %swap3A_2708, %swap3A_2709], %swap3A_2712 {strides = array<i32>} : memref<9x224x224xi32, #tpu.memory_space<vmem>>, vector<1x224x224xi32>,
    %min3A_2713 = arith.minimumf %select_n3A_2491, %select_n3A_2500 : vector<224x224xf32>
    %min3A_2714 = arith.minimumf %min3A_2713, %select_n3A_2509 : vector<224x224xf32>
    %min3A_2715 = arith.minimumf %min3A_2714, %select_n3A_2518 : vector<224x224xf32>
    %min3A_2716 = arith.minimumf %min3A_2715, %select_n3A_2527 : vector<224x224xf32>
    %min3A_2717 = arith.minimumf %min3A_2716, %select_n3A_2536 : vector<224x224xf32>
    %min3A_2718 = arith.minimumf %min3A_2717, %select_n3A_2545 : vector<224x224xf32>
    %min3A_2719 = arith.minimumf %min3A_2718, %select_n3A_2554 : vector<224x224xf32>
    %min3A_2720 = arith.minimumf %min3A_2719, %select_n3A_2563 : vector<224x224xf32>
    %min3A_2721 = arith.minimumf %min3A_2720, %select_n3A_2572 : vector<224x224xf32>
    %min3A_2722 = arith.minimumf %min3A_2721, %select_n3A_2581 : vector<224x224xf32>
    %min3A_2723 = arith.minimumf %min3A_2722, %select_n3A_2590 : vector<224x224xf32>
    %min3A_2724 = arith.minimumf %min3A_2723, %select_n3A_2599 : vector<224x224xf32>
    %min3A_2725 = arith.minimumf %min3A_2724, %select_n3A_2608 : vector<224x224xf32>
    %min3A_2726 = arith.minimumf %min3A_2725, %select_n3A_2617 : vector<224x224xf32>
    %min3A_2727 = arith.minimumf %min3A_2726, %select_n3A_2626 : vector<224x224xf32>
    %min3A_2728 = arith.minimumf %min3A_2727, %select_n3A_2635 : vector<224x224xf32>
    %min3A_2729 = arith.minimumf %min3A_2728, %select_n3A_2644 : vector<224x224xf32>
    %min3A_2730 = arith.minimumf %min3A_2729, %select_n3A_2653 : vector<224x224xf32>
    %min3A_2731 = arith.minimumf %min3A_2730, %select_n3A_2662 : vector<224x224xf32>
    %min3A_2732 = arith.minimumf %min3A_2731, %select_n3A_2671 : vector<224x224xf32>
    %min3A_2733 = arith.minimumf %min3A_2732, %select_n3A_2680 : vector<224x224xf32>
    %min3A_2734 = arith.minimumf %min3A_2733, %select_n3A_2689 : vector<224x224xf32>
    %min3A_2735 = arith.minimumf %min3A_2734, %select_n3A_2698 : vector<224x224xf32>
    %min3A_2736 = arith.minimumf %min3A_2735, %select_n3A_2706 : vector<224x224xf32>
    %broadcast_in_dim3A_2737 = arith.constant false
    %broadcast_in_dim3A_2738 = vector.broadcast %broadcast_in_dim3A_2737 : i1 to vector<224x224xi1>
    %broadcast_in_dim3A_2739 = arith.constant 50176 : i32
    %broadcast_in_dim3A_2740 = vector.broadcast %broadcast_in_dim3A_2739 : i32 to vector<224x224xi32>
    %not3A_2741 = arith.constant dense<true> : vector<224x224xi1>
    %not3A_2742 = arith.xori %broadcast_in_dim3A_2738, %not3A_2741 : vector<224x224xi1>
    %eq3A_2743 = arith.cmpf oeq, %select_n3A_2491, %min3A_2736 : vector<224x224xf32>
    %and3A_2744 = arith.andi %not3A_2742, %eq3A_2743 : vector<224x224xi1>
    %or3A_2745 = arith.ori %broadcast_in_dim3A_2738, %and3A_2744 : vector<224x224xi1>
    %select_n3A_2746 = arith.select %and3A_2744, %select_n3A, %broadcast_in_dim3A_2740 : vector<224x224xi1>, vector<224x224xi32>
    %jit3A_2747 = arith.constant 0x7F800000 : f32
    %broadcast_in_dim3A_2748 = vector.broadcast %jit3A_2747 : f32 to vector<224x224xf32>
    %select_n3A_2749 = arith.select %and3A_2744, %broadcast_in_dim3A_2748, %select_n3A_2491 : vector<224x224xi1>, vector<224x224xf32>
    %not3A_2750 = arith.constant dense<true> : vector<224x224xi1>
    %not3A_2751 = arith.xori %or3A_2745, %not3A_2750 : vector<224x224xi1>
    %eq3A_2752 = arith.cmpf oeq, %select_n3A_2500, %min3A_2736 : vector<224x224xf32>
    %and3A_2753 = arith.andi %not3A_2751, %eq3A_2752 : vector<224x224xi1>
    %or3A_2754 = arith.ori %or3A_2745, %and3A_2753 : vector<224x224xi1>
    %select_n3A_2755 = arith.select %and3A_2753, %select_n3A_77, %select_n3A_2746 : vector<224x224xi1>, vector<224x224xi32>
    %jit3A_2756 = arith.constant 0x7F800000 : f32
    %broadcast_in_dim3A_2757 = vector.broadcast %jit3A_2756 : f32 to vector<224x224xf32>
    %select_n3A_2758 = arith.select %and3A_2753, %broadcast_in_dim3A_2757, %select_n3A_2500 : vector<224x224xi1>, vector<224x224xf32>
    %not3A_2759 = arith.constant dense<true> : vector<224x224xi1>
    %not3A_2760 = arith.xori %or3A_2754, %not3A_2759 : vector<224x224xi1>
    %eq3A_2761 = arith.cmpf oeq, %select_n3A_2509, %min3A_2736 : vector<224x224xf32>
    %and3A_2762 = arith.andi %not3A_2760, %eq3A_2761 : vector<224x224xi1>
    %or3A_2763 = arith.ori %or3A_2754, %and3A_2762 : vector<224x224xi1>
    %select_n3A_2764 = arith.select %and3A_2762, %select_n3A_111, %select_n3A_2755 : vector<224x224xi1>, vector<224x224xi32>
    %jit3A_2765 = arith.constant 0x7F800000 : f32
    %broadcast_in_dim3A_2766 = vector.broadcast %jit3A_2765 : f32 to vector<224x224xf32>
    %select_n3A_2767 = arith.select %and3A_2762, %broadcast_in_dim3A_2766, %select_n3A_2509 : vector<224x224xi1>, vector<224x224xf32>
    %not3A_2768 = arith.constant dense<true> : vector<224x224xi1>
    %not3A_2769 = arith.xori %or3A_2763, %not3A_2768 : vector<224x224xi1>
    %eq3A_2770 = arith.cmpf oeq, %select_n3A_2518, %min3A_2736 : vector<224x224xf32>
    %and3A_2771 = arith.andi %not3A_2769, %eq3A_2770 : vector<224x224xi1>
    %or3A_2772 = arith.ori %or3A_2763, %and3A_2771 : vector<224x224xi1>
    %select_n3A_2773 = arith.select %and3A_2771, %select_n3A_149, %select_n3A_2764 : vector<224x224xi1>, vector<224x224xi32>
    %jit3A_2774 = arith.constant 0x7F800000 : f32
    %broadcast_in_dim3A_2775 = vector.broadcast %jit3A_2774 : f32 to vector<224x224xf32>
    %select_n3A_2776 = arith.select %and3A_2771, %broadcast_in_dim3A_2775, %select_n3A_2518 : vector<224x224xi1>, vector<224x224xf32>
    %not3A_2777 = arith.constant dense<true> : vector<224x224xi1>
    %not3A_2778 = arith.xori %or3A_2772, %not3A_2777 : vector<224x224xi1>
    %eq3A_2779 = arith.cmpf oeq, %select_n3A_2527, %min3A_2736 : vector<224x224xf32>
    %and3A_2780 = arith.andi %not3A_2778, %eq3A_2779 : vector<224x224xi1>
    %or3A_2781 = arith.ori %or3A_2772, %and3A_2780 : vector<224x224xi1>
    %select_n3A_2782 = arith.select %and3A_2780, %select_n3A_187, %select_n3A_2773 : vector<224x224xi1>, vector<224x224xi32>
    %jit3A_2783 = arith.constant 0x7F800000 : f32
    %broadcast_in_dim3A_2784 = vector.broadcast %jit3A_2783 : f32 to vector<224x224xf32>
    %select_n3A_2785 = arith.select %and3A_2780, %broadcast_in_dim3A_2784, %select_n3A_2527 : vector<224x224xi1>, vector<224x224xf32>
    %not3A_2786 = arith.constant dense<true> : vector<224x224xi1>
    %not3A_2787 = arith.xori %or3A_2781, %not3A_2786 : vector<224x224xi1>
    %eq3A_2788 = arith.cmpf oeq, %select_n3A_2536, %min3A_2736 : vector<224x224xf32>
    %and3A_2789 = arith.andi %not3A_2787, %eq3A_2788 : vector<224x224xi1>
    %or3A_2790 = arith.ori %or3A_2781, %and3A_2789 : vector<224x224xi1>
    %select_n3A_2791 = arith.select %and3A_2789, %select_n3A_225, %select_n3A_2782 : vector<224x224xi1>, vector<224x224xi32>
    %jit3A_2792 = arith.constant 0x7F800000 : f32
    %broadcast_in_dim3A_2793 = vector.broadcast %jit3A_2792 : f32 to vector<224x224xf32>
    %select_n3A_2794 = arith.select %and3A_2789, %broadcast_in_dim3A_2793, %select_n3A_2536 : vector<224x224xi1>, vector<224x224xf32>
    %not3A_2795 = arith.constant dense<true> : vector<224x224xi1>
    %not3A_2796 = arith.xori %or3A_2790, %not3A_2795 : vector<224x224xi1>
    %eq3A_2797 = arith.cmpf oeq, %select_n3A_2545, %min3A_2736 : vector<224x224xf32>
    %and3A_2798 = arith.andi %not3A_2796, %eq3A_2797 : vector<224x224xi1>
    %or3A_2799 = arith.ori %or3A_2790, %and3A_2798 : vector<224x224xi1>
    %select_n3A_2800 = arith.select %and3A_2798, %select_n3A_263, %select_n3A_2791 : vector<224x224xi1>, vector<224x224xi32>
    %jit3A_2801 = arith.constant 0x7F800000 : f32
    %broadcast_in_dim3A_2802 = vector.broadcast %jit3A_2801 : f32 to vector<224x224xf32>
    %select_n3A_2803 = arith.select %and3A_2798, %broadcast_in_dim3A_2802, %select_n3A_2545 : vector<224x224xi1>, vector<224x224xf32>
    %not3A_2804 = arith.constant dense<true> : vector<224x224xi1>
    %not3A_2805 = arith.xori %or3A_2799, %not3A_2804 : vector<224x224xi1>
    %eq3A_2806 = arith.cmpf oeq, %select_n3A_2554, %min3A_2736 : vector<224x224xf32>
    %and3A_2807 = arith.andi %not3A_2805, %eq3A_2806 : vector<224x224xi1>
    %or3A_2808 = arith.ori %or3A_2799, %and3A_2807 : vector<224x224xi1>
    %select_n3A_2809 = arith.select %and3A_2807, %select_n3A_297, %select_n3A_2800 : vector<224x224xi1>, vector<224x224xi32>
    %jit3A_2810 = arith.constant 0x7F800000 : f32
    %broadcast_in_dim3A_2811 = vector.broadcast %jit3A_2810 : f32 to vector<224x224xf32>
    %select_n3A_2812 = arith.select %and3A_2807, %broadcast_in_dim3A_2811, %select_n3A_2554 : vector<224x224xi1>, vector<224x224xf32>
    %not3A_2813 = arith.constant dense<true> : vector<224x224xi1>
    %not3A_2814 = arith.xori %or3A_2808, %not3A_2813 : vector<224x224xi1>
    %eq3A_2815 = arith.cmpf oeq, %select_n3A_2563, %min3A_2736 : vector<224x224xf32>
    %and3A_2816 = arith.andi %not3A_2814, %eq3A_2815 : vector<224x224xi1>
    %or3A_2817 = arith.ori %or3A_2808, %and3A_2816 : vector<224x224xi1>
    %select_n3A_2818 = arith.select %and3A_2816, %select_n3A_335, %select_n3A_2809 : vector<224x224xi1>, vector<224x224xi32>
    %jit3A_2819 = arith.constant 0x7F800000 : f32
    %broadcast_in_dim3A_2820 = vector.broadcast %jit3A_2819 : f32 to vector<224x224xf32>
    %select_n3A_2821 = arith.select %and3A_2816, %broadcast_in_dim3A_2820, %select_n3A_2563 : vector<224x224xi1>, vector<224x224xf32>
    %not3A_2822 = arith.constant dense<true> : vector<224x224xi1>
    %not3A_2823 = arith.xori %or3A_2817, %not3A_2822 : vector<224x224xi1>
    %eq3A_2824 = arith.cmpf oeq, %select_n3A_2572, %min3A_2736 : vector<224x224xf32>
    %and3A_2825 = arith.andi %not3A_2823, %eq3A_2824 : vector<224x224xi1>
    %or3A_2826 = arith.ori %or3A_2817, %and3A_2825 : vector<224x224xi1>
    %select_n3A_2827 = arith.select %and3A_2825, %select_n3A_373, %select_n3A_2818 : vector<224x224xi1>, vector<224x224xi32>
    %jit3A_2828 = arith.constant 0x7F800000 : f32
    %broadcast_in_dim3A_2829 = vector.broadcast %jit3A_2828 : f32 to vector<224x224xf32>
    %select_n3A_2830 = arith.select %and3A_2825, %broadcast_in_dim3A_2829, %select_n3A_2572 : vector<224x224xi1>, vector<224x224xf32>
    %not3A_2831 = arith.constant dense<true> : vector<224x224xi1>
    %not3A_2832 = arith.xori %or3A_2826, %not3A_2831 : vector<224x224xi1>
    %eq3A_2833 = arith.cmpf oeq, %select_n3A_2581, %min3A_2736 : vector<224x224xf32>
    %and3A_2834 = arith.andi %not3A_2832, %eq3A_2833 : vector<224x224xi1>
    %or3A_2835 = arith.ori %or3A_2826, %and3A_2834 : vector<224x224xi1>
    %select_n3A_2836 = arith.select %and3A_2834, %select_n3A_407, %select_n3A_2827 : vector<224x224xi1>, vector<224x224xi32>
    %jit3A_2837 = arith.constant 0x7F800000 : f32
    %broadcast_in_dim3A_2838 = vector.broadcast %jit3A_2837 : f32 to vector<224x224xf32>
    %select_n3A_2839 = arith.select %and3A_2834, %broadcast_in_dim3A_2838, %select_n3A_2581 : vector<224x224xi1>, vector<224x224xf32>
    %not3A_2840 = arith.constant dense<true> : vector<224x224xi1>
    %not3A_2841 = arith.xori %or3A_2835, %not3A_2840 : vector<224x224xi1>
    %eq3A_2842 = arith.cmpf oeq, %select_n3A_2590, %min3A_2736 : vector<224x224xf32>
    %and3A_2843 = arith.andi %not3A_2841, %eq3A_2842 : vector<224x224xi1>
    %or3A_2844 = arith.ori %or3A_2835, %and3A_2843 : vector<224x224xi1>
    %select_n3A_2845 = arith.select %and3A_2843, %select_n3A_441, %select_n3A_2836 : vector<224x224xi1>, vector<224x224xi32>
    %jit3A_2846 = arith.constant 0x7F800000 : f32
    %broadcast_in_dim3A_2847 = vector.broadcast %jit3A_2846 : f32 to vector<224x224xf32>
    %select_n3A_2848 = arith.select %and3A_2843, %broadcast_in_dim3A_2847, %select_n3A_2590 : vector<224x224xi1>, vector<224x224xf32>
    %not3A_2849 = arith.constant dense<true> : vector<224x224xi1>
    %not3A_2850 = arith.xori %or3A_2844, %not3A_2849 : vector<224x224xi1>
    %eq3A_2851 = arith.cmpf oeq, %select_n3A_2599, %min3A_2736 : vector<224x224xf32>
    %and3A_2852 = arith.andi %not3A_2850, %eq3A_2851 : vector<224x224xi1>
    %or3A_2853 = arith.ori %or3A_2844, %and3A_2852 : vector<224x224xi1>
    %select_n3A_2854 = arith.select %and3A_2852, %select_n3A_471, %select_n3A_2845 : vector<224x224xi1>, vector<224x224xi32>
    %jit3A_2855 = arith.constant 0x7F800000 : f32
    %broadcast_in_dim3A_2856 = vector.broadcast %jit3A_2855 : f32 to vector<224x224xf32>
    %select_n3A_2857 = arith.select %and3A_2852, %broadcast_in_dim3A_2856, %select_n3A_2599 : vector<224x224xi1>, vector<224x224xf32>
    %not3A_2858 = arith.constant dense<true> : vector<224x224xi1>
    %not3A_2859 = arith.xori %or3A_2853, %not3A_2858 : vector<224x224xi1>
    %eq3A_2860 = arith.cmpf oeq, %select_n3A_2608, %min3A_2736 : vector<224x224xf32>
    %and3A_2861 = arith.andi %not3A_2859, %eq3A_2860 : vector<224x224xi1>
    %or3A_2862 = arith.ori %or3A_2853, %and3A_2861 : vector<224x224xi1>
    %select_n3A_2863 = arith.select %and3A_2861, %select_n3A_505, %select_n3A_2854 : vector<224x224xi1>, vector<224x224xi32>
    %jit3A_2864 = arith.constant 0x7F800000 : f32
    %broadcast_in_dim3A_2865 = vector.broadcast %jit3A_2864 : f32 to vector<224x224xf32>
    %select_n3A_2866 = arith.select %and3A_2861, %broadcast_in_dim3A_2865, %select_n3A_2608 : vector<224x224xi1>, vector<224x224xf32>
    %not3A_2867 = arith.constant dense<true> : vector<224x224xi1>
    %not3A_2868 = arith.xori %or3A_2862, %not3A_2867 : vector<224x224xi1>
    %eq3A_2869 = arith.cmpf oeq, %select_n3A_2617, %min3A_2736 : vector<224x224xf32>
    %and3A_2870 = arith.andi %not3A_2868, %eq3A_2869 : vector<224x224xi1>
    %or3A_2871 = arith.ori %or3A_2862, %and3A_2870 : vector<224x224xi1>
    %select_n3A_2872 = arith.select %and3A_2870, %select_n3A_539, %select_n3A_2863 : vector<224x224xi1>, vector<224x224xi32>
    %jit3A_2873 = arith.constant 0x7F800000 : f32
    %broadcast_in_dim3A_2874 = vector.broadcast %jit3A_2873 : f32 to vector<224x224xf32>
    %select_n3A_2875 = arith.select %and3A_2870, %broadcast_in_dim3A_2874, %select_n3A_2617 : vector<224x224xi1>, vector<224x224xf32>
    %not3A_2876 = arith.constant dense<true> : vector<224x224xi1>
    %not3A_2877 = arith.xori %or3A_2871, %not3A_2876 : vector<224x224xi1>
    %eq3A_2878 = arith.cmpf oeq, %select_n3A_2626, %min3A_2736 : vector<224x224xf32>
    %and3A_2879 = arith.andi %not3A_2877, %eq3A_2878 : vector<224x224xi1>
    %or3A_2880 = arith.ori %or3A_2871, %and3A_2879 : vector<224x224xi1>
    %select_n3A_2881 = arith.select %and3A_2879, %select_n3A_577, %select_n3A_2872 : vector<224x224xi1>, vector<224x224xi32>
    %jit3A_2882 = arith.constant 0x7F800000 : f32
    %broadcast_in_dim3A_2883 = vector.broadcast %jit3A_2882 : f32 to vector<224x224xf32>
    %select_n3A_2884 = arith.select %and3A_2879, %broadcast_in_dim3A_2883, %select_n3A_2626 : vector<224x224xi1>, vector<224x224xf32>
    %not3A_2885 = arith.constant dense<true> : vector<224x224xi1>
    %not3A_2886 = arith.xori %or3A_2880, %not3A_2885 : vector<224x224xi1>
    %eq3A_2887 = arith.cmpf oeq, %select_n3A_2635, %min3A_2736 : vector<224x224xf32>
    %and3A_2888 = arith.andi %not3A_2886, %eq3A_2887 : vector<224x224xi1>
    %or3A_2889 = arith.ori %or3A_2880, %and3A_2888 : vector<224x224xi1>
    %select_n3A_2890 = arith.select %and3A_2888, %select_n3A_615, %select_n3A_2881 : vector<224x224xi1>, vector<224x224xi32>
    %jit3A_2891 = arith.constant 0x7F800000 : f32
    %broadcast_in_dim3A_2892 = vector.broadcast %jit3A_2891 : f32 to vector<224x224xf32>
    %select_n3A_2893 = arith.select %and3A_2888, %broadcast_in_dim3A_2892, %select_n3A_2635 : vector<224x224xi1>, vector<224x224xf32>
    %not3A_2894 = arith.constant dense<true> : vector<224x224xi1>
    %not3A_2895 = arith.xori %or3A_2889, %not3A_2894 : vector<224x224xi1>
    %eq3A_2896 = arith.cmpf oeq, %select_n3A_2644, %min3A_2736 : vector<224x224xf32>
    %and3A_2897 = arith.andi %not3A_2895, %eq3A_2896 : vector<224x224xi1>
    %or3A_2898 = arith.ori %or3A_2889, %and3A_2897 : vector<224x224xi1>
    %select_n3A_2899 = arith.select %and3A_2897, %select_n3A_649, %select_n3A_2890 : vector<224x224xi1>, vector<224x224xi32>
    %jit3A_2900 = arith.constant 0x7F800000 : f32
    %broadcast_in_dim3A_2901 = vector.broadcast %jit3A_2900 : f32 to vector<224x224xf32>
    %select_n3A_2902 = arith.select %and3A_2897, %broadcast_in_dim3A_2901, %select_n3A_2644 : vector<224x224xi1>, vector<224x224xf32>
    %not3A_2903 = arith.constant dense<true> : vector<224x224xi1>
    %not3A_2904 = arith.xori %or3A_2898, %not3A_2903 : vector<224x224xi1>
    %eq3A_2905 = arith.cmpf oeq, %select_n3A_2653, %min3A_2736 : vector<224x224xf32>
    %and3A_2906 = arith.andi %not3A_2904, %eq3A_2905 : vector<224x224xi1>
    %or3A_2907 = arith.ori %or3A_2898, %and3A_2906 : vector<224x224xi1>
    %select_n3A_2908 = arith.select %and3A_2906, %select_n3A_687, %select_n3A_2899 : vector<224x224xi1>, vector<224x224xi32>
    %jit3A_2909 = arith.constant 0x7F800000 : f32
    %broadcast_in_dim3A_2910 = vector.broadcast %jit3A_2909 : f32 to vector<224x224xf32>
    %select_n3A_2911 = arith.select %and3A_2906, %broadcast_in_dim3A_2910, %select_n3A_2653 : vector<224x224xi1>, vector<224x224xf32>
    %not3A_2912 = arith.constant dense<true> : vector<224x224xi1>
    %not3A_2913 = arith.xori %or3A_2907, %not3A_2912 : vector<224x224xi1>
    %eq3A_2914 = arith.cmpf oeq, %select_n3A_2662, %min3A_2736 : vector<224x224xf32>
    %and3A_2915 = arith.andi %not3A_2913, %eq3A_2914 : vector<224x224xi1>
    %or3A_2916 = arith.ori %or3A_2907, %and3A_2915 : vector<224x224xi1>
    %select_n3A_2917 = arith.select %and3A_2915, %select_n3A_725, %select_n3A_2908 : vector<224x224xi1>, vector<224x224xi32>
    %jit3A_2918 = arith.constant 0x7F800000 : f32
    %broadcast_in_dim3A_2919 = vector.broadcast %jit3A_2918 : f32 to vector<224x224xf32>
    %select_n3A_2920 = arith.select %and3A_2915, %broadcast_in_dim3A_2919, %select_n3A_2662 : vector<224x224xi1>, vector<224x224xf32>
    %not3A_2921 = arith.constant dense<true> : vector<224x224xi1>
    %not3A_2922 = arith.xori %or3A_2916, %not3A_2921 : vector<224x224xi1>
    %eq3A_2923 = arith.cmpf oeq, %select_n3A_2671, %min3A_2736 : vector<224x224xf32>
    %and3A_2924 = arith.andi %not3A_2922, %eq3A_2923 : vector<224x224xi1>
    %or3A_2925 = arith.ori %or3A_2916, %and3A_2924 : vector<224x224xi1>
    %select_n3A_2926 = arith.select %and3A_2924, %select_n3A_763, %select_n3A_2917 : vector<224x224xi1>, vector<224x224xi32>
    %jit3A_2927 = arith.constant 0x7F800000 : f32
    %broadcast_in_dim3A_2928 = vector.broadcast %jit3A_2927 : f32 to vector<224x224xf32>
    %select_n3A_2929 = arith.select %and3A_2924, %broadcast_in_dim3A_2928, %select_n3A_2671 : vector<224x224xi1>, vector<224x224xf32>
    %not3A_2930 = arith.constant dense<true> : vector<224x224xi1>
    %not3A_2931 = arith.xori %or3A_2925, %not3A_2930 : vector<224x224xi1>
    %eq3A_2932 = arith.cmpf oeq, %select_n3A_2680, %min3A_2736 : vector<224x224xf32>
    %and3A_2933 = arith.andi %not3A_2931, %eq3A_2932 : vector<224x224xi1>
    %or3A_2934 = arith.ori %or3A_2925, %and3A_2933 : vector<224x224xi1>
    %select_n3A_2935 = arith.select %and3A_2933, %select_n3A_801, %select_n3A_2926 : vector<224x224xi1>, vector<224x224xi32>
    %jit3A_2936 = arith.constant 0x7F800000 : f32
    %broadcast_in_dim3A_2937 = vector.broadcast %jit3A_2936 : f32 to vector<224x224xf32>
    %select_n3A_2938 = arith.select %and3A_2933, %broadcast_in_dim3A_2937, %select_n3A_2680 : vector<224x224xi1>, vector<224x224xf32>
    %not3A_2939 = arith.constant dense<true> : vector<224x224xi1>
    %not3A_2940 = arith.xori %or3A_2934, %not3A_2939 : vector<224x224xi1>
    %eq3A_2941 = arith.cmpf oeq, %select_n3A_2689, %min3A_2736 : vector<224x224xf32>
    %and3A_2942 = arith.andi %not3A_2940, %eq3A_2941 : vector<224x224xi1>
    %or3A_2943 = arith.ori %or3A_2934, %and3A_2942 : vector<224x224xi1>
    %select_n3A_2944 = arith.select %and3A_2942, %select_n3A_835, %select_n3A_2935 : vector<224x224xi1>, vector<224x224xi32>
    %jit3A_2945 = arith.constant 0x7F800000 : f32
    %broadcast_in_dim3A_2946 = vector.broadcast %jit3A_2945 : f32 to vector<224x224xf32>
    %select_n3A_2947 = arith.select %and3A_2942, %broadcast_in_dim3A_2946, %select_n3A_2689 : vector<224x224xi1>, vector<224x224xf32>
    %not3A_2948 = arith.constant dense<true> : vector<224x224xi1>
    %not3A_2949 = arith.xori %or3A_2943, %not3A_2948 : vector<224x224xi1>
    %eq3A_2950 = arith.cmpf oeq, %select_n3A_2698, %min3A_2736 : vector<224x224xf32>
    %and3A_2951 = arith.andi %not3A_2949, %eq3A_2950 : vector<224x224xi1>
    %or3A_2952 = arith.ori %or3A_2943, %and3A_2951 : vector<224x224xi1>
    %select_n3A_2953 = arith.select %and3A_2951, %select_n3A_873, %select_n3A_2944 : vector<224x224xi1>, vector<224x224xi32>
    %jit3A_2954 = arith.constant 0x7F800000 : f32
    %broadcast_in_dim3A_2955 = vector.broadcast %jit3A_2954 : f32 to vector<224x224xf32>
    %select_n3A_2956 = arith.select %and3A_2951, %broadcast_in_dim3A_2955, %select_n3A_2698 : vector<224x224xi1>, vector<224x224xf32>
    %not3A_2957 = arith.constant dense<true> : vector<224x224xi1>
    %not3A_2958 = arith.xori %or3A_2952, %not3A_2957 : vector<224x224xi1>
    %eq3A_2959 = arith.cmpf oeq, %select_n3A_2706, %min3A_2736 : vector<224x224xf32>
    %and3A_2960 = arith.andi %not3A_2958, %eq3A_2959 : vector<224x224xi1>
    %select_n3A_2961 = arith.select %and3A_2960, %select_n3A_911, %select_n3A_2953 : vector<224x224xi1>, vector<224x224xi32>
    %jit3A_2962 = arith.constant 0x7F800000 : f32
    %broadcast_in_dim3A_2963 = vector.broadcast %jit3A_2962 : f32 to vector<224x224xf32>
    %select_n3A_2964 = arith.select %and3A_2960, %broadcast_in_dim3A_2963, %select_n3A_2706 : vector<224x224xi1>, vector<224x224xf32>
    %swap3A_2965 = arith.constant 7 : index
    %swap3A_2966 = arith.constant 0 : index
    %swap3A_2967 = arith.constant 0 : index
    %swap3A_2968 = vector.load %arg2[%swap3A_2965, %swap3A_2966, %swap3A_2967] : memref<9x224x224xi32, #tpu.memory_space<vmem>>, vector<1x224x224xi32>
    %swap3A_2969 = vector.shape_cast %swap3A_2968 : vector<1x224x224xi32> to vector<224x224xi32>
    %swap3A_2970 = vector.shape_cast %select_n3A_2961 : vector<224x224xi32> to vector<1x224x224xi32>
    tpu.vector_store %arg2[%swap3A_2965, %swap3A_2966, %swap3A_2967], %swap3A_2970 {strides = array<i32>} : memref<9x224x224xi32, #tpu.memory_space<vmem>>, vector<1x224x224xi32>,
    %min3A_2971 = arith.minimumf %select_n3A_2749, %select_n3A_2758 : vector<224x224xf32>
    %min3A_2972 = arith.minimumf %min3A_2971, %select_n3A_2767 : vector<224x224xf32>
    %min3A_2973 = arith.minimumf %min3A_2972, %select_n3A_2776 : vector<224x224xf32>
    %min3A_2974 = arith.minimumf %min3A_2973, %select_n3A_2785 : vector<224x224xf32>
    %min3A_2975 = arith.minimumf %min3A_2974, %select_n3A_2794 : vector<224x224xf32>
    %min3A_2976 = arith.minimumf %min3A_2975, %select_n3A_2803 : vector<224x224xf32>
    %min3A_2977 = arith.minimumf %min3A_2976, %select_n3A_2812 : vector<224x224xf32>
    %min3A_2978 = arith.minimumf %min3A_2977, %select_n3A_2821 : vector<224x224xf32>
    %min3A_2979 = arith.minimumf %min3A_2978, %select_n3A_2830 : vector<224x224xf32>
    %min3A_2980 = arith.minimumf %min3A_2979, %select_n3A_2839 : vector<224x224xf32>
    %min3A_2981 = arith.minimumf %min3A_2980, %select_n3A_2848 : vector<224x224xf32>
    %min3A_2982 = arith.minimumf %min3A_2981, %select_n3A_2857 : vector<224x224xf32>
    %min3A_2983 = arith.minimumf %min3A_2982, %select_n3A_2866 : vector<224x224xf32>
    %min3A_2984 = arith.minimumf %min3A_2983, %select_n3A_2875 : vector<224x224xf32>
    %min3A_2985 = arith.minimumf %min3A_2984, %select_n3A_2884 : vector<224x224xf32>
    %min3A_2986 = arith.minimumf %min3A_2985, %select_n3A_2893 : vector<224x224xf32>
    %min3A_2987 = arith.minimumf %min3A_2986, %select_n3A_2902 : vector<224x224xf32>
    %min3A_2988 = arith.minimumf %min3A_2987, %select_n3A_2911 : vector<224x224xf32>
    %min3A_2989 = arith.minimumf %min3A_2988, %select_n3A_2920 : vector<224x224xf32>
    %min3A_2990 = arith.minimumf %min3A_2989, %select_n3A_2929 : vector<224x224xf32>
    %min3A_2991 = arith.minimumf %min3A_2990, %select_n3A_2938 : vector<224x224xf32>
    %min3A_2992 = arith.minimumf %min3A_2991, %select_n3A_2947 : vector<224x224xf32>
    %min3A_2993 = arith.minimumf %min3A_2992, %select_n3A_2956 : vector<224x224xf32>
    %min3A_2994 = arith.minimumf %min3A_2993, %select_n3A_2964 : vector<224x224xf32>
    %broadcast_in_dim3A_2995 = arith.constant false
    %broadcast_in_dim3A_2996 = vector.broadcast %broadcast_in_dim3A_2995 : i1 to vector<224x224xi1>
    %broadcast_in_dim3A_2997 = arith.constant 50176 : i32
    %broadcast_in_dim3A_2998 = vector.broadcast %broadcast_in_dim3A_2997 : i32 to vector<224x224xi32>
    %not3A_2999 = arith.constant dense<true> : vector<224x224xi1>
    %not3A_3000 = arith.xori %broadcast_in_dim3A_2996, %not3A_2999 : vector<224x224xi1>
    %eq3A_3001 = arith.cmpf oeq, %select_n3A_2749, %min3A_2994 : vector<224x224xf32>
    %and3A_3002 = arith.andi %not3A_3000, %eq3A_3001 : vector<224x224xi1>
    %or3A_3003 = arith.ori %broadcast_in_dim3A_2996, %and3A_3002 : vector<224x224xi1>
    %select_n3A_3004 = arith.select %and3A_3002, %select_n3A, %broadcast_in_dim3A_2998 : vector<224x224xi1>, vector<224x224xi32>
    %not3A_3005 = arith.constant dense<true> : vector<224x224xi1>
    %not3A_3006 = arith.xori %or3A_3003, %not3A_3005 : vector<224x224xi1>
    %eq3A_3007 = arith.cmpf oeq, %select_n3A_2758, %min3A_2994 : vector<224x224xf32>
    %and3A_3008 = arith.andi %not3A_3006, %eq3A_3007 : vector<224x224xi1>
    %or3A_3009 = arith.ori %or3A_3003, %and3A_3008 : vector<224x224xi1>
    %select_n3A_3010 = arith.select %and3A_3008, %select_n3A_77, %select_n3A_3004 : vector<224x224xi1>, vector<224x224xi32>
    %not3A_3011 = arith.constant dense<true> : vector<224x224xi1>
    %not3A_3012 = arith.xori %or3A_3009, %not3A_3011 : vector<224x224xi1>
    %eq3A_3013 = arith.cmpf oeq, %select_n3A_2767, %min3A_2994 : vector<224x224xf32>
    %and3A_3014 = arith.andi %not3A_3012, %eq3A_3013 : vector<224x224xi1>
    %or3A_3015 = arith.ori %or3A_3009, %and3A_3014 : vector<224x224xi1>
    %select_n3A_3016 = arith.select %and3A_3014, %select_n3A_111, %select_n3A_3010 : vector<224x224xi1>, vector<224x224xi32>
    %not3A_3017 = arith.constant dense<true> : vector<224x224xi1>
    %not3A_3018 = arith.xori %or3A_3015, %not3A_3017 : vector<224x224xi1>
    %eq3A_3019 = arith.cmpf oeq, %select_n3A_2776, %min3A_2994 : vector<224x224xf32>
    %and3A_3020 = arith.andi %not3A_3018, %eq3A_3019 : vector<224x224xi1>
    %or3A_3021 = arith.ori %or3A_3015, %and3A_3020 : vector<224x224xi1>
    %select_n3A_3022 = arith.select %and3A_3020, %select_n3A_149, %select_n3A_3016 : vector<224x224xi1>, vector<224x224xi32>
    %not3A_3023 = arith.constant dense<true> : vector<224x224xi1>
    %not3A_3024 = arith.xori %or3A_3021, %not3A_3023 : vector<224x224xi1>
    %eq3A_3025 = arith.cmpf oeq, %select_n3A_2785, %min3A_2994 : vector<224x224xf32>
    %and3A_3026 = arith.andi %not3A_3024, %eq3A_3025 : vector<224x224xi1>
    %or3A_3027 = arith.ori %or3A_3021, %and3A_3026 : vector<224x224xi1>
    %select_n3A_3028 = arith.select %and3A_3026, %select_n3A_187, %select_n3A_3022 : vector<224x224xi1>, vector<224x224xi32>
    %not3A_3029 = arith.constant dense<true> : vector<224x224xi1>
    %not3A_3030 = arith.xori %or3A_3027, %not3A_3029 : vector<224x224xi1>
    %eq3A_3031 = arith.cmpf oeq, %select_n3A_2794, %min3A_2994 : vector<224x224xf32>
    %and3A_3032 = arith.andi %not3A_3030, %eq3A_3031 : vector<224x224xi1>
    %or3A_3033 = arith.ori %or3A_3027, %and3A_3032 : vector<224x224xi1>
    %select_n3A_3034 = arith.select %and3A_3032, %select_n3A_225, %select_n3A_3028 : vector<224x224xi1>, vector<224x224xi32>
    %not3A_3035 = arith.constant dense<true> : vector<224x224xi1>
    %not3A_3036 = arith.xori %or3A_3033, %not3A_3035 : vector<224x224xi1>
    %eq3A_3037 = arith.cmpf oeq, %select_n3A_2803, %min3A_2994 : vector<224x224xf32>
    %and3A_3038 = arith.andi %not3A_3036, %eq3A_3037 : vector<224x224xi1>
    %or3A_3039 = arith.ori %or3A_3033, %and3A_3038 : vector<224x224xi1>
    %select_n3A_3040 = arith.select %and3A_3038, %select_n3A_263, %select_n3A_3034 : vector<224x224xi1>, vector<224x224xi32>
    %not3A_3041 = arith.constant dense<true> : vector<224x224xi1>
    %not3A_3042 = arith.xori %or3A_3039, %not3A_3041 : vector<224x224xi1>
    %eq3A_3043 = arith.cmpf oeq, %select_n3A_2812, %min3A_2994 : vector<224x224xf32>
    %and3A_3044 = arith.andi %not3A_3042, %eq3A_3043 : vector<224x224xi1>
    %or3A_3045 = arith.ori %or3A_3039, %and3A_3044 : vector<224x224xi1>
    %select_n3A_3046 = arith.select %and3A_3044, %select_n3A_297, %select_n3A_3040 : vector<224x224xi1>, vector<224x224xi32>
    %not3A_3047 = arith.constant dense<true> : vector<224x224xi1>
    %not3A_3048 = arith.xori %or3A_3045, %not3A_3047 : vector<224x224xi1>
    %eq3A_3049 = arith.cmpf oeq, %select_n3A_2821, %min3A_2994 : vector<224x224xf32>
    %and3A_3050 = arith.andi %not3A_3048, %eq3A_3049 : vector<224x224xi1>
    %or3A_3051 = arith.ori %or3A_3045, %and3A_3050 : vector<224x224xi1>
    %select_n3A_3052 = arith.select %and3A_3050, %select_n3A_335, %select_n3A_3046 : vector<224x224xi1>, vector<224x224xi32>
    %not3A_3053 = arith.constant dense<true> : vector<224x224xi1>
    %not3A_3054 = arith.xori %or3A_3051, %not3A_3053 : vector<224x224xi1>
    %eq3A_3055 = arith.cmpf oeq, %select_n3A_2830, %min3A_2994 : vector<224x224xf32>
    %and3A_3056 = arith.andi %not3A_3054, %eq3A_3055 : vector<224x224xi1>
    %or3A_3057 = arith.ori %or3A_3051, %and3A_3056 : vector<224x224xi1>
    %select_n3A_3058 = arith.select %and3A_3056, %select_n3A_373, %select_n3A_3052 : vector<224x224xi1>, vector<224x224xi32>
    %not3A_3059 = arith.constant dense<true> : vector<224x224xi1>
    %not3A_3060 = arith.xori %or3A_3057, %not3A_3059 : vector<224x224xi1>
    %eq3A_3061 = arith.cmpf oeq, %select_n3A_2839, %min3A_2994 : vector<224x224xf32>
    %and3A_3062 = arith.andi %not3A_3060, %eq3A_3061 : vector<224x224xi1>
    %or3A_3063 = arith.ori %or3A_3057, %and3A_3062 : vector<224x224xi1>
    %select_n3A_3064 = arith.select %and3A_3062, %select_n3A_407, %select_n3A_3058 : vector<224x224xi1>, vector<224x224xi32>
    %not3A_3065 = arith.constant dense<true> : vector<224x224xi1>
    %not3A_3066 = arith.xori %or3A_3063, %not3A_3065 : vector<224x224xi1>
    %eq3A_3067 = arith.cmpf oeq, %select_n3A_2848, %min3A_2994 : vector<224x224xf32>
    %and3A_3068 = arith.andi %not3A_3066, %eq3A_3067 : vector<224x224xi1>
    %or3A_3069 = arith.ori %or3A_3063, %and3A_3068 : vector<224x224xi1>
    %select_n3A_3070 = arith.select %and3A_3068, %select_n3A_441, %select_n3A_3064 : vector<224x224xi1>, vector<224x224xi32>
    %not3A_3071 = arith.constant dense<true> : vector<224x224xi1>
    %not3A_3072 = arith.xori %or3A_3069, %not3A_3071 : vector<224x224xi1>
    %eq3A_3073 = arith.cmpf oeq, %select_n3A_2857, %min3A_2994 : vector<224x224xf32>
    %and3A_3074 = arith.andi %not3A_3072, %eq3A_3073 : vector<224x224xi1>
    %or3A_3075 = arith.ori %or3A_3069, %and3A_3074 : vector<224x224xi1>
    %select_n3A_3076 = arith.select %and3A_3074, %select_n3A_471, %select_n3A_3070 : vector<224x224xi1>, vector<224x224xi32>
    %not3A_3077 = arith.constant dense<true> : vector<224x224xi1>
    %not3A_3078 = arith.xori %or3A_3075, %not3A_3077 : vector<224x224xi1>
    %eq3A_3079 = arith.cmpf oeq, %select_n3A_2866, %min3A_2994 : vector<224x224xf32>
    %and3A_3080 = arith.andi %not3A_3078, %eq3A_3079 : vector<224x224xi1>
    %or3A_3081 = arith.ori %or3A_3075, %and3A_3080 : vector<224x224xi1>
    %select_n3A_3082 = arith.select %and3A_3080, %select_n3A_505, %select_n3A_3076 : vector<224x224xi1>, vector<224x224xi32>
    %not3A_3083 = arith.constant dense<true> : vector<224x224xi1>
    %not3A_3084 = arith.xori %or3A_3081, %not3A_3083 : vector<224x224xi1>
    %eq3A_3085 = arith.cmpf oeq, %select_n3A_2875, %min3A_2994 : vector<224x224xf32>
    %and3A_3086 = arith.andi %not3A_3084, %eq3A_3085 : vector<224x224xi1>
    %or3A_3087 = arith.ori %or3A_3081, %and3A_3086 : vector<224x224xi1>
    %select_n3A_3088 = arith.select %and3A_3086, %select_n3A_539, %select_n3A_3082 : vector<224x224xi1>, vector<224x224xi32>
    %not3A_3089 = arith.constant dense<true> : vector<224x224xi1>
    %not3A_3090 = arith.xori %or3A_3087, %not3A_3089 : vector<224x224xi1>
    %eq3A_3091 = arith.cmpf oeq, %select_n3A_2884, %min3A_2994 : vector<224x224xf32>
    %and3A_3092 = arith.andi %not3A_3090, %eq3A_3091 : vector<224x224xi1>
    %or3A_3093 = arith.ori %or3A_3087, %and3A_3092 : vector<224x224xi1>
    %select_n3A_3094 = arith.select %and3A_3092, %select_n3A_577, %select_n3A_3088 : vector<224x224xi1>, vector<224x224xi32>
    %not3A_3095 = arith.constant dense<true> : vector<224x224xi1>
    %not3A_3096 = arith.xori %or3A_3093, %not3A_3095 : vector<224x224xi1>
    %eq3A_3097 = arith.cmpf oeq, %select_n3A_2893, %min3A_2994 : vector<224x224xf32>
    %and3A_3098 = arith.andi %not3A_3096, %eq3A_3097 : vector<224x224xi1>
    %or3A_3099 = arith.ori %or3A_3093, %and3A_3098 : vector<224x224xi1>
    %select_n3A_3100 = arith.select %and3A_3098, %select_n3A_615, %select_n3A_3094 : vector<224x224xi1>, vector<224x224xi32>
    %not3A_3101 = arith.constant dense<true> : vector<224x224xi1>
    %not3A_3102 = arith.xori %or3A_3099, %not3A_3101 : vector<224x224xi1>
    %eq3A_3103 = arith.cmpf oeq, %select_n3A_2902, %min3A_2994 : vector<224x224xf32>
    %and3A_3104 = arith.andi %not3A_3102, %eq3A_3103 : vector<224x224xi1>
    %or3A_3105 = arith.ori %or3A_3099, %and3A_3104 : vector<224x224xi1>
    %select_n3A_3106 = arith.select %and3A_3104, %select_n3A_649, %select_n3A_3100 : vector<224x224xi1>, vector<224x224xi32>
    %not3A_3107 = arith.constant dense<true> : vector<224x224xi1>
    %not3A_3108 = arith.xori %or3A_3105, %not3A_3107 : vector<224x224xi1>
    %eq3A_3109 = arith.cmpf oeq, %select_n3A_2911, %min3A_2994 : vector<224x224xf32>
    %and3A_3110 = arith.andi %not3A_3108, %eq3A_3109 : vector<224x224xi1>
    %or3A_3111 = arith.ori %or3A_3105, %and3A_3110 : vector<224x224xi1>
    %select_n3A_3112 = arith.select %and3A_3110, %select_n3A_687, %select_n3A_3106 : vector<224x224xi1>, vector<224x224xi32>
    %not3A_3113 = arith.constant dense<true> : vector<224x224xi1>
    %not3A_3114 = arith.xori %or3A_3111, %not3A_3113 : vector<224x224xi1>
    %eq3A_3115 = arith.cmpf oeq, %select_n3A_2920, %min3A_2994 : vector<224x224xf32>
    %and3A_3116 = arith.andi %not3A_3114, %eq3A_3115 : vector<224x224xi1>
    %or3A_3117 = arith.ori %or3A_3111, %and3A_3116 : vector<224x224xi1>
    %select_n3A_3118 = arith.select %and3A_3116, %select_n3A_725, %select_n3A_3112 : vector<224x224xi1>, vector<224x224xi32>
    %not3A_3119 = arith.constant dense<true> : vector<224x224xi1>
    %not3A_3120 = arith.xori %or3A_3117, %not3A_3119 : vector<224x224xi1>
    %eq3A_3121 = arith.cmpf oeq, %select_n3A_2929, %min3A_2994 : vector<224x224xf32>
    %and3A_3122 = arith.andi %not3A_3120, %eq3A_3121 : vector<224x224xi1>
    %or3A_3123 = arith.ori %or3A_3117, %and3A_3122 : vector<224x224xi1>
    %select_n3A_3124 = arith.select %and3A_3122, %select_n3A_763, %select_n3A_3118 : vector<224x224xi1>, vector<224x224xi32>
    %not3A_3125 = arith.constant dense<true> : vector<224x224xi1>
    %not3A_3126 = arith.xori %or3A_3123, %not3A_3125 : vector<224x224xi1>
    %eq3A_3127 = arith.cmpf oeq, %select_n3A_2938, %min3A_2994 : vector<224x224xf32>
    %and3A_3128 = arith.andi %not3A_3126, %eq3A_3127 : vector<224x224xi1>
    %or3A_3129 = arith.ori %or3A_3123, %and3A_3128 : vector<224x224xi1>
    %select_n3A_3130 = arith.select %and3A_3128, %select_n3A_801, %select_n3A_3124 : vector<224x224xi1>, vector<224x224xi32>
    %not3A_3131 = arith.constant dense<true> : vector<224x224xi1>
    %not3A_3132 = arith.xori %or3A_3129, %not3A_3131 : vector<224x224xi1>
    %eq3A_3133 = arith.cmpf oeq, %select_n3A_2947, %min3A_2994 : vector<224x224xf32>
    %and3A_3134 = arith.andi %not3A_3132, %eq3A_3133 : vector<224x224xi1>
    %or3A_3135 = arith.ori %or3A_3129, %and3A_3134 : vector<224x224xi1>
    %select_n3A_3136 = arith.select %and3A_3134, %select_n3A_835, %select_n3A_3130 : vector<224x224xi1>, vector<224x224xi32>
    %not3A_3137 = arith.constant dense<true> : vector<224x224xi1>
    %not3A_3138 = arith.xori %or3A_3135, %not3A_3137 : vector<224x224xi1>
    %eq3A_3139 = arith.cmpf oeq, %select_n3A_2956, %min3A_2994 : vector<224x224xf32>
    %and3A_3140 = arith.andi %not3A_3138, %eq3A_3139 : vector<224x224xi1>
    %or3A_3141 = arith.ori %or3A_3135, %and3A_3140 : vector<224x224xi1>
    %select_n3A_3142 = arith.select %and3A_3140, %select_n3A_873, %select_n3A_3136 : vector<224x224xi1>, vector<224x224xi32>
    %not3A_3143 = arith.constant dense<true> : vector<224x224xi1>
    %not3A_3144 = arith.xori %or3A_3141, %not3A_3143 : vector<224x224xi1>
    %eq3A_3145 = arith.cmpf oeq, %select_n3A_2964, %min3A_2994 : vector<224x224xf32>
    %and3A_3146 = arith.andi %not3A_3144, %eq3A_3145 : vector<224x224xi1>
    %select_n3A_3147 = arith.select %and3A_3146, %select_n3A_911, %select_n3A_3142 : vector<224x224xi1>, vector<224x224xi32>
    %swap3A_3148 = arith.constant 8 : index
    %swap3A_3149 = arith.constant 0 : index
    %swap3A_3150 = arith.constant 0 : index
    %swap3A_3151 = vector.load %arg2[%swap3A_3148, %swap3A_3149, %swap3A_3150] : memref<9x224x224xi32, #tpu.memory_space<vmem>>, vector<1x224x224xi32>
    %swap3A_3152 = vector.shape_cast %swap3A_3151 : vector<1x224x224xi32> to vector<224x224xi32>
    %swap3A_3153 = vector.shape_cast %select_n3A_3147 : vector<224x224xi32> to vector<1x224x224xi32>
    tpu.vector_store %arg2[%swap3A_3148, %swap3A_3149, %swap3A_3150], %swap3A_3153 {strides = array<i32>} : memref<9x224x224xi32, #tpu.memory_space<vmem>>, vector<1x224x224xi32>,
    return
  }
}

module attributes {stable_mosaic.version = 14 : i64} {
  func.func @_matmul_kernel(%arg0: i32, %arg1: memref<512x864xbf16, #tpu.memory_space<vmem>>, %arg2: memref<512x864xbf16, #tpu.memory_space<vmem>>, %arg3: memref<864x384xbf16, #tpu.memory_space<vmem>>, %arg4: memref<512x384xf32, #tpu.memory_space<vmem>>) attributes {dimension_semantics = [#tpu.dimension_semantics<arbitrary>], iteration_bounds = array<i64: 98>, scalar_prefetch = 0 : i64, scratch_operands = 0 : i64, tpu.core_type = #tpu.core_type<tc>, window_params = [{transform_indices = @transform_0, window_bounds = array<i64: 512, 864>}, {transform_indices = @transform_1, window_bounds = array<i64: 512, 864>}, {pipeline_mode = #tpu.pipeline_mode<synchronous>, transform_indices = @transform_2, window_bounds = array<i64: 864, 384>}, {transform_indices = @transform_3, window_bounds = array<i64: 512, 384>}]} {
    %lt3A = arith.constant 49 : i32
    %lt3A_0 = arith.cmpi slt, %arg0, %lt3A : i32
    %convert_element_type3A = arith.extui %lt3A_0 : i1 to i32
    %cond3A = arith.constant 0 : i32
    %cond3A_1 = arith.cmpi ne, %convert_element_type3A, %cond3A : i32
    scf.if %cond3A_1 {
      %get3A = arith.constant 0 : index
      %get3A_6 = arith.constant 0 : index
      %get3A_7 = vector.load %arg1[%get3A, %get3A_6] : memref<512x864xbf16, #tpu.memory_space<vmem>>, vector<512x864xbf16>
      %get3A_8 = arith.constant 0 : index
      %get3A_9 = arith.constant 0 : index
      %get3A_10 = vector.load %arg3[%get3A_8, %get3A_9] : memref<864x384xbf16, #tpu.memory_space<vmem>>, vector<864x384xbf16>
      %dot_general3A = arith.constant dense<0.000000e+00> : vector<512x384xf32>
      %dot_general3A_11 = tpu.matmul %get3A_7, %get3A_10, %dot_general3A {dimension_numbers = #tpu.dot_dimension_numbers<[1], [0], [0], [1], [0, 0, 1, 1], [], []>, transpose_lhs_hint = false} : vector<512x864xbf16>, vector<864x384xbf16>, vector<512x384xf32> -> vector<512x384xf32>
      %swap3A = arith.constant 0 : index
      %swap3A_12 = arith.constant 0 : index
      %swap3A_13 = vector.load %arg4[%swap3A, %swap3A_12] : memref<512x384xf32, #tpu.memory_space<vmem>>, vector<512x384xf32>
      tpu.vector_store %arg4[%swap3A, %swap3A_12], %dot_general3A_11 {strides = array<i32>} : memref<512x384xf32, #tpu.memory_space<vmem>>, vector<512x384xf32>,
    } else {
    }
    %ge3A = arith.constant 49 : i32
    %ge3A_2 = arith.cmpi sge, %arg0, %ge3A : i32
    %convert_element_type3A_3 = arith.extui %ge3A_2 : i1 to i32
    %cond3A_4 = arith.constant 0 : i32
    %cond3A_5 = arith.cmpi ne, %convert_element_type3A_3, %cond3A_4 : i32
    scf.if %cond3A_5 {
      %get3A = arith.constant 0 : index
      %get3A_6 = arith.constant 0 : index
      %get3A_7 = vector.load %arg2[%get3A, %get3A_6] : memref<512x864xbf16, #tpu.memory_space<vmem>>, vector<512x864xbf16>
      %get3A_8 = arith.constant 0 : index
      %get3A_9 = arith.constant 0 : index
      %get3A_10 = vector.load %arg3[%get3A_8, %get3A_9] : memref<864x384xbf16, #tpu.memory_space<vmem>>, vector<864x384xbf16>
      %dot_general3A = arith.constant dense<0.000000e+00> : vector<512x384xf32>
      %dot_general3A_11 = tpu.matmul %get3A_7, %get3A_10, %dot_general3A {dimension_numbers = #tpu.dot_dimension_numbers<[1], [0], [0], [1], [0, 0, 1, 1], [], []>, transpose_lhs_hint = false} : vector<512x864xbf16>, vector<864x384xbf16>, vector<512x384xf32> -> vector<512x384xf32>
      %swap3A = arith.constant 0 : index
      %swap3A_12 = arith.constant 0 : index
      %swap3A_13 = vector.load %arg4[%swap3A, %swap3A_12] : memref<512x384xf32, #tpu.memory_space<vmem>>, vector<512x384xf32>
      tpu.vector_store %arg4[%swap3A, %swap3A_12], %dot_general3A_11 {strides = array<i32>} : memref<512x384xf32, #tpu.memory_space<vmem>>, vector<512x384xf32>,
    } else {
    }
    return
  }
  func.func @transform_0(%arg0: i32) -> (i32, i32) {
    %min3A = arith.constant 48 : i32
    %min3A_0 = arith.minsi %arg0, %min3A : i32
    %c0_i32 = arith.constant 0 : i32
    %c0_i32_1 = arith.constant 0 : i32
    return %min3A_0, %c0_i32 : i32, i32
  }
  func.func @transform_1(%arg0: i32) -> (i32, i32) {
    %sub3A = arith.constant 49 : i32
    %sub3A_0 = arith.subi %arg0, %sub3A : i32
    %max3A = arith.constant 0 : i32
    %max3A_1 = arith.maxsi %sub3A_0, %max3A : i32
    %c0_i32 = arith.constant 0 : i32
    %c0_i32_2 = arith.constant 0 : i32
    return %max3A_1, %c0_i32 : i32, i32
  }
  func.func @transform_2(%arg0: i32) -> (i32, i32) {
    %c0_i32 = arith.constant 0 : i32
    %c0_i32_0 = arith.constant 0 : i32
    %c0_i32_1 = arith.constant 0 : i32
    return %c0_i32, %c0_i32_0 : i32, i32
  }
  func.func @transform_3(%arg0: i32) -> (i32, i32) {
    %c0_i32 = arith.constant 0 : i32
    %c0_i32_0 = arith.constant 0 : i32
    return %arg0, %c0_i32 : i32, i32
  }
}

</mosaic_0001>

<sc_bundles>
// kernel: kernel.10.cloned.1.call-start
scs
__scs_entry_jumppad:
0x0: {  	(pc) =	sbr.rel $0x88, $3  }
0x1: {  	(tag) =	ssettag $0x0;
	lr =	simm.s32 $0x1  }
0x2: {  	[smem:$0x3F9D] =	sst lr;
	_ =	strace $0xD0000000  }
0x3: {  	_ = 	snop  }
0x4: {  	_ = 	snop  }
0x5: {  	_ = 	snop  }
0x6: {  	_ = 	snop  }
0x7: {  	_ = 	snop  }
__scs_overlays_trampoline_lowered:
0x8: {  	[smem:$0x3FAC] =	sst s0  }
0x9: {  	[smem:$0x3FAD] =	sst s1  }
0xa: {  	[smem:$0x3FAE] =	sst s2  }
0xb: {  	[smem:$0x3FAF] =	sst s3  }
0xc: {  	[smem:$0x3FB0] =	sst s4  }
0xd: {  	[smem:$0x3FB1] =	sst s5  }
0xe: {  	[smem:$0x3FB2] =	sst s6  }
0xf: {  	[smem:$0x3FB3] =	sst s7  }
0x10: {  	[smem:$0x3FB4] =	sst s8  }
0x11: {  	[smem:$0x3FB5] =	sst s9;
	s0 =	simm.s32 @!p0 $0x0  }
0x12: {  	s1 =	sld [smem:$0x3F9B];
	s0 =	simm.s32 @p0 $0x1  }
0x13: {  	[smem:$0x3FB6] =	sst s0;
	s0 =	simm.s32 @!p1 $0x0  }
0x14: {  	s2 =	sld [smem:$0x3F9A];
	s0 =	simm.s32 @p1 $0x1  }
0x15: {  	[smem:$0x3FB7] =	sst s0;
	s0 =	simm.s32 @!p2 $0x0  }
0x16: {  	s3 =	sld [smem:$0x3FDB];
	s0 =	simm.s32 @p2 $0x1  }
0x17: {  	s4 =	simm.s32 $0x1BF5;
	[smem:$0x3FB9] =	sst s0  }
0x18: {  	s0 =	sld [smem:$0x3F9C];
	_ =	swait.ge [sflag:s4], $0x0  }
0x19: {  	s7 =	sld [smem:$0x3F9D]  }
0x1a: {  	s8 =	sadd.s32 $0xFFFFE003, lr  }
0x1b: {  	s9 =	sadd.s32 $0xFFFFFEF7, lr;
	s5 =	simm.s32 $0xFFFFFFFF;
	p2 =	slt.u32 s8, $0xFFFFF086  }
0x1c: {  	p1 =	slt.u32 s9, $0xF7A;
	s5 =	simm.s32 @!p2 $0x0  }
0x1d: {  	s5 =	simm.s32 @p1 $0x1;
	p0 =	seq.s32 s7, s2  }
0x1e: {  	s7 =	smul.u32 @!p0 $0xF7A, s2;
	p2 =	seq.s32 @!p0 s5, $0x0  }
0x1f: {  	s9 =	smul.u32 $0xF7A, s1;
	s8 =	simm.s32 @!p0 $0x1BF5;
	p2 =	por !p2, p0  }
0x20: {  	[sflag:s8] =	ssyncset.s32 @!p0 $0xFFFFF086;
	s6 =	sadd.s32 @!p0 s3, s7;
	s7 =	simm.s32 @!p0 $0x108  }
0x21: {  	s3 =	sadd.s32 s3, s9;
	s6 =	sadd.s32 @!p0 $0x88, s6;
	s7 =	simm.s32 @p2 $0x1082  }
0x22: {  	[simem:s7], [sflag:s8] =	dma.local @!p0 [hbm:s6], $0xF7A  }
0x23: {  	s9 =	sor.u32 $0xD0000000, s2;
	s6 =	simm.s32 $0x108;
	_ =	swait.ge @!p0 [sflag:s8], $0x0  }
0x24: {  	s3 =	sadd.s32 $0x88, s3;
	s6 =	simm.s32 @!p1 $0x1082;
	[sflag:s4] =	ssyncset.s32 $0xFFFFF086  }
0x25: {  	[simem:s6], [sflag:s4] =	dma.local [hbm:s3], $0xF7A  }
0x26: {  	[smem:$0x3F9D] =	sst s1;
	(tag) =	ssettag s2;
	_ =	strace s9  }
0x27: {  	s1 =	sld [smem:$0x3FAD]  }
0x28: {  	s2 =	sld [smem:$0x3FAE]  }
0x29: {  	s4 =	sld [smem:$0x3FB0]  }
0x2a: {  	p0 =	seq.s32 s5, $0x0;
	s5 =	sld [smem:$0x3FB1]  }
0x2b: {  	s6 =	sld [smem:$0x3FB2]  }
0x2c: {  	s7 =	sld [smem:$0x3FB3]  }
0x2d: {  	s3 =	simm.s32 $0x108;
	s8 =	sld [smem:$0x3FB4]  }
0x2e: {  	s3 =	simm.s32 @!p0 $0x1082;
	s9 =	sld [smem:$0x3FB5]  }
0x2f: {  	lr =	sadd.s32 s0, s3;
	s0 =	sld [smem:$0x3FAC]  }
0x30: {  	s3 =	sld [smem:$0x3FAF]  }
0x31: {  	[smem:$0x3FB8] =	sst s10  }
0x32: {  	s10 =	sld [smem:$0x3FB6];
	_ =	sdelay $0x3  }
0x33: {  	p0 =	seq.s32 s10, $0x1;
	s10 =	sld [smem:$0x3FB8];
	_ =	sdelay $0x3  }
0x34: {  	[smem:$0x3FB8] =	sst s10  }
0x35: {  	s10 =	sld [smem:$0x3FB7];
	_ =	sdelay $0x3  }
0x36: {  	p1 =	seq.s32 s10, $0x1;
	s10 =	sld [smem:$0x3FB8];
	_ =	sdelay $0x3  }
0x37: {  	[smem:$0x3FB8] =	sst s10  }
0x38: {  	s10 =	sld [smem:$0x3FB9]  }
0x39: {  	_ = 	snop;
	(pc) =	sbr.ind lr, $3  }
0x3a: {  	_ = 	snop  }
0x3b: {  	_ = 	snop  }
0x3c: {  	p2 =	seq.s32 s10, $0x1;
	s10 =	sld [smem:$0x3FB8]  }
0x3d: {  	_ =	shalt  }
0x3e: {  	_ =	shalt  }
0x3f: {  	_ =	shalt  }
0x40: {  	_ =	shalt  }
0x41: {  	_ =	shalt  }
0x42: {  	_ =	shalt  }
0x43: {  	_ =	shalt  }
0x44: {  	_ =	shalt  }
0x45: {  	_ =	shalt  }
0x46: {  	_ =	shalt  }
0x47: {  	_ =	shalt  }
0x48: {  	_ =	shalt  }
0x49: {  	_ =	shalt  }
0x4a: {  	_ =	shalt  }
0x4b: {  	_ =	shalt  }
0x4c: {  	_ =	shalt  }
0x4d: {  	_ =	shalt  }
0x4e: {  	_ =	shalt  }
0x4f: {  	_ =	shalt  }
0x50: {  	_ =	shalt  }
0x51: {  	_ =	shalt  }
0x52: {  	_ =	shalt  }
0x53: {  	_ =	shalt  }
0x54: {  	_ =	shalt  }
0x55: {  	_ =	shalt  }
0x56: {  	_ =	shalt  }
0x57: {  	_ =	shalt  }
0x58: {  	_ =	shalt  }
0x59: {  	_ =	shalt  }
0x5a: {  	_ =	shalt  }
0x5b: {  	_ =	shalt  }
0x5c: {  	_ =	shalt  }
0x5d: {  	_ =	shalt  }
0x5e: {  	_ =	shalt  }
0x5f: {  	_ =	shalt  }
0x60: {  	_ =	shalt  }
0x61: {  	_ =	shalt  }
0x62: {  	_ =	shalt  }
0x63: {  	_ =	shalt  }
0x64: {  	_ =	shalt  }
0x65: {  	_ =	shalt  }
0x66: {  	_ =	shalt  }
0x67: {  	_ =	shalt  }
0x68: {  	_ =	shalt  }
0x69: {  	_ =	shalt  }
0x6a: {  	_ =	shalt  }
0x6b: {  	_ =	shalt  }
0x6c: {  	_ =	shalt  }
0x6d: {  	_ =	shalt  }
0x6e: {  	_ =	shalt  }
0x6f: {  	_ =	shalt  }
0x70: {  	_ =	shalt  }
0x71: {  	_ =	shalt  }
0x72: {  	_ =	shalt  }
0x73: {  	_ =	shalt  }
0x74: {  	_ =	shalt  }
0x75: {  	_ =	shalt  }
0x76: {  	_ =	shalt  }
0x77: {  	_ =	shalt  }
0x78: {  	_ =	shalt  }
0x79: {  	_ =	shalt  }
0x7a: {  	_ =	shalt  }
0x7b: {  	_ =	shalt  }
0x7c: {  	_ =	shalt  }
0x7d: {  	_ =	shalt  }
0x7e: {  	_ =	shalt  }
0x7f: {  	_ =	shalt  }
0x80: {  	_ =	shalt  }
0x81: {  	_ =	shalt  }
0x82: {  	_ =	shalt  }
0x83: {  	_ =	shalt  }
0x84: {  	_ =	shalt  }
0x85: {  	_ =	shalt  }
0x86: {  	_ =	shalt  }
0x87: {  	_ =	shalt  }
.Lfunc_end0:
.L_simem_size_0:
called_computation.1_lowered:
.L_overlay_start_0:
0x88: {  	s2 =	sld [smem:$0x3FD9]  }
0x89: {  	s3 =	sld [smem:$0x3FFE];
	_ =	sdelay $0x1  }
0x8a: {  	s1 =	srdreg.scid  }
0x8b: {  	s0 =	sand.u32 $0x1, s1  }
0x8c: {  	s17 =	sshll.u32 s0, $0xA;
	s2 =	sadd.s32 s3, s2  }
0x8d: {  	s2 =	sadd.s32 s2, s17  }
0x8e: {  	[smem:$0x3FC4] =	sst s2  }
0x8f: {  	_ = 	snop  }
0x90: {  	(tm) =	ssettm $0x1  }
0x91: {  	s18 =	sld [smem:$0x3FFB];
	_ =	sdelay $0x3  }
0x92: {  	_ =	strace s18  }
0x93: {  	s2 =	sld [smem:$0x3FFC];
	_ =	sdelay $0x3  }
0x94: {  	_ =	strace s2  }
0x95: {  	s2 =	sld [smem:$0x3FFD];
	_ =	sdelay $0x3  }
0x96: {  	_ =	strace s2  }
0x97: {  	_ =	strace $0x8FFFFFFF  }
0x98: {  	s19 =	sld [smem:$0x3FDB];
	_ =	sdelay $0x1  }
0x99: {  	s20 =	simm.s32 $_scs_section_size  }
0x9a: {  	s4 =	simm.s32 $_size__tile_overlayer_lowered;
	s5 =	simm.s32 $_tile_overlayer_lowered  }
0x9b: {  	s6 =	simm.s32 $0x1BFF;
	s21 =	sshll.u32 s5, $0x1;
	s3 =	sadd.s32 s20, s19  }
0x9c: {  	s22 =	simm.s32 $0x0;
	s4 =	sshll.u32 s4, $0x1;
	s5 =	sadd.s32 s21, s3  }
0x9d: {  	[timem:s22], [sflag:s6] =	dma.local [hbm:s5], s4  }
0x9e: {  	_ =	swait.ge [sflag:s6], s4  }
0x9f: {  	s4 =	ssub.s32 $0x0, s4;
	[sflag:s6] =	ssyncset.done $0x0  }
0xa0: {  	[sflag:s6] =	ssyncadd.s32 s4;
	_ =	sdelay $0x1  }
0xa1: {  	s23 =	simm.s32 $0x1B8B  }
0xa2: {  	_ =	swait.ge [sflag:s23], $0x1  }
0xa3: {  	[sflag:s23] =	ssyncset.done $0x0  }
0xa4: {  	[sflag:s23] =	ssyncadd.s32 $0xFFFFFFFF  }
0xa5: {  	s4 =	sld [smem:$0x0]  }
0xa6: {  	s5 =	sand.u32 $0xFFFFFFFE, s1  }
0xa7: {  	p0 =	sne.s32 s1, s5  }
0xa8: {  	s5 =	sshll.u32 @p0 s5, $0xE  }
0xa9: {  	s5 =	sadd.s32 @p0 $0x11B8D, s5;
	s6 =	sshll.u32 @p0 s4, $0x11  }
0xaa: {  	s5 =	sor.u32 @p0 s6, s5  }
0xab: {  	[sflag:s5] =	ssyncadd.remote.s32 @p0 $0x1;
	_ =	sdelay $0x1  }
0xac: {  	s5 =	simm.s32 @p0 $0x1B8D  }
0xad: {  	_ =	swait.eq @p0 [sflag:s5], $0x1  }
0xae: {  	[sflag:s5] =	ssyncadd.s32 @p0 $0xFFFFFFFF  }
0xaf: {  	s6 =	sshll.u32 @!p0 s1, $0xE  }
0xb0: {  	s6 =	sor.u32 @!p0 $0x4000, s6;
	s5 =	simm.s32 @!p0 $0x1B8D  }
0xb1: {  	s4 =	sshll.u32 @!p0 s4, $0x11;
	s6 =	sadd.s32 @!p0 $0x11B8D, s6;
	_ =	swait.eq @!p0 [sflag:s5], $0x1  }
0xb2: {  	s4 =	sor.u32 @!p0 s4, s6;
	[sflag:s5] =	ssyncadd.s32 @!p0 $0xFFFFFFFF  }
0xb3: {  	s25 =	simm.s32 $0x1B8E;
	s24 =	sld [smem:$0x3FFE];
	[sflag:s4] =	ssyncadd.remote.s32 @!p0 $0x1  }
0xb4: {  	s26 =	simm.s32 $execute0_lowered;
	[smem:$0x3FD2] =	sst s25  }
0xb5: {  	s5 =	sshll.u32 s26, $0x1;
	_ =	strace $0x80000049;
	[dreg:$0x1] =	wrdreg $0xFFFFFFFF  }
0xb6: {  	s28 =	simm.s32 $_size_execute0_lowered;
	s3 =	sadd.s32 s3, s5;
	[dreg:$0x0] =	wrdreg $0x0  }
0xb7: {  	s5 =	sshll.u32 s28, $0x1;
	[dreg:$0x2] =	wrdreg s3  }
0xb8: {  	[dreg:$0x3] =	wrdreg s5  }
0xb9: {  	[dreg:$0x4] =	wrdreg $0xC0  }
0xba: {  	_ =	task [dreg:s22], $0x5FFFF  }
0xbb: {  	[dreg:$0x1] =	wrdreg $0xFFFFFFFF  }
0xbc: {  	[dreg:$0x0] =	wrdreg $0x60  }
0xbd: {  	[dreg:$0x2] =	wrdreg s24  }
0xbe: {  	[dreg:$0x3] =	wrdreg $0xA  }
0xbf: {  	_ =	task.clear_ibuf [dreg:s22], $0x4FFFF;
	_ =	strace $0x90000049  }
0xc0: {  	s29 =	simm.s32 $0xA;
	_ =	strace $0x8000004B  }
0xc1: {  	_ =	swait.ge [sflag:s29], $0x1  }
0xc2: {  	[sflag:s29] =	ssyncadd.s32 $0xFFFFFFFF  }
0xc3: {  	_ =	strace $0x9000004B  }
0xc4: {  	_ =	sfence  }
0xc5: {  	s30 =	sld [smem:$0x0];
	_ =	sdelay $0x2  }
0xc6: {  	s31 =	sshll.u32 s1, $0xD;
	s1 =	sshrl.u32 s1, $0x2  }
0xc7: {  	s4 =	sand.u32 $0x4000, s31;
	s1 =	sadd.s32 s1, s30  }
0xc8: {  	s0 =	sor.u32 s4, s0;
	s1 =	sshll.u32 s1, $0x11  }
0xc9: {  	s0 =	sor.u32 s1, s0  }
0xca: {  	s0 =	sadd.s32 $0x8F2B, s0  }
0xcb: {  	[sflag:s0] =	ssyncadd.remote.s32 $0x1  }
0xcc: {  	_ =	sfence.sel $0xFFFF  }
0xcd: {  	[dreg:$0x0] =	wrdreg $0xFFFFFFFF;
	(pc) =	sbr.abs _section_cstart, $3  }
0xce: {  	[dreg:$0x1] =	wrdreg $0xFFFFFFFF  }
0xcf: {  	_ =	task.clear_ibuf [dreg:s22], $0x2FFFF;
	_ =	strace $0x9FFFFFFF  }
0xd0: {  	(tm) =	ssettm $0x7FFFFFFF  }
0xd1: {  	_ =	shalt  }
tec
execute0_lowered:
.L_overlay_start_1:
0x0: {  	(tag) =	ssettag $0x1  }
0x1: {  	s1 =	srdreg.scid;
	s0 =	stileid.u32  }
0x2: {  	s22 =	sand.u32 $0x1, s1;
	s29 =	sshll.u32 s0, $0x1  }
0x3: {  	s23 =	sor.u32 s22, s29  }
0x4: {  	s10 =	rddreg [dreg:$0x0];
	s3 =	smul.u32 $0x372, s23  }
0x5: {  	s2 =	simm.s32 $0x0;
	s1 =	rddreg [dreg:$0x1]  }
0x6: {  	[smem:$0x7FF] =	sst s2;
	s3 =	sadd.s32 s3, s10  }
0x7: {  	_ =	strace $0x8000004A;
	s4 =	sadd.s32 $0x4C000, s3;
	s3 =	simm.s32 $0x3  }
0x8: {  	[tilespmem:s2], [sflag:$0x3] =	stream.linear.gather [hbm4b:s4+s2], $0x1B90, $0x38;
	[tilespmem:$0x19590] =	vst v63  }
0x9: {  	_ =	swait.ge [sflag:s3], $0x1B90  }
0xa: {  	s6 =	simm.s32 $0x3F0;
	[sflag:s3] =	ssyncset.done $0x0  }
0xb: {  	s7 =	simm.s32 $0x1B90;
	s5 =	sadd.s32 $0x1C00, s10;
	[sflag:s3] =	ssyncadd.s32 $0xFFFFE470  }
0xc: {  	[tilespmem:s7], [sflag:$0x1] =	stream.indirect.gather [hbm4b:s5+s6], $0x30, s2, s6, $0xb8;
	[tilespmem:$0x19590] =	vst v63  }
0xd: {  	s8 =	simm.s32 $0xD890;
	s9 =	simm.s32 $0x1  }
0xe: {  	[tilespmem:s8], [sflag:$0x2] =	stream.indirect.gather [hbm4b:s5+s6], $0x30, s6, s6, $0xb8;
	[tilespmem:$0x19590] =	vst v63  }
0xf: {  	s11 =	smul.u32 $0xA560, s23;
	_ =	swait.ge [sflag:s9], $0xBD00  }
0x10: {  	s24 =	sadd.s32 $0x1FFC00, s10;
	[sflag:s9] =	ssyncset.done $0x0  }
0x11: {  	s10 =	sadd.s32 s24, s11;
	[sflag:s9] =	ssyncadd.s32 $0xFFFF4300  }
0x12: {  	[hbm4b:s10+s2] =	stream.linear.scatter [tilespmem:s7], [sflag:$0x3], $0xBD00, $0x38;
	[tilespmem:$0x19590] =	vst v63  }
0x13: {  	_ =	swait.ge [sflag:s3], $0xBD00  }
0x14: {  	[sflag:s3] =	ssyncset.done $0x0  }
0x15: {  	s12 =	simm.s32 $0x2;
	s11 =	simm.s32 $0x7E0;
	[sflag:s3] =	ssyncadd.s32 $0xFFFF4300  }
0x16: {  	[tilespmem:s7], [sflag:$0x1] =	stream.indirect.gather [hbm4b:s5+s6], $0x30, s11, s6, $0xb8;
	[tilespmem:$0x19590] =	vst v63  }
0x17: {  	_ =	swait.ge [sflag:s12], $0xBD00  }
0x18: {  	[sflag:s12] =	ssyncset.done $0x0  }
0x19: {  	s13 =	sadd.s32 $0x17A0, s10;
	[sflag:s12] =	ssyncadd.s32 $0xFFFF4300  }
0x1a: {  	[hbm4b:s13+s2] =	stream.linear.scatter [tilespmem:s8], [sflag:$0x3], $0xBD00, $0x38;
	[tilespmem:$0x19590] =	vst v63  }
0x1b: {  	_ =	swait.ge [sflag:s3], $0xBD00  }
0x1c: {  	[sflag:s3] =	ssyncset.done $0x0  }
0x1d: {  	s14 =	simm.s32 $0xBD0;
	[sflag:s3] =	ssyncadd.s32 $0xFFFF4300  }
0x1e: {  	[tilespmem:s8], [sflag:$0x2] =	stream.indirect.gather [hbm4b:s5+s6], $0x30, s14, s6, $0xb8;
	[tilespmem:$0x19590] =	vst v63  }
0x1f: {  	_ =	swait.ge [sflag:s9], $0xBD00  }
0x20: {  	[sflag:s9] =	ssyncset.done $0x0  }
0x21: {  	s15 =	sadd.s32 $0x2F40, s10;
	[sflag:s9] =	ssyncadd.s32 $0xFFFF4300  }
0x22: {  	[hbm4b:s15+s2] =	stream.linear.scatter [tilespmem:s7], [sflag:$0x3], $0xBD00, $0x38;
	[tilespmem:$0x19590] =	vst v63  }
0x23: {  	_ =	swait.ge [sflag:s3], $0xBD00  }
0x24: {  	[sflag:s3] =	ssyncset.done $0x0  }
0x25: {  	s16 =	simm.s32 $0xFC0;
	[sflag:s3] =	ssyncadd.s32 $0xFFFF4300  }
0x26: {  	[tilespmem:s7], [sflag:$0x1] =	stream.indirect.gather [hbm4b:s5+s6], $0x30, s16, s6, $0xb8;
	[tilespmem:$0x19590] =	vst v63  }
0x27: {  	_ =	swait.ge [sflag:s12], $0xBD00  }
0x28: {  	[sflag:s12] =	ssyncset.done $0x0  }
0x29: {  	s17 =	sadd.s32 $0x46E0, s10;
	[sflag:s12] =	ssyncadd.s32 $0xFFFF4300  }
0x2a: {  	[hbm4b:s17+s2] =	stream.linear.scatter [tilespmem:s8], [sflag:$0x3], $0xBD00, $0x38;
	[tilespmem:$0x19590] =	vst v63  }
0x2b: {  	_ =	swait.ge [sflag:s3], $0xBD00  }
0x2c: {  	[sflag:s3] =	ssyncset.done $0x0  }
0x2d: {  	s18 =	simm.s32 $0x13B0;
	[sflag:s3] =	ssyncadd.s32 $0xFFFF4300  }
0x2e: {  	[tilespmem:s8], [sflag:$0x2] =	stream.indirect.gather [hbm4b:s5+s6], $0x30, s18, s6, $0xb8;
	[tilespmem:$0x19590] =	vst v63  }
0x2f: {  	_ =	swait.ge [sflag:s9], $0xBD00  }
0x30: {  	[sflag:s9] =	ssyncset.done $0x0  }
0x31: {  	s19 =	sadd.s32 $0x5E80, s10;
	[sflag:s9] =	ssyncadd.s32 $0xFFFF4300  }
0x32: {  	[hbm4b:s19+s2] =	stream.linear.scatter [tilespmem:s7], [sflag:$0x3], $0xBD00, $0x38;
	[tilespmem:$0x19590] =	vst v63  }
0x33: {  	_ =	swait.ge [sflag:s3], $0xBD00  }
0x34: {  	[sflag:s3] =	ssyncset.done $0x0  }
0x35: {  	s20 =	simm.s32 $0x17A0;
	[sflag:s3] =	ssyncadd.s32 $0xFFFF4300  }
0x36: {  	[tilespmem:s7], [sflag:$0x1] =	stream.indirect.gather [hbm4b:s5+s6], $0x30, s20, s6, $0xb8;
	[tilespmem:$0x19590] =	vst v63  }
0x37: {  	_ =	swait.ge [sflag:s12], $0xBD00  }
0x38: {  	[sflag:s12] =	ssyncset.done $0x0  }
0x39: {  	s22 =	ssub.s32 $0x2, s22;
	s21 =	sadd.s32 $0x7620, s10;
	[sflag:s12] =	ssyncadd.s32 $0xFFFF4300  }
0x3a: {  	[hbm4b:s21+s2] =	stream.linear.scatter [tilespmem:s8], [sflag:$0x3], $0xBD00, $0x38;
	[tilespmem:$0x19590] =	vst v63  }
0x3b: {  	s25 =	sshrl.u32 s22, $0x1;
	_ =	swait.ge [sflag:s3], $0xBD00  }
0x3c: {  	s23 =	smul.u32 $0xA5600, s23;
	s25 =	ssub.s32 s22, s25;
	[sflag:s3] =	ssyncset.done $0x0  }
0x3d: {  	s31 =	smax.u32 s25, $0x1;
	[sflag:s3] =	ssyncadd.s32 $0xFFFF4300  }
0x3e: {  	s23 =	sshrl.u32 s23, $0x4;
	p0 =	sne.s32 s31, $0x1;
	_ =	swait.ge [sflag:s9], $0xBD00  }
.Ltmp0:
0x3f: {  	s30 =	sadd.s32 s24, s23;
	[sflag:s9] =	ssyncset.done $0x0;
	(pc) =	sbr.rel @!p0 .LBB2_2-.Ltmp0, $4  }
0x40: {  	s22 =	sadd.s32 $0x8DC0, s30;
	[sflag:s9] =	ssyncadd.s32 $0xFFFF4300  }
0x41: {  	[hbm4b:s22+s2] =	stream.linear.scatter [tilespmem:s7], [sflag:$0x3], $0xBD00, $0x38;
	[tilespmem:$0x19590] =	vst v63  }
0x42: {  	_ =	swait.ge [sflag:s3], $0xBD00  }
0x43: {  	s23 =	sadd.s32 $0xFFFFFFFF, s31;
	[sflag:s3] =	ssyncset.done $0x0  }
.LBB2_1:
0x44: {  	p0 =	sne.s32 s23, $0x1;
	s23 =	sadd.s32 $0xFFFFFFFF, s23;
	[sflag:s3] =	ssyncadd.s32 $0xFFFF4300  }
0x45: {  	[tilespmem:s2], [sflag:$0x3] =	stream.linear.gather [hbm4b:s4+s2], $0x1B90, $0x38;
	[tilespmem:$0x19590] =	vst v63  }
0x46: {  	_ =	swait.ge [sflag:s3], $0x1B90  }
0x47: {  	[sflag:s3] =	ssyncset.done $0x0  }
0x48: {  	[sflag:s3] =	ssyncadd.s32 $0xFFFFE470  }
0x49: {  	[tilespmem:s7], [sflag:$0x1] =	stream.indirect.gather [hbm4b:s5+s6], $0x30, s2, s6, $0xb8;
	[tilespmem:$0x19590] =	vst v63  }
0x4a: {  	_ = 	snop  }
0x4b: {  	[tilespmem:s8], [sflag:$0x2] =	stream.indirect.gather [hbm4b:s5+s6], $0x30, s6, s6, $0xb8;
	[tilespmem:$0x19590] =	vst v63  }
0x4c: {  	_ =	swait.ge [sflag:s9], $0xBD00  }
0x4d: {  	[sflag:s9] =	ssyncset.done $0x0  }
0x4e: {  	[sflag:s9] =	ssyncadd.s32 $0xFFFF4300  }
0x4f: {  	[hbm4b:s10+s2] =	stream.linear.scatter [tilespmem:s7], [sflag:$0x3], $0xBD00, $0x38;
	[tilespmem:$0x19590] =	vst v63  }
0x50: {  	_ =	swait.ge [sflag:s3], $0xBD00  }
0x51: {  	[sflag:s3] =	ssyncset.done $0x0  }
0x52: {  	[sflag:s3] =	ssyncadd.s32 $0xFFFF4300  }
0x53: {  	[tilespmem:s7], [sflag:$0x1] =	stream.indirect.gather [hbm4b:s5+s6], $0x30, s11, s6, $0xb8;
	[tilespmem:$0x19590] =	vst v63  }
0x54: {  	_ =	swait.ge [sflag:s12], $0xBD00  }
0x55: {  	[sflag:s12] =	ssyncset.done $0x0  }
0x56: {  	[sflag:s12] =	ssyncadd.s32 $0xFFFF4300  }
0x57: {  	[hbm4b:s13+s2] =	stream.linear.scatter [tilespmem:s8], [sflag:$0x3], $0xBD00, $0x38;
	[tilespmem:$0x19590] =	vst v63  }
0x58: {  	_ =	swait.ge [sflag:s3], $0xBD00  }
0x59: {  	[sflag:s3] =	ssyncset.done $0x0  }
0x5a: {  	[sflag:s3] =	ssyncadd.s32 $0xFFFF4300  }
0x5b: {  	[tilespmem:s8], [sflag:$0x2] =	stream.indirect.gather [hbm4b:s5+s6], $0x30, s14, s6, $0xb8;
	[tilespmem:$0x19590] =	vst v63  }
0x5c: {  	_ =	swait.ge [sflag:s9], $0xBD00  }
0x5d: {  	[sflag:s9] =	ssyncset.done $0x0  }
0x5e: {  	[sflag:s9] =	ssyncadd.s32 $0xFFFF4300  }
0x5f: {  	[hbm4b:s15+s2] =	stream.linear.scatter [tilespmem:s7], [sflag:$0x3], $0xBD00, $0x38;
	[tilespmem:$0x19590] =	vst v63  }
0x60: {  	_ =	swait.ge [sflag:s3], $0xBD00  }
0x61: {  	[sflag:s3] =	ssyncset.done $0x0  }
0x62: {  	[sflag:s3] =	ssyncadd.s32 $0xFFFF4300  }
0x63: {  	[tilespmem:s7], [sflag:$0x1] =	stream.indirect.gather [hbm4b:s5+s6], $0x30, s16, s6, $0xb8;
	[tilespmem:$0x19590] =	vst v63  }
0x64: {  	_ =	swait.ge [sflag:s12], $0xBD00  }
0x65: {  	[sflag:s12] =	ssyncset.done $0x0  }
0x66: {  	[sflag:s12] =	ssyncadd.s32 $0xFFFF4300  }
0x67: {  	[hbm4b:s17+s2] =	stream.linear.scatter [tilespmem:s8], [sflag:$0x3], $0xBD00, $0x38;
	[tilespmem:$0x19590] =	vst v63  }
0x68: {  	_ =	swait.ge [sflag:s3], $0xBD00  }
0x69: {  	[sflag:s3] =	ssyncset.done $0x0  }
0x6a: {  	[sflag:s3] =	ssyncadd.s32 $0xFFFF4300  }
0x6b: {  	[tilespmem:s8], [sflag:$0x2] =	stream.indirect.gather [hbm4b:s5+s6], $0x30, s18, s6, $0xb8;
	[tilespmem:$0x19590] =	vst v63  }
0x6c: {  	_ =	swait.ge [sflag:s9], $0xBD00  }
0x6d: {  	[sflag:s9] =	ssyncset.done $0x0  }
0x6e: {  	[sflag:s9] =	ssyncadd.s32 $0xFFFF4300  }
0x6f: {  	[hbm4b:s19+s2] =	stream.linear.scatter [tilespmem:s7], [sflag:$0x3], $0xBD00, $0x38;
	[tilespmem:$0x19590] =	vst v63  }
0x70: {  	_ =	swait.ge [sflag:s3], $0xBD00  }
0x71: {  	[sflag:s3] =	ssyncset.done $0x0  }
0x72: {  	[sflag:s3] =	ssyncadd.s32 $0xFFFF4300  }
0x73: {  	[tilespmem:s7], [sflag:$0x1] =	stream.indirect.gather [hbm4b:s5+s6], $0x30, s20, s6, $0xb8;
	[tilespmem:$0x19590] =	vst v63  }
0x74: {  	_ =	swait.ge [sflag:s12], $0xBD00  }
0x75: {  	[sflag:s12] =	ssyncset.done $0x0  }
0x76: {  	[sflag:s12] =	ssyncadd.s32 $0xFFFF4300  }
0x77: {  	[hbm4b:s21+s2] =	stream.linear.scatter [tilespmem:s8], [sflag:$0x3], $0xBD00, $0x38;
	[tilespmem:$0x19590] =	vst v63  }
0x78: {  	_ =	swait.ge [sflag:s3], $0xBD00  }
0x79: {  	[sflag:s3] =	ssyncset.done $0x0  }
0x7a: {  	[sflag:s3] =	ssyncadd.s32 $0xFFFF4300  }
0x7b: {  	_ =	swait.ge [sflag:s9], $0xBD00  }
.Ltmp1:
0x7c: {  	[sflag:s9] =	ssyncset.done $0x0;
	(pc) =	sbr.rel @p0 .LBB2_1-.Ltmp1, $4  }
0x7d: {  	[sflag:s9] =	ssyncadd.s32 $0xFFFF4300  }
0x7e: {  	[hbm4b:s22+s2] =	stream.linear.scatter [tilespmem:s7], [sflag:$0x3], $0xBD00, $0x38;
	[tilespmem:$0x19590] =	vst v63  }
0x7f: {  	_ =	swait.ge [sflag:s3], $0xBD00  }
0x80: {  	[sflag:s3] =	ssyncset.done $0x0  }
.LBB2_2:
0x81: {  	[sflag:s3] =	ssyncadd.s32 $0xFFFF4300  }
0x82: {  	_ =	sfence.sel $0x180000  }
0x83: {  	[bflag:$0x0] =	sbarrier.arrive $0xFFFF  }
0x84: {  	p0 =	sne.s32 s0, $0x0;
	_ =	strace $0x9000004A  }
0x85: {  	s0 =	sadd.s32 @!p0 $0x100000, s1;
	[bflag:$0x2] =	sbarrier.arrive $0xFFFF  }
0x86: {  	[sflag:s0] =	ssyncadd.tile.s32 @!p0 $0x1;
	_ =	shalt  }
.Lfunc_end2:
_tile_overlayer_lowered:
.L_overlay_start_2:
0x87: {  	(tag) =	ssettag $0x2  }
0x88: {  	s0 =	rddreg [dreg:$0x0];
	s2 =	stileid.u32  }
0x89: {  	s1 =	rddreg [dreg:$0x1];
	p0 =	sne.s32 s2, $0x0  }
0x8a: {  	s3 =	rddreg [dreg:$0x2];
	[bflag:$0x3] =	sbarrier.arrive $0xFFFF;
	s2 =	simm.s32 @!p0 $0x1C03  }
0x8b: {  	[timem:s3], [sflag:s2] =	dma.local @!p0 [hbm:s0], s1  }
0x8c: {  	s0 =	simm.s32 @!p0 $0x3  }
0x8d: {  	_ =	swait.ge @!p0 [sflag:s0], s1  }
0x8e: {  	s1 =	ssub.s32 @!p0 $0x0, s1;
	[sflag:s0] =	ssyncset.done @!p0 $0x0  }
0x8f: {  	[sflag:s0] =	ssyncadd.s32 @!p0 s1  }
0x90: {  	[bflag:$0x3] =	sbarrier.arrive $0xFFFF  }
0x91: {  	_ =	shalt  }

// kernel: kernel.7.cloned.1.call-start
scs
__scs_entry_jumppad:
0x0: {  	(pc) =	sbr.rel $0x88, $3  }
0x1: {  	(tag) =	ssettag $0x0;
	lr =	simm.s32 $0x1  }
0x2: {  	[smem:$0x3F9D] =	sst lr;
	_ =	strace $0xD0000000  }
0x3: {  	_ = 	snop  }
0x4: {  	_ = 	snop  }
0x5: {  	_ = 	snop  }
0x6: {  	_ = 	snop  }
0x7: {  	_ = 	snop  }
__scs_overlays_trampoline_lowered:
0x8: {  	[smem:$0x3FAC] =	sst s0  }
0x9: {  	[smem:$0x3FAD] =	sst s1  }
0xa: {  	[smem:$0x3FAE] =	sst s2  }
0xb: {  	[smem:$0x3FAF] =	sst s3  }
0xc: {  	[smem:$0x3FB0] =	sst s4  }
0xd: {  	[smem:$0x3FB1] =	sst s5  }
0xe: {  	[smem:$0x3FB2] =	sst s6  }
0xf: {  	[smem:$0x3FB3] =	sst s7  }
0x10: {  	[smem:$0x3FB4] =	sst s8  }
0x11: {  	[smem:$0x3FB5] =	sst s9;
	s0 =	simm.s32 @!p0 $0x0  }
0x12: {  	s1 =	sld [smem:$0x3F9B];
	s0 =	simm.s32 @p0 $0x1  }
0x13: {  	[smem:$0x3FB6] =	sst s0;
	s0 =	simm.s32 @!p1 $0x0  }
0x14: {  	s2 =	sld [smem:$0x3F9A];
	s0 =	simm.s32 @p1 $0x1  }
0x15: {  	[smem:$0x3FB7] =	sst s0;
	s0 =	simm.s32 @!p2 $0x0  }
0x16: {  	s3 =	sld [smem:$0x3FDB];
	s0 =	simm.s32 @p2 $0x1  }
0x17: {  	s4 =	simm.s32 $0x1BF5;
	[smem:$0x3FB9] =	sst s0  }
0x18: {  	s0 =	sld [smem:$0x3F9C];
	_ =	swait.ge [sflag:s4], $0x0  }
0x19: {  	s7 =	sld [smem:$0x3F9D]  }
0x1a: {  	s8 =	sadd.s32 $0xFFFFE003, lr  }
0x1b: {  	s9 =	sadd.s32 $0xFFFFFEF7, lr;
	s5 =	simm.s32 $0xFFFFFFFF;
	p2 =	slt.u32 s8, $0xFFFFF086  }
0x1c: {  	p1 =	slt.u32 s9, $0xF7A;
	s5 =	simm.s32 @!p2 $0x0  }
0x1d: {  	s5 =	simm.s32 @p1 $0x1;
	p0 =	seq.s32 s7, s2  }
0x1e: {  	s7 =	smul.u32 @!p0 $0xF7A, s2;
	p2 =	seq.s32 @!p0 s5, $0x0  }
0x1f: {  	s9 =	smul.u32 $0xF7A, s1;
	s8 =	simm.s32 @!p0 $0x1BF5;
	p2 =	por !p2, p0  }
0x20: {  	[sflag:s8] =	ssyncset.s32 @!p0 $0xFFFFF086;
	s6 =	sadd.s32 @!p0 s3, s7;
	s7 =	simm.s32 @!p0 $0x108  }
0x21: {  	s3 =	sadd.s32 s3, s9;
	s6 =	sadd.s32 @!p0 $0x88, s6;
	s7 =	simm.s32 @p2 $0x1082  }
0x22: {  	[simem:s7], [sflag:s8] =	dma.local @!p0 [hbm:s6], $0xF7A  }
0x23: {  	s9 =	sor.u32 $0xD0000000, s2;
	s6 =	simm.s32 $0x108;
	_ =	swait.ge @!p0 [sflag:s8], $0x0  }
0x24: {  	s3 =	sadd.s32 $0x88, s3;
	s6 =	simm.s32 @!p1 $0x1082;
	[sflag:s4] =	ssyncset.s32 $0xFFFFF086  }
0x25: {  	[simem:s6], [sflag:s4] =	dma.local [hbm:s3], $0xF7A  }
0x26: {  	[smem:$0x3F9D] =	sst s1;
	(tag) =	ssettag s2;
	_ =	strace s9  }
0x27: {  	s1 =	sld [smem:$0x3FAD]  }
0x28: {  	s2 =	sld [smem:$0x3FAE]  }
0x29: {  	s4 =	sld [smem:$0x3FB0]  }
0x2a: {  	p0 =	seq.s32 s5, $0x0;
	s5 =	sld [smem:$0x3FB1]  }
0x2b: {  	s6 =	sld [smem:$0x3FB2]  }
0x2c: {  	s7 =	sld [smem:$0x3FB3]  }
0x2d: {  	s3 =	simm.s32 $0x108;
	s8 =	sld [smem:$0x3FB4]  }
0x2e: {  	s3 =	simm.s32 @!p0 $0x1082;
	s9 =	sld [smem:$0x3FB5]  }
0x2f: {  	lr =	sadd.s32 s0, s3;
	s0 =	sld [smem:$0x3FAC]  }
0x30: {  	s3 =	sld [smem:$0x3FAF]  }
0x31: {  	[smem:$0x3FB8] =	sst s10  }
0x32: {  	s10 =	sld [smem:$0x3FB6];
	_ =	sdelay $0x3  }
0x33: {  	p0 =	seq.s32 s10, $0x1;
	s10 =	sld [smem:$0x3FB8];
	_ =	sdelay $0x3  }
0x34: {  	[smem:$0x3FB8] =	sst s10  }
0x35: {  	s10 =	sld [smem:$0x3FB7];
	_ =	sdelay $0x3  }
0x36: {  	p1 =	seq.s32 s10, $0x1;
	s10 =	sld [smem:$0x3FB8];
	_ =	sdelay $0x3  }
0x37: {  	[smem:$0x3FB8] =	sst s10  }
0x38: {  	s10 =	sld [smem:$0x3FB9]  }
0x39: {  	_ = 	snop;
	(pc) =	sbr.ind lr, $3  }
0x3a: {  	_ = 	snop  }
0x3b: {  	_ = 	snop  }
0x3c: {  	p2 =	seq.s32 s10, $0x1;
	s10 =	sld [smem:$0x3FB8]  }
0x3d: {  	_ =	shalt  }
0x3e: {  	_ =	shalt  }
0x3f: {  	_ =	shalt  }
0x40: {  	_ =	shalt  }
0x41: {  	_ =	shalt  }
0x42: {  	_ =	shalt  }
0x43: {  	_ =	shalt  }
0x44: {  	_ =	shalt  }
0x45: {  	_ =	shalt  }
0x46: {  	_ =	shalt  }
0x47: {  	_ =	shalt  }
0x48: {  	_ =	shalt  }
0x49: {  	_ =	shalt  }
0x4a: {  	_ =	shalt  }
0x4b: {  	_ =	shalt  }
0x4c: {  	_ =	shalt  }
0x4d: {  	_ =	shalt  }
0x4e: {  	_ =	shalt  }
0x4f: {  	_ =	shalt  }
0x50: {  	_ =	shalt  }
0x51: {  	_ =	shalt  }
0x52: {  	_ =	shalt  }
0x53: {  	_ =	shalt  }
0x54: {  	_ =	shalt  }
0x55: {  	_ =	shalt  }
0x56: {  	_ =	shalt  }
0x57: {  	_ =	shalt  }
0x58: {  	_ =	shalt  }
0x59: {  	_ =	shalt  }
0x5a: {  	_ =	shalt  }
0x5b: {  	_ =	shalt  }
0x5c: {  	_ =	shalt  }
0x5d: {  	_ =	shalt  }
0x5e: {  	_ =	shalt  }
0x5f: {  	_ =	shalt  }
0x60: {  	_ =	shalt  }
0x61: {  	_ =	shalt  }
0x62: {  	_ =	shalt  }
0x63: {  	_ =	shalt  }
0x64: {  	_ =	shalt  }
0x65: {  	_ =	shalt  }
0x66: {  	_ =	shalt  }
0x67: {  	_ =	shalt  }
0x68: {  	_ =	shalt  }
0x69: {  	_ =	shalt  }
0x6a: {  	_ =	shalt  }
0x6b: {  	_ =	shalt  }
0x6c: {  	_ =	shalt  }
0x6d: {  	_ =	shalt  }
0x6e: {  	_ =	shalt  }
0x6f: {  	_ =	shalt  }
0x70: {  	_ =	shalt  }
0x71: {  	_ =	shalt  }
0x72: {  	_ =	shalt  }
0x73: {  	_ =	shalt  }
0x74: {  	_ =	shalt  }
0x75: {  	_ =	shalt  }
0x76: {  	_ =	shalt  }
0x77: {  	_ =	shalt  }
0x78: {  	_ =	shalt  }
0x79: {  	_ =	shalt  }
0x7a: {  	_ =	shalt  }
0x7b: {  	_ =	shalt  }
0x7c: {  	_ =	shalt  }
0x7d: {  	_ =	shalt  }
0x7e: {  	_ =	shalt  }
0x7f: {  	_ =	shalt  }
0x80: {  	_ =	shalt  }
0x81: {  	_ =	shalt  }
0x82: {  	_ =	shalt  }
0x83: {  	_ =	shalt  }
0x84: {  	_ =	shalt  }
0x85: {  	_ =	shalt  }
0x86: {  	_ =	shalt  }
0x87: {  	_ =	shalt  }
.Lfunc_end0:
.L_simem_size_0:
called_computation_lowered:
.L_overlay_start_0:
0x88: {  	s2 =	sld [smem:$0x3FD9]  }
0x89: {  	s3 =	sld [smem:$0x3FFE];
	_ =	sdelay $0x1  }
0x8a: {  	s1 =	srdreg.scid  }
0x8b: {  	s0 =	sand.u32 $0x1, s1  }
0x8c: {  	s16 =	sshll.u32 s0, $0xA;
	s2 =	sadd.s32 s3, s2  }
0x8d: {  	s2 =	sadd.s32 s2, s16  }
0x8e: {  	[smem:$0x3FC4] =	sst s2  }
0x8f: {  	_ = 	snop  }
0x90: {  	(tm) =	ssettm $0x1  }
0x91: {  	s17 =	sld [smem:$0x3FFB];
	_ =	sdelay $0x3  }
0x92: {  	_ =	strace s17  }
0x93: {  	s2 =	sld [smem:$0x3FFC];
	_ =	sdelay $0x3  }
0x94: {  	_ =	strace s2  }
0x95: {  	s2 =	sld [smem:$0x3FFD];
	_ =	sdelay $0x3  }
0x96: {  	_ =	strace s2  }
0x97: {  	_ =	strace $0x8FFFFFFF  }
0x98: {  	s18 =	sld [smem:$0x3FDB];
	_ =	sdelay $0x1  }
0x99: {  	s19 =	simm.s32 $_scs_section_size  }
0x9a: {  	s4 =	simm.s32 $_size__tile_overlayer_lowered;
	s5 =	simm.s32 $_tile_overlayer_lowered  }
0x9b: {  	s22 =	simm.s32 $0x1BFF;
	s21 =	sshll.u32 s5, $0x1;
	s2 =	sadd.s32 s19, s18  }
0x9c: {  	s6 =	simm.s32 $0x0;
	s20 =	sshll.u32 s4, $0x1;
	s4 =	sadd.s32 s21, s2  }
0x9d: {  	[timem:s6], [sflag:s22] =	dma.local [hbm:s4], s20  }
0x9e: {  	_ =	swait.ge [sflag:s22], s20  }
0x9f: {  	s3 =	ssub.s32 $0x0, s20;
	[sflag:s22] =	ssyncset.done $0x0  }
0xa0: {  	[sflag:s22] =	ssyncadd.s32 s3;
	_ =	sdelay $0x1  }
0xa1: {  	s23 =	simm.s32 $0x1B8B  }
0xa2: {  	_ =	swait.ge [sflag:s23], $0x1  }
0xa3: {  	[sflag:s23] =	ssyncset.done $0x0  }
0xa4: {  	s25 =	simm.s32 $0x1B8E;
	s24 =	sld [smem:$0x3FFE];
	[sflag:s23] =	ssyncadd.s32 $0xFFFFFFFF  }
0xa5: {  	s26 =	simm.s32 $execute0_lowered;
	[smem:$0x3FD2] =	sst s25  }
0xa6: {  	s4 =	sshll.u32 s26, $0x1;
	_ =	strace $0x80000046;
	[dreg:$0x1] =	wrdreg $0xFFFFFFFF  }
0xa7: {  	s28 =	simm.s32 $_size_execute0_lowered;
	s2 =	sadd.s32 s2, s4;
	[dreg:$0x0] =	wrdreg $0x0  }
0xa8: {  	s4 =	sshll.u32 s28, $0x1;
	[dreg:$0x2] =	wrdreg s2  }
0xa9: {  	[dreg:$0x3] =	wrdreg s4  }
0xaa: {  	[dreg:$0x4] =	wrdreg $0xC0  }
0xab: {  	_ =	task [dreg:s6], $0x5FFFF  }
0xac: {  	[dreg:$0x1] =	wrdreg $0xFFFFFFFF  }
0xad: {  	[dreg:$0x0] =	wrdreg $0x60  }
0xae: {  	[dreg:$0x2] =	wrdreg s24  }
0xaf: {  	[dreg:$0x3] =	wrdreg $0x9  }
0xb0: {  	_ =	task.clear_ibuf [dreg:s6], $0x4FFFF;
	_ =	strace $0x90000046  }
0xb1: {  	s29 =	simm.s32 $0x9;
	_ =	strace $0x80000048  }
0xb2: {  	_ =	swait.ge [sflag:s29], $0x1  }
0xb3: {  	[sflag:s29] =	ssyncadd.s32 $0xFFFFFFFF  }
0xb4: {  	_ =	strace $0x90000048  }
0xb5: {  	_ =	sfence  }
0xb6: {  	s30 =	sld [smem:$0x0];
	_ =	sdelay $0x2  }
0xb7: {  	s31 =	sshll.u32 s1, $0xD;
	s1 =	sshrl.u32 s1, $0x2  }
0xb8: {  	s3 =	sand.u32 $0x4000, s31;
	s1 =	sadd.s32 s1, s30  }
0xb9: {  	s0 =	sor.u32 s3, s0;
	s1 =	sshll.u32 s1, $0x11  }
0xba: {  	s0 =	sor.u32 s1, s0  }
0xbb: {  	s0 =	sadd.s32 $0x8F2B, s0  }
0xbc: {  	[sflag:s0] =	ssyncadd.remote.s32 $0x1  }
0xbd: {  	_ =	sfence.sel $0xFFFF  }
0xbe: {  	[dreg:$0x0] =	wrdreg $0xFFFFFFFF;
	(pc) =	sbr.abs _section_cstart, $3  }
0xbf: {  	[dreg:$0x1] =	wrdreg $0xFFFFFFFF  }
0xc0: {  	_ =	task.clear_ibuf [dreg:s6], $0x2FFFF;
	_ =	strace $0x9FFFFFFF  }
0xc1: {  	(tm) =	ssettm $0x7FFFFFFF  }
tec
execute0_lowered:
.L_overlay_start_1:
0x0: {  	(tag) =	ssettag $0x1  }
0x1: {  	s1 =	srdreg.scid;
	s0 =	stileid.u32  }
0x2: {  	s22 =	sand.u32 $0x1, s1;
	s29 =	sshll.u32 s0, $0x1  }
0x3: {  	s23 =	sor.u32 s22, s29  }
0x4: {  	s10 =	rddreg [dreg:$0x0];
	s3 =	smul.u32 $0x372, s23  }
0x5: {  	s2 =	simm.s32 $0x0;
	s1 =	rddreg [dreg:$0x1]  }
0x6: {  	[smem:$0x7FF] =	sst s2;
	s3 =	sadd.s32 s3, s10  }
0x7: {  	_ =	strace $0x80000047;
	s4 =	sadd.s32 $0xAE000, s3;
	s3 =	simm.s32 $0x3  }
0x8: {  	[tilespmem:s2], [sflag:$0x3] =	stream.linear.gather [hbm4b:s4+s2], $0x1B90, $0x38;
	[tilespmem:$0x19590] =	vst v63  }
0x9: {  	_ =	swait.ge [sflag:s3], $0x1B90  }
0xa: {  	s6 =	simm.s32 $0x3F0;
	[sflag:s3] =	ssyncset.done $0x0  }
0xb: {  	s7 =	simm.s32 $0x1B90;
	s5 =	sadd.s32 $0x1C00, s10;
	[sflag:s3] =	ssyncadd.s32 $0xFFFFE470  }
0xc: {  	[tilespmem:s7], [sflag:$0x1] =	stream.indirect.gather [hbm4b:s5+s6], $0x30, s2, s6, $0xb8;
	[tilespmem:$0x19590] =	vst v63  }
0xd: {  	s8 =	simm.s32 $0xD890;
	s9 =	simm.s32 $0x1  }
0xe: {  	[tilespmem:s8], [sflag:$0x2] =	stream.indirect.gather [hbm4b:s5+s6], $0x30, s6, s6, $0xb8;
	[tilespmem:$0x19590] =	vst v63  }
0xf: {  	s11 =	smul.u32 $0xA560, s23;
	_ =	swait.ge [sflag:s9], $0xBD00  }
0x10: {  	s24 =	sadd.s32 $0xB5000, s10;
	[sflag:s9] =	ssyncset.done $0x0  }
0x11: {  	s10 =	sadd.s32 s24, s11;
	[sflag:s9] =	ssyncadd.s32 $0xFFFF4300  }
0x12: {  	[hbm4b:s10+s2] =	stream.linear.scatter [tilespmem:s7], [sflag:$0x3], $0xBD00, $0x38;
	[tilespmem:$0x19590] =	vst v63  }
0x13: {  	_ =	swait.ge [sflag:s3], $0xBD00  }
0x14: {  	[sflag:s3] =	ssyncset.done $0x0  }
0x15: {  	s12 =	simm.s32 $0x2;
	s11 =	simm.s32 $0x7E0;
	[sflag:s3] =	ssyncadd.s32 $0xFFFF4300  }
0x16: {  	[tilespmem:s7], [sflag:$0x1] =	stream.indirect.gather [hbm4b:s5+s6], $0x30, s11, s6, $0xb8;
	[tilespmem:$0x19590] =	vst v63  }
0x17: {  	_ =	swait.ge [sflag:s12], $0xBD00  }
0x18: {  	[sflag:s12] =	ssyncset.done $0x0  }
0x19: {  	s13 =	sadd.s32 $0x17A0, s10;
	[sflag:s12] =	ssyncadd.s32 $0xFFFF4300  }
0x1a: {  	[hbm4b:s13+s2] =	stream.linear.scatter [tilespmem:s8], [sflag:$0x3], $0xBD00, $0x38;
	[tilespmem:$0x19590] =	vst v63  }
0x1b: {  	_ =	swait.ge [sflag:s3], $0xBD00  }
0x1c: {  	[sflag:s3] =	ssyncset.done $0x0  }
0x1d: {  	s14 =	simm.s32 $0xBD0;
	[sflag:s3] =	ssyncadd.s32 $0xFFFF4300  }
0x1e: {  	[tilespmem:s8], [sflag:$0x2] =	stream.indirect.gather [hbm4b:s5+s6], $0x30, s14, s6, $0xb8;
	[tilespmem:$0x19590] =	vst v63  }
0x1f: {  	_ =	swait.ge [sflag:s9], $0xBD00  }
0x20: {  	[sflag:s9] =	ssyncset.done $0x0  }
0x21: {  	s15 =	sadd.s32 $0x2F40, s10;
	[sflag:s9] =	ssyncadd.s32 $0xFFFF4300  }
0x22: {  	[hbm4b:s15+s2] =	stream.linear.scatter [tilespmem:s7], [sflag:$0x3], $0xBD00, $0x38;
	[tilespmem:$0x19590] =	vst v63  }
0x23: {  	_ =	swait.ge [sflag:s3], $0xBD00  }
0x24: {  	[sflag:s3] =	ssyncset.done $0x0  }
0x25: {  	s16 =	simm.s32 $0xFC0;
	[sflag:s3] =	ssyncadd.s32 $0xFFFF4300  }
0x26: {  	[tilespmem:s7], [sflag:$0x1] =	stream.indirect.gather [hbm4b:s5+s6], $0x30, s16, s6, $0xb8;
	[tilespmem:$0x19590] =	vst v63  }
0x27: {  	_ =	swait.ge [sflag:s12], $0xBD00  }
0x28: {  	[sflag:s12] =	ssyncset.done $0x0  }
0x29: {  	s17 =	sadd.s32 $0x46E0, s10;
	[sflag:s12] =	ssyncadd.s32 $0xFFFF4300  }
0x2a: {  	[hbm4b:s17+s2] =	stream.linear.scatter [tilespmem:s8], [sflag:$0x3], $0xBD00, $0x38;
	[tilespmem:$0x19590] =	vst v63  }
0x2b: {  	_ =	swait.ge [sflag:s3], $0xBD00  }
0x2c: {  	[sflag:s3] =	ssyncset.done $0x0  }
0x2d: {  	s18 =	simm.s32 $0x13B0;
	[sflag:s3] =	ssyncadd.s32 $0xFFFF4300  }
0x2e: {  	[tilespmem:s8], [sflag:$0x2] =	stream.indirect.gather [hbm4b:s5+s6], $0x30, s18, s6, $0xb8;
	[tilespmem:$0x19590] =	vst v63  }
0x2f: {  	_ =	swait.ge [sflag:s9], $0xBD00  }
0x30: {  	[sflag:s9] =	ssyncset.done $0x0  }
0x31: {  	s19 =	sadd.s32 $0x5E80, s10;
	[sflag:s9] =	ssyncadd.s32 $0xFFFF4300  }
0x32: {  	[hbm4b:s19+s2] =	stream.linear.scatter [tilespmem:s7], [sflag:$0x3], $0xBD00, $0x38;
	[tilespmem:$0x19590] =	vst v63  }
0x33: {  	_ =	swait.ge [sflag:s3], $0xBD00  }
0x34: {  	[sflag:s3] =	ssyncset.done $0x0  }
0x35: {  	s20 =	simm.s32 $0x17A0;
	[sflag:s3] =	ssyncadd.s32 $0xFFFF4300  }
0x36: {  	[tilespmem:s7], [sflag:$0x1] =	stream.indirect.gather [hbm4b:s5+s6], $0x30, s20, s6, $0xb8;
	[tilespmem:$0x19590] =	vst v63  }
0x37: {  	_ =	swait.ge [sflag:s12], $0xBD00  }
0x38: {  	[sflag:s12] =	ssyncset.done $0x0  }
0x39: {  	s22 =	ssub.s32 $0x2, s22;
	s21 =	sadd.s32 $0x7620, s10;
	[sflag:s12] =	ssyncadd.s32 $0xFFFF4300  }
0x3a: {  	[hbm4b:s21+s2] =	stream.linear.scatter [tilespmem:s8], [sflag:$0x3], $0xBD00, $0x38;
	[tilespmem:$0x19590] =	vst v63  }
0x3b: {  	s25 =	sshrl.u32 s22, $0x1;
	_ =	swait.ge [sflag:s3], $0xBD00  }
0x3c: {  	s23 =	smul.u32 $0xA5600, s23;
	s25 =	ssub.s32 s22, s25;
	[sflag:s3] =	ssyncset.done $0x0  }
0x3d: {  	s31 =	smax.u32 s25, $0x1;
	[sflag:s3] =	ssyncadd.s32 $0xFFFF4300  }
0x3e: {  	s23 =	sshrl.u32 s23, $0x4;
	p0 =	sne.s32 s31, $0x1;
	_ =	swait.ge [sflag:s9], $0xBD00  }
.Ltmp0:
0x3f: {  	s30 =	sadd.s32 s24, s23;
	[sflag:s9] =	ssyncset.done $0x0;
	(pc) =	sbr.rel @!p0 .LBB2_2-.Ltmp0, $4  }
0x40: {  	s22 =	sadd.s32 $0x8DC0, s30;
	[sflag:s9] =	ssyncadd.s32 $0xFFFF4300  }
0x41: {  	[hbm4b:s22+s2] =	stream.linear.scatter [tilespmem:s7], [sflag:$0x3], $0xBD00, $0x38;
	[tilespmem:$0x19590] =	vst v63  }
0x42: {  	_ =	swait.ge [sflag:s3], $0xBD00  }
0x43: {  	s23 =	sadd.s32 $0xFFFFFFFF, s31;
	[sflag:s3] =	ssyncset.done $0x0  }
.LBB2_1:
0x44: {  	p0 =	sne.s32 s23, $0x1;
	s23 =	sadd.s32 $0xFFFFFFFF, s23;
	[sflag:s3] =	ssyncadd.s32 $0xFFFF4300  }
0x45: {  	[tilespmem:s2], [sflag:$0x3] =	stream.linear.gather [hbm4b:s4+s2], $0x1B90, $0x38;
	[tilespmem:$0x19590] =	vst v63  }
0x46: {  	_ =	swait.ge [sflag:s3], $0x1B90  }
0x47: {  	[sflag:s3] =	ssyncset.done $0x0  }
0x48: {  	[sflag:s3] =	ssyncadd.s32 $0xFFFFE470  }
0x49: {  	[tilespmem:s7], [sflag:$0x1] =	stream.indirect.gather [hbm4b:s5+s6], $0x30, s2, s6, $0xb8;
	[tilespmem:$0x19590] =	vst v63  }
0x4a: {  	_ = 	snop  }
0x4b: {  	[tilespmem:s8], [sflag:$0x2] =	stream.indirect.gather [hbm4b:s5+s6], $0x30, s6, s6, $0xb8;
	[tilespmem:$0x19590] =	vst v63  }
0x4c: {  	_ =	swait.ge [sflag:s9], $0xBD00  }
0x4d: {  	[sflag:s9] =	ssyncset.done $0x0  }
0x4e: {  	[sflag:s9] =	ssyncadd.s32 $0xFFFF4300  }
0x4f: {  	[hbm4b:s10+s2] =	stream.linear.scatter [tilespmem:s7], [sflag:$0x3], $0xBD00, $0x38;
	[tilespmem:$0x19590] =	vst v63  }
0x50: {  	_ =	swait.ge [sflag:s3], $0xBD00  }
0x51: {  	[sflag:s3] =	ssyncset.done $0x0  }
0x52: {  	[sflag:s3] =	ssyncadd.s32 $0xFFFF4300  }
0x53: {  	[tilespmem:s7], [sflag:$0x1] =	stream.indirect.gather [hbm4b:s5+s6], $0x30, s11, s6, $0xb8;
	[tilespmem:$0x19590] =	vst v63  }
0x54: {  	_ =	swait.ge [sflag:s12], $0xBD00  }
0x55: {  	[sflag:s12] =	ssyncset.done $0x0  }
0x56: {  	[sflag:s12] =	ssyncadd.s32 $0xFFFF4300  }
0x57: {  	[hbm4b:s13+s2] =	stream.linear.scatter [tilespmem:s8], [sflag:$0x3], $0xBD00, $0x38;
	[tilespmem:$0x19590] =	vst v63  }
0x58: {  	_ =	swait.ge [sflag:s3], $0xBD00  }
0x59: {  	[sflag:s3] =	ssyncset.done $0x0  }
0x5a: {  	[sflag:s3] =	ssyncadd.s32 $0xFFFF4300  }
0x5b: {  	[tilespmem:s8], [sflag:$0x2] =	stream.indirect.gather [hbm4b:s5+s6], $0x30, s14, s6, $0xb8;
	[tilespmem:$0x19590] =	vst v63  }
0x5c: {  	_ =	swait.ge [sflag:s9], $0xBD00  }
0x5d: {  	[sflag:s9] =	ssyncset.done $0x0  }
0x5e: {  	[sflag:s9] =	ssyncadd.s32 $0xFFFF4300  }
0x5f: {  	[hbm4b:s15+s2] =	stream.linear.scatter [tilespmem:s7], [sflag:$0x3], $0xBD00, $0x38;
	[tilespmem:$0x19590] =	vst v63  }
0x60: {  	_ =	swait.ge [sflag:s3], $0xBD00  }
0x61: {  	[sflag:s3] =	ssyncset.done $0x0  }
0x62: {  	[sflag:s3] =	ssyncadd.s32 $0xFFFF4300  }
0x63: {  	[tilespmem:s7], [sflag:$0x1] =	stream.indirect.gather [hbm4b:s5+s6], $0x30, s16, s6, $0xb8;
	[tilespmem:$0x19590] =	vst v63  }
0x64: {  	_ =	swait.ge [sflag:s12], $0xBD00  }
0x65: {  	[sflag:s12] =	ssyncset.done $0x0  }
0x66: {  	[sflag:s12] =	ssyncadd.s32 $0xFFFF4300  }
0x67: {  	[hbm4b:s17+s2] =	stream.linear.scatter [tilespmem:s8], [sflag:$0x3], $0xBD00, $0x38;
	[tilespmem:$0x19590] =	vst v63  }
0x68: {  	_ =	swait.ge [sflag:s3], $0xBD00  }
0x69: {  	[sflag:s3] =	ssyncset.done $0x0  }
0x6a: {  	[sflag:s3] =	ssyncadd.s32 $0xFFFF4300  }
0x6b: {  	[tilespmem:s8], [sflag:$0x2] =	stream.indirect.gather [hbm4b:s5+s6], $0x30, s18, s6, $0xb8;
	[tilespmem:$0x19590] =	vst v63  }
0x6c: {  	_ =	swait.ge [sflag:s9], $0xBD00  }
0x6d: {  	[sflag:s9] =	ssyncset.done $0x0  }
0x6e: {  	[sflag:s9] =	ssyncadd.s32 $0xFFFF4300  }
0x6f: {  	[hbm4b:s19+s2] =	stream.linear.scatter [tilespmem:s7], [sflag:$0x3], $0xBD00, $0x38;
	[tilespmem:$0x19590] =	vst v63  }
0x70: {  	_ =	swait.ge [sflag:s3], $0xBD00  }
0x71: {  	[sflag:s3] =	ssyncset.done $0x0  }
0x72: {  	[sflag:s3] =	ssyncadd.s32 $0xFFFF4300  }
0x73: {  	[tilespmem:s7], [sflag:$0x1] =	stream.indirect.gather [hbm4b:s5+s6], $0x30, s20, s6, $0xb8;
	[tilespmem:$0x19590] =	vst v63  }
0x74: {  	_ =	swait.ge [sflag:s12], $0xBD00  }
0x75: {  	[sflag:s12] =	ssyncset.done $0x0  }
0x76: {  	[sflag:s12] =	ssyncadd.s32 $0xFFFF4300  }
0x77: {  	[hbm4b:s21+s2] =	stream.linear.scatter [tilespmem:s8], [sflag:$0x3], $0xBD00, $0x38;
	[tilespmem:$0x19590] =	vst v63  }
0x78: {  	_ =	swait.ge [sflag:s3], $0xBD00  }
0x79: {  	[sflag:s3] =	ssyncset.done $0x0  }
0x7a: {  	[sflag:s3] =	ssyncadd.s32 $0xFFFF4300  }
0x7b: {  	_ =	swait.ge [sflag:s9], $0xBD00  }
.Ltmp1:
0x7c: {  	[sflag:s9] =	ssyncset.done $0x0;
	(pc) =	sbr.rel @p0 .LBB2_1-.Ltmp1, $4  }
0x7d: {  	[sflag:s9] =	ssyncadd.s32 $0xFFFF4300  }
0x7e: {  	[hbm4b:s22+s2] =	stream.linear.scatter [tilespmem:s7], [sflag:$0x3], $0xBD00, $0x38;
	[tilespmem:$0x19590] =	vst v63  }
0x7f: {  	_ =	swait.ge [sflag:s3], $0xBD00  }
0x80: {  	[sflag:s3] =	ssyncset.done $0x0  }
.LBB2_2:
0x81: {  	[sflag:s3] =	ssyncadd.s32 $0xFFFF4300  }
0x82: {  	_ =	sfence.sel $0x180000  }
0x83: {  	[bflag:$0x0] =	sbarrier.arrive $0xFFFF  }
0x84: {  	p0 =	sne.s32 s0, $0x0;
	_ =	strace $0x90000047  }
0x85: {  	s0 =	sadd.s32 @!p0 $0x100000, s1;
	[bflag:$0x2] =	sbarrier.arrive $0xFFFF  }
0x86: {  	[sflag:s0] =	ssyncadd.tile.s32 @!p0 $0x1;
	_ =	shalt  }
.Lfunc_end2:
_tile_overlayer_lowered:
.L_overlay_start_2:
0x87: {  	(tag) =	ssettag $0x2  }
0x88: {  	s0 =	rddreg [dreg:$0x0];
	s2 =	stileid.u32  }
0x89: {  	s1 =	rddreg [dreg:$0x1];
	p0 =	sne.s32 s2, $0x0  }
0x8a: {  	s3 =	rddreg [dreg:$0x2];
	[bflag:$0x3] =	sbarrier.arrive $0xFFFF;
	s2 =	simm.s32 @!p0 $0x1C03  }
0x8b: {  	[timem:s3], [sflag:s2] =	dma.local @!p0 [hbm:s0], s1  }
0x8c: {  	s0 =	simm.s32 @!p0 $0x3  }
0x8d: {  	_ =	swait.ge @!p0 [sflag:s0], s1  }
0x8e: {  	s1 =	ssub.s32 @!p0 $0x0, s1;
	[sflag:s0] =	ssyncset.done @!p0 $0x0  }
0x8f: {  	[sflag:s0] =	ssyncadd.s32 @!p0 s1  }
0x90: {  	[bflag:$0x3] =	sbarrier.arrive $0xFFFF  }
0x91: {  	_ =	shalt  }

</sc_bundles>
